<compile_context>
chip_gen: v7x
topology: tpu7x:2x2x1
jax: 0.10.2.dev20260603
libtpu: 0.0.44.dev20260713+nightly
codegen_flags: <defaults>
</compile_context>

<pallas_src>
import functools
import math

import jax
import jax.numpy as jnp
from jax import lax
from jax.experimental import pallas as pl
from jax.experimental.pallas import tpu as pltpu
from jax.experimental.pallas import tpu_sc as plsc

N_NODES = 10000
N_PAD = 10240
DEN_ROWS = N_PAD // 128
E = 320000
ELU_ROWS = E // 128
NEV = 4096
NMSG = 3 * NEV
NW = 32

EB = 512
NB = 512
MB = 512

_f32 = jnp.float32
_RSQRT_D = 1.0 / math.sqrt(128.0)


def _fs(shape):
    return jax.ShapeDtypeStruct(shape, _f32)



def _events_body(tid, tsa, grows, gcol, mA, mB, emb, mask, tep, tw, tb,
                 m0_o, m1_o, m2_o):
    oh = (lax.broadcasted_iota(jnp.int32, (MB, 8), 1) == tid[...]).astype(_f32)
    te = jnp.dot(oh, tep[...], preferred_element_type=_f32)
    colsel = (lax.broadcasted_iota(jnp.int32, (MB, 128), 1) == gcol[...]).astype(_f32)
    elu_val = jnp.sum(grows[...] * colsel, axis=1, keepdims=True)
    temb = jnp.cos((tsa[...] - elu_val) * tw[...] + tb[...])
    row = jnp.concatenate(
        [te, mA[:, 0:64], mB[...], temb, emb[...]], axis=1) * mask[...]
    m0_o[...] = row[:, 0:128]
    m1_o[...] = row[:, 128:256]
    m2_o[...] = jnp.concatenate(
        [row[:, 256:304], jnp.ones((MB, 1), _f32), jnp.zeros((MB, 79), _f32)],
        axis=1)


def _tc_events(tid, tsa, grows, gcol, mA, mB, emb, mask, tep, tw, tb):
    g = NMSG // MB
    blk = lambda r, c: pl.BlockSpec((r, c), lambda i: (i, 0))
    full = lambda r, c: pl.BlockSpec((r, c), lambda i: (0, 0))
    return pl.pallas_call(
        _events_body,
        grid=(g,),
        in_specs=[blk(MB, 1), blk(MB, 1), blk(MB, 128), blk(MB, 1),
                  blk(MB, 128), blk(MB, 64), blk(MB, 128), blk(MB, 1),
                  full(8, 16), full(1, 32), full(1, 32)],
        out_specs=[blk(MB, 128), blk(MB, 128), blk(MB, 128)],
        out_shape=[_fs((NMSG, 128)), _fs((NMSG, 128)), _fs((NMSG, 128))],
    )(tid, tsa, grows, gcol, mA, mB, emb, mask, tep, tw, tb)


def _gru_proj_body(agg0, agg1, agg2a, agg2b, mem, nf, wia, wib, wic, bi,
                   whh, bh, qw, qb, kw, kb, vw, vb, sw, sb,
                   x_o, q_o, kv_o, sx_o):
    h = mem[...]
    agg2 = agg2a[...] + agg2b[...]
    gi = (jnp.dot(agg0[...], wia[...], preferred_element_type=_f32)
          + jnp.dot(agg1[...], wib[...], preferred_element_type=_f32)
          + jnp.dot(agg2, wic[...], preferred_element_type=_f32) + bi[...])
    gh = jnp.dot(h, whh[...], preferred_element_type=_f32) + bh[...]
    r = jax.nn.sigmoid(gi[:, 0:64] + gh[:, 0:64])
    z = jax.nn.sigmoid(gi[:, 64:128] + gh[:, 64:128])
    n = jnp.tanh(gi[:, 128:192] + r * gh[:, 128:192])
    new_mem = (1.0 - z) * n + z * h
    counts = agg2[:, 48:49]
    mem2 = jnp.where(counts > 0.0, new_mem, h)
    x = jnp.concatenate([nf[...], mem2], axis=1)
    x_o[...] = x
    q_o[...] = jnp.dot(x, qw[...], preferred_element_type=_f32) + qb[...]
    k = jnp.dot(x, kw[...], preferred_element_type=_f32) + kb[...]
    v = jnp.dot(x, vw[...], preferred_element_type=_f32) + vb[...]
    kv_o[...] = jnp.concatenate([k, v], axis=1)
    sx_o[...] = jnp.dot(x, sw[...], preferred_element_type=_f32) + sb[...]


def _tc_gru_proj(agg0, agg1, agg2a, agg2b, mem, nf, wia, wib, wic, bi,
                 whh, bh, qw, qb, kw, kb, vw, vb, sw, sb):
    g = N_PAD // NB
    blk = lambda r, c: pl.BlockSpec((r, c), lambda i: (i, 0))
    full = lambda r, c: pl.BlockSpec((r, c), lambda i: (0, 0))
    return pl.pallas_call(
        _gru_proj_body,
        grid=(g,),
        in_specs=[blk(NB, 128), blk(NB, 128), blk(NB, 128), blk(NB, 128),
                  blk(NB, 64), blk(NB, 128),
                  full(128, 192), full(128, 192), full(128, 192), full(1, 192),
                  full(64, 192), full(1, 192),
                  full(192, 128), full(1, 128), full(192, 128), full(1, 128),
                  full(192, 128), full(1, 128), full(192, 128), full(1, 128)],
        out_specs=[blk(NB, 192), blk(NB, 128), blk(NB, 256), blk(NB, 128)],
        out_shape=[_fs((N_PAD, 192)), _fs((N_PAD, 128)),
                   _fs((N_PAD, 256)), _fs((N_PAD, 128))],
    )(agg0, agg1, agg2a, agg2b, mem, nf, wia, wib, wic, bi, whh, bh,
      qw, qb, kw, kb, vw, vb, sw, sb)


def _edge_stage_body(et, elu, ef, tw, tb, ewt, ewf, qd, kvs, dstm,
                     uv_o, ud_o):
    q = qd[...]
    k = kvs[:, 0:128]
    v = kvs[:, 128:256]
    ct = jnp.cos((et[...] - elu[...]) * tw[...] + tb[...])
    ee = (jnp.dot(ct, ewt[...], preferred_element_type=_f32)
          + jnp.dot(ef[...], ewf[...], preferred_element_type=_f32))
    alpha = jnp.sum(q * (k + ee), axis=1, keepdims=True) * _RSQRT_D
    ex = jnp.exp(alpha)
    uv_o[...] = (v + ee) * ex
    lane = lax.broadcasted_iota(jnp.int32, (EB, 128), 1)
    ud_o[...] = (lane == dstm[...]).astype(_f32) * ex


def _tc_edge_stage(et, elu, ef, tw, tb, ewt, ewf, qd, kvs, dstm):
    g = E // EB
    blk = lambda r, c: pl.BlockSpec((r, c), lambda i: (i, 0))
    full = lambda r, c: pl.BlockSpec((r, c), lambda i: (0, 0))
    return pl.pallas_call(
        _edge_stage_body,
        grid=(g,),
        in_specs=[blk(EB, 1), blk(EB, 1), blk(EB, 128), full(1, 32),
                  full(1, 32), full(32, 128), full(128, 128),
                  blk(EB, 128), blk(EB, 256), blk(EB, 1)],
        out_specs=[blk(EB, 128), blk(EB, 128)],
        out_shape=[_fs((E, 128)), _fs((E, 128))],
    )(et, elu, ef, tw, tb, ewt, ewf, qd, kvs, dstm)


def _layer1_body(pv0, pv1, den, sx, x, qwh, qwx, qb, kwh, kwx, kb,
                 vwh, vwx, vb, swh, swx, sb, q_o, kv_o, sx_o):
    h0 = (pv0[...] + pv1[...]) / (den[...] + 1e-16) + sx[...]
    xx = x[...]
    q = (jnp.dot(h0, qwh[...], preferred_element_type=_f32)
         + jnp.dot(xx, qwx[...], preferred_element_type=_f32) + qb[...])
    k = (jnp.dot(h0, kwh[...], preferred_element_type=_f32)
         + jnp.dot(xx, kwx[...], preferred_element_type=_f32) + kb[...])
    v = (jnp.dot(h0, vwh[...], preferred_element_type=_f32)
         + jnp.dot(xx, vwx[...], preferred_element_type=_f32) + vb[...])
    s = (jnp.dot(h0, swh[...], preferred_element_type=_f32)
         + jnp.dot(xx, swx[...], preferred_element_type=_f32) + sb[...])
    q_o[...] = q
    kv_o[...] = jnp.concatenate([k, v], axis=1)
    sx_o[...] = s


def _tc_layer1(pv0, pv1, den, sx, x, qwh, qwx, qb, kwh, kwx, kb,
               vwh, vwx, vb, swh, swx, sb):
    g = N_PAD // NB
    blk = lambda r, c: pl.BlockSpec((r, c), lambda i: (i, 0))
    full = lambda r, c: pl.BlockSpec((r, c), lambda i: (0, 0))
    return pl.pallas_call(
        _layer1_body,
        grid=(g,),
        in_specs=[blk(NB, 128), blk(NB, 128), blk(NB, 1), blk(NB, 128),
                  blk(NB, 192),
                  full(128, 128), full(192, 128), full(1, 128),
                  full(128, 128), full(192, 128), full(1, 128),
                  full(128, 128), full(192, 128), full(1, 128),
                  full(128, 128), full(192, 128), full(1, 128)],
        out_specs=[blk(NB, 128), blk(NB, 256), blk(NB, 128)],
        out_shape=[_fs((N_PAD, 128)), _fs((N_PAD, 256)), _fs((N_PAD, 128))],
    )(pv0, pv1, den, sx, x, qwh, qwx, qb, kwh, kwx, kb, vwh, vwx, vb,
      swh, swx, sb)


def _final_body(pv0, pv1, den, sx, lw, lb, out_o):
    h1 = (pv0[...] + pv1[...]) / (den[...] + 1e-16) + sx[...]
    out_o[...] = jnp.dot(h1, lw[...], preferred_element_type=_f32) + lb[...]


def _tc_final(pv0, pv1, den, sx, lw, lb):
    g = N_PAD // NB
    blk = lambda r, c: pl.BlockSpec((r, c), lambda i: (i, 0))
    full = lambda r, c: pl.BlockSpec((r, c), lambda i: (0, 0))
    return pl.pallas_call(
        _final_body,
        grid=(g,),
        in_specs=[blk(NB, 128), blk(NB, 128), blk(NB, 1), blk(NB, 128),
                  full(128, 128), full(1, 128)],
        out_specs=blk(NB, 128),
        out_shape=_fs((N_PAD, 128)),
    )(pv0, pv1, den, sx, lw, lb)



def _sc_mesh():
    return plsc.VectorSubcoreMesh(core_axis_name="c", subcore_axis_name="s",
                                  num_cores=2, num_subcores=16)


def _sc_gather_events(mem128, elu2d, midx, erow):
    mch = NMSG // NW
    ech = NEV // NW

    @functools.partial(
        pl.kernel,
        out_type=(_fs((NMSG, 128)), _fs((NEV, 128))),
        mesh=_sc_mesh(),
        scratch_types=[
            pltpu.VMEM((128,), jnp.int32),
            pltpu.VMEM((128, 128), _f32),
            pltpu.VMEM((ech,), jnp.int32),
            pltpu.VMEM((ech, 128), _f32),
            pltpu.SemaphoreType.DMA,
        ],
    )
    def k(mem_h, elu_h, midx_h, erow_h, gmem_o, grow_o, idx_v, rows_v,
          idx2_v, rows2_v, sem):
        wid = lax.axis_index("s") * 2 + lax.axis_index("c")
        base = wid * mch

        def body(j, carry):
            off = base + j * 128
            pltpu.sync_copy(midx_h.at[pl.ds(off, 128)], idx_v)
            pltpu.async_copy(mem_h.at[idx_v], rows_v, sem).wait()
            pltpu.sync_copy(rows_v, gmem_o.at[pl.ds(off, 128)])
            return carry

        lax.fori_loop(0, mch // 128, body, 0)

        b2 = wid * ech
        pltpu.sync_copy(erow_h.at[pl.ds(b2, ech)], idx2_v)
        pltpu.async_copy(elu_h.at[idx2_v], rows2_v, sem).wait()
        pltpu.sync_copy(rows2_v, grow_o.at[pl.ds(b2, ech)])

    return k(mem128, elu2d, midx, erow)


def _sc_scatter_events_cols(m0, m1, ids, zrows):
    per_tile = NMSG // 16
    CH = 128

    @functools.partial(
        pl.kernel,
        out_type=(_fs((N_PAD, 128)), _fs((N_PAD, 128))),
        mesh=_sc_mesh(),
        scratch_types=[
            pltpu.VMEM_SHARED((N_PAD, 128), _f32),
            pltpu.VMEM((CH,), jnp.int32),
            pltpu.VMEM((CH, 128), _f32),
        ],
    )
    def k(m0_h, m1_h, ids_h, z_h, o0, o1, acc, ids_v, upd_v):
        c = lax.axis_index("c")
        s = lax.axis_index("s")
        pltpu.sync_copy(z_h, acc.at[pl.ds(s * 640, 640)])
        plsc.subcore_barrier()

        def body(j, carry):
            off = s * per_tile + j * CH
            pltpu.sync_copy(ids_h.at[pl.ds(off, CH)], ids_v)

            @pl.when(c == 0)
            def _():
                pltpu.sync_copy(m0_h.at[pl.ds(off, CH)], upd_v)

            @pl.when(c == 1)
            def _():
                pltpu.sync_copy(m1_h.at[pl.ds(off, CH)], upd_v)

            pltpu.sync_copy(upd_v, acc.at[ids_v], add=True)
            return carry

        lax.fori_loop(0, per_tile // CH, body, 0)
        plsc.subcore_barrier()

        @pl.when(c == 0)
        def _():
            pltpu.sync_copy(acc.at[pl.ds(s * 640, 640)], o0.at[pl.ds(s * 640, 640)])

        @pl.when(c == 1)
        def _():
            pltpu.sync_copy(acc.at[pl.ds(s * 640, 640)], o1.at[pl.ds(s * 640, 640)])

    return k(m0, m1, ids, zrows)


def _sc_scatter_events_tail(m2, ids, zrows):
    half = NMSG // 2
    per_tile = half // 16
    CH = 128

    @functools.partial(
        pl.kernel,
        out_type=(_fs((N_PAD, 128)), _fs((N_PAD, 128))),
        mesh=_sc_mesh(),
        scratch_types=[
            pltpu.VMEM_SHARED((N_PAD, 128), _f32),
            pltpu.VMEM((CH,), jnp.int32),
            pltpu.VMEM((CH, 128), _f32),
        ],
    )
    def k(m2_h, ids_h, z_h, o0, o1, acc, ids_v, upd_v):
        c = lax.axis_index("c")
        s = lax.axis_index("s")
        pltpu.sync_copy(z_h, acc.at[pl.ds(s * 640, 640)])
        plsc.subcore_barrier()
        base = c * half + s * per_tile

        def body(j, carry):
            off = base + j * CH
            pltpu.sync_copy(ids_h.at[pl.ds(off, CH)], ids_v)
            pltpu.sync_copy(m2_h.at[pl.ds(off, CH)], upd_v)
            pltpu.sync_copy(upd_v, acc.at[ids_v], add=True)
            return carry

        lax.fori_loop(0, per_tile // CH, body, 0)
        plsc.subcore_barrier()

        @pl.when(c == 0)
        def _():
            pltpu.sync_copy(acc.at[pl.ds(s * 640, 640)], o0.at[pl.ds(s * 640, 640)])

        @pl.when(c == 1)
        def _():
            pltpu.sync_copy(acc.at[pl.ds(s * 640, 640)], o1.at[pl.ds(s * 640, 640)])

    return k(m2, ids, zrows)


def _sc_gather_tables(q_tab, kv_tab, src, dst):
    per_w = E // NW
    CH = 80
    nch = per_w // CH

    npair = (nch - 1) // 2

    @functools.partial(
        pl.kernel,
        out_type=(_fs((E, 128)), _fs((E, 256))),
        mesh=_sc_mesh(),
        scratch_types=[
            pltpu.VMEM((CH,), jnp.int32),
            pltpu.VMEM((CH,), jnp.int32),
            pltpu.VMEM((CH, 128), _f32),
            pltpu.VMEM((CH, 256), _f32),
            pltpu.VMEM((CH,), jnp.int32),
            pltpu.VMEM((CH,), jnp.int32),
            pltpu.VMEM((CH, 128), _f32),
            pltpu.VMEM((CH, 256), _f32),
            pltpu.SemaphoreType.DMA,
            pltpu.SemaphoreType.DMA,
        ],
    )
    def k(q_h, kv_h, src_h, dst_h, qd_o, kvs_o, siA, diA, qA, kvA,
          siB, diB, qB, kvB, semA, semB):
        wid = lax.axis_index("s") * 2 + lax.axis_index("c")
        base = wid * per_w

        def start(ci, si, di, qr, kvr, sem):
            off = base + ci * CH
            pltpu.sync_copy(dst_h.at[pl.ds(off, CH)], di)
            pltpu.sync_copy(src_h.at[pl.ds(off, CH)], si)
            pltpu.async_copy(q_h.at[di], qr, sem)
            pltpu.async_copy(kv_h.at[si], kvr, sem)

        def waitg(qr, kvr, sem):
            pltpu.make_async_copy(q_h.at[pl.ds(0, CH)], qr, sem).wait()
            pltpu.make_async_copy(kv_h.at[pl.ds(0, CH)], kvr, sem).wait()

        def flush(ci, qr, kvr):
            off = base + ci * CH
            pltpu.sync_copy(qr, qd_o.at[pl.ds(off, CH)])
            pltpu.sync_copy(kvr, kvs_o.at[pl.ds(off, CH)])

        start(0, siA, diA, qA, kvA, semA)

        def pair(p, carry):
            ci0 = 2 * p
            waitg(qA, kvA, semA)
            start(ci0 + 1, siB, diB, qB, kvB, semB)
            flush(ci0, qA, kvA)
            waitg(qB, kvB, semB)
            start(ci0 + 2, siA, diA, qA, kvA, semA)
            flush(ci0 + 1, qB, kvB)
            return carry

        lax.fori_loop(0, npair, pair, 0)
        waitg(qA, kvA, semA)
        flush(nch - 1, qA, kvA)

    return k(q_tab, kv_tab, src, dst)


def _sc_scatter_edges(upd_v, upd_d, dst, dstdiv, zrows, zden):
    per_tile = E // NW
    CH = 80
    nch = per_tile // CH
    dpt = 8

    @functools.partial(
        pl.kernel,
        out_type=(_fs((N_PAD, 128)), _fs((N_PAD, 128)),
                  _fs((DEN_ROWS, 128)), _fs((DEN_ROWS, 128))),
        mesh=_sc_mesh(),
        scratch_types=[
            pltpu.VMEM_SHARED((N_PAD, 128), _f32),
            pltpu.VMEM_SHARED((DEN_ROWS, 128), _f32),
            pltpu.VMEM((CH,), jnp.int32),
            pltpu.VMEM((CH,), jnp.int32),
            pltpu.VMEM((CH, 128), _f32),
            pltpu.VMEM((CH, 128), _f32),
            pltpu.VMEM((CH,), jnp.int32),
            pltpu.VMEM((CH,), jnp.int32),
            pltpu.VMEM((CH, 128), _f32),
            pltpu.VMEM((CH, 128), _f32),
            pltpu.SemaphoreType.DMA,
            pltpu.SemaphoreType.DMA,
        ],
    )
    def k(uv_h, ud_h, dst_h, div_h, z_h, zd_h, ov0, ov1, od0, od1,
          accv, accd, diA, dvA, uvA, udA, diB, dvB, uvB, udB, semA, semB):
        c = lax.axis_index("c")
        s = lax.axis_index("s")
        pltpu.sync_copy(z_h, accv.at[pl.ds(s * 640, 640)])

        @pl.when(s < 10)
        def _():
            pltpu.sync_copy(zd_h, accd.at[pl.ds(s * dpt, dpt)])

        plsc.subcore_barrier()
        base = c * (E // 2) + s * per_tile
        npair = (nch - 1) // 2

        def start(ci, di, dv, uvr, udr, sem):
            off = base + ci * CH
            pltpu.sync_copy(dst_h.at[pl.ds(off, CH)], di)
            pltpu.sync_copy(div_h.at[pl.ds(off, CH)], dv)
            pltpu.async_copy(uv_h.at[pl.ds(off, CH)], uvr, sem)
            pltpu.async_copy(ud_h.at[pl.ds(off, CH)], udr, sem)

        def waitr(uvr, udr, sem):
            pltpu.make_async_copy(uv_h.at[pl.ds(0, CH)], uvr, sem).wait()
            pltpu.make_async_copy(ud_h.at[pl.ds(0, CH)], udr, sem).wait()

        def scat(di, dv, uvr, udr):
            pltpu.sync_copy(uvr, accv.at[di], add=True)
            pltpu.sync_copy(udr, accd.at[dv], add=True)

        start(0, diA, dvA, uvA, udA, semA)

        def pair(p, carry):
            ci0 = 2 * p
            waitr(uvA, udA, semA)
            start(ci0 + 1, diB, dvB, uvB, udB, semB)
            scat(diA, dvA, uvA, udA)
            waitr(uvB, udB, semB)
            start(ci0 + 2, diA, dvA, uvA, udA, semA)
            scat(diB, dvB, uvB, udB)
            return carry

        lax.fori_loop(0, npair, pair, 0)
        waitr(uvA, udA, semA)
        scat(diA, dvA, uvA, udA)
        plsc.subcore_barrier()

        @pl.when(c == 0)
        def _():
            pltpu.sync_copy(accv.at[pl.ds(s * 640, 640)], ov0.at[pl.ds(s * 640, 640)])

            @pl.when(s < 10)
            def _():
                pltpu.sync_copy(accd.at[pl.ds(s * dpt, dpt)], od0.at[pl.ds(s * dpt, dpt)])

        @pl.when(c == 1)
        def _():
            pltpu.sync_copy(accv.at[pl.ds(s * 640, 640)], ov1.at[pl.ds(s * 640, 640)])

            @pl.when(s < 10)
            def _():
                pltpu.sync_copy(accd.at[pl.ds(s * dpt, dpt)], od1.at[pl.ds(s * dpt, dpt)])

    return k(upd_v, upd_d, dst, dstdiv, zrows, zden)



def kernel(node_event_type_ids, node_event_node_ids, node_event_embeddings,
           node_event_timestamps, node_event_mask, edge_event_type_ids,
           edge_event_src_ids, edge_event_dst_ids, edge_event_edge_ids,
           edge_event_embeddings, edge_event_timestamps, edge_event_mask,
           memory, node_features, edge_index, edge_features, edge_timestamps,
           edge_last_update, type_emb, time_w, time_b, gru_w_ih, gru_w_hh,
           gru_b_ih, gru_b_hh, q0_w, q0_b, k0_w, k0_b, v0_w, v0_b, e0_w,
           s0_w, s0_b, q1_w, q1_b, k1_w, k1_b, v1_w, v1_b, e1_w, s1_w, s1_b,
           lin_w, lin_b):
    i32 = jnp.int32
    src = edge_index[0].astype(i32)
    dst = edge_index[1].astype(i32)
    dstm = (dst % 128).astype(i32).reshape(-1, 1)
    dstdiv = (dst // 128).astype(i32)
    midx = jnp.concatenate([node_event_node_ids, edge_event_src_ids,
                            edge_event_dst_ids]).astype(i32)
    eidx = edge_event_edge_ids.astype(i32)
    erow = (eidx // 128).astype(i32)
    ecol = (eidx % 128).astype(i32)

    mem128 = jnp.pad(memory, ((0, 0), (0, 64)))
    elu2d = edge_last_update.reshape(ELU_ROWS, 128)
    gmem, grow = _sc_gather_events(mem128, elu2d, midx, erow)

    dmem = gmem[2 * NEV:, 0:64]
    smem = gmem[NEV:2 * NEV, 0:64]
    mB = jnp.concatenate([jnp.zeros((NEV, 64), _f32), dmem, smem], axis=0)
    tsa = jnp.concatenate([node_event_timestamps, edge_event_timestamps,
                           edge_event_timestamps]).reshape(-1, 1)
    grows = jnp.concatenate([jnp.zeros((NEV, 128), _f32), grow, grow], axis=0)
    gcol = jnp.concatenate([jnp.zeros((NEV,), i32), ecol, ecol]).reshape(-1, 1)
    tids = jnp.concatenate([node_event_type_ids, edge_event_type_ids,
                            edge_event_type_ids]).astype(i32).reshape(-1, 1)
    embs = jnp.concatenate([node_event_embeddings, edge_event_embeddings,
                            edge_event_embeddings], axis=0)
    masks = jnp.concatenate([node_event_mask, edge_event_mask,
                             edge_event_mask]).reshape(-1, 1)
    tep = jnp.pad(type_emb, ((0, 1), (0, 0)))
    tw = time_w.reshape(1, -1)
    tb = time_b.reshape(1, -1)

    m0, m1, m2 = _tc_events(tids, tsa, grows, gcol, gmem, mB, embs, masks,
                            tep, tw, tb)

    z128 = jnp.zeros((640, 128), _f32)
    z5 = jnp.zeros((8, 128), _f32)
    agg0, agg1 = _sc_scatter_events_cols(m0, m1, midx, z128)
    agg2a, agg2b = _sc_scatter_events_tail(m2, midx, z128)

    mem_p = jnp.pad(memory, ((0, N_PAD - N_NODES), (0, 0)))
    nf_p = jnp.pad(node_features, ((0, N_PAD - N_NODES), (0, 0)))
    wia = gru_w_ih[0:128]
    wib = gru_w_ih[128:256]
    wic = jnp.pad(gru_w_ih[256:304], ((0, 80), (0, 0)))
    bi = gru_b_ih.reshape(1, -1)
    bh = gru_b_hh.reshape(1, -1)

    x, q0, kv0, s0x = _tc_gru_proj(
        agg0, agg1, agg2a, agg2b, mem_p, nf_p, wia, wib, wic, bi,
        gru_w_hh, bh,
        q0_w, q0_b.reshape(1, -1), k0_w, k0_b.reshape(1, -1),
        v0_w, v0_b.reshape(1, -1), s0_w, s0_b.reshape(1, -1))

    et = edge_timestamps.reshape(-1, 1)
    elu_c = edge_last_update.reshape(-1, 1)

    qd0, kvs0 = _sc_gather_tables(q0, kv0, src, dst)
    uv0, ud0 = _tc_edge_stage(et, elu_c, edge_features, tw, tb,
                              e0_w[0:32], e0_w[32:160], qd0, kvs0, dstm)
    pv00, pv01, pd00, pd01 = _sc_scatter_edges(uv0, ud0, dst, dstdiv, z128, z5)
    den0 = (pd00 + pd01).reshape(N_PAD, 1)

    q1, kv1, s1x = _tc_layer1(
        pv00, pv01, den0, s0x, x,
        q1_w[0:128], q1_w[128:320], q1_b.reshape(1, -1),
        k1_w[0:128], k1_w[128:320], k1_b.reshape(1, -1),
        v1_w[0:128], v1_w[128:320], v1_b.reshape(1, -1),
        s1_w[0:128], s1_w[128:320], s1_b.reshape(1, -1))

    qd1, kvs1 = _sc_gather_tables(q1, kv1, src, dst)
    uv1, ud1 = _tc_edge_stage(et, elu_c, edge_features, tw, tb,
                              e1_w[0:32], e1_w[32:160], qd1, kvs1, dstm)
    pv10, pv11, pd10, pd11 = _sc_scatter_edges(uv1, ud1, dst, dstdiv, z128, z5)
    den1 = (pd10 + pd11).reshape(N_PAD, 1)

    out = _tc_final(pv10, pv11, den1, s1x, lin_w, lin_b.reshape(1, -1))
    return out[:N_NODES]

# --- scband reference (transcript-rebuilt; emitter-appended) ---
"""Pipeline reference for scband-temporal-graph-network-43619687858844 (READ-ONLY COPY).

The authoritative reference and input builder live on the scoring server;
editing this copy changes nothing except your own understanding.
"""

import jax, jax.numpy as jnp
import numpy as np

N_NODES = 10000
N_EDGES = 320000
N_NODE_EVENTS = 4096
N_EDGE_EVENTS = 4096
N_EVENT_TYPES = 7
TYPE_DIM = 16
MEM_DIM = 64
TIME_DIM = 32
EMB_DIM = 128
OUT_DIM = 128
MSG_DIM = TYPE_DIM + 2 * MEM_DIM + TIME_DIM + EMB_DIM
IN0 = EMB_DIM + MEM_DIM
IN1 = IN0 + OUT_DIM
EDGE_DIM = TIME_DIM + EMB_DIM


def _glorot(k, shape):
    return (jax.random.normal(k, shape, dtype=jnp.float32) / np.sqrt(shape[0])).astype(jnp.float32)


def setup_inputs(seed: int = 0):
    key = jax.random.key(seed)
    ks = jax.random.split(key, 48)
    d = {}
    d['node_event_type_ids'] = jax.random.randint(ks[0], (N_NODE_EVENTS,), 0, N_EVENT_TYPES)
    d['node_event_node_ids'] = jax.random.randint(ks[1], (N_NODE_EVENTS,), 0, N_NODES)
    d['node_event_embeddings'] = jax.random.normal(ks[2], (N_NODE_EVENTS, EMB_DIM), dtype=jnp.float32)
    d['node_event_timestamps'] = jax.random.uniform(ks[3], (N_NODE_EVENTS,), dtype=jnp.float32)
    d['node_event_mask'] = jnp.ones((N_NODE_EVENTS,), dtype=jnp.float32)
    d['edge_event_type_ids'] = jax.random.randint(ks[4], (N_EDGE_EVENTS,), 0, N_EVENT_TYPES)
    d['edge_event_src_ids'] = jax.random.randint(ks[5], (N_EDGE_EVENTS,), 0, N_NODES)
    d['edge_event_dst_ids'] = jax.random.randint(ks[6], (N_EDGE_EVENTS,), 0, N_NODES)
    d['edge_event_edge_ids'] = jax.random.randint(ks[7], (N_EDGE_EVENTS,), 0, N_EDGES)
    d['edge_event_embeddings'] = jax.random.normal(ks[8], (N_EDGE_EVENTS, EMB_DIM), dtype=jnp.float32)
    d['edge_event_timestamps'] = jax.random.uniform(ks[9], (N_EDGE_EVENTS,), dtype=jnp.float32)
    d['edge_event_mask'] = jnp.ones((N_EDGE_EVENTS,), dtype=jnp.float32)
    d['memory'] = jax.random.normal(ks[10], (N_NODES, MEM_DIM), dtype=jnp.float32)
    d['node_features'] = jax.random.normal(ks[11], (N_NODES, EMB_DIM), dtype=jnp.float32)
    d['edge_index'] = jax.random.randint(ks[12], (2, N_EDGES), 0, N_NODES)
    d['edge_features'] = jax.random.normal(ks[13], (N_EDGES, EMB_DIM), dtype=jnp.float32)
    d['edge_timestamps'] = jax.random.uniform(ks[14], (N_EDGES,), dtype=jnp.float32)
    d['edge_last_update'] = jax.random.uniform(ks[15], (N_EDGES,), dtype=jnp.float32)
    d['type_emb'] = jax.random.normal(ks[16], (N_EVENT_TYPES, TYPE_DIM), dtype=jnp.float32)
    d['time_w'] = jax.random.normal(ks[17], (TIME_DIM,), dtype=jnp.float32)
    d['time_b'] = jax.random.normal(ks[18], (TIME_DIM,), dtype=jnp.float32) * 0.1
    d['gru_w_ih'] = _glorot(ks[19], (MSG_DIM, 3 * MEM_DIM))
    d['gru_w_hh'] = _glorot(ks[20], (MEM_DIM, 3 * MEM_DIM))
    d['gru_b_ih'] = jnp.zeros((3 * MEM_DIM,), dtype=jnp.float32)
    d['gru_b_hh'] = jnp.zeros((3 * MEM_DIM,), dtype=jnp.float32)
    d['q0_w'] = _glorot(ks[21], (IN0, OUT_DIM)); d['q0_b'] = jnp.zeros((OUT_DIM,), dtype=jnp.float32)
    d['k0_w'] = _glorot(ks[22], (IN0, OUT_DIM)); d['k0_b'] = jnp.zeros((OUT_DIM,), dtype=jnp.float32)
    d['v0_w'] = _glorot(ks[23], (IN0, OUT_DIM)); d['v0_b'] = jnp.zeros((OUT_DIM,), dtype=jnp.float32)
    d['e0_w'] = _glorot(ks[24], (EDGE_DIM, OUT_DIM))
    d['s0_w'] = _glorot(ks[25], (IN0, OUT_DIM)); d['s0_b'] = jnp.zeros((OUT_DIM,), dtype=jnp.float32)
    d['q1_w'] = _glorot(ks[26], (IN1, OUT_DIM)); d['q1_b'] = jnp.zeros((OUT_DIM,), dtype=jnp.float32)
    d['k1_w'] = _glorot(ks[27], (IN1, OUT_DIM)); d['k1_b'] = jnp.zeros((OUT_DIM,), dtype=jnp.float32)
    d['v1_w'] = _glorot(ks[28], (IN1, OUT_DIM)); d['v1_b'] = jnp.zeros((OUT_DIM,), dtype=jnp.float32)
    d['e1_w'] = _glorot(ks[29], (EDGE_DIM, OUT_DIM))
    d['s1_w'] = _glorot(ks[30], (IN1, OUT_DIM)); d['s1_b'] = jnp.zeros((OUT_DIM,), dtype=jnp.float32)
    d['lin_w'] = _glorot(ks[31], (OUT_DIM, OUT_DIM)); d['lin_b'] = jnp.zeros((OUT_DIM,), dtype=jnp.float32)
    return d


def time_encode(t, w, b):
    return jnp.cos(t[:, None] * w[None, :] + b[None, :])


def gru_cell(x, h, w_ih, w_hh, b_ih, b_hh):
    gi = x @ w_ih + b_ih
    gh = h @ w_hh + b_hh
    i_r, i_z, i_n = jnp.split(gi, 3, axis=-1)
    h_r, h_z, h_n = jnp.split(gh, 3, axis=-1)
    r = jax.nn.sigmoid(i_r + h_r)
    z = jax.nn.sigmoid(i_z + h_z)
    n = jnp.tanh(i_n + r * h_n)
    return (1.0 - z) * n + z * h


def transformer_conv(x, src, dst, edge_attr, qw, qb, kw, kb, vw, vb, ew, sw, sb):
    n = x.shape[0]
    q = x @ qw + qb
    k = x @ kw + kb
    v = x @ vw + vb
    e = edge_attr @ ew
    ke = k[src] + e
    ve = v[src] + e
    alpha = jnp.sum(q[dst] * ke, axis=-1) / np.sqrt(float(OUT_DIM)).astype(np.float32)
    amax = jax.ops.segment_max(alpha, dst, num_segments=n)
    amax = jnp.where(jnp.isfinite(amax), amax, 0.0)
    ex = jnp.exp(alpha - amax[dst])
    denom = jax.ops.segment_sum(ex, dst, num_segments=n)
    a = ex / (denom[dst] + 1e-16)
    out = jax.ops.segment_sum(ve * a[:, None], dst, num_segments=n)
    return out + x @ sw + sb


def tgn_forward(node_event_type_ids, node_event_node_ids, node_event_embeddings, node_event_timestamps, node_event_mask, edge_event_type_ids, edge_event_src_ids, edge_event_dst_ids, edge_event_edge_ids, edge_event_embeddings, edge_event_timestamps, edge_event_mask, memory, node_features, edge_index, edge_features, edge_timestamps, edge_last_update, type_emb, time_w, time_b, gru_w_ih, gru_w_hh, gru_b_ih, gru_b_hh, q0_w, q0_b, k0_w, k0_b, v0_w, v0_b, e0_w, s0_w, s0_b, q1_w, q1_b, k1_w, k1_b, v1_w, v1_b, e1_w, s1_w, s1_b, lin_w, lin_b):
    nte = type_emb[node_event_type_ids]
    nmem = memory[node_event_node_ids]
    ntemb = time_encode(node_event_timestamps, time_w, time_b)
    node_msgs = jnp.concatenate([nte, nmem, jnp.zeros_like(nmem), ntemb, node_event_embeddings], axis=-1) * node_event_mask[:, None]
    ete = type_emb[edge_event_type_ids]
    smem = memory[edge_event_src_ids]
    dmem = memory[edge_event_dst_ids]
    rel_t = edge_event_timestamps - edge_last_update[edge_event_edge_ids]
    rtemb = time_encode(rel_t, time_w, time_b)
    src_msgs = jnp.concatenate([ete, smem, dmem, rtemb, edge_event_embeddings], axis=-1) * edge_event_mask[:, None]
    dst_msgs = jnp.concatenate([ete, dmem, smem, rtemb, edge_event_embeddings], axis=-1) * edge_event_mask[:, None]
    event_node_ids = jnp.concatenate([node_event_node_ids, edge_event_src_ids, edge_event_dst_ids])
    msgs = jnp.concatenate([node_msgs, src_msgs, dst_msgs], axis=0)
    agg = jax.ops.segment_sum(msgs, event_node_ids, num_segments=memory.shape[0])
    counts = jax.ops.segment_sum(jnp.ones_like(event_node_ids), event_node_ids, num_segments=memory.shape[0])
    new_mem = gru_cell(agg, memory, gru_w_ih, gru_w_hh, gru_b_ih, gru_b_hh)
    memory = jnp.where((counts > 0)[:, None], new_mem, memory)
    rel_edge_emb = time_encode(edge_timestamps - edge_last_update, time_w, time_b)
    x = jnp.concatenate([node_features, memory], axis=-1)
    edge_attr = jnp.concatenate([rel_edge_emb, edge_features], axis=-1)
    src = edge_index[0]
    dst = edge_index[1]
    h0 = transformer_conv(x, src, dst, edge_attr, q0_w, q0_b, k0_w, k0_b, v0_w, v0_b, e0_w, s0_w, s0_b)
    h1 = transformer_conv(jnp.concatenate([h0, x], axis=-1), src, dst, edge_attr, q1_w, q1_b, k1_w, k1_b, v1_w, v1_b, e1_w, s1_w, s1_b)
    return h1 @ lin_w + lin_b


def reference(node_event_type_ids, node_event_node_ids, node_event_embeddings, node_event_timestamps, node_event_mask, edge_event_type_ids, edge_event_src_ids, edge_event_dst_ids, edge_event_edge_ids, edge_event_embeddings, edge_event_timestamps, edge_event_mask, memory, node_features, edge_index, edge_features, edge_timestamps, edge_last_update, type_emb, time_w, time_b, gru_w_ih, gru_w_hh, gru_b_ih, gru_b_hh, q0_w, q0_b, k0_w, k0_b, v0_w, v0_b, e0_w, s0_w, s0_b, q1_w, q1_b, k1_w, k1_b, v1_w, v1_b, e1_w, s1_w, s1_b, lin_w, lin_b):
    return tgn_forward(node_event_type_ids=node_event_type_ids, node_event_node_ids=node_event_node_ids, node_event_embeddings=node_event_embeddings, node_event_timestamps=node_event_timestamps, node_event_mask=node_event_mask, edge_event_type_ids=edge_event_type_ids, edge_event_src_ids=edge_event_src_ids, edge_event_dst_ids=edge_event_dst_ids, edge_event_edge_ids=edge_event_edge_ids, edge_event_embeddings=edge_event_embeddings, edge_event_timestamps=edge_event_timestamps, edge_event_mask=edge_event_mask, memory=memory, node_features=node_features, edge_index=edge_index, edge_features=edge_features, edge_timestamps=edge_timestamps, edge_last_update=edge_last_update, type_emb=type_emb, time_w=time_w, time_b=time_b, gru_w_ih=gru_w_ih, gru_w_hh=gru_w_hh, gru_b_ih=gru_b_ih, gru_b_hh=gru_b_hh, q0_w=q0_w, q0_b=q0_b, k0_w=k0_w, k0_b=k0_b, v0_w=v0_w, v0_b=v0_b, e0_w=e0_w, s0_w=s0_w, s0_b=s0_b, q1_w=q1_w, q1_b=q1_b, k1_w=k1_w, k1_b=k1_b, v1_w=v1_w, v1_b=v1_b, e1_w=e1_w, s1_w=s1_w, s1_b=s1_b, lin_w=lin_w, lin_b=lin_b)

if __name__ == "__main__":
    import jax
    _d = setup_inputs()
    print(jax.jit(kernel)(*tuple(_d.values())))

</pallas_src>

<mosaic_0001>
#map = affine_map<(d0, d1) -> (0, 0)>
#map1 = affine_map<(d0, d1) -> (0)>
module attributes {stable_mosaic.version = 14 : i64} {
  func.func @k(%arg0: i32, %arg1: i32, %arg2: memref<12288x128xf32, #tpu.memory_space<hbm>>, %arg3: memref<12288xi32, #tpu.memory_space<hbm>>, %arg4: memref<640x128xf32, #tpu.memory_space<hbm>>, %arg5: memref<10240x128xf32, #tpu.memory_space<hbm>>, %arg6: memref<10240x128xf32, #tpu.memory_space<hbm>>, %arg7: memref<10240x128xf32, #tpu.memory_space<vmem_shared>>, %arg8: memref<128xi32, #tpu.memory_space<vmem>>, %arg9: memref<128x128xf32, #tpu.memory_space<vmem>>) attributes {dimension_semantics = [#tpu.dimension_semantics<core_parallel>, #tpu.dimension_semantics<subcore_parallel>], iteration_bounds = array<i64: 2, 16>, scalar_prefetch = 0 : i64, scratch_operands = 3 : i64, tpu.core_type = #tpu.core_type<sc_vector_subcore>, window_params = [{transform_indices = #map}, {transform_indices = #map1}, {transform_indices = #map}, {transform_indices = #map}, {transform_indices = #map}]} {
    %mul3A = arith.constant 640 : i32
    %mul3A_0 = arith.muli %arg1, %mul3A : i32
    "tpu.region"() ({
      %run_scoped3A = tpu.sem_alloc : memref<!tpu.dma_semaphore, #tpu.memory_space<semaphore_mem>>
      %dma_start3A = arith.constant 0 : i32
      %dma_start3A_18 = tpu.memref_slice %arg7[%mul3A_0, %dma_start3A] : memref<10240x128xf32, #tpu.memory_space<vmem_shared>> -> memref<640x128xf32, #tpu.memory_space<vmem_shared>>
      tpu.enqueue_dma source(%arg4 : memref<640x128xf32, #tpu.memory_space<hbm>>) target(%dma_start3A_18 : memref<640x128xf32, #tpu.memory_space<vmem_shared>>) target_semaphore(%run_scoped3A : memref<!tpu.dma_semaphore, #tpu.memory_space<semaphore_mem>>)
      %dma_wait3A = arith.constant 0 : i32
      %dma_wait3A_19 = tpu.memref_slice %arg7[%mul3A_0, %dma_wait3A] : memref<10240x128xf32, #tpu.memory_space<vmem_shared>> -> memref<640x128xf32, #tpu.memory_space<vmem_shared>>
      tpu.wait_dma2 semaphore(%run_scoped3A : memref<!tpu.dma_semaphore, #tpu.memory_space<semaphore_mem>>) src(%arg4 : memref<640x128xf32, #tpu.memory_space<hbm>>) dst(%dma_wait3A_19 : memref<640x128xf32, #tpu.memory_space<vmem_shared>>)
      tpu.yield
    }) : () -> ()
    %barrier3A = arith.constant 0 : index
    tpu.barrier barrier_id(%barrier3A)
    %mul3A_1 = arith.constant 6144 : i32
    %mul3A_2 = arith.muli %arg0, %mul3A_1 : i32
    %mul3A_3 = arith.constant 384 : i32
    %mul3A_4 = arith.muli %arg1, %mul3A_3 : i32
    %add3A = arith.addi %mul3A_2, %mul3A_4 : i32
    %scan3A = arith.constant 0 : i32
    %scan3A_5 = arith.constant 0 : i32
    %scan3A_6 = arith.constant 3 : i32
    %scan3A_7 = arith.addi %scan3A_5, %scan3A_6 : i32
    %scan3A_8 = arith.constant 1 : i32
    scf.for %scan3A_18 = %scan3A_5 to %scan3A_7 step %scan3A_8  : i32 {
      %mul3A_19 = arith.constant 128 : i32
      %mul3A_20 = arith.muli %scan3A_18, %mul3A_19 : i32
      %add3A_21 = arith.addi %add3A, %mul3A_20 : i32
      "tpu.region"() ({
        %run_scoped3A = tpu.sem_alloc : memref<!tpu.dma_semaphore, #tpu.memory_space<semaphore_mem>>
        %dma_start3A = tpu.memref_slice %arg3[%add3A_21] : memref<12288xi32, #tpu.memory_space<hbm>> -> memref<128xi32, #tpu.memory_space<hbm>>
        %dma_start3A_22 = tpu.memref_slice %arg3[%add3A_21] : memref<12288xi32, #tpu.memory_space<hbm>> -> memref<128xi32, #tpu.memory_space<hbm>>
        tpu.enqueue_dma source(%dma_start3A_22 : memref<128xi32, #tpu.memory_space<hbm>>) target(%arg8 : memref<128xi32, #tpu.memory_space<vmem>>) target_semaphore(%run_scoped3A : memref<!tpu.dma_semaphore, #tpu.memory_space<semaphore_mem>>)
        %dma_wait3A = tpu.memref_slice %arg3[%add3A_21] : memref<12288xi32, #tpu.memory_space<hbm>> -> memref<128xi32, #tpu.memory_space<hbm>>
        %dma_wait3A_23 = tpu.memref_slice %arg3[%add3A_21] : memref<12288xi32, #tpu.memory_space<hbm>> -> memref<128xi32, #tpu.memory_space<hbm>>
        tpu.wait_dma2 semaphore(%run_scoped3A : memref<!tpu.dma_semaphore, #tpu.memory_space<semaphore_mem>>) src(%dma_wait3A_23 : memref<128xi32, #tpu.memory_space<hbm>>) dst(%arg8 : memref<128xi32, #tpu.memory_space<vmem>>)
        tpu.yield
      }) : () -> ()
      "tpu.region"() ({
        %run_scoped3A = tpu.sem_alloc : memref<!tpu.dma_semaphore, #tpu.memory_space<semaphore_mem>>
        %dma_start3A = arith.constant 0 : i32
        %dma_start3A_22 = tpu.memref_slice %arg2[%add3A_21, %dma_start3A] : memref<12288x128xf32, #tpu.memory_space<hbm>> -> memref<128x128xf32, #tpu.memory_space<hbm>>
        %dma_start3A_23 = arith.constant 0 : i32
        %dma_start3A_24 = tpu.memref_slice %arg2[%add3A_21, %dma_start3A_23] : memref<12288x128xf32, #tpu.memory_space<hbm>> -> memref<128x128xf32, #tpu.memory_space<hbm>>
        tpu.enqueue_dma source(%dma_start3A_24 : memref<128x128xf32, #tpu.memory_space<hbm>>) target(%arg9 : memref<128x128xf32, #tpu.memory_space<vmem>>) target_semaphore(%run_scoped3A : memref<!tpu.dma_semaphore, #tpu.memory_space<semaphore_mem>>)
        %dma_wait3A = arith.constant 0 : i32
        %dma_wait3A_25 = tpu.memref_slice %arg2[%add3A_21, %dma_wait3A] : memref<12288x128xf32, #tpu.memory_space<hbm>> -> memref<128x128xf32, #tpu.memory_space<hbm>>
        %dma_wait3A_26 = arith.constant 0 : i32
        %dma_wait3A_27 = tpu.memref_slice %arg2[%add3A_21, %dma_wait3A_26] : memref<12288x128xf32, #tpu.memory_space<hbm>> -> memref<128x128xf32, #tpu.memory_space<hbm>>
        tpu.wait_dma2 semaphore(%run_scoped3A : memref<!tpu.dma_semaphore, #tpu.memory_space<semaphore_mem>>) src(%dma_wait3A_27 : memref<128x128xf32, #tpu.memory_space<hbm>>) dst(%arg9 : memref<128x128xf32, #tpu.memory_space<vmem>>)
        tpu.yield
      }) : () -> ()
      "tpu.region"() ({
        %run_scoped3A = tpu.sem_alloc : memref<!tpu.dma_semaphore, #tpu.memory_space<semaphore_mem>>
        %dma_start3A = arith.constant 0 : i32
        %dma_start3A_22 = arith.constant 0 : i32
        %dma_start3A_23 = tpu.memref_slice %arg7[%dma_start3A, %dma_start3A_22] : memref<10240x128xf32, #tpu.memory_space<vmem_shared>> -> memref<10240x128xf32, #tpu.memory_space<vmem_shared>>
        tpu.enqueue_indirect_dma source(%arg9 : memref<128x128xf32, #tpu.memory_space<vmem>>) target(%dma_start3A_23 : memref<10240x128xf32, #tpu.memory_space<vmem_shared>>) offsets(%arg8 : memref<128xi32, #tpu.memory_space<vmem>>) semaphore(%run_scoped3A : memref<!tpu.dma_semaphore, #tpu.memory_space<semaphore_mem>>) {add = true}
        %dma_wait3A = arith.constant 0 : i32
        %dma_wait3A_24 = arith.constant 0 : i32
        %dma_wait3A_25 = tpu.memref_slice %arg7[%dma_wait3A, %dma_wait3A_24] : memref<10240x128xf32, #tpu.memory_space<vmem_shared>> -> memref<10240x128xf32, #tpu.memory_space<vmem_shared>>
        tpu.wait_indirect_dma semaphore(%run_scoped3A : memref<!tpu.dma_semaphore, #tpu.memory_space<semaphore_mem>>) src(%arg9 : memref<128x128xf32, #tpu.memory_space<vmem>>) dst(%dma_wait3A_25 : memref<10240x128xf32, #tpu.memory_space<vmem_shared>>)
        tpu.yield
      }) : () -> ()
    }
    %scan3A_9 = arith.constant 3 : i32
    %barrier3A_10 = arith.constant 0 : index
    tpu.barrier barrier_id(%barrier3A_10)
    %eq3A = arith.constant 0 : i32
    %eq3A_11 = arith.cmpi eq, %arg0, %eq3A : i32
    %convert_element_type3A = arith.extui %eq3A_11 : i1 to i32
    %cond3A = arith.constant 0 : i32
    %cond3A_12 = arith.cmpi ne, %convert_element_type3A, %cond3A : i32
    scf.if %cond3A_12 {
      %mul3A_18 = arith.constant 640 : i32
      %mul3A_19 = arith.muli %arg1, %mul3A_18 : i32
      %mul3A_20 = arith.constant 640 : i32
      %mul3A_21 = arith.muli %arg1, %mul3A_20 : i32
      "tpu.region"() ({
        %run_scoped3A = tpu.sem_alloc : memref<!tpu.dma_semaphore, #tpu.memory_space<semaphore_mem>>
        %dma_start3A = arith.constant 0 : i32
        %dma_start3A_22 = tpu.memref_slice %arg5[%mul3A_21, %dma_start3A] : memref<10240x128xf32, #tpu.memory_space<hbm>> -> memref<640x128xf32, #tpu.memory_space<hbm>>
        %dma_start3A_23 = arith.constant 0 : i32
        %dma_start3A_24 = tpu.memref_slice %arg7[%mul3A_19, %dma_start3A_23] : memref<10240x128xf32, #tpu.memory_space<vmem_shared>> -> memref<640x128xf32, #tpu.memory_space<vmem_shared>>
        tpu.enqueue_dma source(%dma_start3A_24 : memref<640x128xf32, #tpu.memory_space<vmem_shared>>) target(%dma_start3A_22 : memref<640x128xf32, #tpu.memory_space<hbm>>) target_semaphore(%run_scoped3A : memref<!tpu.dma_semaphore, #tpu.memory_space<semaphore_mem>>)
        %dma_wait3A = arith.constant 0 : i32
        %dma_wait3A_25 = tpu.memref_slice %arg5[%mul3A_21, %dma_wait3A] : memref<10240x128xf32, #tpu.memory_space<hbm>> -> memref<640x128xf32, #tpu.memory_space<hbm>>
        %dma_wait3A_26 = arith.constant 0 : i32
        %dma_wait3A_27 = tpu.memref_slice %arg7[%mul3A_19, %dma_wait3A_26] : memref<10240x128xf32, #tpu.memory_space<vmem_shared>> -> memref<640x128xf32, #tpu.memory_space<vmem_shared>>
        tpu.wait_dma2 semaphore(%run_scoped3A : memref<!tpu.dma_semaphore, #tpu.memory_space<semaphore_mem>>) src(%dma_wait3A_27 : memref<640x128xf32, #tpu.memory_space<vmem_shared>>) dst(%dma_wait3A_25 : memref<640x128xf32, #tpu.memory_space<hbm>>)
        tpu.yield
      }) : () -> ()
    } else {
    }
    %eq3A_13 = arith.constant 1 : i32
    %eq3A_14 = arith.cmpi eq, %arg0, %eq3A_13 : i32
    %convert_element_type3A_15 = arith.extui %eq3A_14 : i1 to i32
    %cond3A_16 = arith.constant 0 : i32
    %cond3A_17 = arith.cmpi ne, %convert_element_type3A_15, %cond3A_16 : i32
    scf.if %cond3A_17 {
      %mul3A_18 = arith.constant 640 : i32
      %mul3A_19 = arith.muli %arg1, %mul3A_18 : i32
      %mul3A_20 = arith.constant 640 : i32
      %mul3A_21 = arith.muli %arg1, %mul3A_20 : i32
      "tpu.region"() ({
        %run_scoped3A = tpu.sem_alloc : memref<!tpu.dma_semaphore, #tpu.memory_space<semaphore_mem>>
        %dma_start3A = arith.constant 0 : i32
        %dma_start3A_22 = tpu.memref_slice %arg6[%mul3A_21, %dma_start3A] : memref<10240x128xf32, #tpu.memory_space<hbm>> -> memref<640x128xf32, #tpu.memory_space<hbm>>
        %dma_start3A_23 = arith.constant 0 : i32
        %dma_start3A_24 = tpu.memref_slice %arg7[%mul3A_19, %dma_start3A_23] : memref<10240x128xf32, #tpu.memory_space<vmem_shared>> -> memref<640x128xf32, #tpu.memory_space<vmem_shared>>
        tpu.enqueue_dma source(%dma_start3A_24 : memref<640x128xf32, #tpu.memory_space<vmem_shared>>) target(%dma_start3A_22 : memref<640x128xf32, #tpu.memory_space<hbm>>) target_semaphore(%run_scoped3A : memref<!tpu.dma_semaphore, #tpu.memory_space<semaphore_mem>>)
        %dma_wait3A = arith.constant 0 : i32
        %dma_wait3A_25 = tpu.memref_slice %arg6[%mul3A_21, %dma_wait3A] : memref<10240x128xf32, #tpu.memory_space<hbm>> -> memref<640x128xf32, #tpu.memory_space<hbm>>
        %dma_wait3A_26 = arith.constant 0 : i32
        %dma_wait3A_27 = tpu.memref_slice %arg7[%mul3A_19, %dma_wait3A_26] : memref<10240x128xf32, #tpu.memory_space<vmem_shared>> -> memref<640x128xf32, #tpu.memory_space<vmem_shared>>
        tpu.wait_dma2 semaphore(%run_scoped3A : memref<!tpu.dma_semaphore, #tpu.memory_space<semaphore_mem>>) src(%dma_wait3A_27 : memref<640x128xf32, #tpu.memory_space<vmem_shared>>) dst(%dma_wait3A_25 : memref<640x128xf32, #tpu.memory_space<hbm>>)
        tpu.yield
      }) : () -> ()
    } else {
    }
    return
  }
}

#map = affine_map<(d0, d1) -> (0, 0)>
#map1 = affine_map<(d0, d1) -> (0)>
module attributes {stable_mosaic.version = 14 : i64} {
  func.func @k(%arg0: i32, %arg1: i32, %arg2: memref<12288x128xf32, #tpu.memory_space<hbm>>, %arg3: memref<12288x128xf32, #tpu.memory_space<hbm>>, %arg4: memref<12288xi32, #tpu.memory_space<hbm>>, %arg5: memref<640x128xf32, #tpu.memory_space<hbm>>, %arg6: memref<10240x128xf32, #tpu.memory_space<hbm>>, %arg7: memref<10240x128xf32, #tpu.memory_space<hbm>>, %arg8: memref<10240x128xf32, #tpu.memory_space<vmem_shared>>, %arg9: memref<128xi32, #tpu.memory_space<vmem>>, %arg10: memref<128x128xf32, #tpu.memory_space<vmem>>) attributes {dimension_semantics = [#tpu.dimension_semantics<core_parallel>, #tpu.dimension_semantics<subcore_parallel>], iteration_bounds = array<i64: 2, 16>, scalar_prefetch = 0 : i64, scratch_operands = 3 : i64, tpu.core_type = #tpu.core_type<sc_vector_subcore>, window_params = [{transform_indices = #map}, {transform_indices = #map}, {transform_indices = #map1}, {transform_indices = #map}, {transform_indices = #map}, {transform_indices = #map}]} {
    %mul3A = arith.constant 640 : i32
    %mul3A_0 = arith.muli %arg1, %mul3A : i32
    "tpu.region"() ({
      %run_scoped3A = tpu.sem_alloc : memref<!tpu.dma_semaphore, #tpu.memory_space<semaphore_mem>>
      %dma_start3A = arith.constant 0 : i32
      %dma_start3A_14 = tpu.memref_slice %arg8[%mul3A_0, %dma_start3A] : memref<10240x128xf32, #tpu.memory_space<vmem_shared>> -> memref<640x128xf32, #tpu.memory_space<vmem_shared>>
      tpu.enqueue_dma source(%arg5 : memref<640x128xf32, #tpu.memory_space<hbm>>) target(%dma_start3A_14 : memref<640x128xf32, #tpu.memory_space<vmem_shared>>) target_semaphore(%run_scoped3A : memref<!tpu.dma_semaphore, #tpu.memory_space<semaphore_mem>>)
      %dma_wait3A = arith.constant 0 : i32
      %dma_wait3A_15 = tpu.memref_slice %arg8[%mul3A_0, %dma_wait3A] : memref<10240x128xf32, #tpu.memory_space<vmem_shared>> -> memref<640x128xf32, #tpu.memory_space<vmem_shared>>
      tpu.wait_dma2 semaphore(%run_scoped3A : memref<!tpu.dma_semaphore, #tpu.memory_space<semaphore_mem>>) src(%arg5 : memref<640x128xf32, #tpu.memory_space<hbm>>) dst(%dma_wait3A_15 : memref<640x128xf32, #tpu.memory_space<vmem_shared>>)
      tpu.yield
    }) : () -> ()
    %barrier3A = arith.constant 0 : index
    tpu.barrier barrier_id(%barrier3A)
    %scan3A = arith.constant 0 : i32
    %scan3A_1 = arith.constant 0 : i32
    %scan3A_2 = arith.constant 6 : i32
    %scan3A_3 = arith.addi %scan3A_1, %scan3A_2 : i32
    %scan3A_4 = arith.constant 1 : i32
    scf.for %scan3A_14 = %scan3A_1 to %scan3A_3 step %scan3A_4  : i32 {
      %mul3A_15 = arith.constant 768 : i32
      %mul3A_16 = arith.muli %arg1, %mul3A_15 : i32
      %mul3A_17 = arith.constant 128 : i32
      %mul3A_18 = arith.muli %scan3A_14, %mul3A_17 : i32
      %add3A = arith.addi %mul3A_16, %mul3A_18 : i32
      "tpu.region"() ({
        %run_scoped3A = tpu.sem_alloc : memref<!tpu.dma_semaphore, #tpu.memory_space<semaphore_mem>>
        %dma_start3A = tpu.memref_slice %arg4[%add3A] : memref<12288xi32, #tpu.memory_space<hbm>> -> memref<128xi32, #tpu.memory_space<hbm>>
        %dma_start3A_29 = tpu.memref_slice %arg4[%add3A] : memref<12288xi32, #tpu.memory_space<hbm>> -> memref<128xi32, #tpu.memory_space<hbm>>
        tpu.enqueue_dma source(%dma_start3A_29 : memref<128xi32, #tpu.memory_space<hbm>>) target(%arg9 : memref<128xi32, #tpu.memory_space<vmem>>) target_semaphore(%run_scoped3A : memref<!tpu.dma_semaphore, #tpu.memory_space<semaphore_mem>>)
        %dma_wait3A = tpu.memref_slice %arg4[%add3A] : memref<12288xi32, #tpu.memory_space<hbm>> -> memref<128xi32, #tpu.memory_space<hbm>>
        %dma_wait3A_30 = tpu.memref_slice %arg4[%add3A] : memref<12288xi32, #tpu.memory_space<hbm>> -> memref<128xi32, #tpu.memory_space<hbm>>
        tpu.wait_dma2 semaphore(%run_scoped3A : memref<!tpu.dma_semaphore, #tpu.memory_space<semaphore_mem>>) src(%dma_wait3A_30 : memref<128xi32, #tpu.memory_space<hbm>>) dst(%arg9 : memref<128xi32, #tpu.memory_space<vmem>>)
        tpu.yield
      }) : () -> ()
      %eq3A_19 = arith.constant 0 : i32
      %eq3A_20 = arith.cmpi eq, %arg0, %eq3A_19 : i32
      %convert_element_type3A_21 = arith.extui %eq3A_20 : i1 to i32
      %cond3A_22 = arith.constant 0 : i32
      %cond3A_23 = arith.cmpi ne, %convert_element_type3A_21, %cond3A_22 : i32
      scf.if %cond3A_23 {
        "tpu.region"() ({
          %run_scoped3A = tpu.sem_alloc : memref<!tpu.dma_semaphore, #tpu.memory_space<semaphore_mem>>
          %dma_start3A = arith.constant 0 : i32
          %dma_start3A_29 = tpu.memref_slice %arg2[%add3A, %dma_start3A] : memref<12288x128xf32, #tpu.memory_space<hbm>> -> memref<128x128xf32, #tpu.memory_space<hbm>>
          %dma_start3A_30 = arith.constant 0 : i32
          %dma_start3A_31 = tpu.memref_slice %arg2[%add3A, %dma_start3A_30] : memref<12288x128xf32, #tpu.memory_space<hbm>> -> memref<128x128xf32, #tpu.memory_space<hbm>>
          tpu.enqueue_dma source(%dma_start3A_31 : memref<128x128xf32, #tpu.memory_space<hbm>>) target(%arg10 : memref<128x128xf32, #tpu.memory_space<vmem>>) target_semaphore(%run_scoped3A : memref<!tpu.dma_semaphore, #tpu.memory_space<semaphore_mem>>)
          %dma_wait3A = arith.constant 0 : i32
          %dma_wait3A_32 = tpu.memref_slice %arg2[%add3A, %dma_wait3A] : memref<12288x128xf32, #tpu.memory_space<hbm>> -> memref<128x128xf32, #tpu.memory_space<hbm>>
          %dma_wait3A_33 = arith.constant 0 : i32
          %dma_wait3A_34 = tpu.memref_slice %arg2[%add3A, %dma_wait3A_33] : memref<12288x128xf32, #tpu.memory_space<hbm>> -> memref<128x128xf32, #tpu.memory_space<hbm>>
          tpu.wait_dma2 semaphore(%run_scoped3A : memref<!tpu.dma_semaphore, #tpu.memory_space<semaphore_mem>>) src(%dma_wait3A_34 : memref<128x128xf32, #tpu.memory_space<hbm>>) dst(%arg10 : memref<128x128xf32, #tpu.memory_space<vmem>>)
          tpu.yield
        }) : () -> ()
      } else {
      }
      %eq3A_24 = arith.constant 1 : i32
      %eq3A_25 = arith.cmpi eq, %arg0, %eq3A_24 : i32
      %convert_element_type3A_26 = arith.extui %eq3A_25 : i1 to i32
      %cond3A_27 = arith.constant 0 : i32
      %cond3A_28 = arith.cmpi ne, %convert_element_type3A_26, %cond3A_27 : i32
      scf.if %cond3A_28 {
        "tpu.region"() ({
          %run_scoped3A = tpu.sem_alloc : memref<!tpu.dma_semaphore, #tpu.memory_space<semaphore_mem>>
          %dma_start3A = arith.constant 0 : i32
          %dma_start3A_29 = tpu.memref_slice %arg3[%add3A, %dma_start3A] : memref<12288x128xf32, #tpu.memory_space<hbm>> -> memref<128x128xf32, #tpu.memory_space<hbm>>
          %dma_start3A_30 = arith.constant 0 : i32
          %dma_start3A_31 = tpu.memref_slice %arg3[%add3A, %dma_start3A_30] : memref<12288x128xf32, #tpu.memory_space<hbm>> -> memref<128x128xf32, #tpu.memory_space<hbm>>
          tpu.enqueue_dma source(%dma_start3A_31 : memref<128x128xf32, #tpu.memory_space<hbm>>) target(%arg10 : memref<128x128xf32, #tpu.memory_space<vmem>>) target_semaphore(%run_scoped3A : memref<!tpu.dma_semaphore, #tpu.memory_space<semaphore_mem>>)
          %dma_wait3A = arith.constant 0 : i32
          %dma_wait3A_32 = tpu.memref_slice %arg3[%add3A, %dma_wait3A] : memref<12288x128xf32, #tpu.memory_space<hbm>> -> memref<128x128xf32, #tpu.memory_space<hbm>>
          %dma_wait3A_33 = arith.constant 0 : i32
          %dma_wait3A_34 = tpu.memref_slice %arg3[%add3A, %dma_wait3A_33] : memref<12288x128xf32, #tpu.memory_space<hbm>> -> memref<128x128xf32, #tpu.memory_space<hbm>>
          tpu.wait_dma2 semaphore(%run_scoped3A : memref<!tpu.dma_semaphore, #tpu.memory_space<semaphore_mem>>) src(%dma_wait3A_34 : memref<128x128xf32, #tpu.memory_space<hbm>>) dst(%arg10 : memref<128x128xf32, #tpu.memory_space<vmem>>)
          tpu.yield
        }) : () -> ()
      } else {
      }
      "tpu.region"() ({
        %run_scoped3A = tpu.sem_alloc : memref<!tpu.dma_semaphore, #tpu.memory_space<semaphore_mem>>
        %dma_start3A = arith.constant 0 : i32
        %dma_start3A_29 = arith.constant 0 : i32
        %dma_start3A_30 = tpu.memref_slice %arg8[%dma_start3A, %dma_start3A_29] : memref<10240x128xf32, #tpu.memory_space<vmem_shared>> -> memref<10240x128xf32, #tpu.memory_space<vmem_shared>>
        tpu.enqueue_indirect_dma source(%arg10 : memref<128x128xf32, #tpu.memory_space<vmem>>) target(%dma_start3A_30 : memref<10240x128xf32, #tpu.memory_space<vmem_shared>>) offsets(%arg9 : memref<128xi32, #tpu.memory_space<vmem>>) semaphore(%run_scoped3A : memref<!tpu.dma_semaphore, #tpu.memory_space<semaphore_mem>>) {add = true}
        %dma_wait3A = arith.constant 0 : i32
        %dma_wait3A_31 = arith.constant 0 : i32
        %dma_wait3A_32 = tpu.memref_slice %arg8[%dma_wait3A, %dma_wait3A_31] : memref<10240x128xf32, #tpu.memory_space<vmem_shared>> -> memref<10240x128xf32, #tpu.memory_space<vmem_shared>>
        tpu.wait_indirect_dma semaphore(%run_scoped3A : memref<!tpu.dma_semaphore, #tpu.memory_space<semaphore_mem>>) src(%arg10 : memref<128x128xf32, #tpu.memory_space<vmem>>) dst(%dma_wait3A_32 : memref<10240x128xf32, #tpu.memory_space<vmem_shared>>)
        tpu.yield
      }) : () -> ()
    }
    %scan3A_5 = arith.constant 6 : i32
    %barrier3A_6 = arith.constant 0 : index
    tpu.barrier barrier_id(%barrier3A_6)
    %eq3A = arith.constant 0 : i32
    %eq3A_7 = arith.cmpi eq, %arg0, %eq3A : i32
    %convert_element_type3A = arith.extui %eq3A_7 : i1 to i32
    %cond3A = arith.constant 0 : i32
    %cond3A_8 = arith.cmpi ne, %convert_element_type3A, %cond3A : i32
    scf.if %cond3A_8 {
      %mul3A_14 = arith.constant 640 : i32
      %mul3A_15 = arith.muli %arg1, %mul3A_14 : i32
      %mul3A_16 = arith.constant 640 : i32
      %mul3A_17 = arith.muli %arg1, %mul3A_16 : i32
      "tpu.region"() ({
        %run_scoped3A = tpu.sem_alloc : memref<!tpu.dma_semaphore, #tpu.memory_space<semaphore_mem>>
        %dma_start3A = arith.constant 0 : i32
        %dma_start3A_18 = tpu.memref_slice %arg6[%mul3A_17, %dma_start3A] : memref<10240x128xf32, #tpu.memory_space<hbm>> -> memref<640x128xf32, #tpu.memory_space<hbm>>
        %dma_start3A_19 = arith.constant 0 : i32
        %dma_start3A_20 = tpu.memref_slice %arg8[%mul3A_15, %dma_start3A_19] : memref<10240x128xf32, #tpu.memory_space<vmem_shared>> -> memref<640x128xf32, #tpu.memory_space<vmem_shared>>
        tpu.enqueue_dma source(%dma_start3A_20 : memref<640x128xf32, #tpu.memory_space<vmem_shared>>) target(%dma_start3A_18 : memref<640x128xf32, #tpu.memory_space<hbm>>) target_semaphore(%run_scoped3A : memref<!tpu.dma_semaphore, #tpu.memory_space<semaphore_mem>>)
        %dma_wait3A = arith.constant 0 : i32
        %dma_wait3A_21 = tpu.memref_slice %arg6[%mul3A_17, %dma_wait3A] : memref<10240x128xf32, #tpu.memory_space<hbm>> -> memref<640x128xf32, #tpu.memory_space<hbm>>
        %dma_wait3A_22 = arith.constant 0 : i32
        %dma_wait3A_23 = tpu.memref_slice %arg8[%mul3A_15, %dma_wait3A_22] : memref<10240x128xf32, #tpu.memory_space<vmem_shared>> -> memref<640x128xf32, #tpu.memory_space<vmem_shared>>
        tpu.wait_dma2 semaphore(%run_scoped3A : memref<!tpu.dma_semaphore, #tpu.memory_space<semaphore_mem>>) src(%dma_wait3A_23 : memref<640x128xf32, #tpu.memory_space<vmem_shared>>) dst(%dma_wait3A_21 : memref<640x128xf32, #tpu.memory_space<hbm>>)
        tpu.yield
      }) : () -> ()
    } else {
    }
    %eq3A_9 = arith.constant 1 : i32
    %eq3A_10 = arith.cmpi eq, %arg0, %eq3A_9 : i32
    %convert_element_type3A_11 = arith.extui %eq3A_10 : i1 to i32
    %cond3A_12 = arith.constant 0 : i32
    %cond3A_13 = arith.cmpi ne, %convert_element_type3A_11, %cond3A_12 : i32
    scf.if %cond3A_13 {
      %mul3A_14 = arith.constant 640 : i32
      %mul3A_15 = arith.muli %arg1, %mul3A_14 : i32
      %mul3A_16 = arith.constant 640 : i32
      %mul3A_17 = arith.muli %arg1, %mul3A_16 : i32
      "tpu.region"() ({
        %run_scoped3A = tpu.sem_alloc : memref<!tpu.dma_semaphore, #tpu.memory_space<semaphore_mem>>
        %dma_start3A = arith.constant 0 : i32
        %dma_start3A_18 = tpu.memref_slice %arg7[%mul3A_17, %dma_start3A] : memref<10240x128xf32, #tpu.memory_space<hbm>> -> memref<640x128xf32, #tpu.memory_space<hbm>>
        %dma_start3A_19 = arith.constant 0 : i32
        %dma_start3A_20 = tpu.memref_slice %arg8[%mul3A_15, %dma_start3A_19] : memref<10240x128xf32, #tpu.memory_space<vmem_shared>> -> memref<640x128xf32, #tpu.memory_space<vmem_shared>>
        tpu.enqueue_dma source(%dma_start3A_20 : memref<640x128xf32, #tpu.memory_space<vmem_shared>>) target(%dma_start3A_18 : memref<640x128xf32, #tpu.memory_space<hbm>>) target_semaphore(%run_scoped3A : memref<!tpu.dma_semaphore, #tpu.memory_space<semaphore_mem>>)
        %dma_wait3A = arith.constant 0 : i32
        %dma_wait3A_21 = tpu.memref_slice %arg7[%mul3A_17, %dma_wait3A] : memref<10240x128xf32, #tpu.memory_space<hbm>> -> memref<640x128xf32, #tpu.memory_space<hbm>>
        %dma_wait3A_22 = arith.constant 0 : i32
        %dma_wait3A_23 = tpu.memref_slice %arg8[%mul3A_15, %dma_wait3A_22] : memref<10240x128xf32, #tpu.memory_space<vmem_shared>> -> memref<640x128xf32, #tpu.memory_space<vmem_shared>>
        tpu.wait_dma2 semaphore(%run_scoped3A : memref<!tpu.dma_semaphore, #tpu.memory_space<semaphore_mem>>) src(%dma_wait3A_23 : memref<640x128xf32, #tpu.memory_space<vmem_shared>>) dst(%dma_wait3A_21 : memref<640x128xf32, #tpu.memory_space<hbm>>)
        tpu.yield
      }) : () -> ()
    } else {
    }
    return
  }
}

#map = affine_map<(d0, d1) -> (0, 0)>
#map1 = affine_map<(d0, d1) -> (0)>
module attributes {stable_mosaic.version = 14 : i64} {
  func.func @k(%arg0: i32, %arg1: i32, %arg2: memref<10240x128xf32, #tpu.memory_space<hbm>>, %arg3: memref<10240x256xf32, #tpu.memory_space<hbm>>, %arg4: memref<320000xi32, #tpu.memory_space<hbm>>, %arg5: memref<320000xi32, #tpu.memory_space<hbm>>, %arg6: memref<320000x128xf32, #tpu.memory_space<hbm>>, %arg7: memref<320000x256xf32, #tpu.memory_space<hbm>>, %arg8: memref<80xi32, #tpu.memory_space<vmem>>, %arg9: memref<80xi32, #tpu.memory_space<vmem>>, %arg10: memref<80x128xf32, #tpu.memory_space<vmem>>, %arg11: memref<80x256xf32, #tpu.memory_space<vmem>>, %arg12: memref<80xi32, #tpu.memory_space<vmem>>, %arg13: memref<80xi32, #tpu.memory_space<vmem>>, %arg14: memref<80x128xf32, #tpu.memory_space<vmem>>, %arg15: memref<80x256xf32, #tpu.memory_space<vmem>>, %arg16: memref<!tpu.dma_semaphore, #tpu.memory_space<semaphore_mem>>, %arg17: memref<!tpu.dma_semaphore, #tpu.memory_space<semaphore_mem>>) attributes {dimension_semantics = [#tpu.dimension_semantics<core_parallel>, #tpu.dimension_semantics<subcore_parallel>], iteration_bounds = array<i64: 2, 16>, scalar_prefetch = 0 : i64, scratch_operands = 10 : i64, tpu.core_type = #tpu.core_type<sc_vector_subcore>, window_params = [{transform_indices = #map}, {transform_indices = #map}, {transform_indices = #map1}, {transform_indices = #map1}, {transform_indices = #map}, {transform_indices = #map}]} {
    %mul3A = arith.constant 2 : i32
    %mul3A_0 = arith.muli %arg1, %mul3A : i32
    %add3A = arith.addi %mul3A_0, %arg0 : i32
    %mul3A_1 = arith.constant 10000 : i32
    %mul3A_2 = arith.muli %add3A, %mul3A_1 : i32
    %add3A_3 = arith.constant 0 : i32
    %add3A_4 = arith.addi %mul3A_2, %add3A_3 : i32
    "tpu.region"() ({
      %run_scoped3A = tpu.sem_alloc : memref<!tpu.dma_semaphore, #tpu.memory_space<semaphore_mem>>
      %dma_start3A_28 = tpu.memref_slice %arg5[%add3A_4] : memref<320000xi32, #tpu.memory_space<hbm>> -> memref<80xi32, #tpu.memory_space<hbm>>
      %dma_start3A_29 = tpu.memref_slice %arg5[%add3A_4] : memref<320000xi32, #tpu.memory_space<hbm>> -> memref<80xi32, #tpu.memory_space<hbm>>
      tpu.enqueue_dma source(%dma_start3A_29 : memref<80xi32, #tpu.memory_space<hbm>>) target(%arg9 : memref<80xi32, #tpu.memory_space<vmem>>) target_semaphore(%run_scoped3A : memref<!tpu.dma_semaphore, #tpu.memory_space<semaphore_mem>>)
      %dma_wait3A_30 = tpu.memref_slice %arg5[%add3A_4] : memref<320000xi32, #tpu.memory_space<hbm>> -> memref<80xi32, #tpu.memory_space<hbm>>
      %dma_wait3A_31 = tpu.memref_slice %arg5[%add3A_4] : memref<320000xi32, #tpu.memory_space<hbm>> -> memref<80xi32, #tpu.memory_space<hbm>>
      tpu.wait_dma2 semaphore(%run_scoped3A : memref<!tpu.dma_semaphore, #tpu.memory_space<semaphore_mem>>) src(%dma_wait3A_31 : memref<80xi32, #tpu.memory_space<hbm>>) dst(%arg9 : memref<80xi32, #tpu.memory_space<vmem>>)
      tpu.yield
    }) : () -> ()
    "tpu.region"() ({
      %run_scoped3A = tpu.sem_alloc : memref<!tpu.dma_semaphore, #tpu.memory_space<semaphore_mem>>
      %dma_start3A_28 = tpu.memref_slice %arg4[%add3A_4] : memref<320000xi32, #tpu.memory_space<hbm>> -> memref<80xi32, #tpu.memory_space<hbm>>
      %dma_start3A_29 = tpu.memref_slice %arg4[%add3A_4] : memref<320000xi32, #tpu.memory_space<hbm>> -> memref<80xi32, #tpu.memory_space<hbm>>
      tpu.enqueue_dma source(%dma_start3A_29 : memref<80xi32, #tpu.memory_space<hbm>>) target(%arg8 : memref<80xi32, #tpu.memory_space<vmem>>) target_semaphore(%run_scoped3A : memref<!tpu.dma_semaphore, #tpu.memory_space<semaphore_mem>>)
      %dma_wait3A_30 = tpu.memref_slice %arg4[%add3A_4] : memref<320000xi32, #tpu.memory_space<hbm>> -> memref<80xi32, #tpu.memory_space<hbm>>
      %dma_wait3A_31 = tpu.memref_slice %arg4[%add3A_4] : memref<320000xi32, #tpu.memory_space<hbm>> -> memref<80xi32, #tpu.memory_space<hbm>>
      tpu.wait_dma2 semaphore(%run_scoped3A : memref<!tpu.dma_semaphore, #tpu.memory_space<semaphore_mem>>) src(%dma_wait3A_31 : memref<80xi32, #tpu.memory_space<hbm>>) dst(%arg8 : memref<80xi32, #tpu.memory_space<vmem>>)
      tpu.yield
    }) : () -> ()
    %dma_start3A = arith.constant 0 : i32
    %dma_start3A_5 = arith.constant 0 : i32
    %dma_start3A_6 = tpu.memref_slice %arg2[%dma_start3A, %dma_start3A_5] : memref<10240x128xf32, #tpu.memory_space<hbm>> -> memref<10240x128xf32, #tpu.memory_space<hbm>>
    tpu.enqueue_indirect_dma source(%dma_start3A_6 : memref<10240x128xf32, #tpu.memory_space<hbm>>) target(%arg10 : memref<80x128xf32, #tpu.memory_space<vmem>>) offsets(%arg9 : memref<80xi32, #tpu.memory_space<vmem>>) semaphore(%arg16 : memref<!tpu.dma_semaphore, #tpu.memory_space<semaphore_mem>>)
    %dma_start3A_7 = arith.constant 0 : i32
    %dma_start3A_8 = arith.constant 0 : i32
    %dma_start3A_9 = tpu.memref_slice %arg3[%dma_start3A_7, %dma_start3A_8] : memref<10240x256xf32, #tpu.memory_space<hbm>> -> memref<10240x256xf32, #tpu.memory_space<hbm>>
    tpu.enqueue_indirect_dma source(%dma_start3A_9 : memref<10240x256xf32, #tpu.memory_space<hbm>>) target(%arg11 : memref<80x256xf32, #tpu.memory_space<vmem>>) offsets(%arg8 : memref<80xi32, #tpu.memory_space<vmem>>) semaphore(%arg16 : memref<!tpu.dma_semaphore, #tpu.memory_space<semaphore_mem>>)
    %scan3A = arith.constant 0 : i32
    %scan3A_10 = arith.constant 0 : i32
    %scan3A_11 = arith.constant 62 : i32
    %scan3A_12 = arith.addi %scan3A_10, %scan3A_11 : i32
    %scan3A_13 = arith.constant 1 : i32
    scf.for %scan3A_28 = %scan3A_10 to %scan3A_12 step %scan3A_13  : i32 {
      %mul3A_29 = arith.constant 2 : i32
      %mul3A_30 = arith.muli %mul3A_29, %scan3A_28 : i32
      %dma_wait3A_31 = arith.constant 0 : i32
      %dma_wait3A_32 = arith.constant 0 : i32
      %dma_wait3A_33 = tpu.memref_slice %arg2[%dma_wait3A_31, %dma_wait3A_32] : memref<10240x128xf32, #tpu.memory_space<hbm>> -> memref<80x128xf32, #tpu.memory_space<hbm>>
      %dma_wait3A_34 = arith.constant 0 : i32
      %dma_wait3A_35 = arith.constant 0 : i32
      %dma_wait3A_36 = tpu.memref_slice %arg2[%dma_wait3A_34, %dma_wait3A_35] : memref<10240x128xf32, #tpu.memory_space<hbm>> -> memref<80x128xf32, #tpu.memory_space<hbm>>
      tpu.wait_dma2 semaphore(%arg16 : memref<!tpu.dma_semaphore, #tpu.memory_space<semaphore_mem>>) src(%dma_wait3A_36 : memref<80x128xf32, #tpu.memory_space<hbm>>) dst(%arg10 : memref<80x128xf32, #tpu.memory_space<vmem>>)
      %dma_wait3A_37 = arith.constant 0 : i32
      %dma_wait3A_38 = arith.constant 0 : i32
      %dma_wait3A_39 = tpu.memref_slice %arg3[%dma_wait3A_37, %dma_wait3A_38] : memref<10240x256xf32, #tpu.memory_space<hbm>> -> memref<80x256xf32, #tpu.memory_space<hbm>>
      %dma_wait3A_40 = arith.constant 0 : i32
      %dma_wait3A_41 = arith.constant 0 : i32
      %dma_wait3A_42 = tpu.memref_slice %arg3[%dma_wait3A_40, %dma_wait3A_41] : memref<10240x256xf32, #tpu.memory_space<hbm>> -> memref<80x256xf32, #tpu.memory_space<hbm>>
      tpu.wait_dma2 semaphore(%arg16 : memref<!tpu.dma_semaphore, #tpu.memory_space<semaphore_mem>>) src(%dma_wait3A_42 : memref<80x256xf32, #tpu.memory_space<hbm>>) dst(%arg11 : memref<80x256xf32, #tpu.memory_space<vmem>>)
      %add3A_43 = arith.constant 1 : i32
      %add3A_44 = arith.addi %mul3A_30, %add3A_43 : i32
      %mul3A_45 = arith.constant 80 : i32
      %mul3A_46 = arith.muli %add3A_44, %mul3A_45 : i32
      %add3A_47 = arith.addi %mul3A_2, %mul3A_46 : i32
      "tpu.region"() ({
        %run_scoped3A = tpu.sem_alloc : memref<!tpu.dma_semaphore, #tpu.memory_space<semaphore_mem>>
        %dma_start3A_85 = tpu.memref_slice %arg5[%add3A_47] : memref<320000xi32, #tpu.memory_space<hbm>> -> memref<80xi32, #tpu.memory_space<hbm>>
        %dma_start3A_86 = tpu.memref_slice %arg5[%add3A_47] : memref<320000xi32, #tpu.memory_space<hbm>> -> memref<80xi32, #tpu.memory_space<hbm>>
        tpu.enqueue_dma source(%dma_start3A_86 : memref<80xi32, #tpu.memory_space<hbm>>) target(%arg13 : memref<80xi32, #tpu.memory_space<vmem>>) target_semaphore(%run_scoped3A : memref<!tpu.dma_semaphore, #tpu.memory_space<semaphore_mem>>)
        %dma_wait3A_87 = tpu.memref_slice %arg5[%add3A_47] : memref<320000xi32, #tpu.memory_space<hbm>> -> memref<80xi32, #tpu.memory_space<hbm>>
        %dma_wait3A_88 = tpu.memref_slice %arg5[%add3A_47] : memref<320000xi32, #tpu.memory_space<hbm>> -> memref<80xi32, #tpu.memory_space<hbm>>
        tpu.wait_dma2 semaphore(%run_scoped3A : memref<!tpu.dma_semaphore, #tpu.memory_space<semaphore_mem>>) src(%dma_wait3A_88 : memref<80xi32, #tpu.memory_space<hbm>>) dst(%arg13 : memref<80xi32, #tpu.memory_space<vmem>>)
        tpu.yield
      }) : () -> ()
      "tpu.region"() ({
        %run_scoped3A = tpu.sem_alloc : memref<!tpu.dma_semaphore, #tpu.memory_space<semaphore_mem>>
        %dma_start3A_85 = tpu.memref_slice %arg4[%add3A_47] : memref<320000xi32, #tpu.memory_space<hbm>> -> memref<80xi32, #tpu.memory_space<hbm>>
        %dma_start3A_86 = tpu.memref_slice %arg4[%add3A_47] : memref<320000xi32, #tpu.memory_space<hbm>> -> memref<80xi32, #tpu.memory_space<hbm>>
        tpu.enqueue_dma source(%dma_start3A_86 : memref<80xi32, #tpu.memory_space<hbm>>) target(%arg12 : memref<80xi32, #tpu.memory_space<vmem>>) target_semaphore(%run_scoped3A : memref<!tpu.dma_semaphore, #tpu.memory_space<semaphore_mem>>)
        %dma_wait3A_87 = tpu.memref_slice %arg4[%add3A_47] : memref<320000xi32, #tpu.memory_space<hbm>> -> memref<80xi32, #tpu.memory_space<hbm>>
        %dma_wait3A_88 = tpu.memref_slice %arg4[%add3A_47] : memref<320000xi32, #tpu.memory_space<hbm>> -> memref<80xi32, #tpu.memory_space<hbm>>
        tpu.wait_dma2 semaphore(%run_scoped3A : memref<!tpu.dma_semaphore, #tpu.memory_space<semaphore_mem>>) src(%dma_wait3A_88 : memref<80xi32, #tpu.memory_space<hbm>>) dst(%arg12 : memref<80xi32, #tpu.memory_space<vmem>>)
        tpu.yield
      }) : () -> ()
      %dma_start3A_48 = arith.constant 0 : i32
      %dma_start3A_49 = arith.constant 0 : i32
      %dma_start3A_50 = tpu.memref_slice %arg2[%dma_start3A_48, %dma_start3A_49] : memref<10240x128xf32, #tpu.memory_space<hbm>> -> memref<10240x128xf32, #tpu.memory_space<hbm>>
      tpu.enqueue_indirect_dma source(%dma_start3A_50 : memref<10240x128xf32, #tpu.memory_space<hbm>>) target(%arg14 : memref<80x128xf32, #tpu.memory_space<vmem>>) offsets(%arg13 : memref<80xi32, #tpu.memory_space<vmem>>) semaphore(%arg17 : memref<!tpu.dma_semaphore, #tpu.memory_space<semaphore_mem>>)
      %dma_start3A_51 = arith.constant 0 : i32
      %dma_start3A_52 = arith.constant 0 : i32
      %dma_start3A_53 = tpu.memref_slice %arg3[%dma_start3A_51, %dma_start3A_52] : memref<10240x256xf32, #tpu.memory_space<hbm>> -> memref<10240x256xf32, #tpu.memory_space<hbm>>
      tpu.enqueue_indirect_dma source(%dma_start3A_53 : memref<10240x256xf32, #tpu.memory_space<hbm>>) target(%arg15 : memref<80x256xf32, #tpu.memory_space<vmem>>) offsets(%arg12 : memref<80xi32, #tpu.memory_space<vmem>>) semaphore(%arg17 : memref<!tpu.dma_semaphore, #tpu.memory_space<semaphore_mem>>)
      %mul3A_54 = arith.constant 80 : i32
      %mul3A_55 = arith.muli %mul3A_30, %mul3A_54 : i32
      %add3A_56 = arith.addi %mul3A_2, %mul3A_55 : i32
      "tpu.region"() ({
        %run_scoped3A = tpu.sem_alloc : memref<!tpu.dma_semaphore, #tpu.memory_space<semaphore_mem>>
        %dma_start3A_85 = arith.constant 0 : i32
        %dma_start3A_86 = tpu.memref_slice %arg6[%add3A_56, %dma_start3A_85] : memref<320000x128xf32, #tpu.memory_space<hbm>> -> memref<80x128xf32, #tpu.memory_space<hbm>>
        %dma_start3A_87 = arith.constant 0 : i32
        %dma_start3A_88 = tpu.memref_slice %arg6[%add3A_56, %dma_start3A_87] : memref<320000x128xf32, #tpu.memory_space<hbm>> -> memref<80x128xf32, #tpu.memory_space<hbm>>
        tpu.enqueue_dma source(%arg10 : memref<80x128xf32, #tpu.memory_space<vmem>>) target(%dma_start3A_88 : memref<80x128xf32, #tpu.memory_space<hbm>>) target_semaphore(%run_scoped3A : memref<!tpu.dma_semaphore, #tpu.memory_space<semaphore_mem>>)
        %dma_wait3A_89 = arith.constant 0 : i32
        %dma_wait3A_90 = tpu.memref_slice %arg6[%add3A_56, %dma_wait3A_89] : memref<320000x128xf32, #tpu.memory_space<hbm>> -> memref<80x128xf32, #tpu.memory_space<hbm>>
        %dma_wait3A_91 = arith.constant 0 : i32
        %dma_wait3A_92 = tpu.memref_slice %arg6[%add3A_56, %dma_wait3A_91] : memref<320000x128xf32, #tpu.memory_space<hbm>> -> memref<80x128xf32, #tpu.memory_space<hbm>>
        tpu.wait_dma2 semaphore(%run_scoped3A : memref<!tpu.dma_semaphore, #tpu.memory_space<semaphore_mem>>) src(%arg10 : memref<80x128xf32, #tpu.memory_space<vmem>>) dst(%dma_wait3A_92 : memref<80x128xf32, #tpu.memory_space<hbm>>)
        tpu.yield
      }) : () -> ()
      "tpu.region"() ({
        %run_scoped3A = tpu.sem_alloc : memref<!tpu.dma_semaphore, #tpu.memory_space<semaphore_mem>>
        %dma_start3A_85 = arith.constant 0 : i32
        %dma_start3A_86 = tpu.memref_slice %arg7[%add3A_56, %dma_start3A_85] : memref<320000x256xf32, #tpu.memory_space<hbm>> -> memref<80x256xf32, #tpu.memory_space<hbm>>
        %dma_start3A_87 = arith.constant 0 : i32
        %dma_start3A_88 = tpu.memref_slice %arg7[%add3A_56, %dma_start3A_87] : memref<320000x256xf32, #tpu.memory_space<hbm>> -> memref<80x256xf32, #tpu.memory_space<hbm>>
        tpu.enqueue_dma source(%arg11 : memref<80x256xf32, #tpu.memory_space<vmem>>) target(%dma_start3A_88 : memref<80x256xf32, #tpu.memory_space<hbm>>) target_semaphore(%run_scoped3A : memref<!tpu.dma_semaphore, #tpu.memory_space<semaphore_mem>>)
        %dma_wait3A_89 = arith.constant 0 : i32
        %dma_wait3A_90 = tpu.memref_slice %arg7[%add3A_56, %dma_wait3A_89] : memref<320000x256xf32, #tpu.memory_space<hbm>> -> memref<80x256xf32, #tpu.memory_space<hbm>>
        %dma_wait3A_91 = arith.constant 0 : i32
        %dma_wait3A_92 = tpu.memref_slice %arg7[%add3A_56, %dma_wait3A_91] : memref<320000x256xf32, #tpu.memory_space<hbm>> -> memref<80x256xf32, #tpu.memory_space<hbm>>
        tpu.wait_dma2 semaphore(%run_scoped3A : memref<!tpu.dma_semaphore, #tpu.memory_space<semaphore_mem>>) src(%arg11 : memref<80x256xf32, #tpu.memory_space<vmem>>) dst(%dma_wait3A_92 : memref<80x256xf32, #tpu.memory_space<hbm>>)
        tpu.yield
      }) : () -> ()
      %dma_wait3A_57 = arith.constant 0 : i32
      %dma_wait3A_58 = arith.constant 0 : i32
      %dma_wait3A_59 = tpu.memref_slice %arg2[%dma_wait3A_57, %dma_wait3A_58] : memref<10240x128xf32, #tpu.memory_space<hbm>> -> memref<80x128xf32, #tpu.memory_space<hbm>>
      %dma_wait3A_60 = arith.constant 0 : i32
      %dma_wait3A_61 = arith.constant 0 : i32
      %dma_wait3A_62 = tpu.memref_slice %arg2[%dma_wait3A_60, %dma_wait3A_61] : memref<10240x128xf32, #tpu.memory_space<hbm>> -> memref<80x128xf32, #tpu.memory_space<hbm>>
      tpu.wait_dma2 semaphore(%arg17 : memref<!tpu.dma_semaphore, #tpu.memory_space<semaphore_mem>>) src(%dma_wait3A_62 : memref<80x128xf32, #tpu.memory_space<hbm>>) dst(%arg14 : memref<80x128xf32, #tpu.memory_space<vmem>>)
      %dma_wait3A_63 = arith.constant 0 : i32
      %dma_wait3A_64 = arith.constant 0 : i32
      %dma_wait3A_65 = tpu.memref_slice %arg3[%dma_wait3A_63, %dma_wait3A_64] : memref<10240x256xf32, #tpu.memory_space<hbm>> -> memref<80x256xf32, #tpu.memory_space<hbm>>
      %dma_wait3A_66 = arith.constant 0 : i32
      %dma_wait3A_67 = arith.constant 0 : i32
      %dma_wait3A_68 = tpu.memref_slice %arg3[%dma_wait3A_66, %dma_wait3A_67] : memref<10240x256xf32, #tpu.memory_space<hbm>> -> memref<80x256xf32, #tpu.memory_space<hbm>>
      tpu.wait_dma2 semaphore(%arg17 : memref<!tpu.dma_semaphore, #tpu.memory_space<semaphore_mem>>) src(%dma_wait3A_68 : memref<80x256xf32, #tpu.memory_space<hbm>>) dst(%arg15 : memref<80x256xf32, #tpu.memory_space<vmem>>)
      %add3A_69 = arith.constant 2 : i32
      %add3A_70 = arith.addi %mul3A_30, %add3A_69 : i32
      %mul3A_71 = arith.constant 80 : i32
      %mul3A_72 = arith.muli %add3A_70, %mul3A_71 : i32
      %add3A_73 = arith.addi %mul3A_2, %mul3A_72 : i32
      "tpu.region"() ({
        %run_scoped3A = tpu.sem_alloc : memref<!tpu.dma_semaphore, #tpu.memory_space<semaphore_mem>>
        %dma_start3A_85 = tpu.memref_slice %arg5[%add3A_73] : memref<320000xi32, #tpu.memory_space<hbm>> -> memref<80xi32, #tpu.memory_space<hbm>>
        %dma_start3A_86 = tpu.memref_slice %arg5[%add3A_73] : memref<320000xi32, #tpu.memory_space<hbm>> -> memref<80xi32, #tpu.memory_space<hbm>>
        tpu.enqueue_dma source(%dma_start3A_86 : memref<80xi32, #tpu.memory_space<hbm>>) target(%arg9 : memref<80xi32, #tpu.memory_space<vmem>>) target_semaphore(%run_scoped3A : memref<!tpu.dma_semaphore, #tpu.memory_space<semaphore_mem>>)
        %dma_wait3A_87 = tpu.memref_slice %arg5[%add3A_73] : memref<320000xi32, #tpu.memory_space<hbm>> -> memref<80xi32, #tpu.memory_space<hbm>>
        %dma_wait3A_88 = tpu.memref_slice %arg5[%add3A_73] : memref<320000xi32, #tpu.memory_space<hbm>> -> memref<80xi32, #tpu.memory_space<hbm>>
        tpu.wait_dma2 semaphore(%run_scoped3A : memref<!tpu.dma_semaphore, #tpu.memory_space<semaphore_mem>>) src(%dma_wait3A_88 : memref<80xi32, #tpu.memory_space<hbm>>) dst(%arg9 : memref<80xi32, #tpu.memory_space<vmem>>)
        tpu.yield
      }) : () -> ()
      "tpu.region"() ({
        %run_scoped3A = tpu.sem_alloc : memref<!tpu.dma_semaphore, #tpu.memory_space<semaphore_mem>>
        %dma_start3A_85 = tpu.memref_slice %arg4[%add3A_73] : memref<320000xi32, #tpu.memory_space<hbm>> -> memref<80xi32, #tpu.memory_space<hbm>>
        %dma_start3A_86 = tpu.memref_slice %arg4[%add3A_73] : memref<320000xi32, #tpu.memory_space<hbm>> -> memref<80xi32, #tpu.memory_space<hbm>>
        tpu.enqueue_dma source(%dma_start3A_86 : memref<80xi32, #tpu.memory_space<hbm>>) target(%arg8 : memref<80xi32, #tpu.memory_space<vmem>>) target_semaphore(%run_scoped3A : memref<!tpu.dma_semaphore, #tpu.memory_space<semaphore_mem>>)
        %dma_wait3A_87 = tpu.memref_slice %arg4[%add3A_73] : memref<320000xi32, #tpu.memory_space<hbm>> -> memref<80xi32, #tpu.memory_space<hbm>>
        %dma_wait3A_88 = tpu.memref_slice %arg4[%add3A_73] : memref<320000xi32, #tpu.memory_space<hbm>> -> memref<80xi32, #tpu.memory_space<hbm>>
        tpu.wait_dma2 semaphore(%run_scoped3A : memref<!tpu.dma_semaphore, #tpu.memory_space<semaphore_mem>>) src(%dma_wait3A_88 : memref<80xi32, #tpu.memory_space<hbm>>) dst(%arg8 : memref<80xi32, #tpu.memory_space<vmem>>)
        tpu.yield
      }) : () -> ()
      %dma_start3A_74 = arith.constant 0 : i32
      %dma_start3A_75 = arith.constant 0 : i32
      %dma_start3A_76 = tpu.memref_slice %arg2[%dma_start3A_74, %dma_start3A_75] : memref<10240x128xf32, #tpu.memory_space<hbm>> -> memref<10240x128xf32, #tpu.memory_space<hbm>>
      tpu.enqueue_indirect_dma source(%dma_start3A_76 : memref<10240x128xf32, #tpu.memory_space<hbm>>) target(%arg10 : memref<80x128xf32, #tpu.memory_space<vmem>>) offsets(%arg9 : memref<80xi32, #tpu.memory_space<vmem>>) semaphore(%arg16 : memref<!tpu.dma_semaphore, #tpu.memory_space<semaphore_mem>>)
      %dma_start3A_77 = arith.constant 0 : i32
      %dma_start3A_78 = arith.constant 0 : i32
      %dma_start3A_79 = tpu.memref_slice %arg3[%dma_start3A_77, %dma_start3A_78] : memref<10240x256xf32, #tpu.memory_space<hbm>> -> memref<10240x256xf32, #tpu.memory_space<hbm>>
      tpu.enqueue_indirect_dma source(%dma_start3A_79 : memref<10240x256xf32, #tpu.memory_space<hbm>>) target(%arg11 : memref<80x256xf32, #tpu.memory_space<vmem>>) offsets(%arg8 : memref<80xi32, #tpu.memory_space<vmem>>) semaphore(%arg16 : memref<!tpu.dma_semaphore, #tpu.memory_space<semaphore_mem>>)
      %add3A_80 = arith.constant 1 : i32
      %add3A_81 = arith.addi %mul3A_30, %add3A_80 : i32
      %mul3A_82 = arith.constant 80 : i32
      %mul3A_83 = arith.muli %add3A_81, %mul3A_82 : i32
      %add3A_84 = arith.addi %mul3A_2, %mul3A_83 : i32
      "tpu.region"() ({
        %run_scoped3A = tpu.sem_alloc : memref<!tpu.dma_semaphore, #tpu.memory_space<semaphore_mem>>
        %dma_start3A_85 = arith.constant 0 : i32
        %dma_start3A_86 = tpu.memref_slice %arg6[%add3A_84, %dma_start3A_85] : memref<320000x128xf32, #tpu.memory_space<hbm>> -> memref<80x128xf32, #tpu.memory_space<hbm>>
        %dma_start3A_87 = arith.constant 0 : i32
        %dma_start3A_88 = tpu.memref_slice %arg6[%add3A_84, %dma_start3A_87] : memref<320000x128xf32, #tpu.memory_space<hbm>> -> memref<80x128xf32, #tpu.memory_space<hbm>>
        tpu.enqueue_dma source(%arg14 : memref<80x128xf32, #tpu.memory_space<vmem>>) target(%dma_start3A_88 : memref<80x128xf32, #tpu.memory_space<hbm>>) target_semaphore(%run_scoped3A : memref<!tpu.dma_semaphore, #tpu.memory_space<semaphore_mem>>)
        %dma_wait3A_89 = arith.constant 0 : i32
        %dma_wait3A_90 = tpu.memref_slice %arg6[%add3A_84, %dma_wait3A_89] : memref<320000x128xf32, #tpu.memory_space<hbm>> -> memref<80x128xf32, #tpu.memory_space<hbm>>
        %dma_wait3A_91 = arith.constant 0 : i32
        %dma_wait3A_92 = tpu.memref_slice %arg6[%add3A_84, %dma_wait3A_91] : memref<320000x128xf32, #tpu.memory_space<hbm>> -> memref<80x128xf32, #tpu.memory_space<hbm>>
        tpu.wait_dma2 semaphore(%run_scoped3A : memref<!tpu.dma_semaphore, #tpu.memory_space<semaphore_mem>>) src(%arg14 : memref<80x128xf32, #tpu.memory_space<vmem>>) dst(%dma_wait3A_92 : memref<80x128xf32, #tpu.memory_space<hbm>>)
        tpu.yield
      }) : () -> ()
      "tpu.region"() ({
        %run_scoped3A = tpu.sem_alloc : memref<!tpu.dma_semaphore, #tpu.memory_space<semaphore_mem>>
        %dma_start3A_85 = arith.constant 0 : i32
        %dma_start3A_86 = tpu.memref_slice %arg7[%add3A_84, %dma_start3A_85] : memref<320000x256xf32, #tpu.memory_space<hbm>> -> memref<80x256xf32, #tpu.memory_space<hbm>>
        %dma_start3A_87 = arith.constant 0 : i32
        %dma_start3A_88 = tpu.memref_slice %arg7[%add3A_84, %dma_start3A_87] : memref<320000x256xf32, #tpu.memory_space<hbm>> -> memref<80x256xf32, #tpu.memory_space<hbm>>
        tpu.enqueue_dma source(%arg15 : memref<80x256xf32, #tpu.memory_space<vmem>>) target(%dma_start3A_88 : memref<80x256xf32, #tpu.memory_space<hbm>>) target_semaphore(%run_scoped3A : memref<!tpu.dma_semaphore, #tpu.memory_space<semaphore_mem>>)
        %dma_wait3A_89 = arith.constant 0 : i32
        %dma_wait3A_90 = tpu.memref_slice %arg7[%add3A_84, %dma_wait3A_89] : memref<320000x256xf32, #tpu.memory_space<hbm>> -> memref<80x256xf32, #tpu.memory_space<hbm>>
        %dma_wait3A_91 = arith.constant 0 : i32
        %dma_wait3A_92 = tpu.memref_slice %arg7[%add3A_84, %dma_wait3A_91] : memref<320000x256xf32, #tpu.memory_space<hbm>> -> memref<80x256xf32, #tpu.memory_space<hbm>>
        tpu.wait_dma2 semaphore(%run_scoped3A : memref<!tpu.dma_semaphore, #tpu.memory_space<semaphore_mem>>) src(%arg15 : memref<80x256xf32, #tpu.memory_space<vmem>>) dst(%dma_wait3A_92 : memref<80x256xf32, #tpu.memory_space<hbm>>)
        tpu.yield
      }) : () -> ()
    }
    %scan3A_14 = arith.constant 62 : i32
    %dma_wait3A = arith.constant 0 : i32
    %dma_wait3A_15 = arith.constant 0 : i32
    %dma_wait3A_16 = tpu.memref_slice %arg2[%dma_wait3A, %dma_wait3A_15] : memref<10240x128xf32, #tpu.memory_space<hbm>> -> memref<80x128xf32, #tpu.memory_space<hbm>>
    %dma_wait3A_17 = arith.constant 0 : i32
    %dma_wait3A_18 = arith.constant 0 : i32
    %dma_wait3A_19 = tpu.memref_slice %arg2[%dma_wait3A_17, %dma_wait3A_18] : memref<10240x128xf32, #tpu.memory_space<hbm>> -> memref<80x128xf32, #tpu.memory_space<hbm>>
    tpu.wait_dma2 semaphore(%arg16 : memref<!tpu.dma_semaphore, #tpu.memory_space<semaphore_mem>>) src(%dma_wait3A_19 : memref<80x128xf32, #tpu.memory_space<hbm>>) dst(%arg10 : memref<80x128xf32, #tpu.memory_space<vmem>>)
    %dma_wait3A_20 = arith.constant 0 : i32
    %dma_wait3A_21 = arith.constant 0 : i32
    %dma_wait3A_22 = tpu.memref_slice %arg3[%dma_wait3A_20, %dma_wait3A_21] : memref<10240x256xf32, #tpu.memory_space<hbm>> -> memref<80x256xf32, #tpu.memory_space<hbm>>
    %dma_wait3A_23 = arith.constant 0 : i32
    %dma_wait3A_24 = arith.constant 0 : i32
    %dma_wait3A_25 = tpu.memref_slice %arg3[%dma_wait3A_23, %dma_wait3A_24] : memref<10240x256xf32, #tpu.memory_space<hbm>> -> memref<80x256xf32, #tpu.memory_space<hbm>>
    tpu.wait_dma2 semaphore(%arg16 : memref<!tpu.dma_semaphore, #tpu.memory_space<semaphore_mem>>) src(%dma_wait3A_25 : memref<80x256xf32, #tpu.memory_space<hbm>>) dst(%arg11 : memref<80x256xf32, #tpu.memory_space<vmem>>)
    %add3A_26 = arith.constant 9920 : i32
    %add3A_27 = arith.addi %mul3A_2, %add3A_26 : i32
    "tpu.region"() ({
      %run_scoped3A = tpu.sem_alloc : memref<!tpu.dma_semaphore, #tpu.memory_space<semaphore_mem>>
      %dma_start3A_28 = arith.constant 0 : i32
      %dma_start3A_29 = tpu.memref_slice %arg6[%add3A_27, %dma_start3A_28] : memref<320000x128xf32, #tpu.memory_space<hbm>> -> memref<80x128xf32, #tpu.memory_space<hbm>>
      %dma_start3A_30 = arith.constant 0 : i32
      %dma_start3A_31 = tpu.memref_slice %arg6[%add3A_27, %dma_start3A_30] : memref<320000x128xf32, #tpu.memory_space<hbm>> -> memref<80x128xf32, #tpu.memory_space<hbm>>
      tpu.enqueue_dma source(%arg10 : memref<80x128xf32, #tpu.memory_space<vmem>>) target(%dma_start3A_31 : memref<80x128xf32, #tpu.memory_space<hbm>>) target_semaphore(%run_scoped3A : memref<!tpu.dma_semaphore, #tpu.memory_space<semaphore_mem>>)
      %dma_wait3A_32 = arith.constant 0 : i32
      %dma_wait3A_33 = tpu.memref_slice %arg6[%add3A_27, %dma_wait3A_32] : memref<320000x128xf32, #tpu.memory_space<hbm>> -> memref<80x128xf32, #tpu.memory_space<hbm>>
      %dma_wait3A_34 = arith.constant 0 : i32
      %dma_wait3A_35 = tpu.memref_slice %arg6[%add3A_27, %dma_wait3A_34] : memref<320000x128xf32, #tpu.memory_space<hbm>> -> memref<80x128xf32, #tpu.memory_space<hbm>>
      tpu.wait_dma2 semaphore(%run_scoped3A : memref<!tpu.dma_semaphore, #tpu.memory_space<semaphore_mem>>) src(%arg10 : memref<80x128xf32, #tpu.memory_space<vmem>>) dst(%dma_wait3A_35 : memref<80x128xf32, #tpu.memory_space<hbm>>)
      tpu.yield
    }) : () -> ()
    "tpu.region"() ({
      %run_scoped3A = tpu.sem_alloc : memref<!tpu.dma_semaphore, #tpu.memory_space<semaphore_mem>>
      %dma_start3A_28 = arith.constant 0 : i32
      %dma_start3A_29 = tpu.memref_slice %arg7[%add3A_27, %dma_start3A_28] : memref<320000x256xf32, #tpu.memory_space<hbm>> -> memref<80x256xf32, #tpu.memory_space<hbm>>
      %dma_start3A_30 = arith.constant 0 : i32
      %dma_start3A_31 = tpu.memref_slice %arg7[%add3A_27, %dma_start3A_30] : memref<320000x256xf32, #tpu.memory_space<hbm>> -> memref<80x256xf32, #tpu.memory_space<hbm>>
      tpu.enqueue_dma source(%arg11 : memref<80x256xf32, #tpu.memory_space<vmem>>) target(%dma_start3A_31 : memref<80x256xf32, #tpu.memory_space<hbm>>) target_semaphore(%run_scoped3A : memref<!tpu.dma_semaphore, #tpu.memory_space<semaphore_mem>>)
      %dma_wait3A_32 = arith.constant 0 : i32
      %dma_wait3A_33 = tpu.memref_slice %arg7[%add3A_27, %dma_wait3A_32] : memref<320000x256xf32, #tpu.memory_space<hbm>> -> memref<80x256xf32, #tpu.memory_space<hbm>>
      %dma_wait3A_34 = arith.constant 0 : i32
      %dma_wait3A_35 = tpu.memref_slice %arg7[%add3A_27, %dma_wait3A_34] : memref<320000x256xf32, #tpu.memory_space<hbm>> -> memref<80x256xf32, #tpu.memory_space<hbm>>
      tpu.wait_dma2 semaphore(%run_scoped3A : memref<!tpu.dma_semaphore, #tpu.memory_space<semaphore_mem>>) src(%arg11 : memref<80x256xf32, #tpu.memory_space<vmem>>) dst(%dma_wait3A_35 : memref<80x256xf32, #tpu.memory_space<hbm>>)
      tpu.yield
    }) : () -> ()
    return
  }
}

#map = affine_map<(d0, d1) -> (0, 0)>
#map1 = affine_map<(d0, d1) -> (0)>
module attributes {stable_mosaic.version = 14 : i64} {
  func.func @k(%arg0: i32, %arg1: i32, %arg2: memref<10000x128xf32, #tpu.memory_space<hbm>>, %arg3: memref<2500x128xf32, #tpu.memory_space<hbm>>, %arg4: memref<12288xi32, #tpu.memory_space<hbm>>, %arg5: memref<4096xi32, #tpu.memory_space<hbm>>, %arg6: memref<12288x128xf32, #tpu.memory_space<hbm>>, %arg7: memref<4096x128xf32, #tpu.memory_space<hbm>>, %arg8: memref<128xi32, #tpu.memory_space<vmem>>, %arg9: memref<128x128xf32, #tpu.memory_space<vmem>>, %arg10: memref<128xi32, #tpu.memory_space<vmem>>, %arg11: memref<128x128xf32, #tpu.memory_space<vmem>>, %arg12: memref<!tpu.dma_semaphore, #tpu.memory_space<semaphore_mem>>) attributes {dimension_semantics = [#tpu.dimension_semantics<core_parallel>, #tpu.dimension_semantics<subcore_parallel>], iteration_bounds = array<i64: 2, 16>, scalar_prefetch = 0 : i64, scratch_operands = 5 : i64, tpu.core_type = #tpu.core_type<sc_vector_subcore>, window_params = [{transform_indices = #map}, {transform_indices = #map}, {transform_indices = #map1}, {transform_indices = #map1}, {transform_indices = #map}, {transform_indices = #map}]} {
    %mul3A = arith.constant 2 : i32
    %mul3A_0 = arith.muli %arg1, %mul3A : i32
    %add3A = arith.addi %mul3A_0, %arg0 : i32
    %mul3A_1 = arith.constant 384 : i32
    %mul3A_2 = arith.muli %add3A, %mul3A_1 : i32
    %scan3A = arith.constant 0 : i32
    %scan3A_3 = arith.constant 0 : i32
    %scan3A_4 = arith.constant 3 : i32
    %scan3A_5 = arith.addi %scan3A_3, %scan3A_4 : i32
    %scan3A_6 = arith.constant 1 : i32
    scf.for %scan3A_14 = %scan3A_3 to %scan3A_5 step %scan3A_6  : i32 {
      %mul3A_15 = arith.constant 128 : i32
      %mul3A_16 = arith.muli %scan3A_14, %mul3A_15 : i32
      %add3A_17 = arith.addi %mul3A_2, %mul3A_16 : i32
      "tpu.region"() ({
        %run_scoped3A = tpu.sem_alloc : memref<!tpu.dma_semaphore, #tpu.memory_space<semaphore_mem>>
        %dma_start3A_24 = tpu.memref_slice %arg4[%add3A_17] : memref<12288xi32, #tpu.memory_space<hbm>> -> memref<128xi32, #tpu.memory_space<hbm>>
        %dma_start3A_25 = tpu.memref_slice %arg4[%add3A_17] : memref<12288xi32, #tpu.memory_space<hbm>> -> memref<128xi32, #tpu.memory_space<hbm>>
        tpu.enqueue_dma source(%dma_start3A_25 : memref<128xi32, #tpu.memory_space<hbm>>) target(%arg8 : memref<128xi32, #tpu.memory_space<vmem>>) target_semaphore(%run_scoped3A : memref<!tpu.dma_semaphore, #tpu.memory_space<semaphore_mem>>)
        %dma_wait3A_26 = tpu.memref_slice %arg4[%add3A_17] : memref<12288xi32, #tpu.memory_space<hbm>> -> memref<128xi32, #tpu.memory_space<hbm>>
        %dma_wait3A_27 = tpu.memref_slice %arg4[%add3A_17] : memref<12288xi32, #tpu.memory_space<hbm>> -> memref<128xi32, #tpu.memory_space<hbm>>
        tpu.wait_dma2 semaphore(%run_scoped3A : memref<!tpu.dma_semaphore, #tpu.memory_space<semaphore_mem>>) src(%dma_wait3A_27 : memref<128xi32, #tpu.memory_space<hbm>>) dst(%arg8 : memref<128xi32, #tpu.memory_space<vmem>>)
        tpu.yield
      }) : () -> ()
      %dma_start3A_18 = arith.constant 0 : i32
      %dma_start3A_19 = arith.constant 0 : i32
      %dma_start3A_20 = tpu.memref_slice %arg2[%dma_start3A_18, %dma_start3A_19] : memref<10000x128xf32, #tpu.memory_space<hbm>> -> memref<10000x128xf32, #tpu.memory_space<hbm>>
      tpu.enqueue_indirect_dma source(%dma_start3A_20 : memref<10000x128xf32, #tpu.memory_space<hbm>>) target(%arg9 : memref<128x128xf32, #tpu.memory_space<vmem>>) offsets(%arg8 : memref<128xi32, #tpu.memory_space<vmem>>) semaphore(%arg12 : memref<!tpu.dma_semaphore, #tpu.memory_space<semaphore_mem>>)
      %dma_wait3A_21 = arith.constant 0 : i32
      %dma_wait3A_22 = arith.constant 0 : i32
      %dma_wait3A_23 = tpu.memref_slice %arg2[%dma_wait3A_21, %dma_wait3A_22] : memref<10000x128xf32, #tpu.memory_space<hbm>> -> memref<10000x128xf32, #tpu.memory_space<hbm>>
      tpu.wait_indirect_dma semaphore(%arg12 : memref<!tpu.dma_semaphore, #tpu.memory_space<semaphore_mem>>) src(%dma_wait3A_23 : memref<10000x128xf32, #tpu.memory_space<hbm>>) dst(%arg9 : memref<128x128xf32, #tpu.memory_space<vmem>>)
      "tpu.region"() ({
        %run_scoped3A = tpu.sem_alloc : memref<!tpu.dma_semaphore, #tpu.memory_space<semaphore_mem>>
        %dma_start3A_24 = arith.constant 0 : i32
        %dma_start3A_25 = tpu.memref_slice %arg6[%add3A_17, %dma_start3A_24] : memref<12288x128xf32, #tpu.memory_space<hbm>> -> memref<128x128xf32, #tpu.memory_space<hbm>>
        %dma_start3A_26 = arith.constant 0 : i32
        %dma_start3A_27 = tpu.memref_slice %arg6[%add3A_17, %dma_start3A_26] : memref<12288x128xf32, #tpu.memory_space<hbm>> -> memref<128x128xf32, #tpu.memory_space<hbm>>
        tpu.enqueue_dma source(%arg9 : memref<128x128xf32, #tpu.memory_space<vmem>>) target(%dma_start3A_27 : memref<128x128xf32, #tpu.memory_space<hbm>>) target_semaphore(%run_scoped3A : memref<!tpu.dma_semaphore, #tpu.memory_space<semaphore_mem>>)
        %dma_wait3A_28 = arith.constant 0 : i32
        %dma_wait3A_29 = tpu.memref_slice %arg6[%add3A_17, %dma_wait3A_28] : memref<12288x128xf32, #tpu.memory_space<hbm>> -> memref<128x128xf32, #tpu.memory_space<hbm>>
        %dma_wait3A_30 = arith.constant 0 : i32
        %dma_wait3A_31 = tpu.memref_slice %arg6[%add3A_17, %dma_wait3A_30] : memref<12288x128xf32, #tpu.memory_space<hbm>> -> memref<128x128xf32, #tpu.memory_space<hbm>>
        tpu.wait_dma2 semaphore(%run_scoped3A : memref<!tpu.dma_semaphore, #tpu.memory_space<semaphore_mem>>) src(%arg9 : memref<128x128xf32, #tpu.memory_space<vmem>>) dst(%dma_wait3A_31 : memref<128x128xf32, #tpu.memory_space<hbm>>)
        tpu.yield
      }) : () -> ()
    }
    %scan3A_7 = arith.constant 3 : i32
    %mul3A_8 = arith.constant 128 : i32
    %mul3A_9 = arith.muli %add3A, %mul3A_8 : i32
    "tpu.region"() ({
      %run_scoped3A = tpu.sem_alloc : memref<!tpu.dma_semaphore, #tpu.memory_space<semaphore_mem>>
      %dma_start3A_14 = tpu.memref_slice %arg5[%mul3A_9] : memref<4096xi32, #tpu.memory_space<hbm>> -> memref<128xi32, #tpu.memory_space<hbm>>
      %dma_start3A_15 = tpu.memref_slice %arg5[%mul3A_9] : memref<4096xi32, #tpu.memory_space<hbm>> -> memref<128xi32, #tpu.memory_space<hbm>>
      tpu.enqueue_dma source(%dma_start3A_15 : memref<128xi32, #tpu.memory_space<hbm>>) target(%arg10 : memref<128xi32, #tpu.memory_space<vmem>>) target_semaphore(%run_scoped3A : memref<!tpu.dma_semaphore, #tpu.memory_space<semaphore_mem>>)
      %dma_wait3A_16 = tpu.memref_slice %arg5[%mul3A_9] : memref<4096xi32, #tpu.memory_space<hbm>> -> memref<128xi32, #tpu.memory_space<hbm>>
      %dma_wait3A_17 = tpu.memref_slice %arg5[%mul3A_9] : memref<4096xi32, #tpu.memory_space<hbm>> -> memref<128xi32, #tpu.memory_space<hbm>>
      tpu.wait_dma2 semaphore(%run_scoped3A : memref<!tpu.dma_semaphore, #tpu.memory_space<semaphore_mem>>) src(%dma_wait3A_17 : memref<128xi32, #tpu.memory_space<hbm>>) dst(%arg10 : memref<128xi32, #tpu.memory_space<vmem>>)
      tpu.yield
    }) : () -> ()
    %dma_start3A = arith.constant 0 : i32
    %dma_start3A_10 = arith.constant 0 : i32
    %dma_start3A_11 = tpu.memref_slice %arg3[%dma_start3A, %dma_start3A_10] : memref<2500x128xf32, #tpu.memory_space<hbm>> -> memref<2500x128xf32, #tpu.memory_space<hbm>>
    tpu.enqueue_indirect_dma source(%dma_start3A_11 : memref<2500x128xf32, #tpu.memory_space<hbm>>) target(%arg11 : memref<128x128xf32, #tpu.memory_space<vmem>>) offsets(%arg10 : memref<128xi32, #tpu.memory_space<vmem>>) semaphore(%arg12 : memref<!tpu.dma_semaphore, #tpu.memory_space<semaphore_mem>>)
    %dma_wait3A = arith.constant 0 : i32
    %dma_wait3A_12 = arith.constant 0 : i32
    %dma_wait3A_13 = tpu.memref_slice %arg3[%dma_wait3A, %dma_wait3A_12] : memref<2500x128xf32, #tpu.memory_space<hbm>> -> memref<2500x128xf32, #tpu.memory_space<hbm>>
    tpu.wait_indirect_dma semaphore(%arg12 : memref<!tpu.dma_semaphore, #tpu.memory_space<semaphore_mem>>) src(%dma_wait3A_13 : memref<2500x128xf32, #tpu.memory_space<hbm>>) dst(%arg11 : memref<128x128xf32, #tpu.memory_space<vmem>>)
    "tpu.region"() ({
      %run_scoped3A = tpu.sem_alloc : memref<!tpu.dma_semaphore, #tpu.memory_space<semaphore_mem>>
      %dma_start3A_14 = arith.constant 0 : i32
      %dma_start3A_15 = tpu.memref_slice %arg7[%mul3A_9, %dma_start3A_14] : memref<4096x128xf32, #tpu.memory_space<hbm>> -> memref<128x128xf32, #tpu.memory_space<hbm>>
      %dma_start3A_16 = arith.constant 0 : i32
      %dma_start3A_17 = tpu.memref_slice %arg7[%mul3A_9, %dma_start3A_16] : memref<4096x128xf32, #tpu.memory_space<hbm>> -> memref<128x128xf32, #tpu.memory_space<hbm>>
      tpu.enqueue_dma source(%arg11 : memref<128x128xf32, #tpu.memory_space<vmem>>) target(%dma_start3A_17 : memref<128x128xf32, #tpu.memory_space<hbm>>) target_semaphore(%run_scoped3A : memref<!tpu.dma_semaphore, #tpu.memory_space<semaphore_mem>>)
      %dma_wait3A_18 = arith.constant 0 : i32
      %dma_wait3A_19 = tpu.memref_slice %arg7[%mul3A_9, %dma_wait3A_18] : memref<4096x128xf32, #tpu.memory_space<hbm>> -> memref<128x128xf32, #tpu.memory_space<hbm>>
      %dma_wait3A_20 = arith.constant 0 : i32
      %dma_wait3A_21 = tpu.memref_slice %arg7[%mul3A_9, %dma_wait3A_20] : memref<4096x128xf32, #tpu.memory_space<hbm>> -> memref<128x128xf32, #tpu.memory_space<hbm>>
      tpu.wait_dma2 semaphore(%run_scoped3A : memref<!tpu.dma_semaphore, #tpu.memory_space<semaphore_mem>>) src(%arg11 : memref<128x128xf32, #tpu.memory_space<vmem>>) dst(%dma_wait3A_21 : memref<128x128xf32, #tpu.memory_space<hbm>>)
      tpu.yield
    }) : () -> ()
    return
  }
}

#map = affine_map<(d0, d1) -> (0, 0)>
#map1 = affine_map<(d0, d1) -> (0)>
module attributes {stable_mosaic.version = 14 : i64} {
  func.func @k(%arg0: i32, %arg1: i32, %arg2: memref<320000x128xf32, #tpu.memory_space<hbm>>, %arg3: memref<320000x128xf32, #tpu.memory_space<hbm>>, %arg4: memref<320000xi32, #tpu.memory_space<hbm>>, %arg5: memref<320000xi32, #tpu.memory_space<hbm>>, %arg6: memref<640x128xf32, #tpu.memory_space<hbm>>, %arg7: memref<8x128xf32, #tpu.memory_space<hbm>>, %arg8: memref<10240x128xf32, #tpu.memory_space<hbm>>, %arg9: memref<10240x128xf32, #tpu.memory_space<hbm>>, %arg10: memref<80x128xf32, #tpu.memory_space<hbm>>, %arg11: memref<80x128xf32, #tpu.memory_space<hbm>>, %arg12: memref<10240x128xf32, #tpu.memory_space<vmem_shared>>, %arg13: memref<80x128xf32, #tpu.memory_space<vmem_shared>>, %arg14: memref<80xi32, #tpu.memory_space<vmem>>, %arg15: memref<80xi32, #tpu.memory_space<vmem>>, %arg16: memref<80x128xf32, #tpu.memory_space<vmem>>, %arg17: memref<80x128xf32, #tpu.memory_space<vmem>>, %arg18: memref<80xi32, #tpu.memory_space<vmem>>, %arg19: memref<80xi32, #tpu.memory_space<vmem>>, %arg20: memref<80x128xf32, #tpu.memory_space<vmem>>, %arg21: memref<80x128xf32, #tpu.memory_space<vmem>>, %arg22: memref<!tpu.dma_semaphore, #tpu.memory_space<semaphore_mem>>, %arg23: memref<!tpu.dma_semaphore, #tpu.memory_space<semaphore_mem>>) attributes {dimension_semantics = [#tpu.dimension_semantics<core_parallel>, #tpu.dimension_semantics<subcore_parallel>], iteration_bounds = array<i64: 2, 16>, scalar_prefetch = 0 : i64, scratch_operands = 12 : i64, tpu.core_type = #tpu.core_type<sc_vector_subcore>, window_params = [{transform_indices = #map}, {transform_indices = #map}, {transform_indices = #map1}, {transform_indices = #map1}, {transform_indices = #map}, {transform_indices = #map}, {transform_indices = #map}, {transform_indices = #map}, {transform_indices = #map}, {transform_indices = #map}]} {
    %mul3A = arith.constant 640 : i32
    %mul3A_0 = arith.muli %arg1, %mul3A : i32
    "tpu.region"() ({
      %run_scoped3A = tpu.sem_alloc : memref<!tpu.dma_semaphore, #tpu.memory_space<semaphore_mem>>
      %dma_start3A_42 = arith.constant 0 : i32
      %dma_start3A_43 = tpu.memref_slice %arg12[%mul3A_0, %dma_start3A_42] : memref<10240x128xf32, #tpu.memory_space<vmem_shared>> -> memref<640x128xf32, #tpu.memory_space<vmem_shared>>
      tpu.enqueue_dma source(%arg6 : memref<640x128xf32, #tpu.memory_space<hbm>>) target(%dma_start3A_43 : memref<640x128xf32, #tpu.memory_space<vmem_shared>>) target_semaphore(%run_scoped3A : memref<!tpu.dma_semaphore, #tpu.memory_space<semaphore_mem>>)
      %dma_wait3A_44 = arith.constant 0 : i32
      %dma_wait3A_45 = tpu.memref_slice %arg12[%mul3A_0, %dma_wait3A_44] : memref<10240x128xf32, #tpu.memory_space<vmem_shared>> -> memref<640x128xf32, #tpu.memory_space<vmem_shared>>
      tpu.wait_dma2 semaphore(%run_scoped3A : memref<!tpu.dma_semaphore, #tpu.memory_space<semaphore_mem>>) src(%arg6 : memref<640x128xf32, #tpu.memory_space<hbm>>) dst(%dma_wait3A_45 : memref<640x128xf32, #tpu.memory_space<vmem_shared>>)
      tpu.yield
    }) : () -> ()
    %lt3A = arith.constant 10 : i32
    %lt3A_1 = arith.cmpi slt, %arg1, %lt3A : i32
    %convert_element_type3A = arith.extui %lt3A_1 : i1 to i32
    %cond3A = arith.constant 0 : i32
    %cond3A_2 = arith.cmpi ne, %convert_element_type3A, %cond3A : i32
    scf.if %cond3A_2 {
      %mul3A_42 = arith.constant 8 : i32
      %mul3A_43 = arith.muli %arg1, %mul3A_42 : i32
      "tpu.region"() ({
        %run_scoped3A = tpu.sem_alloc : memref<!tpu.dma_semaphore, #tpu.memory_space<semaphore_mem>>
        %dma_start3A_44 = arith.constant 0 : i32
        %dma_start3A_45 = tpu.memref_slice %arg13[%mul3A_43, %dma_start3A_44] : memref<80x128xf32, #tpu.memory_space<vmem_shared>> -> memref<8x128xf32, #tpu.memory_space<vmem_shared>>
        tpu.enqueue_dma source(%arg7 : memref<8x128xf32, #tpu.memory_space<hbm>>) target(%dma_start3A_45 : memref<8x128xf32, #tpu.memory_space<vmem_shared>>) target_semaphore(%run_scoped3A : memref<!tpu.dma_semaphore, #tpu.memory_space<semaphore_mem>>)
        %dma_wait3A_46 = arith.constant 0 : i32
        %dma_wait3A_47 = tpu.memref_slice %arg13[%mul3A_43, %dma_wait3A_46] : memref<80x128xf32, #tpu.memory_space<vmem_shared>> -> memref<8x128xf32, #tpu.memory_space<vmem_shared>>
        tpu.wait_dma2 semaphore(%run_scoped3A : memref<!tpu.dma_semaphore, #tpu.memory_space<semaphore_mem>>) src(%arg7 : memref<8x128xf32, #tpu.memory_space<hbm>>) dst(%dma_wait3A_47 : memref<8x128xf32, #tpu.memory_space<vmem_shared>>)
        tpu.yield
      }) : () -> ()
    } else {
    }
    %barrier3A = arith.constant 0 : index
    tpu.barrier barrier_id(%barrier3A)
    %mul3A_3 = arith.constant 160000 : i32
    %mul3A_4 = arith.muli %arg0, %mul3A_3 : i32
    %mul3A_5 = arith.constant 10000 : i32
    %mul3A_6 = arith.muli %arg1, %mul3A_5 : i32
    %add3A = arith.addi %mul3A_4, %mul3A_6 : i32
    %add3A_7 = arith.constant 0 : i32
    %add3A_8 = arith.addi %add3A, %add3A_7 : i32
    "tpu.region"() ({
      %run_scoped3A = tpu.sem_alloc : memref<!tpu.dma_semaphore, #tpu.memory_space<semaphore_mem>>
      %dma_start3A_42 = tpu.memref_slice %arg4[%add3A_8] : memref<320000xi32, #tpu.memory_space<hbm>> -> memref<80xi32, #tpu.memory_space<hbm>>
      %dma_start3A_43 = tpu.memref_slice %arg4[%add3A_8] : memref<320000xi32, #tpu.memory_space<hbm>> -> memref<80xi32, #tpu.memory_space<hbm>>
      tpu.enqueue_dma source(%dma_start3A_43 : memref<80xi32, #tpu.memory_space<hbm>>) target(%arg14 : memref<80xi32, #tpu.memory_space<vmem>>) target_semaphore(%run_scoped3A : memref<!tpu.dma_semaphore, #tpu.memory_space<semaphore_mem>>)
      %dma_wait3A_44 = tpu.memref_slice %arg4[%add3A_8] : memref<320000xi32, #tpu.memory_space<hbm>> -> memref<80xi32, #tpu.memory_space<hbm>>
      %dma_wait3A_45 = tpu.memref_slice %arg4[%add3A_8] : memref<320000xi32, #tpu.memory_space<hbm>> -> memref<80xi32, #tpu.memory_space<hbm>>
      tpu.wait_dma2 semaphore(%run_scoped3A : memref<!tpu.dma_semaphore, #tpu.memory_space<semaphore_mem>>) src(%dma_wait3A_45 : memref<80xi32, #tpu.memory_space<hbm>>) dst(%arg14 : memref<80xi32, #tpu.memory_space<vmem>>)
      tpu.yield
    }) : () -> ()
    "tpu.region"() ({
      %run_scoped3A = tpu.sem_alloc : memref<!tpu.dma_semaphore, #tpu.memory_space<semaphore_mem>>
      %dma_start3A_42 = tpu.memref_slice %arg5[%add3A_8] : memref<320000xi32, #tpu.memory_space<hbm>> -> memref<80xi32, #tpu.memory_space<hbm>>
      %dma_start3A_43 = tpu.memref_slice %arg5[%add3A_8] : memref<320000xi32, #tpu.memory_space<hbm>> -> memref<80xi32, #tpu.memory_space<hbm>>
      tpu.enqueue_dma source(%dma_start3A_43 : memref<80xi32, #tpu.memory_space<hbm>>) target(%arg15 : memref<80xi32, #tpu.memory_space<vmem>>) target_semaphore(%run_scoped3A : memref<!tpu.dma_semaphore, #tpu.memory_space<semaphore_mem>>)
      %dma_wait3A_44 = tpu.memref_slice %arg5[%add3A_8] : memref<320000xi32, #tpu.memory_space<hbm>> -> memref<80xi32, #tpu.memory_space<hbm>>
      %dma_wait3A_45 = tpu.memref_slice %arg5[%add3A_8] : memref<320000xi32, #tpu.memory_space<hbm>> -> memref<80xi32, #tpu.memory_space<hbm>>
      tpu.wait_dma2 semaphore(%run_scoped3A : memref<!tpu.dma_semaphore, #tpu.memory_space<semaphore_mem>>) src(%dma_wait3A_45 : memref<80xi32, #tpu.memory_space<hbm>>) dst(%arg15 : memref<80xi32, #tpu.memory_space<vmem>>)
      tpu.yield
    }) : () -> ()
    %dma_start3A = arith.constant 0 : i32
    %dma_start3A_9 = tpu.memref_slice %arg2[%add3A_8, %dma_start3A] : memref<320000x128xf32, #tpu.memory_space<hbm>> -> memref<80x128xf32, #tpu.memory_space<hbm>>
    %dma_start3A_10 = arith.constant 0 : i32
    %dma_start3A_11 = tpu.memref_slice %arg2[%add3A_8, %dma_start3A_10] : memref<320000x128xf32, #tpu.memory_space<hbm>> -> memref<80x128xf32, #tpu.memory_space<hbm>>
    tpu.enqueue_dma source(%dma_start3A_11 : memref<80x128xf32, #tpu.memory_space<hbm>>) target(%arg16 : memref<80x128xf32, #tpu.memory_space<vmem>>) target_semaphore(%arg22 : memref<!tpu.dma_semaphore, #tpu.memory_space<semaphore_mem>>)
    %dma_start3A_12 = arith.constant 0 : i32
    %dma_start3A_13 = tpu.memref_slice %arg3[%add3A_8, %dma_start3A_12] : memref<320000x128xf32, #tpu.memory_space<hbm>> -> memref<80x128xf32, #tpu.memory_space<hbm>>
    %dma_start3A_14 = arith.constant 0 : i32
    %dma_start3A_15 = tpu.memref_slice %arg3[%add3A_8, %dma_start3A_14] : memref<320000x128xf32, #tpu.memory_space<hbm>> -> memref<80x128xf32, #tpu.memory_space<hbm>>
    tpu.enqueue_dma source(%dma_start3A_15 : memref<80x128xf32, #tpu.memory_space<hbm>>) target(%arg17 : memref<80x128xf32, #tpu.memory_space<vmem>>) target_semaphore(%arg22 : memref<!tpu.dma_semaphore, #tpu.memory_space<semaphore_mem>>)
    %scan3A = arith.constant 0 : i32
    %scan3A_16 = arith.constant 0 : i32
    %scan3A_17 = arith.constant 62 : i32
    %scan3A_18 = arith.addi %scan3A_16, %scan3A_17 : i32
    %scan3A_19 = arith.constant 1 : i32
    scf.for %scan3A_42 = %scan3A_16 to %scan3A_18 step %scan3A_19  : i32 {
      %mul3A_43 = arith.constant 2 : i32
      %mul3A_44 = arith.muli %mul3A_43, %scan3A_42 : i32
      %dma_wait3A_45 = arith.constant 0 : i32
      %dma_wait3A_46 = arith.constant 0 : i32
      %dma_wait3A_47 = tpu.memref_slice %arg2[%dma_wait3A_45, %dma_wait3A_46] : memref<320000x128xf32, #tpu.memory_space<hbm>> -> memref<80x128xf32, #tpu.memory_space<hbm>>
      %dma_wait3A_48 = arith.constant 0 : i32
      %dma_wait3A_49 = arith.constant 0 : i32
      %dma_wait3A_50 = tpu.memref_slice %arg2[%dma_wait3A_48, %dma_wait3A_49] : memref<320000x128xf32, #tpu.memory_space<hbm>> -> memref<80x128xf32, #tpu.memory_space<hbm>>
      tpu.wait_dma2 semaphore(%arg22 : memref<!tpu.dma_semaphore, #tpu.memory_space<semaphore_mem>>) src(%dma_wait3A_50 : memref<80x128xf32, #tpu.memory_space<hbm>>) dst(%arg16 : memref<80x128xf32, #tpu.memory_space<vmem>>)
      %dma_wait3A_51 = arith.constant 0 : i32
      %dma_wait3A_52 = arith.constant 0 : i32
      %dma_wait3A_53 = tpu.memref_slice %arg3[%dma_wait3A_51, %dma_wait3A_52] : memref<320000x128xf32, #tpu.memory_space<hbm>> -> memref<80x128xf32, #tpu.memory_space<hbm>>
      %dma_wait3A_54 = arith.constant 0 : i32
      %dma_wait3A_55 = arith.constant 0 : i32
      %dma_wait3A_56 = tpu.memref_slice %arg3[%dma_wait3A_54, %dma_wait3A_55] : memref<320000x128xf32, #tpu.memory_space<hbm>> -> memref<80x128xf32, #tpu.memory_space<hbm>>
      tpu.wait_dma2 semaphore(%arg22 : memref<!tpu.dma_semaphore, #tpu.memory_space<semaphore_mem>>) src(%dma_wait3A_56 : memref<80x128xf32, #tpu.memory_space<hbm>>) dst(%arg17 : memref<80x128xf32, #tpu.memory_space<vmem>>)
      %add3A_57 = arith.constant 1 : i32
      %add3A_58 = arith.addi %mul3A_44, %add3A_57 : i32
      %mul3A_59 = arith.constant 80 : i32
      %mul3A_60 = arith.muli %add3A_58, %mul3A_59 : i32
      %add3A_61 = arith.addi %add3A, %mul3A_60 : i32
      "tpu.region"() ({
        %run_scoped3A = tpu.sem_alloc : memref<!tpu.dma_semaphore, #tpu.memory_space<semaphore_mem>>
        %dma_start3A_95 = tpu.memref_slice %arg4[%add3A_61] : memref<320000xi32, #tpu.memory_space<hbm>> -> memref<80xi32, #tpu.memory_space<hbm>>
        %dma_start3A_96 = tpu.memref_slice %arg4[%add3A_61] : memref<320000xi32, #tpu.memory_space<hbm>> -> memref<80xi32, #tpu.memory_space<hbm>>
        tpu.enqueue_dma source(%dma_start3A_96 : memref<80xi32, #tpu.memory_space<hbm>>) target(%arg18 : memref<80xi32, #tpu.memory_space<vmem>>) target_semaphore(%run_scoped3A : memref<!tpu.dma_semaphore, #tpu.memory_space<semaphore_mem>>)
        %dma_wait3A_97 = tpu.memref_slice %arg4[%add3A_61] : memref<320000xi32, #tpu.memory_space<hbm>> -> memref<80xi32, #tpu.memory_space<hbm>>
        %dma_wait3A_98 = tpu.memref_slice %arg4[%add3A_61] : memref<320000xi32, #tpu.memory_space<hbm>> -> memref<80xi32, #tpu.memory_space<hbm>>
        tpu.wait_dma2 semaphore(%run_scoped3A : memref<!tpu.dma_semaphore, #tpu.memory_space<semaphore_mem>>) src(%dma_wait3A_98 : memref<80xi32, #tpu.memory_space<hbm>>) dst(%arg18 : memref<80xi32, #tpu.memory_space<vmem>>)
        tpu.yield
      }) : () -> ()
      "tpu.region"() ({
        %run_scoped3A = tpu.sem_alloc : memref<!tpu.dma_semaphore, #tpu.memory_space<semaphore_mem>>
        %dma_start3A_95 = tpu.memref_slice %arg5[%add3A_61] : memref<320000xi32, #tpu.memory_space<hbm>> -> memref<80xi32, #tpu.memory_space<hbm>>
        %dma_start3A_96 = tpu.memref_slice %arg5[%add3A_61] : memref<320000xi32, #tpu.memory_space<hbm>> -> memref<80xi32, #tpu.memory_space<hbm>>
        tpu.enqueue_dma source(%dma_start3A_96 : memref<80xi32, #tpu.memory_space<hbm>>) target(%arg19 : memref<80xi32, #tpu.memory_space<vmem>>) target_semaphore(%run_scoped3A : memref<!tpu.dma_semaphore, #tpu.memory_space<semaphore_mem>>)
        %dma_wait3A_97 = tpu.memref_slice %arg5[%add3A_61] : memref<320000xi32, #tpu.memory_space<hbm>> -> memref<80xi32, #tpu.memory_space<hbm>>
        %dma_wait3A_98 = tpu.memref_slice %arg5[%add3A_61] : memref<320000xi32, #tpu.memory_space<hbm>> -> memref<80xi32, #tpu.memory_space<hbm>>
        tpu.wait_dma2 semaphore(%run_scoped3A : memref<!tpu.dma_semaphore, #tpu.memory_space<semaphore_mem>>) src(%dma_wait3A_98 : memref<80xi32, #tpu.memory_space<hbm>>) dst(%arg19 : memref<80xi32, #tpu.memory_space<vmem>>)
        tpu.yield
      }) : () -> ()
      %dma_start3A_62 = arith.constant 0 : i32
      %dma_start3A_63 = tpu.memref_slice %arg2[%add3A_61, %dma_start3A_62] : memref<320000x128xf32, #tpu.memory_space<hbm>> -> memref<80x128xf32, #tpu.memory_space<hbm>>
      %dma_start3A_64 = arith.constant 0 : i32
      %dma_start3A_65 = tpu.memref_slice %arg2[%add3A_61, %dma_start3A_64] : memref<320000x128xf32, #tpu.memory_space<hbm>> -> memref<80x128xf32, #tpu.memory_space<hbm>>
      tpu.enqueue_dma source(%dma_start3A_65 : memref<80x128xf32, #tpu.memory_space<hbm>>) target(%arg20 : memref<80x128xf32, #tpu.memory_space<vmem>>) target_semaphore(%arg23 : memref<!tpu.dma_semaphore, #tpu.memory_space<semaphore_mem>>)
      %dma_start3A_66 = arith.constant 0 : i32
      %dma_start3A_67 = tpu.memref_slice %arg3[%add3A_61, %dma_start3A_66] : memref<320000x128xf32, #tpu.memory_space<hbm>> -> memref<80x128xf32, #tpu.memory_space<hbm>>
      %dma_start3A_68 = arith.constant 0 : i32
      %dma_start3A_69 = tpu.memref_slice %arg3[%add3A_61, %dma_start3A_68] : memref<320000x128xf32, #tpu.memory_space<hbm>> -> memref<80x128xf32, #tpu.memory_space<hbm>>
      tpu.enqueue_dma source(%dma_start3A_69 : memref<80x128xf32, #tpu.memory_space<hbm>>) target(%arg21 : memref<80x128xf32, #tpu.memory_space<vmem>>) target_semaphore(%arg23 : memref<!tpu.dma_semaphore, #tpu.memory_space<semaphore_mem>>)
      "tpu.region"() ({
        %run_scoped3A = tpu.sem_alloc : memref<!tpu.dma_semaphore, #tpu.memory_space<semaphore_mem>>
        %dma_start3A_95 = arith.constant 0 : i32
        %dma_start3A_96 = arith.constant 0 : i32
        %dma_start3A_97 = tpu.memref_slice %arg12[%dma_start3A_95, %dma_start3A_96] : memref<10240x128xf32, #tpu.memory_space<vmem_shared>> -> memref<10240x128xf32, #tpu.memory_space<vmem_shared>>
        tpu.enqueue_indirect_dma source(%arg16 : memref<80x128xf32, #tpu.memory_space<vmem>>) target(%dma_start3A_97 : memref<10240x128xf32, #tpu.memory_space<vmem_shared>>) offsets(%arg14 : memref<80xi32, #tpu.memory_space<vmem>>) semaphore(%run_scoped3A : memref<!tpu.dma_semaphore, #tpu.memory_space<semaphore_mem>>) {add = true}
        %dma_wait3A_98 = arith.constant 0 : i32
        %dma_wait3A_99 = arith.constant 0 : i32
        %dma_wait3A_100 = tpu.memref_slice %arg12[%dma_wait3A_98, %dma_wait3A_99] : memref<10240x128xf32, #tpu.memory_space<vmem_shared>> -> memref<10240x128xf32, #tpu.memory_space<vmem_shared>>
        tpu.wait_indirect_dma semaphore(%run_scoped3A : memref<!tpu.dma_semaphore, #tpu.memory_space<semaphore_mem>>) src(%arg16 : memref<80x128xf32, #tpu.memory_space<vmem>>) dst(%dma_wait3A_100 : memref<10240x128xf32, #tpu.memory_space<vmem_shared>>)
        tpu.yield
      }) : () -> ()
      "tpu.region"() ({
        %run_scoped3A = tpu.sem_alloc : memref<!tpu.dma_semaphore, #tpu.memory_space<semaphore_mem>>
        %dma_start3A_95 = arith.constant 0 : i32
        %dma_start3A_96 = arith.constant 0 : i32
        %dma_start3A_97 = tpu.memref_slice %arg13[%dma_start3A_95, %dma_start3A_96] : memref<80x128xf32, #tpu.memory_space<vmem_shared>> -> memref<80x128xf32, #tpu.memory_space<vmem_shared>>
        tpu.enqueue_indirect_dma source(%arg17 : memref<80x128xf32, #tpu.memory_space<vmem>>) target(%dma_start3A_97 : memref<80x128xf32, #tpu.memory_space<vmem_shared>>) offsets(%arg15 : memref<80xi32, #tpu.memory_space<vmem>>) semaphore(%run_scoped3A : memref<!tpu.dma_semaphore, #tpu.memory_space<semaphore_mem>>) {add = true}
        %dma_wait3A_98 = arith.constant 0 : i32
        %dma_wait3A_99 = arith.constant 0 : i32
        %dma_wait3A_100 = tpu.memref_slice %arg13[%dma_wait3A_98, %dma_wait3A_99] : memref<80x128xf32, #tpu.memory_space<vmem_shared>> -> memref<80x128xf32, #tpu.memory_space<vmem_shared>>
        tpu.wait_indirect_dma semaphore(%run_scoped3A : memref<!tpu.dma_semaphore, #tpu.memory_space<semaphore_mem>>) src(%arg17 : memref<80x128xf32, #tpu.memory_space<vmem>>) dst(%dma_wait3A_100 : memref<80x128xf32, #tpu.memory_space<vmem_shared>>)
        tpu.yield
      }) : () -> ()
      %dma_wait3A_70 = arith.constant 0 : i32
      %dma_wait3A_71 = arith.constant 0 : i32
      %dma_wait3A_72 = tpu.memref_slice %arg2[%dma_wait3A_70, %dma_wait3A_71] : memref<320000x128xf32, #tpu.memory_space<hbm>> -> memref<80x128xf32, #tpu.memory_space<hbm>>
      %dma_wait3A_73 = arith.constant 0 : i32
      %dma_wait3A_74 = arith.constant 0 : i32
      %dma_wait3A_75 = tpu.memref_slice %arg2[%dma_wait3A_73, %dma_wait3A_74] : memref<320000x128xf32, #tpu.memory_space<hbm>> -> memref<80x128xf32, #tpu.memory_space<hbm>>
      tpu.wait_dma2 semaphore(%arg23 : memref<!tpu.dma_semaphore, #tpu.memory_space<semaphore_mem>>) src(%dma_wait3A_75 : memref<80x128xf32, #tpu.memory_space<hbm>>) dst(%arg20 : memref<80x128xf32, #tpu.memory_space<vmem>>)
      %dma_wait3A_76 = arith.constant 0 : i32
      %dma_wait3A_77 = arith.constant 0 : i32
      %dma_wait3A_78 = tpu.memref_slice %arg3[%dma_wait3A_76, %dma_wait3A_77] : memref<320000x128xf32, #tpu.memory_space<hbm>> -> memref<80x128xf32, #tpu.memory_space<hbm>>
      %dma_wait3A_79 = arith.constant 0 : i32
      %dma_wait3A_80 = arith.constant 0 : i32
      %dma_wait3A_81 = tpu.memref_slice %arg3[%dma_wait3A_79, %dma_wait3A_80] : memref<320000x128xf32, #tpu.memory_space<hbm>> -> memref<80x128xf32, #tpu.memory_space<hbm>>
      tpu.wait_dma2 semaphore(%arg23 : memref<!tpu.dma_semaphore, #tpu.memory_space<semaphore_mem>>) src(%dma_wait3A_81 : memref<80x128xf32, #tpu.memory_space<hbm>>) dst(%arg21 : memref<80x128xf32, #tpu.memory_space<vmem>>)
      %add3A_82 = arith.constant 2 : i32
      %add3A_83 = arith.addi %mul3A_44, %add3A_82 : i32
      %mul3A_84 = arith.constant 80 : i32
      %mul3A_85 = arith.muli %add3A_83, %mul3A_84 : i32
      %add3A_86 = arith.addi %add3A, %mul3A_85 : i32
      "tpu.region"() ({
        %run_scoped3A = tpu.sem_alloc : memref<!tpu.dma_semaphore, #tpu.memory_space<semaphore_mem>>
        %dma_start3A_95 = tpu.memref_slice %arg4[%add3A_86] : memref<320000xi32, #tpu.memory_space<hbm>> -> memref<80xi32, #tpu.memory_space<hbm>>
        %dma_start3A_96 = tpu.memref_slice %arg4[%add3A_86] : memref<320000xi32, #tpu.memory_space<hbm>> -> memref<80xi32, #tpu.memory_space<hbm>>
        tpu.enqueue_dma source(%dma_start3A_96 : memref<80xi32, #tpu.memory_space<hbm>>) target(%arg14 : memref<80xi32, #tpu.memory_space<vmem>>) target_semaphore(%run_scoped3A : memref<!tpu.dma_semaphore, #tpu.memory_space<semaphore_mem>>)
        %dma_wait3A_97 = tpu.memref_slice %arg4[%add3A_86] : memref<320000xi32, #tpu.memory_space<hbm>> -> memref<80xi32, #tpu.memory_space<hbm>>
        %dma_wait3A_98 = tpu.memref_slice %arg4[%add3A_86] : memref<320000xi32, #tpu.memory_space<hbm>> -> memref<80xi32, #tpu.memory_space<hbm>>
        tpu.wait_dma2 semaphore(%run_scoped3A : memref<!tpu.dma_semaphore, #tpu.memory_space<semaphore_mem>>) src(%dma_wait3A_98 : memref<80xi32, #tpu.memory_space<hbm>>) dst(%arg14 : memref<80xi32, #tpu.memory_space<vmem>>)
        tpu.yield
      }) : () -> ()
      "tpu.region"() ({
        %run_scoped3A = tpu.sem_alloc : memref<!tpu.dma_semaphore, #tpu.memory_space<semaphore_mem>>
        %dma_start3A_95 = tpu.memref_slice %arg5[%add3A_86] : memref<320000xi32, #tpu.memory_space<hbm>> -> memref<80xi32, #tpu.memory_space<hbm>>
        %dma_start3A_96 = tpu.memref_slice %arg5[%add3A_86] : memref<320000xi32, #tpu.memory_space<hbm>> -> memref<80xi32, #tpu.memory_space<hbm>>
        tpu.enqueue_dma source(%dma_start3A_96 : memref<80xi32, #tpu.memory_space<hbm>>) target(%arg15 : memref<80xi32, #tpu.memory_space<vmem>>) target_semaphore(%run_scoped3A : memref<!tpu.dma_semaphore, #tpu.memory_space<semaphore_mem>>)
        %dma_wait3A_97 = tpu.memref_slice %arg5[%add3A_86] : memref<320000xi32, #tpu.memory_space<hbm>> -> memref<80xi32, #tpu.memory_space<hbm>>
        %dma_wait3A_98 = tpu.memref_slice %arg5[%add3A_86] : memref<320000xi32, #tpu.memory_space<hbm>> -> memref<80xi32, #tpu.memory_space<hbm>>
        tpu.wait_dma2 semaphore(%run_scoped3A : memref<!tpu.dma_semaphore, #tpu.memory_space<semaphore_mem>>) src(%dma_wait3A_98 : memref<80xi32, #tpu.memory_space<hbm>>) dst(%arg15 : memref<80xi32, #tpu.memory_space<vmem>>)
        tpu.yield
      }) : () -> ()
      %dma_start3A_87 = arith.constant 0 : i32
      %dma_start3A_88 = tpu.memref_slice %arg2[%add3A_86, %dma_start3A_87] : memref<320000x128xf32, #tpu.memory_space<hbm>> -> memref<80x128xf32, #tpu.memory_space<hbm>>
      %dma_start3A_89 = arith.constant 0 : i32
      %dma_start3A_90 = tpu.memref_slice %arg2[%add3A_86, %dma_start3A_89] : memref<320000x128xf32, #tpu.memory_space<hbm>> -> memref<80x128xf32, #tpu.memory_space<hbm>>
      tpu.enqueue_dma source(%dma_start3A_90 : memref<80x128xf32, #tpu.memory_space<hbm>>) target(%arg16 : memref<80x128xf32, #tpu.memory_space<vmem>>) target_semaphore(%arg22 : memref<!tpu.dma_semaphore, #tpu.memory_space<semaphore_mem>>)
      %dma_start3A_91 = arith.constant 0 : i32
      %dma_start3A_92 = tpu.memref_slice %arg3[%add3A_86, %dma_start3A_91] : memref<320000x128xf32, #tpu.memory_space<hbm>> -> memref<80x128xf32, #tpu.memory_space<hbm>>
      %dma_start3A_93 = arith.constant 0 : i32
      %dma_start3A_94 = tpu.memref_slice %arg3[%add3A_86, %dma_start3A_93] : memref<320000x128xf32, #tpu.memory_space<hbm>> -> memref<80x128xf32, #tpu.memory_space<hbm>>
      tpu.enqueue_dma source(%dma_start3A_94 : memref<80x128xf32, #tpu.memory_space<hbm>>) target(%arg17 : memref<80x128xf32, #tpu.memory_space<vmem>>) target_semaphore(%arg22 : memref<!tpu.dma_semaphore, #tpu.memory_space<semaphore_mem>>)
      "tpu.region"() ({
        %run_scoped3A = tpu.sem_alloc : memref<!tpu.dma_semaphore, #tpu.memory_space<semaphore_mem>>
        %dma_start3A_95 = arith.constant 0 : i32
        %dma_start3A_96 = arith.constant 0 : i32
        %dma_start3A_97 = tpu.memref_slice %arg12[%dma_start3A_95, %dma_start3A_96] : memref<10240x128xf32, #tpu.memory_space<vmem_shared>> -> memref<10240x128xf32, #tpu.memory_space<vmem_shared>>
        tpu.enqueue_indirect_dma source(%arg20 : memref<80x128xf32, #tpu.memory_space<vmem>>) target(%dma_start3A_97 : memref<10240x128xf32, #tpu.memory_space<vmem_shared>>) offsets(%arg18 : memref<80xi32, #tpu.memory_space<vmem>>) semaphore(%run_scoped3A : memref<!tpu.dma_semaphore, #tpu.memory_space<semaphore_mem>>) {add = true}
        %dma_wait3A_98 = arith.constant 0 : i32
        %dma_wait3A_99 = arith.constant 0 : i32
        %dma_wait3A_100 = tpu.memref_slice %arg12[%dma_wait3A_98, %dma_wait3A_99] : memref<10240x128xf32, #tpu.memory_space<vmem_shared>> -> memref<10240x128xf32, #tpu.memory_space<vmem_shared>>
        tpu.wait_indirect_dma semaphore(%run_scoped3A : memref<!tpu.dma_semaphore, #tpu.memory_space<semaphore_mem>>) src(%arg20 : memref<80x128xf32, #tpu.memory_space<vmem>>) dst(%dma_wait3A_100 : memref<10240x128xf32, #tpu.memory_space<vmem_shared>>)
        tpu.yield
      }) : () -> ()
      "tpu.region"() ({
        %run_scoped3A = tpu.sem_alloc : memref<!tpu.dma_semaphore, #tpu.memory_space<semaphore_mem>>
        %dma_start3A_95 = arith.constant 0 : i32
        %dma_start3A_96 = arith.constant 0 : i32
        %dma_start3A_97 = tpu.memref_slice %arg13[%dma_start3A_95, %dma_start3A_96] : memref<80x128xf32, #tpu.memory_space<vmem_shared>> -> memref<80x128xf32, #tpu.memory_space<vmem_shared>>
        tpu.enqueue_indirect_dma source(%arg21 : memref<80x128xf32, #tpu.memory_space<vmem>>) target(%dma_start3A_97 : memref<80x128xf32, #tpu.memory_space<vmem_shared>>) offsets(%arg19 : memref<80xi32, #tpu.memory_space<vmem>>) semaphore(%run_scoped3A : memref<!tpu.dma_semaphore, #tpu.memory_space<semaphore_mem>>) {add = true}
        %dma_wait3A_98 = arith.constant 0 : i32
        %dma_wait3A_99 = arith.constant 0 : i32
        %dma_wait3A_100 = tpu.memref_slice %arg13[%dma_wait3A_98, %dma_wait3A_99] : memref<80x128xf32, #tpu.memory_space<vmem_shared>> -> memref<80x128xf32, #tpu.memory_space<vmem_shared>>
        tpu.wait_indirect_dma semaphore(%run_scoped3A : memref<!tpu.dma_semaphore, #tpu.memory_space<semaphore_mem>>) src(%arg21 : memref<80x128xf32, #tpu.memory_space<vmem>>) dst(%dma_wait3A_100 : memref<80x128xf32, #tpu.memory_space<vmem_shared>>)
        tpu.yield
      }) : () -> ()
    }
    %scan3A_20 = arith.constant 62 : i32
    %dma_wait3A = arith.constant 0 : i32
    %dma_wait3A_21 = arith.constant 0 : i32
    %dma_wait3A_22 = tpu.memref_slice %arg2[%dma_wait3A, %dma_wait3A_21] : memref<320000x128xf32, #tpu.memory_space<hbm>> -> memref<80x128xf32, #tpu.memory_space<hbm>>
    %dma_wait3A_23 = arith.constant 0 : i32
    %dma_wait3A_24 = arith.constant 0 : i32
    %dma_wait3A_25 = tpu.memref_slice %arg2[%dma_wait3A_23, %dma_wait3A_24] : memref<320000x128xf32, #tpu.memory_space<hbm>> -> memref<80x128xf32, #tpu.memory_space<hbm>>
    tpu.wait_dma2 semaphore(%arg22 : memref<!tpu.dma_semaphore, #tpu.memory_space<semaphore_mem>>) src(%dma_wait3A_25 : memref<80x128xf32, #tpu.memory_space<hbm>>) dst(%arg16 : memref<80x128xf32, #tpu.memory_space<vmem>>)
    %dma_wait3A_26 = arith.constant 0 : i32
    %dma_wait3A_27 = arith.constant 0 : i32
    %dma_wait3A_28 = tpu.memref_slice %arg3[%dma_wait3A_26, %dma_wait3A_27] : memref<320000x128xf32, #tpu.memory_space<hbm>> -> memref<80x128xf32, #tpu.memory_space<hbm>>
    %dma_wait3A_29 = arith.constant 0 : i32
    %dma_wait3A_30 = arith.constant 0 : i32
    %dma_wait3A_31 = tpu.memref_slice %arg3[%dma_wait3A_29, %dma_wait3A_30] : memref<320000x128xf32, #tpu.memory_space<hbm>> -> memref<80x128xf32, #tpu.memory_space<hbm>>
    tpu.wait_dma2 semaphore(%arg22 : memref<!tpu.dma_semaphore, #tpu.memory_space<semaphore_mem>>) src(%dma_wait3A_31 : memref<80x128xf32, #tpu.memory_space<hbm>>) dst(%arg17 : memref<80x128xf32, #tpu.memory_space<vmem>>)
    "tpu.region"() ({
      %run_scoped3A = tpu.sem_alloc : memref<!tpu.dma_semaphore, #tpu.memory_space<semaphore_mem>>
      %dma_start3A_42 = arith.constant 0 : i32
      %dma_start3A_43 = arith.constant 0 : i32
      %dma_start3A_44 = tpu.memref_slice %arg12[%dma_start3A_42, %dma_start3A_43] : memref<10240x128xf32, #tpu.memory_space<vmem_shared>> -> memref<10240x128xf32, #tpu.memory_space<vmem_shared>>
      tpu.enqueue_indirect_dma source(%arg16 : memref<80x128xf32, #tpu.memory_space<vmem>>) target(%dma_start3A_44 : memref<10240x128xf32, #tpu.memory_space<vmem_shared>>) offsets(%arg14 : memref<80xi32, #tpu.memory_space<vmem>>) semaphore(%run_scoped3A : memref<!tpu.dma_semaphore, #tpu.memory_space<semaphore_mem>>) {add = true}
      %dma_wait3A_45 = arith.constant 0 : i32
      %dma_wait3A_46 = arith.constant 0 : i32
      %dma_wait3A_47 = tpu.memref_slice %arg12[%dma_wait3A_45, %dma_wait3A_46] : memref<10240x128xf32, #tpu.memory_space<vmem_shared>> -> memref<10240x128xf32, #tpu.memory_space<vmem_shared>>
      tpu.wait_indirect_dma semaphore(%run_scoped3A : memref<!tpu.dma_semaphore, #tpu.memory_space<semaphore_mem>>) src(%arg16 : memref<80x128xf32, #tpu.memory_space<vmem>>) dst(%dma_wait3A_47 : memref<10240x128xf32, #tpu.memory_space<vmem_shared>>)
      tpu.yield
    }) : () -> ()
    "tpu.region"() ({
      %run_scoped3A = tpu.sem_alloc : memref<!tpu.dma_semaphore, #tpu.memory_space<semaphore_mem>>
      %dma_start3A_42 = arith.constant 0 : i32
      %dma_start3A_43 = arith.constant 0 : i32
      %dma_start3A_44 = tpu.memref_slice %arg13[%dma_start3A_42, %dma_start3A_43] : memref<80x128xf32, #tpu.memory_space<vmem_shared>> -> memref<80x128xf32, #tpu.memory_space<vmem_shared>>
      tpu.enqueue_indirect_dma source(%arg17 : memref<80x128xf32, #tpu.memory_space<vmem>>) target(%dma_start3A_44 : memref<80x128xf32, #tpu.memory_space<vmem_shared>>) offsets(%arg15 : memref<80xi32, #tpu.memory_space<vmem>>) semaphore(%run_scoped3A : memref<!tpu.dma_semaphore, #tpu.memory_space<semaphore_mem>>) {add = true}
      %dma_wait3A_45 = arith.constant 0 : i32
      %dma_wait3A_46 = arith.constant 0 : i32
      %dma_wait3A_47 = tpu.memref_slice %arg13[%dma_wait3A_45, %dma_wait3A_46] : memref<80x128xf32, #tpu.memory_space<vmem_shared>> -> memref<80x128xf32, #tpu.memory_space<vmem_shared>>
      tpu.wait_indirect_dma semaphore(%run_scoped3A : memref<!tpu.dma_semaphore, #tpu.memory_space<semaphore_mem>>) src(%arg17 : memref<80x128xf32, #tpu.memory_space<vmem>>) dst(%dma_wait3A_47 : memref<80x128xf32, #tpu.memory_space<vmem_shared>>)
      tpu.yield
    }) : () -> ()
    %barrier3A_32 = arith.constant 0 : index
    tpu.barrier barrier_id(%barrier3A_32)
    %eq3A = arith.constant 0 : i32
    %eq3A_33 = arith.cmpi eq, %arg0, %eq3A : i32
    %convert_element_type3A_34 = arith.extui %eq3A_33 : i1 to i32
    %cond3A_35 = arith.constant 0 : i32
    %cond3A_36 = arith.cmpi ne, %convert_element_type3A_34, %cond3A_35 : i32
    scf.if %cond3A_36 {
      %mul3A_42 = arith.constant 640 : i32
      %mul3A_43 = arith.muli %arg1, %mul3A_42 : i32
      %mul3A_44 = arith.constant 640 : i32
      %mul3A_45 = arith.muli %arg1, %mul3A_44 : i32
      "tpu.region"() ({
        %run_scoped3A = tpu.sem_alloc : memref<!tpu.dma_semaphore, #tpu.memory_space<semaphore_mem>>
        %dma_start3A_51 = arith.constant 0 : i32
        %dma_start3A_52 = tpu.memref_slice %arg8[%mul3A_45, %dma_start3A_51] : memref<10240x128xf32, #tpu.memory_space<hbm>> -> memref<640x128xf32, #tpu.memory_space<hbm>>
        %dma_start3A_53 = arith.constant 0 : i32
        %dma_start3A_54 = tpu.memref_slice %arg12[%mul3A_43, %dma_start3A_53] : memref<10240x128xf32, #tpu.memory_space<vmem_shared>> -> memref<640x128xf32, #tpu.memory_space<vmem_shared>>
        tpu.enqueue_dma source(%dma_start3A_54 : memref<640x128xf32, #tpu.memory_space<vmem_shared>>) target(%dma_start3A_52 : memref<640x128xf32, #tpu.memory_space<hbm>>) target_semaphore(%run_scoped3A : memref<!tpu.dma_semaphore, #tpu.memory_space<semaphore_mem>>)
        %dma_wait3A_55 = arith.constant 0 : i32
        %dma_wait3A_56 = tpu.memref_slice %arg8[%mul3A_45, %dma_wait3A_55] : memref<10240x128xf32, #tpu.memory_space<hbm>> -> memref<640x128xf32, #tpu.memory_space<hbm>>
        %dma_wait3A_57 = arith.constant 0 : i32
        %dma_wait3A_58 = tpu.memref_slice %arg12[%mul3A_43, %dma_wait3A_57] : memref<10240x128xf32, #tpu.memory_space<vmem_shared>> -> memref<640x128xf32, #tpu.memory_space<vmem_shared>>
        tpu.wait_dma2 semaphore(%run_scoped3A : memref<!tpu.dma_semaphore, #tpu.memory_space<semaphore_mem>>) src(%dma_wait3A_58 : memref<640x128xf32, #tpu.memory_space<vmem_shared>>) dst(%dma_wait3A_56 : memref<640x128xf32, #tpu.memory_space<hbm>>)
        tpu.yield
      }) : () -> ()
      %lt3A_46 = arith.constant 10 : i32
      %lt3A_47 = arith.cmpi slt, %arg1, %lt3A_46 : i32
      %convert_element_type3A_48 = arith.extui %lt3A_47 : i1 to i32
      %cond3A_49 = arith.constant 0 : i32
      %cond3A_50 = arith.cmpi ne, %convert_element_type3A_48, %cond3A_49 : i32
      scf.if %cond3A_50 {
        %mul3A_51 = arith.constant 8 : i32
        %mul3A_52 = arith.muli %arg1, %mul3A_51 : i32
        %mul3A_53 = arith.constant 8 : i32
        %mul3A_54 = arith.muli %arg1, %mul3A_53 : i32
        "tpu.region"() ({
          %run_scoped3A = tpu.sem_alloc : memref<!tpu.dma_semaphore, #tpu.memory_space<semaphore_mem>>
          %dma_start3A_55 = arith.constant 0 : i32
          %dma_start3A_56 = tpu.memref_slice %arg10[%mul3A_54, %dma_start3A_55] : memref<80x128xf32, #tpu.memory_space<hbm>> -> memref<8x128xf32, #tpu.memory_space<hbm>>
          %dma_start3A_57 = arith.constant 0 : i32
          %dma_start3A_58 = tpu.memref_slice %arg13[%mul3A_52, %dma_start3A_57] : memref<80x128xf32, #tpu.memory_space<vmem_shared>> -> memref<8x128xf32, #tpu.memory_space<vmem_shared>>
          tpu.enqueue_dma source(%dma_start3A_58 : memref<8x128xf32, #tpu.memory_space<vmem_shared>>) target(%dma_start3A_56 : memref<8x128xf32, #tpu.memory_space<hbm>>) target_semaphore(%run_scoped3A : memref<!tpu.dma_semaphore, #tpu.memory_space<semaphore_mem>>)
          %dma_wait3A_59 = arith.constant 0 : i32
          %dma_wait3A_60 = tpu.memref_slice %arg10[%mul3A_54, %dma_wait3A_59] : memref<80x128xf32, #tpu.memory_space<hbm>> -> memref<8x128xf32, #tpu.memory_space<hbm>>
          %dma_wait3A_61 = arith.constant 0 : i32
          %dma_wait3A_62 = tpu.memref_slice %arg13[%mul3A_52, %dma_wait3A_61] : memref<80x128xf32, #tpu.memory_space<vmem_shared>> -> memref<8x128xf32, #tpu.memory_space<vmem_shared>>
          tpu.wait_dma2 semaphore(%run_scoped3A : memref<!tpu.dma_semaphore, #tpu.memory_space<semaphore_mem>>) src(%dma_wait3A_62 : memref<8x128xf32, #tpu.memory_space<vmem_shared>>) dst(%dma_wait3A_60 : memref<8x128xf32, #tpu.memory_space<hbm>>)
          tpu.yield
        }) : () -> ()
      } else {
      }
    } else {
    }
    %eq3A_37 = arith.constant 1 : i32
    %eq3A_38 = arith.cmpi eq, %arg0, %eq3A_37 : i32
    %convert_element_type3A_39 = arith.extui %eq3A_38 : i1 to i32
    %cond3A_40 = arith.constant 0 : i32
    %cond3A_41 = arith.cmpi ne, %convert_element_type3A_39, %cond3A_40 : i32
    scf.if %cond3A_41 {
      %mul3A_42 = arith.constant 640 : i32
      %mul3A_43 = arith.muli %arg1, %mul3A_42 : i32
      %mul3A_44 = arith.constant 640 : i32
      %mul3A_45 = arith.muli %arg1, %mul3A_44 : i32
      "tpu.region"() ({
        %run_scoped3A = tpu.sem_alloc : memref<!tpu.dma_semaphore, #tpu.memory_space<semaphore_mem>>
        %dma_start3A_51 = arith.constant 0 : i32
        %dma_start3A_52 = tpu.memref_slice %arg9[%mul3A_45, %dma_start3A_51] : memref<10240x128xf32, #tpu.memory_space<hbm>> -> memref<640x128xf32, #tpu.memory_space<hbm>>
        %dma_start3A_53 = arith.constant 0 : i32
        %dma_start3A_54 = tpu.memref_slice %arg12[%mul3A_43, %dma_start3A_53] : memref<10240x128xf32, #tpu.memory_space<vmem_shared>> -> memref<640x128xf32, #tpu.memory_space<vmem_shared>>
        tpu.enqueue_dma source(%dma_start3A_54 : memref<640x128xf32, #tpu.memory_space<vmem_shared>>) target(%dma_start3A_52 : memref<640x128xf32, #tpu.memory_space<hbm>>) target_semaphore(%run_scoped3A : memref<!tpu.dma_semaphore, #tpu.memory_space<semaphore_mem>>)
        %dma_wait3A_55 = arith.constant 0 : i32
        %dma_wait3A_56 = tpu.memref_slice %arg9[%mul3A_45, %dma_wait3A_55] : memref<10240x128xf32, #tpu.memory_space<hbm>> -> memref<640x128xf32, #tpu.memory_space<hbm>>
        %dma_wait3A_57 = arith.constant 0 : i32
        %dma_wait3A_58 = tpu.memref_slice %arg12[%mul3A_43, %dma_wait3A_57] : memref<10240x128xf32, #tpu.memory_space<vmem_shared>> -> memref<640x128xf32, #tpu.memory_space<vmem_shared>>
        tpu.wait_dma2 semaphore(%run_scoped3A : memref<!tpu.dma_semaphore, #tpu.memory_space<semaphore_mem>>) src(%dma_wait3A_58 : memref<640x128xf32, #tpu.memory_space<vmem_shared>>) dst(%dma_wait3A_56 : memref<640x128xf32, #tpu.memory_space<hbm>>)
        tpu.yield
      }) : () -> ()
      %lt3A_46 = arith.constant 10 : i32
      %lt3A_47 = arith.cmpi slt, %arg1, %lt3A_46 : i32
      %convert_element_type3A_48 = arith.extui %lt3A_47 : i1 to i32
      %cond3A_49 = arith.constant 0 : i32
      %cond3A_50 = arith.cmpi ne, %convert_element_type3A_48, %cond3A_49 : i32
      scf.if %cond3A_50 {
        %mul3A_51 = arith.constant 8 : i32
        %mul3A_52 = arith.muli %arg1, %mul3A_51 : i32
        %mul3A_53 = arith.constant 8 : i32
        %mul3A_54 = arith.muli %arg1, %mul3A_53 : i32
        "tpu.region"() ({
          %run_scoped3A = tpu.sem_alloc : memref<!tpu.dma_semaphore, #tpu.memory_space<semaphore_mem>>
          %dma_start3A_55 = arith.constant 0 : i32
          %dma_start3A_56 = tpu.memref_slice %arg11[%mul3A_54, %dma_start3A_55] : memref<80x128xf32, #tpu.memory_space<hbm>> -> memref<8x128xf32, #tpu.memory_space<hbm>>
          %dma_start3A_57 = arith.constant 0 : i32
          %dma_start3A_58 = tpu.memref_slice %arg13[%mul3A_52, %dma_start3A_57] : memref<80x128xf32, #tpu.memory_space<vmem_shared>> -> memref<8x128xf32, #tpu.memory_space<vmem_shared>>
          tpu.enqueue_dma source(%dma_start3A_58 : memref<8x128xf32, #tpu.memory_space<vmem_shared>>) target(%dma_start3A_56 : memref<8x128xf32, #tpu.memory_space<hbm>>) target_semaphore(%run_scoped3A : memref<!tpu.dma_semaphore, #tpu.memory_space<semaphore_mem>>)
          %dma_wait3A_59 = arith.constant 0 : i32
          %dma_wait3A_60 = tpu.memref_slice %arg11[%mul3A_54, %dma_wait3A_59] : memref<80x128xf32, #tpu.memory_space<hbm>> -> memref<8x128xf32, #tpu.memory_space<hbm>>
          %dma_wait3A_61 = arith.constant 0 : i32
          %dma_wait3A_62 = tpu.memref_slice %arg13[%mul3A_52, %dma_wait3A_61] : memref<80x128xf32, #tpu.memory_space<vmem_shared>> -> memref<8x128xf32, #tpu.memory_space<vmem_shared>>
          tpu.wait_dma2 semaphore(%run_scoped3A : memref<!tpu.dma_semaphore, #tpu.memory_space<semaphore_mem>>) src(%dma_wait3A_62 : memref<8x128xf32, #tpu.memory_space<vmem_shared>>) dst(%dma_wait3A_60 : memref<8x128xf32, #tpu.memory_space<hbm>>)
          tpu.yield
        }) : () -> ()
      } else {
      }
    } else {
    }
    return
  }
}

#map = affine_map<(d0, d1) -> (0, 0)>
#map1 = affine_map<(d0, d1) -> (0)>
module attributes {stable_mosaic.version = 14 : i64} {
  func.func @k(%arg0: i32, %arg1: i32, %arg2: memref<10240x128xf32, #tpu.memory_space<hbm>>, %arg3: memref<10240x256xf32, #tpu.memory_space<hbm>>, %arg4: memref<320000xi32, #tpu.memory_space<hbm>>, %arg5: memref<320000xi32, #tpu.memory_space<hbm>>, %arg6: memref<320000x128xf32, #tpu.memory_space<hbm>>, %arg7: memref<320000x256xf32, #tpu.memory_space<hbm>>, %arg8: memref<80xi32, #tpu.memory_space<vmem>>, %arg9: memref<80xi32, #tpu.memory_space<vmem>>, %arg10: memref<80x128xf32, #tpu.memory_space<vmem>>, %arg11: memref<80x256xf32, #tpu.memory_space<vmem>>, %arg12: memref<80xi32, #tpu.memory_space<vmem>>, %arg13: memref<80xi32, #tpu.memory_space<vmem>>, %arg14: memref<80x128xf32, #tpu.memory_space<vmem>>, %arg15: memref<80x256xf32, #tpu.memory_space<vmem>>, %arg16: memref<!tpu.dma_semaphore, #tpu.memory_space<semaphore_mem>>, %arg17: memref<!tpu.dma_semaphore, #tpu.memory_space<semaphore_mem>>) attributes {dimension_semantics = [#tpu.dimension_semantics<core_parallel>, #tpu.dimension_semantics<subcore_parallel>], iteration_bounds = array<i64: 2, 16>, scalar_prefetch = 0 : i64, scratch_operands = 10 : i64, tpu.core_type = #tpu.core_type<sc_vector_subcore>, window_params = [{transform_indices = #map}, {transform_indices = #map}, {transform_indices = #map1}, {transform_indices = #map1}, {transform_indices = #map}, {transform_indices = #map}]} {
    %mul3A = arith.constant 2 : i32
    %mul3A_0 = arith.muli %arg1, %mul3A : i32
    %add3A = arith.addi %mul3A_0, %arg0 : i32
    %mul3A_1 = arith.constant 10000 : i32
    %mul3A_2 = arith.muli %add3A, %mul3A_1 : i32
    %add3A_3 = arith.constant 0 : i32
    %add3A_4 = arith.addi %mul3A_2, %add3A_3 : i32
    "tpu.region"() ({
      %run_scoped3A = tpu.sem_alloc : memref<!tpu.dma_semaphore, #tpu.memory_space<semaphore_mem>>
      %dma_start3A_28 = tpu.memref_slice %arg5[%add3A_4] : memref<320000xi32, #tpu.memory_space<hbm>> -> memref<80xi32, #tpu.memory_space<hbm>>
      %dma_start3A_29 = tpu.memref_slice %arg5[%add3A_4] : memref<320000xi32, #tpu.memory_space<hbm>> -> memref<80xi32, #tpu.memory_space<hbm>>
      tpu.enqueue_dma source(%dma_start3A_29 : memref<80xi32, #tpu.memory_space<hbm>>) target(%arg9 : memref<80xi32, #tpu.memory_space<vmem>>) target_semaphore(%run_scoped3A : memref<!tpu.dma_semaphore, #tpu.memory_space<semaphore_mem>>)
      %dma_wait3A_30 = tpu.memref_slice %arg5[%add3A_4] : memref<320000xi32, #tpu.memory_space<hbm>> -> memref<80xi32, #tpu.memory_space<hbm>>
      %dma_wait3A_31 = tpu.memref_slice %arg5[%add3A_4] : memref<320000xi32, #tpu.memory_space<hbm>> -> memref<80xi32, #tpu.memory_space<hbm>>
      tpu.wait_dma2 semaphore(%run_scoped3A : memref<!tpu.dma_semaphore, #tpu.memory_space<semaphore_mem>>) src(%dma_wait3A_31 : memref<80xi32, #tpu.memory_space<hbm>>) dst(%arg9 : memref<80xi32, #tpu.memory_space<vmem>>)
      tpu.yield
    }) : () -> ()
    "tpu.region"() ({
      %run_scoped3A = tpu.sem_alloc : memref<!tpu.dma_semaphore, #tpu.memory_space<semaphore_mem>>
      %dma_start3A_28 = tpu.memref_slice %arg4[%add3A_4] : memref<320000xi32, #tpu.memory_space<hbm>> -> memref<80xi32, #tpu.memory_space<hbm>>
      %dma_start3A_29 = tpu.memref_slice %arg4[%add3A_4] : memref<320000xi32, #tpu.memory_space<hbm>> -> memref<80xi32, #tpu.memory_space<hbm>>
      tpu.enqueue_dma source(%dma_start3A_29 : memref<80xi32, #tpu.memory_space<hbm>>) target(%arg8 : memref<80xi32, #tpu.memory_space<vmem>>) target_semaphore(%run_scoped3A : memref<!tpu.dma_semaphore, #tpu.memory_space<semaphore_mem>>)
      %dma_wait3A_30 = tpu.memref_slice %arg4[%add3A_4] : memref<320000xi32, #tpu.memory_space<hbm>> -> memref<80xi32, #tpu.memory_space<hbm>>
      %dma_wait3A_31 = tpu.memref_slice %arg4[%add3A_4] : memref<320000xi32, #tpu.memory_space<hbm>> -> memref<80xi32, #tpu.memory_space<hbm>>
      tpu.wait_dma2 semaphore(%run_scoped3A : memref<!tpu.dma_semaphore, #tpu.memory_space<semaphore_mem>>) src(%dma_wait3A_31 : memref<80xi32, #tpu.memory_space<hbm>>) dst(%arg8 : memref<80xi32, #tpu.memory_space<vmem>>)
      tpu.yield
    }) : () -> ()
    %dma_start3A = arith.constant 0 : i32
    %dma_start3A_5 = arith.constant 0 : i32
    %dma_start3A_6 = tpu.memref_slice %arg2[%dma_start3A, %dma_start3A_5] : memref<10240x128xf32, #tpu.memory_space<hbm>> -> memref<10240x128xf32, #tpu.memory_space<hbm>>
    tpu.enqueue_indirect_dma source(%dma_start3A_6 : memref<10240x128xf32, #tpu.memory_space<hbm>>) target(%arg10 : memref<80x128xf32, #tpu.memory_space<vmem>>) offsets(%arg9 : memref<80xi32, #tpu.memory_space<vmem>>) semaphore(%arg16 : memref<!tpu.dma_semaphore, #tpu.memory_space<semaphore_mem>>)
    %dma_start3A_7 = arith.constant 0 : i32
    %dma_start3A_8 = arith.constant 0 : i32
    %dma_start3A_9 = tpu.memref_slice %arg3[%dma_start3A_7, %dma_start3A_8] : memref<10240x256xf32, #tpu.memory_space<hbm>> -> memref<10240x256xf32, #tpu.memory_space<hbm>>
    tpu.enqueue_indirect_dma source(%dma_start3A_9 : memref<10240x256xf32, #tpu.memory_space<hbm>>) target(%arg11 : memref<80x256xf32, #tpu.memory_space<vmem>>) offsets(%arg8 : memref<80xi32, #tpu.memory_space<vmem>>) semaphore(%arg16 : memref<!tpu.dma_semaphore, #tpu.memory_space<semaphore_mem>>)
    %scan3A = arith.constant 0 : i32
    %scan3A_10 = arith.constant 0 : i32
    %scan3A_11 = arith.constant 62 : i32
    %scan3A_12 = arith.addi %scan3A_10, %scan3A_11 : i32
    %scan3A_13 = arith.constant 1 : i32
    scf.for %scan3A_28 = %scan3A_10 to %scan3A_12 step %scan3A_13  : i32 {
      %mul3A_29 = arith.constant 2 : i32
      %mul3A_30 = arith.muli %mul3A_29, %scan3A_28 : i32
      %dma_wait3A_31 = arith.constant 0 : i32
      %dma_wait3A_32 = arith.constant 0 : i32
      %dma_wait3A_33 = tpu.memref_slice %arg2[%dma_wait3A_31, %dma_wait3A_32] : memref<10240x128xf32, #tpu.memory_space<hbm>> -> memref<80x128xf32, #tpu.memory_space<hbm>>
      %dma_wait3A_34 = arith.constant 0 : i32
      %dma_wait3A_35 = arith.constant 0 : i32
      %dma_wait3A_36 = tpu.memref_slice %arg2[%dma_wait3A_34, %dma_wait3A_35] : memref<10240x128xf32, #tpu.memory_space<hbm>> -> memref<80x128xf32, #tpu.memory_space<hbm>>
      tpu.wait_dma2 semaphore(%arg16 : memref<!tpu.dma_semaphore, #tpu.memory_space<semaphore_mem>>) src(%dma_wait3A_36 : memref<80x128xf32, #tpu.memory_space<hbm>>) dst(%arg10 : memref<80x128xf32, #tpu.memory_space<vmem>>)
      %dma_wait3A_37 = arith.constant 0 : i32
      %dma_wait3A_38 = arith.constant 0 : i32
      %dma_wait3A_39 = tpu.memref_slice %arg3[%dma_wait3A_37, %dma_wait3A_38] : memref<10240x256xf32, #tpu.memory_space<hbm>> -> memref<80x256xf32, #tpu.memory_space<hbm>>
      %dma_wait3A_40 = arith.constant 0 : i32
      %dma_wait3A_41 = arith.constant 0 : i32
      %dma_wait3A_42 = tpu.memref_slice %arg3[%dma_wait3A_40, %dma_wait3A_41] : memref<10240x256xf32, #tpu.memory_space<hbm>> -> memref<80x256xf32, #tpu.memory_space<hbm>>
      tpu.wait_dma2 semaphore(%arg16 : memref<!tpu.dma_semaphore, #tpu.memory_space<semaphore_mem>>) src(%dma_wait3A_42 : memref<80x256xf32, #tpu.memory_space<hbm>>) dst(%arg11 : memref<80x256xf32, #tpu.memory_space<vmem>>)
      %add3A_43 = arith.constant 1 : i32
      %add3A_44 = arith.addi %mul3A_30, %add3A_43 : i32
      %mul3A_45 = arith.constant 80 : i32
      %mul3A_46 = arith.muli %add3A_44, %mul3A_45 : i32
      %add3A_47 = arith.addi %mul3A_2, %mul3A_46 : i32
      "tpu.region"() ({
        %run_scoped3A = tpu.sem_alloc : memref<!tpu.dma_semaphore, #tpu.memory_space<semaphore_mem>>
        %dma_start3A_85 = tpu.memref_slice %arg5[%add3A_47] : memref<320000xi32, #tpu.memory_space<hbm>> -> memref<80xi32, #tpu.memory_space<hbm>>
        %dma_start3A_86 = tpu.memref_slice %arg5[%add3A_47] : memref<320000xi32, #tpu.memory_space<hbm>> -> memref<80xi32, #tpu.memory_space<hbm>>
        tpu.enqueue_dma source(%dma_start3A_86 : memref<80xi32, #tpu.memory_space<hbm>>) target(%arg13 : memref<80xi32, #tpu.memory_space<vmem>>) target_semaphore(%run_scoped3A : memref<!tpu.dma_semaphore, #tpu.memory_space<semaphore_mem>>)
        %dma_wait3A_87 = tpu.memref_slice %arg5[%add3A_47] : memref<320000xi32, #tpu.memory_space<hbm>> -> memref<80xi32, #tpu.memory_space<hbm>>
        %dma_wait3A_88 = tpu.memref_slice %arg5[%add3A_47] : memref<320000xi32, #tpu.memory_space<hbm>> -> memref<80xi32, #tpu.memory_space<hbm>>
        tpu.wait_dma2 semaphore(%run_scoped3A : memref<!tpu.dma_semaphore, #tpu.memory_space<semaphore_mem>>) src(%dma_wait3A_88 : memref<80xi32, #tpu.memory_space<hbm>>) dst(%arg13 : memref<80xi32, #tpu.memory_space<vmem>>)
        tpu.yield
      }) : () -> ()
      "tpu.region"() ({
        %run_scoped3A = tpu.sem_alloc : memref<!tpu.dma_semaphore, #tpu.memory_space<semaphore_mem>>
        %dma_start3A_85 = tpu.memref_slice %arg4[%add3A_47] : memref<320000xi32, #tpu.memory_space<hbm>> -> memref<80xi32, #tpu.memory_space<hbm>>
        %dma_start3A_86 = tpu.memref_slice %arg4[%add3A_47] : memref<320000xi32, #tpu.memory_space<hbm>> -> memref<80xi32, #tpu.memory_space<hbm>>
        tpu.enqueue_dma source(%dma_start3A_86 : memref<80xi32, #tpu.memory_space<hbm>>) target(%arg12 : memref<80xi32, #tpu.memory_space<vmem>>) target_semaphore(%run_scoped3A : memref<!tpu.dma_semaphore, #tpu.memory_space<semaphore_mem>>)
        %dma_wait3A_87 = tpu.memref_slice %arg4[%add3A_47] : memref<320000xi32, #tpu.memory_space<hbm>> -> memref<80xi32, #tpu.memory_space<hbm>>
        %dma_wait3A_88 = tpu.memref_slice %arg4[%add3A_47] : memref<320000xi32, #tpu.memory_space<hbm>> -> memref<80xi32, #tpu.memory_space<hbm>>
        tpu.wait_dma2 semaphore(%run_scoped3A : memref<!tpu.dma_semaphore, #tpu.memory_space<semaphore_mem>>) src(%dma_wait3A_88 : memref<80xi32, #tpu.memory_space<hbm>>) dst(%arg12 : memref<80xi32, #tpu.memory_space<vmem>>)
        tpu.yield
      }) : () -> ()
      %dma_start3A_48 = arith.constant 0 : i32
      %dma_start3A_49 = arith.constant 0 : i32
      %dma_start3A_50 = tpu.memref_slice %arg2[%dma_start3A_48, %dma_start3A_49] : memref<10240x128xf32, #tpu.memory_space<hbm>> -> memref<10240x128xf32, #tpu.memory_space<hbm>>
      tpu.enqueue_indirect_dma source(%dma_start3A_50 : memref<10240x128xf32, #tpu.memory_space<hbm>>) target(%arg14 : memref<80x128xf32, #tpu.memory_space<vmem>>) offsets(%arg13 : memref<80xi32, #tpu.memory_space<vmem>>) semaphore(%arg17 : memref<!tpu.dma_semaphore, #tpu.memory_space<semaphore_mem>>)
      %dma_start3A_51 = arith.constant 0 : i32
      %dma_start3A_52 = arith.constant 0 : i32
      %dma_start3A_53 = tpu.memref_slice %arg3[%dma_start3A_51, %dma_start3A_52] : memref<10240x256xf32, #tpu.memory_space<hbm>> -> memref<10240x256xf32, #tpu.memory_space<hbm>>
      tpu.enqueue_indirect_dma source(%dma_start3A_53 : memref<10240x256xf32, #tpu.memory_space<hbm>>) target(%arg15 : memref<80x256xf32, #tpu.memory_space<vmem>>) offsets(%arg12 : memref<80xi32, #tpu.memory_space<vmem>>) semaphore(%arg17 : memref<!tpu.dma_semaphore, #tpu.memory_space<semaphore_mem>>)
      %mul3A_54 = arith.constant 80 : i32
      %mul3A_55 = arith.muli %mul3A_30, %mul3A_54 : i32
      %add3A_56 = arith.addi %mul3A_2, %mul3A_55 : i32
      "tpu.region"() ({
        %run_scoped3A = tpu.sem_alloc : memref<!tpu.dma_semaphore, #tpu.memory_space<semaphore_mem>>
        %dma_start3A_85 = arith.constant 0 : i32
        %dma_start3A_86 = tpu.memref_slice %arg6[%add3A_56, %dma_start3A_85] : memref<320000x128xf32, #tpu.memory_space<hbm>> -> memref<80x128xf32, #tpu.memory_space<hbm>>
        %dma_start3A_87 = arith.constant 0 : i32
        %dma_start3A_88 = tpu.memref_slice %arg6[%add3A_56, %dma_start3A_87] : memref<320000x128xf32, #tpu.memory_space<hbm>> -> memref<80x128xf32, #tpu.memory_space<hbm>>
        tpu.enqueue_dma source(%arg10 : memref<80x128xf32, #tpu.memory_space<vmem>>) target(%dma_start3A_88 : memref<80x128xf32, #tpu.memory_space<hbm>>) target_semaphore(%run_scoped3A : memref<!tpu.dma_semaphore, #tpu.memory_space<semaphore_mem>>)
        %dma_wait3A_89 = arith.constant 0 : i32
        %dma_wait3A_90 = tpu.memref_slice %arg6[%add3A_56, %dma_wait3A_89] : memref<320000x128xf32, #tpu.memory_space<hbm>> -> memref<80x128xf32, #tpu.memory_space<hbm>>
        %dma_wait3A_91 = arith.constant 0 : i32
        %dma_wait3A_92 = tpu.memref_slice %arg6[%add3A_56, %dma_wait3A_91] : memref<320000x128xf32, #tpu.memory_space<hbm>> -> memref<80x128xf32, #tpu.memory_space<hbm>>
        tpu.wait_dma2 semaphore(%run_scoped3A : memref<!tpu.dma_semaphore, #tpu.memory_space<semaphore_mem>>) src(%arg10 : memref<80x128xf32, #tpu.memory_space<vmem>>) dst(%dma_wait3A_92 : memref<80x128xf32, #tpu.memory_space<hbm>>)
        tpu.yield
      }) : () -> ()
      "tpu.region"() ({
        %run_scoped3A = tpu.sem_alloc : memref<!tpu.dma_semaphore, #tpu.memory_space<semaphore_mem>>
        %dma_start3A_85 = arith.constant 0 : i32
        %dma_start3A_86 = tpu.memref_slice %arg7[%add3A_56, %dma_start3A_85] : memref<320000x256xf32, #tpu.memory_space<hbm>> -> memref<80x256xf32, #tpu.memory_space<hbm>>
        %dma_start3A_87 = arith.constant 0 : i32
        %dma_start3A_88 = tpu.memref_slice %arg7[%add3A_56, %dma_start3A_87] : memref<320000x256xf32, #tpu.memory_space<hbm>> -> memref<80x256xf32, #tpu.memory_space<hbm>>
        tpu.enqueue_dma source(%arg11 : memref<80x256xf32, #tpu.memory_space<vmem>>) target(%dma_start3A_88 : memref<80x256xf32, #tpu.memory_space<hbm>>) target_semaphore(%run_scoped3A : memref<!tpu.dma_semaphore, #tpu.memory_space<semaphore_mem>>)
        %dma_wait3A_89 = arith.constant 0 : i32
        %dma_wait3A_90 = tpu.memref_slice %arg7[%add3A_56, %dma_wait3A_89] : memref<320000x256xf32, #tpu.memory_space<hbm>> -> memref<80x256xf32, #tpu.memory_space<hbm>>
        %dma_wait3A_91 = arith.constant 0 : i32
        %dma_wait3A_92 = tpu.memref_slice %arg7[%add3A_56, %dma_wait3A_91] : memref<320000x256xf32, #tpu.memory_space<hbm>> -> memref<80x256xf32, #tpu.memory_space<hbm>>
        tpu.wait_dma2 semaphore(%run_scoped3A : memref<!tpu.dma_semaphore, #tpu.memory_space<semaphore_mem>>) src(%arg11 : memref<80x256xf32, #tpu.memory_space<vmem>>) dst(%dma_wait3A_92 : memref<80x256xf32, #tpu.memory_space<hbm>>)
        tpu.yield
      }) : () -> ()
      %dma_wait3A_57 = arith.constant 0 : i32
      %dma_wait3A_58 = arith.constant 0 : i32
      %dma_wait3A_59 = tpu.memref_slice %arg2[%dma_wait3A_57, %dma_wait3A_58] : memref<10240x128xf32, #tpu.memory_space<hbm>> -> memref<80x128xf32, #tpu.memory_space<hbm>>
      %dma_wait3A_60 = arith.constant 0 : i32
      %dma_wait3A_61 = arith.constant 0 : i32
      %dma_wait3A_62 = tpu.memref_slice %arg2[%dma_wait3A_60, %dma_wait3A_61] : memref<10240x128xf32, #tpu.memory_space<hbm>> -> memref<80x128xf32, #tpu.memory_space<hbm>>
      tpu.wait_dma2 semaphore(%arg17 : memref<!tpu.dma_semaphore, #tpu.memory_space<semaphore_mem>>) src(%dma_wait3A_62 : memref<80x128xf32, #tpu.memory_space<hbm>>) dst(%arg14 : memref<80x128xf32, #tpu.memory_space<vmem>>)
      %dma_wait3A_63 = arith.constant 0 : i32
      %dma_wait3A_64 = arith.constant 0 : i32
      %dma_wait3A_65 = tpu.memref_slice %arg3[%dma_wait3A_63, %dma_wait3A_64] : memref<10240x256xf32, #tpu.memory_space<hbm>> -> memref<80x256xf32, #tpu.memory_space<hbm>>
      %dma_wait3A_66 = arith.constant 0 : i32
      %dma_wait3A_67 = arith.constant 0 : i32
      %dma_wait3A_68 = tpu.memref_slice %arg3[%dma_wait3A_66, %dma_wait3A_67] : memref<10240x256xf32, #tpu.memory_space<hbm>> -> memref<80x256xf32, #tpu.memory_space<hbm>>
      tpu.wait_dma2 semaphore(%arg17 : memref<!tpu.dma_semaphore, #tpu.memory_space<semaphore_mem>>) src(%dma_wait3A_68 : memref<80x256xf32, #tpu.memory_space<hbm>>) dst(%arg15 : memref<80x256xf32, #tpu.memory_space<vmem>>)
      %add3A_69 = arith.constant 2 : i32
      %add3A_70 = arith.addi %mul3A_30, %add3A_69 : i32
      %mul3A_71 = arith.constant 80 : i32
      %mul3A_72 = arith.muli %add3A_70, %mul3A_71 : i32
      %add3A_73 = arith.addi %mul3A_2, %mul3A_72 : i32
      "tpu.region"() ({
        %run_scoped3A = tpu.sem_alloc : memref<!tpu.dma_semaphore, #tpu.memory_space<semaphore_mem>>
        %dma_start3A_85 = tpu.memref_slice %arg5[%add3A_73] : memref<320000xi32, #tpu.memory_space<hbm>> -> memref<80xi32, #tpu.memory_space<hbm>>
        %dma_start3A_86 = tpu.memref_slice %arg5[%add3A_73] : memref<320000xi32, #tpu.memory_space<hbm>> -> memref<80xi32, #tpu.memory_space<hbm>>
        tpu.enqueue_dma source(%dma_start3A_86 : memref<80xi32, #tpu.memory_space<hbm>>) target(%arg9 : memref<80xi32, #tpu.memory_space<vmem>>) target_semaphore(%run_scoped3A : memref<!tpu.dma_semaphore, #tpu.memory_space<semaphore_mem>>)
        %dma_wait3A_87 = tpu.memref_slice %arg5[%add3A_73] : memref<320000xi32, #tpu.memory_space<hbm>> -> memref<80xi32, #tpu.memory_space<hbm>>
        %dma_wait3A_88 = tpu.memref_slice %arg5[%add3A_73] : memref<320000xi32, #tpu.memory_space<hbm>> -> memref<80xi32, #tpu.memory_space<hbm>>
        tpu.wait_dma2 semaphore(%run_scoped3A : memref<!tpu.dma_semaphore, #tpu.memory_space<semaphore_mem>>) src(%dma_wait3A_88 : memref<80xi32, #tpu.memory_space<hbm>>) dst(%arg9 : memref<80xi32, #tpu.memory_space<vmem>>)
        tpu.yield
      }) : () -> ()
      "tpu.region"() ({
        %run_scoped3A = tpu.sem_alloc : memref<!tpu.dma_semaphore, #tpu.memory_space<semaphore_mem>>
        %dma_start3A_85 = tpu.memref_slice %arg4[%add3A_73] : memref<320000xi32, #tpu.memory_space<hbm>> -> memref<80xi32, #tpu.memory_space<hbm>>
        %dma_start3A_86 = tpu.memref_slice %arg4[%add3A_73] : memref<320000xi32, #tpu.memory_space<hbm>> -> memref<80xi32, #tpu.memory_space<hbm>>
        tpu.enqueue_dma source(%dma_start3A_86 : memref<80xi32, #tpu.memory_space<hbm>>) target(%arg8 : memref<80xi32, #tpu.memory_space<vmem>>) target_semaphore(%run_scoped3A : memref<!tpu.dma_semaphore, #tpu.memory_space<semaphore_mem>>)
        %dma_wait3A_87 = tpu.memref_slice %arg4[%add3A_73] : memref<320000xi32, #tpu.memory_space<hbm>> -> memref<80xi32, #tpu.memory_space<hbm>>
        %dma_wait3A_88 = tpu.memref_slice %arg4[%add3A_73] : memref<320000xi32, #tpu.memory_space<hbm>> -> memref<80xi32, #tpu.memory_space<hbm>>
        tpu.wait_dma2 semaphore(%run_scoped3A : memref<!tpu.dma_semaphore, #tpu.memory_space<semaphore_mem>>) src(%dma_wait3A_88 : memref<80xi32, #tpu.memory_space<hbm>>) dst(%arg8 : memref<80xi32, #tpu.memory_space<vmem>>)
        tpu.yield
      }) : () -> ()
      %dma_start3A_74 = arith.constant 0 : i32
      %dma_start3A_75 = arith.constant 0 : i32
      %dma_start3A_76 = tpu.memref_slice %arg2[%dma_start3A_74, %dma_start3A_75] : memref<10240x128xf32, #tpu.memory_space<hbm>> -> memref<10240x128xf32, #tpu.memory_space<hbm>>
      tpu.enqueue_indirect_dma source(%dma_start3A_76 : memref<10240x128xf32, #tpu.memory_space<hbm>>) target(%arg10 : memref<80x128xf32, #tpu.memory_space<vmem>>) offsets(%arg9 : memref<80xi32, #tpu.memory_space<vmem>>) semaphore(%arg16 : memref<!tpu.dma_semaphore, #tpu.memory_space<semaphore_mem>>)
      %dma_start3A_77 = arith.constant 0 : i32
      %dma_start3A_78 = arith.constant 0 : i32
      %dma_start3A_79 = tpu.memref_slice %arg3[%dma_start3A_77, %dma_start3A_78] : memref<10240x256xf32, #tpu.memory_space<hbm>> -> memref<10240x256xf32, #tpu.memory_space<hbm>>
      tpu.enqueue_indirect_dma source(%dma_start3A_79 : memref<10240x256xf32, #tpu.memory_space<hbm>>) target(%arg11 : memref<80x256xf32, #tpu.memory_space<vmem>>) offsets(%arg8 : memref<80xi32, #tpu.memory_space<vmem>>) semaphore(%arg16 : memref<!tpu.dma_semaphore, #tpu.memory_space<semaphore_mem>>)
      %add3A_80 = arith.constant 1 : i32
      %add3A_81 = arith.addi %mul3A_30, %add3A_80 : i32
      %mul3A_82 = arith.constant 80 : i32
      %mul3A_83 = arith.muli %add3A_81, %mul3A_82 : i32
      %add3A_84 = arith.addi %mul3A_2, %mul3A_83 : i32
      "tpu.region"() ({
        %run_scoped3A = tpu.sem_alloc : memref<!tpu.dma_semaphore, #tpu.memory_space<semaphore_mem>>
        %dma_start3A_85 = arith.constant 0 : i32
        %dma_start3A_86 = tpu.memref_slice %arg6[%add3A_84, %dma_start3A_85] : memref<320000x128xf32, #tpu.memory_space<hbm>> -> memref<80x128xf32, #tpu.memory_space<hbm>>
        %dma_start3A_87 = arith.constant 0 : i32
        %dma_start3A_88 = tpu.memref_slice %arg6[%add3A_84, %dma_start3A_87] : memref<320000x128xf32, #tpu.memory_space<hbm>> -> memref<80x128xf32, #tpu.memory_space<hbm>>
        tpu.enqueue_dma source(%arg14 : memref<80x128xf32, #tpu.memory_space<vmem>>) target(%dma_start3A_88 : memref<80x128xf32, #tpu.memory_space<hbm>>) target_semaphore(%run_scoped3A : memref<!tpu.dma_semaphore, #tpu.memory_space<semaphore_mem>>)
        %dma_wait3A_89 = arith.constant 0 : i32
        %dma_wait3A_90 = tpu.memref_slice %arg6[%add3A_84, %dma_wait3A_89] : memref<320000x128xf32, #tpu.memory_space<hbm>> -> memref<80x128xf32, #tpu.memory_space<hbm>>
        %dma_wait3A_91 = arith.constant 0 : i32
        %dma_wait3A_92 = tpu.memref_slice %arg6[%add3A_84, %dma_wait3A_91] : memref<320000x128xf32, #tpu.memory_space<hbm>> -> memref<80x128xf32, #tpu.memory_space<hbm>>
        tpu.wait_dma2 semaphore(%run_scoped3A : memref<!tpu.dma_semaphore, #tpu.memory_space<semaphore_mem>>) src(%arg14 : memref<80x128xf32, #tpu.memory_space<vmem>>) dst(%dma_wait3A_92 : memref<80x128xf32, #tpu.memory_space<hbm>>)
        tpu.yield
      }) : () -> ()
      "tpu.region"() ({
        %run_scoped3A = tpu.sem_alloc : memref<!tpu.dma_semaphore, #tpu.memory_space<semaphore_mem>>
        %dma_start3A_85 = arith.constant 0 : i32
        %dma_start3A_86 = tpu.memref_slice %arg7[%add3A_84, %dma_start3A_85] : memref<320000x256xf32, #tpu.memory_space<hbm>> -> memref<80x256xf32, #tpu.memory_space<hbm>>
        %dma_start3A_87 = arith.constant 0 : i32
        %dma_start3A_88 = tpu.memref_slice %arg7[%add3A_84, %dma_start3A_87] : memref<320000x256xf32, #tpu.memory_space<hbm>> -> memref<80x256xf32, #tpu.memory_space<hbm>>
        tpu.enqueue_dma source(%arg15 : memref<80x256xf32, #tpu.memory_space<vmem>>) target(%dma_start3A_88 : memref<80x256xf32, #tpu.memory_space<hbm>>) target_semaphore(%run_scoped3A : memref<!tpu.dma_semaphore, #tpu.memory_space<semaphore_mem>>)
        %dma_wait3A_89 = arith.constant 0 : i32
        %dma_wait3A_90 = tpu.memref_slice %arg7[%add3A_84, %dma_wait3A_89] : memref<320000x256xf32, #tpu.memory_space<hbm>> -> memref<80x256xf32, #tpu.memory_space<hbm>>
        %dma_wait3A_91 = arith.constant 0 : i32
        %dma_wait3A_92 = tpu.memref_slice %arg7[%add3A_84, %dma_wait3A_91] : memref<320000x256xf32, #tpu.memory_space<hbm>> -> memref<80x256xf32, #tpu.memory_space<hbm>>
        tpu.wait_dma2 semaphore(%run_scoped3A : memref<!tpu.dma_semaphore, #tpu.memory_space<semaphore_mem>>) src(%arg15 : memref<80x256xf32, #tpu.memory_space<vmem>>) dst(%dma_wait3A_92 : memref<80x256xf32, #tpu.memory_space<hbm>>)
        tpu.yield
      }) : () -> ()
    }
    %scan3A_14 = arith.constant 62 : i32
    %dma_wait3A = arith.constant 0 : i32
    %dma_wait3A_15 = arith.constant 0 : i32
    %dma_wait3A_16 = tpu.memref_slice %arg2[%dma_wait3A, %dma_wait3A_15] : memref<10240x128xf32, #tpu.memory_space<hbm>> -> memref<80x128xf32, #tpu.memory_space<hbm>>
    %dma_wait3A_17 = arith.constant 0 : i32
    %dma_wait3A_18 = arith.constant 0 : i32
    %dma_wait3A_19 = tpu.memref_slice %arg2[%dma_wait3A_17, %dma_wait3A_18] : memref<10240x128xf32, #tpu.memory_space<hbm>> -> memref<80x128xf32, #tpu.memory_space<hbm>>
    tpu.wait_dma2 semaphore(%arg16 : memref<!tpu.dma_semaphore, #tpu.memory_space<semaphore_mem>>) src(%dma_wait3A_19 : memref<80x128xf32, #tpu.memory_space<hbm>>) dst(%arg10 : memref<80x128xf32, #tpu.memory_space<vmem>>)
    %dma_wait3A_20 = arith.constant 0 : i32
    %dma_wait3A_21 = arith.constant 0 : i32
    %dma_wait3A_22 = tpu.memref_slice %arg3[%dma_wait3A_20, %dma_wait3A_21] : memref<10240x256xf32, #tpu.memory_space<hbm>> -> memref<80x256xf32, #tpu.memory_space<hbm>>
    %dma_wait3A_23 = arith.constant 0 : i32
    %dma_wait3A_24 = arith.constant 0 : i32
    %dma_wait3A_25 = tpu.memref_slice %arg3[%dma_wait3A_23, %dma_wait3A_24] : memref<10240x256xf32, #tpu.memory_space<hbm>> -> memref<80x256xf32, #tpu.memory_space<hbm>>
    tpu.wait_dma2 semaphore(%arg16 : memref<!tpu.dma_semaphore, #tpu.memory_space<semaphore_mem>>) src(%dma_wait3A_25 : memref<80x256xf32, #tpu.memory_space<hbm>>) dst(%arg11 : memref<80x256xf32, #tpu.memory_space<vmem>>)
    %add3A_26 = arith.constant 9920 : i32
    %add3A_27 = arith.addi %mul3A_2, %add3A_26 : i32
    "tpu.region"() ({
      %run_scoped3A = tpu.sem_alloc : memref<!tpu.dma_semaphore, #tpu.memory_space<semaphore_mem>>
      %dma_start3A_28 = arith.constant 0 : i32
      %dma_start3A_29 = tpu.memref_slice %arg6[%add3A_27, %dma_start3A_28] : memref<320000x128xf32, #tpu.memory_space<hbm>> -> memref<80x128xf32, #tpu.memory_space<hbm>>
      %dma_start3A_30 = arith.constant 0 : i32
      %dma_start3A_31 = tpu.memref_slice %arg6[%add3A_27, %dma_start3A_30] : memref<320000x128xf32, #tpu.memory_space<hbm>> -> memref<80x128xf32, #tpu.memory_space<hbm>>
      tpu.enqueue_dma source(%arg10 : memref<80x128xf32, #tpu.memory_space<vmem>>) target(%dma_start3A_31 : memref<80x128xf32, #tpu.memory_space<hbm>>) target_semaphore(%run_scoped3A : memref<!tpu.dma_semaphore, #tpu.memory_space<semaphore_mem>>)
      %dma_wait3A_32 = arith.constant 0 : i32
      %dma_wait3A_33 = tpu.memref_slice %arg6[%add3A_27, %dma_wait3A_32] : memref<320000x128xf32, #tpu.memory_space<hbm>> -> memref<80x128xf32, #tpu.memory_space<hbm>>
      %dma_wait3A_34 = arith.constant 0 : i32
      %dma_wait3A_35 = tpu.memref_slice %arg6[%add3A_27, %dma_wait3A_34] : memref<320000x128xf32, #tpu.memory_space<hbm>> -> memref<80x128xf32, #tpu.memory_space<hbm>>
      tpu.wait_dma2 semaphore(%run_scoped3A : memref<!tpu.dma_semaphore, #tpu.memory_space<semaphore_mem>>) src(%arg10 : memref<80x128xf32, #tpu.memory_space<vmem>>) dst(%dma_wait3A_35 : memref<80x128xf32, #tpu.memory_space<hbm>>)
      tpu.yield
    }) : () -> ()
    "tpu.region"() ({
      %run_scoped3A = tpu.sem_alloc : memref<!tpu.dma_semaphore, #tpu.memory_space<semaphore_mem>>
      %dma_start3A_28 = arith.constant 0 : i32
      %dma_start3A_29 = tpu.memref_slice %arg7[%add3A_27, %dma_start3A_28] : memref<320000x256xf32, #tpu.memory_space<hbm>> -> memref<80x256xf32, #tpu.memory_space<hbm>>
      %dma_start3A_30 = arith.constant 0 : i32
      %dma_start3A_31 = tpu.memref_slice %arg7[%add3A_27, %dma_start3A_30] : memref<320000x256xf32, #tpu.memory_space<hbm>> -> memref<80x256xf32, #tpu.memory_space<hbm>>
      tpu.enqueue_dma source(%arg11 : memref<80x256xf32, #tpu.memory_space<vmem>>) target(%dma_start3A_31 : memref<80x256xf32, #tpu.memory_space<hbm>>) target_semaphore(%run_scoped3A : memref<!tpu.dma_semaphore, #tpu.memory_space<semaphore_mem>>)
      %dma_wait3A_32 = arith.constant 0 : i32
      %dma_wait3A_33 = tpu.memref_slice %arg7[%add3A_27, %dma_wait3A_32] : memref<320000x256xf32, #tpu.memory_space<hbm>> -> memref<80x256xf32, #tpu.memory_space<hbm>>
      %dma_wait3A_34 = arith.constant 0 : i32
      %dma_wait3A_35 = tpu.memref_slice %arg7[%add3A_27, %dma_wait3A_34] : memref<320000x256xf32, #tpu.memory_space<hbm>> -> memref<80x256xf32, #tpu.memory_space<hbm>>
      tpu.wait_dma2 semaphore(%run_scoped3A : memref<!tpu.dma_semaphore, #tpu.memory_space<semaphore_mem>>) src(%arg11 : memref<80x256xf32, #tpu.memory_space<vmem>>) dst(%dma_wait3A_35 : memref<80x256xf32, #tpu.memory_space<hbm>>)
      tpu.yield
    }) : () -> ()
    return
  }
}

#map = affine_map<(d0, d1) -> (0, 0)>
#map1 = affine_map<(d0, d1) -> (0)>
module attributes {stable_mosaic.version = 14 : i64} {
  func.func @k(%arg0: i32, %arg1: i32, %arg2: memref<320000x128xf32, #tpu.memory_space<hbm>>, %arg3: memref<320000x128xf32, #tpu.memory_space<hbm>>, %arg4: memref<320000xi32, #tpu.memory_space<hbm>>, %arg5: memref<320000xi32, #tpu.memory_space<hbm>>, %arg6: memref<640x128xf32, #tpu.memory_space<hbm>>, %arg7: memref<8x128xf32, #tpu.memory_space<hbm>>, %arg8: memref<10240x128xf32, #tpu.memory_space<hbm>>, %arg9: memref<10240x128xf32, #tpu.memory_space<hbm>>, %arg10: memref<80x128xf32, #tpu.memory_space<hbm>>, %arg11: memref<80x128xf32, #tpu.memory_space<hbm>>, %arg12: memref<10240x128xf32, #tpu.memory_space<vmem_shared>>, %arg13: memref<80x128xf32, #tpu.memory_space<vmem_shared>>, %arg14: memref<80xi32, #tpu.memory_space<vmem>>, %arg15: memref<80xi32, #tpu.memory_space<vmem>>, %arg16: memref<80x128xf32, #tpu.memory_space<vmem>>, %arg17: memref<80x128xf32, #tpu.memory_space<vmem>>, %arg18: memref<80xi32, #tpu.memory_space<vmem>>, %arg19: memref<80xi32, #tpu.memory_space<vmem>>, %arg20: memref<80x128xf32, #tpu.memory_space<vmem>>, %arg21: memref<80x128xf32, #tpu.memory_space<vmem>>, %arg22: memref<!tpu.dma_semaphore, #tpu.memory_space<semaphore_mem>>, %arg23: memref<!tpu.dma_semaphore, #tpu.memory_space<semaphore_mem>>) attributes {dimension_semantics = [#tpu.dimension_semantics<core_parallel>, #tpu.dimension_semantics<subcore_parallel>], iteration_bounds = array<i64: 2, 16>, scalar_prefetch = 0 : i64, scratch_operands = 12 : i64, tpu.core_type = #tpu.core_type<sc_vector_subcore>, window_params = [{transform_indices = #map}, {transform_indices = #map}, {transform_indices = #map1}, {transform_indices = #map1}, {transform_indices = #map}, {transform_indices = #map}, {transform_indices = #map}, {transform_indices = #map}, {transform_indices = #map}, {transform_indices = #map}]} {
    %mul3A = arith.constant 640 : i32
    %mul3A_0 = arith.muli %arg1, %mul3A : i32
    "tpu.region"() ({
      %run_scoped3A = tpu.sem_alloc : memref<!tpu.dma_semaphore, #tpu.memory_space<semaphore_mem>>
      %dma_start3A_42 = arith.constant 0 : i32
      %dma_start3A_43 = tpu.memref_slice %arg12[%mul3A_0, %dma_start3A_42] : memref<10240x128xf32, #tpu.memory_space<vmem_shared>> -> memref<640x128xf32, #tpu.memory_space<vmem_shared>>
      tpu.enqueue_dma source(%arg6 : memref<640x128xf32, #tpu.memory_space<hbm>>) target(%dma_start3A_43 : memref<640x128xf32, #tpu.memory_space<vmem_shared>>) target_semaphore(%run_scoped3A : memref<!tpu.dma_semaphore, #tpu.memory_space<semaphore_mem>>)
      %dma_wait3A_44 = arith.constant 0 : i32
      %dma_wait3A_45 = tpu.memref_slice %arg12[%mul3A_0, %dma_wait3A_44] : memref<10240x128xf32, #tpu.memory_space<vmem_shared>> -> memref<640x128xf32, #tpu.memory_space<vmem_shared>>
      tpu.wait_dma2 semaphore(%run_scoped3A : memref<!tpu.dma_semaphore, #tpu.memory_space<semaphore_mem>>) src(%arg6 : memref<640x128xf32, #tpu.memory_space<hbm>>) dst(%dma_wait3A_45 : memref<640x128xf32, #tpu.memory_space<vmem_shared>>)
      tpu.yield
    }) : () -> ()
    %lt3A = arith.constant 10 : i32
    %lt3A_1 = arith.cmpi slt, %arg1, %lt3A : i32
    %convert_element_type3A = arith.extui %lt3A_1 : i1 to i32
    %cond3A = arith.constant 0 : i32
    %cond3A_2 = arith.cmpi ne, %convert_element_type3A, %cond3A : i32
    scf.if %cond3A_2 {
      %mul3A_42 = arith.constant 8 : i32
      %mul3A_43 = arith.muli %arg1, %mul3A_42 : i32
      "tpu.region"() ({
        %run_scoped3A = tpu.sem_alloc : memref<!tpu.dma_semaphore, #tpu.memory_space<semaphore_mem>>
        %dma_start3A_44 = arith.constant 0 : i32
        %dma_start3A_45 = tpu.memref_slice %arg13[%mul3A_43, %dma_start3A_44] : memref<80x128xf32, #tpu.memory_space<vmem_shared>> -> memref<8x128xf32, #tpu.memory_space<vmem_shared>>
        tpu.enqueue_dma source(%arg7 : memref<8x128xf32, #tpu.memory_space<hbm>>) target(%dma_start3A_45 : memref<8x128xf32, #tpu.memory_space<vmem_shared>>) target_semaphore(%run_scoped3A : memref<!tpu.dma_semaphore, #tpu.memory_space<semaphore_mem>>)
        %dma_wait3A_46 = arith.constant 0 : i32
        %dma_wait3A_47 = tpu.memref_slice %arg13[%mul3A_43, %dma_wait3A_46] : memref<80x128xf32, #tpu.memory_space<vmem_shared>> -> memref<8x128xf32, #tpu.memory_space<vmem_shared>>
        tpu.wait_dma2 semaphore(%run_scoped3A : memref<!tpu.dma_semaphore, #tpu.memory_space<semaphore_mem>>) src(%arg7 : memref<8x128xf32, #tpu.memory_space<hbm>>) dst(%dma_wait3A_47 : memref<8x128xf32, #tpu.memory_space<vmem_shared>>)
        tpu.yield
      }) : () -> ()
    } else {
    }
    %barrier3A = arith.constant 0 : index
    tpu.barrier barrier_id(%barrier3A)
    %mul3A_3 = arith.constant 160000 : i32
    %mul3A_4 = arith.muli %arg0, %mul3A_3 : i32
    %mul3A_5 = arith.constant 10000 : i32
    %mul3A_6 = arith.muli %arg1, %mul3A_5 : i32
    %add3A = arith.addi %mul3A_4, %mul3A_6 : i32
    %add3A_7 = arith.constant 0 : i32
    %add3A_8 = arith.addi %add3A, %add3A_7 : i32
    "tpu.region"() ({
      %run_scoped3A = tpu.sem_alloc : memref<!tpu.dma_semaphore, #tpu.memory_space<semaphore_mem>>
      %dma_start3A_42 = tpu.memref_slice %arg4[%add3A_8] : memref<320000xi32, #tpu.memory_space<hbm>> -> memref<80xi32, #tpu.memory_space<hbm>>
      %dma_start3A_43 = tpu.memref_slice %arg4[%add3A_8] : memref<320000xi32, #tpu.memory_space<hbm>> -> memref<80xi32, #tpu.memory_space<hbm>>
      tpu.enqueue_dma source(%dma_start3A_43 : memref<80xi32, #tpu.memory_space<hbm>>) target(%arg14 : memref<80xi32, #tpu.memory_space<vmem>>) target_semaphore(%run_scoped3A : memref<!tpu.dma_semaphore, #tpu.memory_space<semaphore_mem>>)
      %dma_wait3A_44 = tpu.memref_slice %arg4[%add3A_8] : memref<320000xi32, #tpu.memory_space<hbm>> -> memref<80xi32, #tpu.memory_space<hbm>>
      %dma_wait3A_45 = tpu.memref_slice %arg4[%add3A_8] : memref<320000xi32, #tpu.memory_space<hbm>> -> memref<80xi32, #tpu.memory_space<hbm>>
      tpu.wait_dma2 semaphore(%run_scoped3A : memref<!tpu.dma_semaphore, #tpu.memory_space<semaphore_mem>>) src(%dma_wait3A_45 : memref<80xi32, #tpu.memory_space<hbm>>) dst(%arg14 : memref<80xi32, #tpu.memory_space<vmem>>)
      tpu.yield
    }) : () -> ()
    "tpu.region"() ({
      %run_scoped3A = tpu.sem_alloc : memref<!tpu.dma_semaphore, #tpu.memory_space<semaphore_mem>>
      %dma_start3A_42 = tpu.memref_slice %arg5[%add3A_8] : memref<320000xi32, #tpu.memory_space<hbm>> -> memref<80xi32, #tpu.memory_space<hbm>>
      %dma_start3A_43 = tpu.memref_slice %arg5[%add3A_8] : memref<320000xi32, #tpu.memory_space<hbm>> -> memref<80xi32, #tpu.memory_space<hbm>>
      tpu.enqueue_dma source(%dma_start3A_43 : memref<80xi32, #tpu.memory_space<hbm>>) target(%arg15 : memref<80xi32, #tpu.memory_space<vmem>>) target_semaphore(%run_scoped3A : memref<!tpu.dma_semaphore, #tpu.memory_space<semaphore_mem>>)
      %dma_wait3A_44 = tpu.memref_slice %arg5[%add3A_8] : memref<320000xi32, #tpu.memory_space<hbm>> -> memref<80xi32, #tpu.memory_space<hbm>>
      %dma_wait3A_45 = tpu.memref_slice %arg5[%add3A_8] : memref<320000xi32, #tpu.memory_space<hbm>> -> memref<80xi32, #tpu.memory_space<hbm>>
      tpu.wait_dma2 semaphore(%run_scoped3A : memref<!tpu.dma_semaphore, #tpu.memory_space<semaphore_mem>>) src(%dma_wait3A_45 : memref<80xi32, #tpu.memory_space<hbm>>) dst(%arg15 : memref<80xi32, #tpu.memory_space<vmem>>)
      tpu.yield
    }) : () -> ()
    %dma_start3A = arith.constant 0 : i32
    %dma_start3A_9 = tpu.memref_slice %arg2[%add3A_8, %dma_start3A] : memref<320000x128xf32, #tpu.memory_space<hbm>> -> memref<80x128xf32, #tpu.memory_space<hbm>>
    %dma_start3A_10 = arith.constant 0 : i32
    %dma_start3A_11 = tpu.memref_slice %arg2[%add3A_8, %dma_start3A_10] : memref<320000x128xf32, #tpu.memory_space<hbm>> -> memref<80x128xf32, #tpu.memory_space<hbm>>
    tpu.enqueue_dma source(%dma_start3A_11 : memref<80x128xf32, #tpu.memory_space<hbm>>) target(%arg16 : memref<80x128xf32, #tpu.memory_space<vmem>>) target_semaphore(%arg22 : memref<!tpu.dma_semaphore, #tpu.memory_space<semaphore_mem>>)
    %dma_start3A_12 = arith.constant 0 : i32
    %dma_start3A_13 = tpu.memref_slice %arg3[%add3A_8, %dma_start3A_12] : memref<320000x128xf32, #tpu.memory_space<hbm>> -> memref<80x128xf32, #tpu.memory_space<hbm>>
    %dma_start3A_14 = arith.constant 0 : i32
    %dma_start3A_15 = tpu.memref_slice %arg3[%add3A_8, %dma_start3A_14] : memref<320000x128xf32, #tpu.memory_space<hbm>> -> memref<80x128xf32, #tpu.memory_space<hbm>>
    tpu.enqueue_dma source(%dma_start3A_15 : memref<80x128xf32, #tpu.memory_space<hbm>>) target(%arg17 : memref<80x128xf32, #tpu.memory_space<vmem>>) target_semaphore(%arg22 : memref<!tpu.dma_semaphore, #tpu.memory_space<semaphore_mem>>)
    %scan3A = arith.constant 0 : i32
    %scan3A_16 = arith.constant 0 : i32
    %scan3A_17 = arith.constant 62 : i32
    %scan3A_18 = arith.addi %scan3A_16, %scan3A_17 : i32
    %scan3A_19 = arith.constant 1 : i32
    scf.for %scan3A_42 = %scan3A_16 to %scan3A_18 step %scan3A_19  : i32 {
      %mul3A_43 = arith.constant 2 : i32
      %mul3A_44 = arith.muli %mul3A_43, %scan3A_42 : i32
      %dma_wait3A_45 = arith.constant 0 : i32
      %dma_wait3A_46 = arith.constant 0 : i32
      %dma_wait3A_47 = tpu.memref_slice %arg2[%dma_wait3A_45, %dma_wait3A_46] : memref<320000x128xf32, #tpu.memory_space<hbm>> -> memref<80x128xf32, #tpu.memory_space<hbm>>
      %dma_wait3A_48 = arith.constant 0 : i32
      %dma_wait3A_49 = arith.constant 0 : i32
      %dma_wait3A_50 = tpu.memref_slice %arg2[%dma_wait3A_48, %dma_wait3A_49] : memref<320000x128xf32, #tpu.memory_space<hbm>> -> memref<80x128xf32, #tpu.memory_space<hbm>>
      tpu.wait_dma2 semaphore(%arg22 : memref<!tpu.dma_semaphore, #tpu.memory_space<semaphore_mem>>) src(%dma_wait3A_50 : memref<80x128xf32, #tpu.memory_space<hbm>>) dst(%arg16 : memref<80x128xf32, #tpu.memory_space<vmem>>)
      %dma_wait3A_51 = arith.constant 0 : i32
      %dma_wait3A_52 = arith.constant 0 : i32
      %dma_wait3A_53 = tpu.memref_slice %arg3[%dma_wait3A_51, %dma_wait3A_52] : memref<320000x128xf32, #tpu.memory_space<hbm>> -> memref<80x128xf32, #tpu.memory_space<hbm>>
      %dma_wait3A_54 = arith.constant 0 : i32
      %dma_wait3A_55 = arith.constant 0 : i32
      %dma_wait3A_56 = tpu.memref_slice %arg3[%dma_wait3A_54, %dma_wait3A_55] : memref<320000x128xf32, #tpu.memory_space<hbm>> -> memref<80x128xf32, #tpu.memory_space<hbm>>
      tpu.wait_dma2 semaphore(%arg22 : memref<!tpu.dma_semaphore, #tpu.memory_space<semaphore_mem>>) src(%dma_wait3A_56 : memref<80x128xf32, #tpu.memory_space<hbm>>) dst(%arg17 : memref<80x128xf32, #tpu.memory_space<vmem>>)
      %add3A_57 = arith.constant 1 : i32
      %add3A_58 = arith.addi %mul3A_44, %add3A_57 : i32
      %mul3A_59 = arith.constant 80 : i32
      %mul3A_60 = arith.muli %add3A_58, %mul3A_59 : i32
      %add3A_61 = arith.addi %add3A, %mul3A_60 : i32
      "tpu.region"() ({
        %run_scoped3A = tpu.sem_alloc : memref<!tpu.dma_semaphore, #tpu.memory_space<semaphore_mem>>
        %dma_start3A_95 = tpu.memref_slice %arg4[%add3A_61] : memref<320000xi32, #tpu.memory_space<hbm>> -> memref<80xi32, #tpu.memory_space<hbm>>
        %dma_start3A_96 = tpu.memref_slice %arg4[%add3A_61] : memref<320000xi32, #tpu.memory_space<hbm>> -> memref<80xi32, #tpu.memory_space<hbm>>
        tpu.enqueue_dma source(%dma_start3A_96 : memref<80xi32, #tpu.memory_space<hbm>>) target(%arg18 : memref<80xi32, #tpu.memory_space<vmem>>) target_semaphore(%run_scoped3A : memref<!tpu.dma_semaphore, #tpu.memory_space<semaphore_mem>>)
        %dma_wait3A_97 = tpu.memref_slice %arg4[%add3A_61] : memref<320000xi32, #tpu.memory_space<hbm>> -> memref<80xi32, #tpu.memory_space<hbm>>
        %dma_wait3A_98 = tpu.memref_slice %arg4[%add3A_61] : memref<320000xi32, #tpu.memory_space<hbm>> -> memref<80xi32, #tpu.memory_space<hbm>>
        tpu.wait_dma2 semaphore(%run_scoped3A : memref<!tpu.dma_semaphore, #tpu.memory_space<semaphore_mem>>) src(%dma_wait3A_98 : memref<80xi32, #tpu.memory_space<hbm>>) dst(%arg18 : memref<80xi32, #tpu.memory_space<vmem>>)
        tpu.yield
      }) : () -> ()
      "tpu.region"() ({
        %run_scoped3A = tpu.sem_alloc : memref<!tpu.dma_semaphore, #tpu.memory_space<semaphore_mem>>
        %dma_start3A_95 = tpu.memref_slice %arg5[%add3A_61] : memref<320000xi32, #tpu.memory_space<hbm>> -> memref<80xi32, #tpu.memory_space<hbm>>
        %dma_start3A_96 = tpu.memref_slice %arg5[%add3A_61] : memref<320000xi32, #tpu.memory_space<hbm>> -> memref<80xi32, #tpu.memory_space<hbm>>
        tpu.enqueue_dma source(%dma_start3A_96 : memref<80xi32, #tpu.memory_space<hbm>>) target(%arg19 : memref<80xi32, #tpu.memory_space<vmem>>) target_semaphore(%run_scoped3A : memref<!tpu.dma_semaphore, #tpu.memory_space<semaphore_mem>>)
        %dma_wait3A_97 = tpu.memref_slice %arg5[%add3A_61] : memref<320000xi32, #tpu.memory_space<hbm>> -> memref<80xi32, #tpu.memory_space<hbm>>
        %dma_wait3A_98 = tpu.memref_slice %arg5[%add3A_61] : memref<320000xi32, #tpu.memory_space<hbm>> -> memref<80xi32, #tpu.memory_space<hbm>>
        tpu.wait_dma2 semaphore(%run_scoped3A : memref<!tpu.dma_semaphore, #tpu.memory_space<semaphore_mem>>) src(%dma_wait3A_98 : memref<80xi32, #tpu.memory_space<hbm>>) dst(%arg19 : memref<80xi32, #tpu.memory_space<vmem>>)
        tpu.yield
      }) : () -> ()
      %dma_start3A_62 = arith.constant 0 : i32
      %dma_start3A_63 = tpu.memref_slice %arg2[%add3A_61, %dma_start3A_62] : memref<320000x128xf32, #tpu.memory_space<hbm>> -> memref<80x128xf32, #tpu.memory_space<hbm>>
      %dma_start3A_64 = arith.constant 0 : i32
      %dma_start3A_65 = tpu.memref_slice %arg2[%add3A_61, %dma_start3A_64] : memref<320000x128xf32, #tpu.memory_space<hbm>> -> memref<80x128xf32, #tpu.memory_space<hbm>>
      tpu.enqueue_dma source(%dma_start3A_65 : memref<80x128xf32, #tpu.memory_space<hbm>>) target(%arg20 : memref<80x128xf32, #tpu.memory_space<vmem>>) target_semaphore(%arg23 : memref<!tpu.dma_semaphore, #tpu.memory_space<semaphore_mem>>)
      %dma_start3A_66 = arith.constant 0 : i32
      %dma_start3A_67 = tpu.memref_slice %arg3[%add3A_61, %dma_start3A_66] : memref<320000x128xf32, #tpu.memory_space<hbm>> -> memref<80x128xf32, #tpu.memory_space<hbm>>
      %dma_start3A_68 = arith.constant 0 : i32
      %dma_start3A_69 = tpu.memref_slice %arg3[%add3A_61, %dma_start3A_68] : memref<320000x128xf32, #tpu.memory_space<hbm>> -> memref<80x128xf32, #tpu.memory_space<hbm>>
      tpu.enqueue_dma source(%dma_start3A_69 : memref<80x128xf32, #tpu.memory_space<hbm>>) target(%arg21 : memref<80x128xf32, #tpu.memory_space<vmem>>) target_semaphore(%arg23 : memref<!tpu.dma_semaphore, #tpu.memory_space<semaphore_mem>>)
      "tpu.region"() ({
        %run_scoped3A = tpu.sem_alloc : memref<!tpu.dma_semaphore, #tpu.memory_space<semaphore_mem>>
        %dma_start3A_95 = arith.constant 0 : i32
        %dma_start3A_96 = arith.constant 0 : i32
        %dma_start3A_97 = tpu.memref_slice %arg12[%dma_start3A_95, %dma_start3A_96] : memref<10240x128xf32, #tpu.memory_space<vmem_shared>> -> memref<10240x128xf32, #tpu.memory_space<vmem_shared>>
        tpu.enqueue_indirect_dma source(%arg16 : memref<80x128xf32, #tpu.memory_space<vmem>>) target(%dma_start3A_97 : memref<10240x128xf32, #tpu.memory_space<vmem_shared>>) offsets(%arg14 : memref<80xi32, #tpu.memory_space<vmem>>) semaphore(%run_scoped3A : memref<!tpu.dma_semaphore, #tpu.memory_space<semaphore_mem>>) {add = true}
        %dma_wait3A_98 = arith.constant 0 : i32
        %dma_wait3A_99 = arith.constant 0 : i32
        %dma_wait3A_100 = tpu.memref_slice %arg12[%dma_wait3A_98, %dma_wait3A_99] : memref<10240x128xf32, #tpu.memory_space<vmem_shared>> -> memref<10240x128xf32, #tpu.memory_space<vmem_shared>>
        tpu.wait_indirect_dma semaphore(%run_scoped3A : memref<!tpu.dma_semaphore, #tpu.memory_space<semaphore_mem>>) src(%arg16 : memref<80x128xf32, #tpu.memory_space<vmem>>) dst(%dma_wait3A_100 : memref<10240x128xf32, #tpu.memory_space<vmem_shared>>)
        tpu.yield
      }) : () -> ()
      "tpu.region"() ({
        %run_scoped3A = tpu.sem_alloc : memref<!tpu.dma_semaphore, #tpu.memory_space<semaphore_mem>>
        %dma_start3A_95 = arith.constant 0 : i32
        %dma_start3A_96 = arith.constant 0 : i32
        %dma_start3A_97 = tpu.memref_slice %arg13[%dma_start3A_95, %dma_start3A_96] : memref<80x128xf32, #tpu.memory_space<vmem_shared>> -> memref<80x128xf32, #tpu.memory_space<vmem_shared>>
        tpu.enqueue_indirect_dma source(%arg17 : memref<80x128xf32, #tpu.memory_space<vmem>>) target(%dma_start3A_97 : memref<80x128xf32, #tpu.memory_space<vmem_shared>>) offsets(%arg15 : memref<80xi32, #tpu.memory_space<vmem>>) semaphore(%run_scoped3A : memref<!tpu.dma_semaphore, #tpu.memory_space<semaphore_mem>>) {add = true}
        %dma_wait3A_98 = arith.constant 0 : i32
        %dma_wait3A_99 = arith.constant 0 : i32
        %dma_wait3A_100 = tpu.memref_slice %arg13[%dma_wait3A_98, %dma_wait3A_99] : memref<80x128xf32, #tpu.memory_space<vmem_shared>> -> memref<80x128xf32, #tpu.memory_space<vmem_shared>>
        tpu.wait_indirect_dma semaphore(%run_scoped3A : memref<!tpu.dma_semaphore, #tpu.memory_space<semaphore_mem>>) src(%arg17 : memref<80x128xf32, #tpu.memory_space<vmem>>) dst(%dma_wait3A_100 : memref<80x128xf32, #tpu.memory_space<vmem_shared>>)
        tpu.yield
      }) : () -> ()
      %dma_wait3A_70 = arith.constant 0 : i32
      %dma_wait3A_71 = arith.constant 0 : i32
      %dma_wait3A_72 = tpu.memref_slice %arg2[%dma_wait3A_70, %dma_wait3A_71] : memref<320000x128xf32, #tpu.memory_space<hbm>> -> memref<80x128xf32, #tpu.memory_space<hbm>>
      %dma_wait3A_73 = arith.constant 0 : i32
      %dma_wait3A_74 = arith.constant 0 : i32
      %dma_wait3A_75 = tpu.memref_slice %arg2[%dma_wait3A_73, %dma_wait3A_74] : memref<320000x128xf32, #tpu.memory_space<hbm>> -> memref<80x128xf32, #tpu.memory_space<hbm>>
      tpu.wait_dma2 semaphore(%arg23 : memref<!tpu.dma_semaphore, #tpu.memory_space<semaphore_mem>>) src(%dma_wait3A_75 : memref<80x128xf32, #tpu.memory_space<hbm>>) dst(%arg20 : memref<80x128xf32, #tpu.memory_space<vmem>>)
      %dma_wait3A_76 = arith.constant 0 : i32
      %dma_wait3A_77 = arith.constant 0 : i32
      %dma_wait3A_78 = tpu.memref_slice %arg3[%dma_wait3A_76, %dma_wait3A_77] : memref<320000x128xf32, #tpu.memory_space<hbm>> -> memref<80x128xf32, #tpu.memory_space<hbm>>
      %dma_wait3A_79 = arith.constant 0 : i32
      %dma_wait3A_80 = arith.constant 0 : i32
      %dma_wait3A_81 = tpu.memref_slice %arg3[%dma_wait3A_79, %dma_wait3A_80] : memref<320000x128xf32, #tpu.memory_space<hbm>> -> memref<80x128xf32, #tpu.memory_space<hbm>>
      tpu.wait_dma2 semaphore(%arg23 : memref<!tpu.dma_semaphore, #tpu.memory_space<semaphore_mem>>) src(%dma_wait3A_81 : memref<80x128xf32, #tpu.memory_space<hbm>>) dst(%arg21 : memref<80x128xf32, #tpu.memory_space<vmem>>)
      %add3A_82 = arith.constant 2 : i32
      %add3A_83 = arith.addi %mul3A_44, %add3A_82 : i32
      %mul3A_84 = arith.constant 80 : i32
      %mul3A_85 = arith.muli %add3A_83, %mul3A_84 : i32
      %add3A_86 = arith.addi %add3A, %mul3A_85 : i32
      "tpu.region"() ({
        %run_scoped3A = tpu.sem_alloc : memref<!tpu.dma_semaphore, #tpu.memory_space<semaphore_mem>>
        %dma_start3A_95 = tpu.memref_slice %arg4[%add3A_86] : memref<320000xi32, #tpu.memory_space<hbm>> -> memref<80xi32, #tpu.memory_space<hbm>>
        %dma_start3A_96 = tpu.memref_slice %arg4[%add3A_86] : memref<320000xi32, #tpu.memory_space<hbm>> -> memref<80xi32, #tpu.memory_space<hbm>>
        tpu.enqueue_dma source(%dma_start3A_96 : memref<80xi32, #tpu.memory_space<hbm>>) target(%arg14 : memref<80xi32, #tpu.memory_space<vmem>>) target_semaphore(%run_scoped3A : memref<!tpu.dma_semaphore, #tpu.memory_space<semaphore_mem>>)
        %dma_wait3A_97 = tpu.memref_slice %arg4[%add3A_86] : memref<320000xi32, #tpu.memory_space<hbm>> -> memref<80xi32, #tpu.memory_space<hbm>>
        %dma_wait3A_98 = tpu.memref_slice %arg4[%add3A_86] : memref<320000xi32, #tpu.memory_space<hbm>> -> memref<80xi32, #tpu.memory_space<hbm>>
        tpu.wait_dma2 semaphore(%run_scoped3A : memref<!tpu.dma_semaphore, #tpu.memory_space<semaphore_mem>>) src(%dma_wait3A_98 : memref<80xi32, #tpu.memory_space<hbm>>) dst(%arg14 : memref<80xi32, #tpu.memory_space<vmem>>)
        tpu.yield
      }) : () -> ()
      "tpu.region"() ({
        %run_scoped3A = tpu.sem_alloc : memref<!tpu.dma_semaphore, #tpu.memory_space<semaphore_mem>>
        %dma_start3A_95 = tpu.memref_slice %arg5[%add3A_86] : memref<320000xi32, #tpu.memory_space<hbm>> -> memref<80xi32, #tpu.memory_space<hbm>>
        %dma_start3A_96 = tpu.memref_slice %arg5[%add3A_86] : memref<320000xi32, #tpu.memory_space<hbm>> -> memref<80xi32, #tpu.memory_space<hbm>>
        tpu.enqueue_dma source(%dma_start3A_96 : memref<80xi32, #tpu.memory_space<hbm>>) target(%arg15 : memref<80xi32, #tpu.memory_space<vmem>>) target_semaphore(%run_scoped3A : memref<!tpu.dma_semaphore, #tpu.memory_space<semaphore_mem>>)
        %dma_wait3A_97 = tpu.memref_slice %arg5[%add3A_86] : memref<320000xi32, #tpu.memory_space<hbm>> -> memref<80xi32, #tpu.memory_space<hbm>>
        %dma_wait3A_98 = tpu.memref_slice %arg5[%add3A_86] : memref<320000xi32, #tpu.memory_space<hbm>> -> memref<80xi32, #tpu.memory_space<hbm>>
        tpu.wait_dma2 semaphore(%run_scoped3A : memref<!tpu.dma_semaphore, #tpu.memory_space<semaphore_mem>>) src(%dma_wait3A_98 : memref<80xi32, #tpu.memory_space<hbm>>) dst(%arg15 : memref<80xi32, #tpu.memory_space<vmem>>)
        tpu.yield
      }) : () -> ()
      %dma_start3A_87 = arith.constant 0 : i32
      %dma_start3A_88 = tpu.memref_slice %arg2[%add3A_86, %dma_start3A_87] : memref<320000x128xf32, #tpu.memory_space<hbm>> -> memref<80x128xf32, #tpu.memory_space<hbm>>
      %dma_start3A_89 = arith.constant 0 : i32
      %dma_start3A_90 = tpu.memref_slice %arg2[%add3A_86, %dma_start3A_89] : memref<320000x128xf32, #tpu.memory_space<hbm>> -> memref<80x128xf32, #tpu.memory_space<hbm>>
      tpu.enqueue_dma source(%dma_start3A_90 : memref<80x128xf32, #tpu.memory_space<hbm>>) target(%arg16 : memref<80x128xf32, #tpu.memory_space<vmem>>) target_semaphore(%arg22 : memref<!tpu.dma_semaphore, #tpu.memory_space<semaphore_mem>>)
      %dma_start3A_91 = arith.constant 0 : i32
      %dma_start3A_92 = tpu.memref_slice %arg3[%add3A_86, %dma_start3A_91] : memref<320000x128xf32, #tpu.memory_space<hbm>> -> memref<80x128xf32, #tpu.memory_space<hbm>>
      %dma_start3A_93 = arith.constant 0 : i32
      %dma_start3A_94 = tpu.memref_slice %arg3[%add3A_86, %dma_start3A_93] : memref<320000x128xf32, #tpu.memory_space<hbm>> -> memref<80x128xf32, #tpu.memory_space<hbm>>
      tpu.enqueue_dma source(%dma_start3A_94 : memref<80x128xf32, #tpu.memory_space<hbm>>) target(%arg17 : memref<80x128xf32, #tpu.memory_space<vmem>>) target_semaphore(%arg22 : memref<!tpu.dma_semaphore, #tpu.memory_space<semaphore_mem>>)
      "tpu.region"() ({
        %run_scoped3A = tpu.sem_alloc : memref<!tpu.dma_semaphore, #tpu.memory_space<semaphore_mem>>
        %dma_start3A_95 = arith.constant 0 : i32
        %dma_start3A_96 = arith.constant 0 : i32
        %dma_start3A_97 = tpu.memref_slice %arg12[%dma_start3A_95, %dma_start3A_96] : memref<10240x128xf32, #tpu.memory_space<vmem_shared>> -> memref<10240x128xf32, #tpu.memory_space<vmem_shared>>
        tpu.enqueue_indirect_dma source(%arg20 : memref<80x128xf32, #tpu.memory_space<vmem>>) target(%dma_start3A_97 : memref<10240x128xf32, #tpu.memory_space<vmem_shared>>) offsets(%arg18 : memref<80xi32, #tpu.memory_space<vmem>>) semaphore(%run_scoped3A : memref<!tpu.dma_semaphore, #tpu.memory_space<semaphore_mem>>) {add = true}
        %dma_wait3A_98 = arith.constant 0 : i32
        %dma_wait3A_99 = arith.constant 0 : i32
        %dma_wait3A_100 = tpu.memref_slice %arg12[%dma_wait3A_98, %dma_wait3A_99] : memref<10240x128xf32, #tpu.memory_space<vmem_shared>> -> memref<10240x128xf32, #tpu.memory_space<vmem_shared>>
        tpu.wait_indirect_dma semaphore(%run_scoped3A : memref<!tpu.dma_semaphore, #tpu.memory_space<semaphore_mem>>) src(%arg20 : memref<80x128xf32, #tpu.memory_space<vmem>>) dst(%dma_wait3A_100 : memref<10240x128xf32, #tpu.memory_space<vmem_shared>>)
        tpu.yield
      }) : () -> ()
      "tpu.region"() ({
        %run_scoped3A = tpu.sem_alloc : memref<!tpu.dma_semaphore, #tpu.memory_space<semaphore_mem>>
        %dma_start3A_95 = arith.constant 0 : i32
        %dma_start3A_96 = arith.constant 0 : i32
        %dma_start3A_97 = tpu.memref_slice %arg13[%dma_start3A_95, %dma_start3A_96] : memref<80x128xf32, #tpu.memory_space<vmem_shared>> -> memref<80x128xf32, #tpu.memory_space<vmem_shared>>
        tpu.enqueue_indirect_dma source(%arg21 : memref<80x128xf32, #tpu.memory_space<vmem>>) target(%dma_start3A_97 : memref<80x128xf32, #tpu.memory_space<vmem_shared>>) offsets(%arg19 : memref<80xi32, #tpu.memory_space<vmem>>) semaphore(%run_scoped3A : memref<!tpu.dma_semaphore, #tpu.memory_space<semaphore_mem>>) {add = true}
        %dma_wait3A_98 = arith.constant 0 : i32
        %dma_wait3A_99 = arith.constant 0 : i32
        %dma_wait3A_100 = tpu.memref_slice %arg13[%dma_wait3A_98, %dma_wait3A_99] : memref<80x128xf32, #tpu.memory_space<vmem_shared>> -> memref<80x128xf32, #tpu.memory_space<vmem_shared>>
        tpu.wait_indirect_dma semaphore(%run_scoped3A : memref<!tpu.dma_semaphore, #tpu.memory_space<semaphore_mem>>) src(%arg21 : memref<80x128xf32, #tpu.memory_space<vmem>>) dst(%dma_wait3A_100 : memref<80x128xf32, #tpu.memory_space<vmem_shared>>)
        tpu.yield
      }) : () -> ()
    }
    %scan3A_20 = arith.constant 62 : i32
    %dma_wait3A = arith.constant 0 : i32
    %dma_wait3A_21 = arith.constant 0 : i32
    %dma_wait3A_22 = tpu.memref_slice %arg2[%dma_wait3A, %dma_wait3A_21] : memref<320000x128xf32, #tpu.memory_space<hbm>> -> memref<80x128xf32, #tpu.memory_space<hbm>>
    %dma_wait3A_23 = arith.constant 0 : i32
    %dma_wait3A_24 = arith.constant 0 : i32
    %dma_wait3A_25 = tpu.memref_slice %arg2[%dma_wait3A_23, %dma_wait3A_24] : memref<320000x128xf32, #tpu.memory_space<hbm>> -> memref<80x128xf32, #tpu.memory_space<hbm>>
    tpu.wait_dma2 semaphore(%arg22 : memref<!tpu.dma_semaphore, #tpu.memory_space<semaphore_mem>>) src(%dma_wait3A_25 : memref<80x128xf32, #tpu.memory_space<hbm>>) dst(%arg16 : memref<80x128xf32, #tpu.memory_space<vmem>>)
    %dma_wait3A_26 = arith.constant 0 : i32
    %dma_wait3A_27 = arith.constant 0 : i32
    %dma_wait3A_28 = tpu.memref_slice %arg3[%dma_wait3A_26, %dma_wait3A_27] : memref<320000x128xf32, #tpu.memory_space<hbm>> -> memref<80x128xf32, #tpu.memory_space<hbm>>
    %dma_wait3A_29 = arith.constant 0 : i32
    %dma_wait3A_30 = arith.constant 0 : i32
    %dma_wait3A_31 = tpu.memref_slice %arg3[%dma_wait3A_29, %dma_wait3A_30] : memref<320000x128xf32, #tpu.memory_space<hbm>> -> memref<80x128xf32, #tpu.memory_space<hbm>>
    tpu.wait_dma2 semaphore(%arg22 : memref<!tpu.dma_semaphore, #tpu.memory_space<semaphore_mem>>) src(%dma_wait3A_31 : memref<80x128xf32, #tpu.memory_space<hbm>>) dst(%arg17 : memref<80x128xf32, #tpu.memory_space<vmem>>)
    "tpu.region"() ({
      %run_scoped3A = tpu.sem_alloc : memref<!tpu.dma_semaphore, #tpu.memory_space<semaphore_mem>>
      %dma_start3A_42 = arith.constant 0 : i32
      %dma_start3A_43 = arith.constant 0 : i32
      %dma_start3A_44 = tpu.memref_slice %arg12[%dma_start3A_42, %dma_start3A_43] : memref<10240x128xf32, #tpu.memory_space<vmem_shared>> -> memref<10240x128xf32, #tpu.memory_space<vmem_shared>>
      tpu.enqueue_indirect_dma source(%arg16 : memref<80x128xf32, #tpu.memory_space<vmem>>) target(%dma_start3A_44 : memref<10240x128xf32, #tpu.memory_space<vmem_shared>>) offsets(%arg14 : memref<80xi32, #tpu.memory_space<vmem>>) semaphore(%run_scoped3A : memref<!tpu.dma_semaphore, #tpu.memory_space<semaphore_mem>>) {add = true}
      %dma_wait3A_45 = arith.constant 0 : i32
      %dma_wait3A_46 = arith.constant 0 : i32
      %dma_wait3A_47 = tpu.memref_slice %arg12[%dma_wait3A_45, %dma_wait3A_46] : memref<10240x128xf32, #tpu.memory_space<vmem_shared>> -> memref<10240x128xf32, #tpu.memory_space<vmem_shared>>
      tpu.wait_indirect_dma semaphore(%run_scoped3A : memref<!tpu.dma_semaphore, #tpu.memory_space<semaphore_mem>>) src(%arg16 : memref<80x128xf32, #tpu.memory_space<vmem>>) dst(%dma_wait3A_47 : memref<10240x128xf32, #tpu.memory_space<vmem_shared>>)
      tpu.yield
    }) : () -> ()
    "tpu.region"() ({
      %run_scoped3A = tpu.sem_alloc : memref<!tpu.dma_semaphore, #tpu.memory_space<semaphore_mem>>
      %dma_start3A_42 = arith.constant 0 : i32
      %dma_start3A_43 = arith.constant 0 : i32
      %dma_start3A_44 = tpu.memref_slice %arg13[%dma_start3A_42, %dma_start3A_43] : memref<80x128xf32, #tpu.memory_space<vmem_shared>> -> memref<80x128xf32, #tpu.memory_space<vmem_shared>>
      tpu.enqueue_indirect_dma source(%arg17 : memref<80x128xf32, #tpu.memory_space<vmem>>) target(%dma_start3A_44 : memref<80x128xf32, #tpu.memory_space<vmem_shared>>) offsets(%arg15 : memref<80xi32, #tpu.memory_space<vmem>>) semaphore(%run_scoped3A : memref<!tpu.dma_semaphore, #tpu.memory_space<semaphore_mem>>) {add = true}
      %dma_wait3A_45 = arith.constant 0 : i32
      %dma_wait3A_46 = arith.constant 0 : i32
      %dma_wait3A_47 = tpu.memref_slice %arg13[%dma_wait3A_45, %dma_wait3A_46] : memref<80x128xf32, #tpu.memory_space<vmem_shared>> -> memref<80x128xf32, #tpu.memory_space<vmem_shared>>
      tpu.wait_indirect_dma semaphore(%run_scoped3A : memref<!tpu.dma_semaphore, #tpu.memory_space<semaphore_mem>>) src(%arg17 : memref<80x128xf32, #tpu.memory_space<vmem>>) dst(%dma_wait3A_47 : memref<80x128xf32, #tpu.memory_space<vmem_shared>>)
      tpu.yield
    }) : () -> ()
    %barrier3A_32 = arith.constant 0 : index
    tpu.barrier barrier_id(%barrier3A_32)
    %eq3A = arith.constant 0 : i32
    %eq3A_33 = arith.cmpi eq, %arg0, %eq3A : i32
    %convert_element_type3A_34 = arith.extui %eq3A_33 : i1 to i32
    %cond3A_35 = arith.constant 0 : i32
    %cond3A_36 = arith.cmpi ne, %convert_element_type3A_34, %cond3A_35 : i32
    scf.if %cond3A_36 {
      %mul3A_42 = arith.constant 640 : i32
      %mul3A_43 = arith.muli %arg1, %mul3A_42 : i32
      %mul3A_44 = arith.constant 640 : i32
      %mul3A_45 = arith.muli %arg1, %mul3A_44 : i32
      "tpu.region"() ({
        %run_scoped3A = tpu.sem_alloc : memref<!tpu.dma_semaphore, #tpu.memory_space<semaphore_mem>>
        %dma_start3A_51 = arith.constant 0 : i32
        %dma_start3A_52 = tpu.memref_slice %arg8[%mul3A_45, %dma_start3A_51] : memref<10240x128xf32, #tpu.memory_space<hbm>> -> memref<640x128xf32, #tpu.memory_space<hbm>>
        %dma_start3A_53 = arith.constant 0 : i32
        %dma_start3A_54 = tpu.memref_slice %arg12[%mul3A_43, %dma_start3A_53] : memref<10240x128xf32, #tpu.memory_space<vmem_shared>> -> memref<640x128xf32, #tpu.memory_space<vmem_shared>>
        tpu.enqueue_dma source(%dma_start3A_54 : memref<640x128xf32, #tpu.memory_space<vmem_shared>>) target(%dma_start3A_52 : memref<640x128xf32, #tpu.memory_space<hbm>>) target_semaphore(%run_scoped3A : memref<!tpu.dma_semaphore, #tpu.memory_space<semaphore_mem>>)
        %dma_wait3A_55 = arith.constant 0 : i32
        %dma_wait3A_56 = tpu.memref_slice %arg8[%mul3A_45, %dma_wait3A_55] : memref<10240x128xf32, #tpu.memory_space<hbm>> -> memref<640x128xf32, #tpu.memory_space<hbm>>
        %dma_wait3A_57 = arith.constant 0 : i32
        %dma_wait3A_58 = tpu.memref_slice %arg12[%mul3A_43, %dma_wait3A_57] : memref<10240x128xf32, #tpu.memory_space<vmem_shared>> -> memref<640x128xf32, #tpu.memory_space<vmem_shared>>
        tpu.wait_dma2 semaphore(%run_scoped3A : memref<!tpu.dma_semaphore, #tpu.memory_space<semaphore_mem>>) src(%dma_wait3A_58 : memref<640x128xf32, #tpu.memory_space<vmem_shared>>) dst(%dma_wait3A_56 : memref<640x128xf32, #tpu.memory_space<hbm>>)
        tpu.yield
      }) : () -> ()
      %lt3A_46 = arith.constant 10 : i32
      %lt3A_47 = arith.cmpi slt, %arg1, %lt3A_46 : i32
      %convert_element_type3A_48 = arith.extui %lt3A_47 : i1 to i32
      %cond3A_49 = arith.constant 0 : i32
      %cond3A_50 = arith.cmpi ne, %convert_element_type3A_48, %cond3A_49 : i32
      scf.if %cond3A_50 {
        %mul3A_51 = arith.constant 8 : i32
        %mul3A_52 = arith.muli %arg1, %mul3A_51 : i32
        %mul3A_53 = arith.constant 8 : i32
        %mul3A_54 = arith.muli %arg1, %mul3A_53 : i32
        "tpu.region"() ({
          %run_scoped3A = tpu.sem_alloc : memref<!tpu.dma_semaphore, #tpu.memory_space<semaphore_mem>>
          %dma_start3A_55 = arith.constant 0 : i32
          %dma_start3A_56 = tpu.memref_slice %arg10[%mul3A_54, %dma_start3A_55] : memref<80x128xf32, #tpu.memory_space<hbm>> -> memref<8x128xf32, #tpu.memory_space<hbm>>
          %dma_start3A_57 = arith.constant 0 : i32
          %dma_start3A_58 = tpu.memref_slice %arg13[%mul3A_52, %dma_start3A_57] : memref<80x128xf32, #tpu.memory_space<vmem_shared>> -> memref<8x128xf32, #tpu.memory_space<vmem_shared>>
          tpu.enqueue_dma source(%dma_start3A_58 : memref<8x128xf32, #tpu.memory_space<vmem_shared>>) target(%dma_start3A_56 : memref<8x128xf32, #tpu.memory_space<hbm>>) target_semaphore(%run_scoped3A : memref<!tpu.dma_semaphore, #tpu.memory_space<semaphore_mem>>)
          %dma_wait3A_59 = arith.constant 0 : i32
          %dma_wait3A_60 = tpu.memref_slice %arg10[%mul3A_54, %dma_wait3A_59] : memref<80x128xf32, #tpu.memory_space<hbm>> -> memref<8x128xf32, #tpu.memory_space<hbm>>
          %dma_wait3A_61 = arith.constant 0 : i32
          %dma_wait3A_62 = tpu.memref_slice %arg13[%mul3A_52, %dma_wait3A_61] : memref<80x128xf32, #tpu.memory_space<vmem_shared>> -> memref<8x128xf32, #tpu.memory_space<vmem_shared>>
          tpu.wait_dma2 semaphore(%run_scoped3A : memref<!tpu.dma_semaphore, #tpu.memory_space<semaphore_mem>>) src(%dma_wait3A_62 : memref<8x128xf32, #tpu.memory_space<vmem_shared>>) dst(%dma_wait3A_60 : memref<8x128xf32, #tpu.memory_space<hbm>>)
          tpu.yield
        }) : () -> ()
      } else {
      }
    } else {
    }
    %eq3A_37 = arith.constant 1 : i32
    %eq3A_38 = arith.cmpi eq, %arg0, %eq3A_37 : i32
    %convert_element_type3A_39 = arith.extui %eq3A_38 : i1 to i32
    %cond3A_40 = arith.constant 0 : i32
    %cond3A_41 = arith.cmpi ne, %convert_element_type3A_39, %cond3A_40 : i32
    scf.if %cond3A_41 {
      %mul3A_42 = arith.constant 640 : i32
      %mul3A_43 = arith.muli %arg1, %mul3A_42 : i32
      %mul3A_44 = arith.constant 640 : i32
      %mul3A_45 = arith.muli %arg1, %mul3A_44 : i32
      "tpu.region"() ({
        %run_scoped3A = tpu.sem_alloc : memref<!tpu.dma_semaphore, #tpu.memory_space<semaphore_mem>>
        %dma_start3A_51 = arith.constant 0 : i32
        %dma_start3A_52 = tpu.memref_slice %arg9[%mul3A_45, %dma_start3A_51] : memref<10240x128xf32, #tpu.memory_space<hbm>> -> memref<640x128xf32, #tpu.memory_space<hbm>>
        %dma_start3A_53 = arith.constant 0 : i32
        %dma_start3A_54 = tpu.memref_slice %arg12[%mul3A_43, %dma_start3A_53] : memref<10240x128xf32, #tpu.memory_space<vmem_shared>> -> memref<640x128xf32, #tpu.memory_space<vmem_shared>>
        tpu.enqueue_dma source(%dma_start3A_54 : memref<640x128xf32, #tpu.memory_space<vmem_shared>>) target(%dma_start3A_52 : memref<640x128xf32, #tpu.memory_space<hbm>>) target_semaphore(%run_scoped3A : memref<!tpu.dma_semaphore, #tpu.memory_space<semaphore_mem>>)
        %dma_wait3A_55 = arith.constant 0 : i32
        %dma_wait3A_56 = tpu.memref_slice %arg9[%mul3A_45, %dma_wait3A_55] : memref<10240x128xf32, #tpu.memory_space<hbm>> -> memref<640x128xf32, #tpu.memory_space<hbm>>
        %dma_wait3A_57 = arith.constant 0 : i32
        %dma_wait3A_58 = tpu.memref_slice %arg12[%mul3A_43, %dma_wait3A_57] : memref<10240x128xf32, #tpu.memory_space<vmem_shared>> -> memref<640x128xf32, #tpu.memory_space<vmem_shared>>
        tpu.wait_dma2 semaphore(%run_scoped3A : memref<!tpu.dma_semaphore, #tpu.memory_space<semaphore_mem>>) src(%dma_wait3A_58 : memref<640x128xf32, #tpu.memory_space<vmem_shared>>) dst(%dma_wait3A_56 : memref<640x128xf32, #tpu.memory_space<hbm>>)
        tpu.yield
      }) : () -> ()
      %lt3A_46 = arith.constant 10 : i32
      %lt3A_47 = arith.cmpi slt, %arg1, %lt3A_46 : i32
      %convert_element_type3A_48 = arith.extui %lt3A_47 : i1 to i32
      %cond3A_49 = arith.constant 0 : i32
      %cond3A_50 = arith.cmpi ne, %convert_element_type3A_48, %cond3A_49 : i32
      scf.if %cond3A_50 {
        %mul3A_51 = arith.constant 8 : i32
        %mul3A_52 = arith.muli %arg1, %mul3A_51 : i32
        %mul3A_53 = arith.constant 8 : i32
        %mul3A_54 = arith.muli %arg1, %mul3A_53 : i32
        "tpu.region"() ({
          %run_scoped3A = tpu.sem_alloc : memref<!tpu.dma_semaphore, #tpu.memory_space<semaphore_mem>>
          %dma_start3A_55 = arith.constant 0 : i32
          %dma_start3A_56 = tpu.memref_slice %arg11[%mul3A_54, %dma_start3A_55] : memref<80x128xf32, #tpu.memory_space<hbm>> -> memref<8x128xf32, #tpu.memory_space<hbm>>
          %dma_start3A_57 = arith.constant 0 : i32
          %dma_start3A_58 = tpu.memref_slice %arg13[%mul3A_52, %dma_start3A_57] : memref<80x128xf32, #tpu.memory_space<vmem_shared>> -> memref<8x128xf32, #tpu.memory_space<vmem_shared>>
          tpu.enqueue_dma source(%dma_start3A_58 : memref<8x128xf32, #tpu.memory_space<vmem_shared>>) target(%dma_start3A_56 : memref<8x128xf32, #tpu.memory_space<hbm>>) target_semaphore(%run_scoped3A : memref<!tpu.dma_semaphore, #tpu.memory_space<semaphore_mem>>)
          %dma_wait3A_59 = arith.constant 0 : i32
          %dma_wait3A_60 = tpu.memref_slice %arg11[%mul3A_54, %dma_wait3A_59] : memref<80x128xf32, #tpu.memory_space<hbm>> -> memref<8x128xf32, #tpu.memory_space<hbm>>
          %dma_wait3A_61 = arith.constant 0 : i32
          %dma_wait3A_62 = tpu.memref_slice %arg13[%mul3A_52, %dma_wait3A_61] : memref<80x128xf32, #tpu.memory_space<vmem_shared>> -> memref<8x128xf32, #tpu.memory_space<vmem_shared>>
          tpu.wait_dma2 semaphore(%run_scoped3A : memref<!tpu.dma_semaphore, #tpu.memory_space<semaphore_mem>>) src(%dma_wait3A_62 : memref<8x128xf32, #tpu.memory_space<vmem_shared>>) dst(%dma_wait3A_60 : memref<8x128xf32, #tpu.memory_space<hbm>>)
          tpu.yield
        }) : () -> ()
      } else {
      }
    } else {
    }
    return
  }
}

module attributes {stable_mosaic.version = 14 : i64} {
  func.func @_events_body(%arg0: i32, %arg1: memref<512x1xi32, #tpu.memory_space<vmem>>, %arg2: memref<512x1xf32, #tpu.memory_space<vmem>>, %arg3: memref<512x128xf32, #tpu.memory_space<vmem>>, %arg4: memref<512x1xi32, #tpu.memory_space<vmem>>, %arg5: memref<512x128xf32, #tpu.memory_space<vmem>>, %arg6: memref<512x64xf32, #tpu.memory_space<vmem>>, %arg7: memref<512x128xf32, #tpu.memory_space<vmem>>, %arg8: memref<512x1xf32, #tpu.memory_space<vmem>>, %arg9: memref<8x16xf32, #tpu.memory_space<vmem>>, %arg10: memref<1x32xf32, #tpu.memory_space<vmem>>, %arg11: memref<1x32xf32, #tpu.memory_space<vmem>>, %arg12: memref<512x128xf32, #tpu.memory_space<vmem>>, %arg13: memref<512x128xf32, #tpu.memory_space<vmem>>, %arg14: memref<512x128xf32, #tpu.memory_space<vmem>>) attributes {dimension_semantics = [#tpu.dimension_semantics<arbitrary>], iteration_bounds = array<i64: 24>, scalar_prefetch = 0 : i64, scratch_operands = 0 : i64, tpu.core_type = #tpu.core_type<tc>, window_params = [{transform_indices = @transform_0, window_bounds = array<i64: 512, 1>}, {transform_indices = @transform_1, window_bounds = array<i64: 512, 1>}, {transform_indices = @transform_2, window_bounds = array<i64: 512, 128>}, {transform_indices = @transform_3, window_bounds = array<i64: 512, 1>}, {transform_indices = @transform_4, window_bounds = array<i64: 512, 128>}, {transform_indices = @transform_5, window_bounds = array<i64: 512, 64>}, {transform_indices = @transform_6, window_bounds = array<i64: 512, 128>}, {transform_indices = @transform_7, window_bounds = array<i64: 512, 1>}, {pipeline_mode = #tpu.pipeline_mode<synchronous>, transform_indices = @transform_8, window_bounds = array<i64: 8, 16>}, {pipeline_mode = #tpu.pipeline_mode<synchronous>, transform_indices = @transform_9, window_bounds = array<i64: 1, 32>}, {pipeline_mode = #tpu.pipeline_mode<synchronous>, transform_indices = @transform_10, window_bounds = array<i64: 1, 32>}, {transform_indices = @transform_11, window_bounds = array<i64: 512, 128>}, {transform_indices = @transform_12, window_bounds = array<i64: 512, 128>}, {transform_indices = @transform_13, window_bounds = array<i64: 512, 128>}]} {
    %iota3A = tpu.iota {dimensions = array<i32: 1>} : vector<512x8xi32>
    %get3A = arith.constant 0 : index
    %get3A_0 = arith.constant 0 : index
    %get3A_1 = vector.load %arg1[%get3A, %get3A_0] : memref<512x1xi32, #tpu.memory_space<vmem>>, vector<512x1xi32>
    %eq3A = vector.broadcast %get3A_1 : vector<512x1xi32> to vector<512x8xi32>
    %eq3A_2 = arith.cmpi eq, %iota3A, %eq3A : vector<512x8xi32>
    %convert_element_type3A = arith.extui %eq3A_2 : vector<512x8xi1> to vector<512x8xi32>
    %convert_element_type3A_3 = arith.sitofp %convert_element_type3A : vector<512x8xi32> to vector<512x8xf32>
    %get3A_4 = arith.constant 0 : index
    %get3A_5 = arith.constant 0 : index
    %get3A_6 = vector.load %arg9[%get3A_4, %get3A_5] : memref<8x16xf32, #tpu.memory_space<vmem>>, vector<8x16xf32>
    %dot_general3A = arith.constant dense<0.000000e+00> : vector<512x16xf32>
    %dot_general3A_7 = tpu.matmul %convert_element_type3A_3, %get3A_6, %dot_general3A {dimension_numbers = #tpu.dot_dimension_numbers<[1], [0], [0], [1], [0, 0, 1, 1], [], []>, transpose_lhs_hint = false} : vector<512x8xf32>, vector<8x16xf32>, vector<512x16xf32> -> vector<512x16xf32>
    %iota3A_8 = tpu.iota {dimensions = array<i32: 1>} : vector<512x128xi32>
    %get3A_9 = arith.constant 0 : index
    %get3A_10 = arith.constant 0 : index
    %get3A_11 = vector.load %arg4[%get3A_9, %get3A_10] : memref<512x1xi32, #tpu.memory_space<vmem>>, vector<512x1xi32>
    %eq3A_12 = vector.broadcast %get3A_11 : vector<512x1xi32> to vector<512x128xi32>
    %eq3A_13 = arith.cmpi eq, %iota3A_8, %eq3A_12 : vector<512x128xi32>
    %convert_element_type3A_14 = arith.extui %eq3A_13 : vector<512x128xi1> to vector<512x128xi32>
    %convert_element_type3A_15 = arith.sitofp %convert_element_type3A_14 : vector<512x128xi32> to vector<512x128xf32>
    %get3A_16 = arith.constant 0 : index
    %get3A_17 = arith.constant 0 : index
    %get3A_18 = vector.load %arg3[%get3A_16, %get3A_17] : memref<512x128xf32, #tpu.memory_space<vmem>>, vector<512x128xf32>
    %mul3A = arith.mulf %get3A_18, %convert_element_type3A_15 : vector<512x128xf32>
    %reduce_sum3A = arith.constant dense<0.000000e+00> : vector<512xf32>
    %reduce_sum3A_19 = vector.multi_reduction <add>, %mul3A, %reduce_sum3A [1] : vector<512x128xf32> to vector<512xf32>
    %broadcast_in_dim3A = vector.shape_cast %reduce_sum3A_19 : vector<512xf32> to vector<512x1xf32>
    %get3A_20 = arith.constant 0 : index
    %get3A_21 = arith.constant 0 : index
    %get3A_22 = vector.load %arg2[%get3A_20, %get3A_21] : memref<512x1xf32, #tpu.memory_space<vmem>>, vector<512x1xf32>
    %sub3A = arith.subf %get3A_22, %broadcast_in_dim3A : vector<512x1xf32>
    %get3A_23 = arith.constant 0 : index
    %get3A_24 = arith.constant 0 : index
    %get3A_25 = vector.load %arg10[%get3A_23, %get3A_24] : memref<1x32xf32, #tpu.memory_space<vmem>>, vector<1x32xf32>
    %mul3A_26 = vector.broadcast %sub3A : vector<512x1xf32> to vector<512x32xf32>
    %mul3A_27 = vector.broadcast %get3A_25 : vector<1x32xf32> to vector<512x32xf32>
    %mul3A_28 = arith.mulf %mul3A_26, %mul3A_27 : vector<512x32xf32>
    %get3A_29 = arith.constant 0 : index
    %get3A_30 = arith.constant 0 : index
    %get3A_31 = vector.load %arg11[%get3A_29, %get3A_30] : memref<1x32xf32, #tpu.memory_space<vmem>>, vector<1x32xf32>
    %add3A = vector.broadcast %get3A_31 : vector<1x32xf32> to vector<512x32xf32>
    %add3A_32 = arith.addf %mul3A_28, %add3A : vector<512x32xf32>
    %cos3A = math.cos %add3A_32 : vector<512x32xf32>
    %get3A_33 = arith.constant 0 : index
    %get3A_34 = arith.constant 0 : index
    %get3A_35 = vector.load %arg5[%get3A_33, %get3A_34] : memref<512x128xf32, #tpu.memory_space<vmem>>, vector<512x64xf32>
    %get3A_36 = arith.constant 0 : index
    %get3A_37 = arith.constant 0 : index
    %get3A_38 = vector.load %arg6[%get3A_36, %get3A_37] : memref<512x64xf32, #tpu.memory_space<vmem>>, vector<512x64xf32>
    %get3A_39 = arith.constant 0 : index
    %get3A_40 = arith.constant 0 : index
    %get3A_41 = vector.load %arg7[%get3A_39, %get3A_40] : memref<512x128xf32, #tpu.memory_space<vmem>>, vector<512x128xf32>
    %concatenate3A = tpu.concatenate %dot_general3A_7, %get3A_35, %get3A_38, %cos3A, %get3A_41 in 1 : vector<512x16xf32>, vector<512x64xf32>, vector<512x64xf32>, vector<512x32xf32>, vector<512x128xf32> -> vector<512x304xf32>
    %get3A_42 = arith.constant 0 : index
    %get3A_43 = arith.constant 0 : index
    %get3A_44 = vector.load %arg8[%get3A_42, %get3A_43] : memref<512x1xf32, #tpu.memory_space<vmem>>, vector<512x1xf32>
    %mul3A_45 = vector.broadcast %get3A_44 : vector<512x1xf32> to vector<512x304xf32>
    %mul3A_46 = arith.mulf %concatenate3A, %mul3A_45 : vector<512x304xf32>
    %slice3A = vector.extract_strided_slice %mul3A_46 {offsets = [0, 0], sizes = [512, 128], strides = [1, 1]} : vector<512x304xf32> to vector<512x128xf32>
    %swap3A = arith.constant 0 : index
    %swap3A_47 = arith.constant 0 : index
    %swap3A_48 = vector.load %arg12[%swap3A, %swap3A_47] : memref<512x128xf32, #tpu.memory_space<vmem>>, vector<512x128xf32>
    tpu.vector_store %arg12[%swap3A, %swap3A_47], %slice3A {strides = array<i32>} : memref<512x128xf32, #tpu.memory_space<vmem>>, vector<512x128xf32>,
    %slice3A_49 = vector.extract_strided_slice %mul3A_46 {offsets = [0, 128], sizes = [512, 128], strides = [1, 1]} : vector<512x304xf32> to vector<512x128xf32>
    %swap3A_50 = arith.constant 0 : index
    %swap3A_51 = arith.constant 0 : index
    %swap3A_52 = vector.load %arg13[%swap3A_50, %swap3A_51] : memref<512x128xf32, #tpu.memory_space<vmem>>, vector<512x128xf32>
    tpu.vector_store %arg13[%swap3A_50, %swap3A_51], %slice3A_49 {strides = array<i32>} : memref<512x128xf32, #tpu.memory_space<vmem>>, vector<512x128xf32>,
    %slice3A_53 = vector.extract_strided_slice %mul3A_46 {offsets = [0, 256], sizes = [512, 48], strides = [1, 1]} : vector<512x304xf32> to vector<512x48xf32>
    %broadcast_in_dim3A_54 = arith.constant 1.000000e+00 : f32
    %broadcast_in_dim3A_55 = vector.broadcast %broadcast_in_dim3A_54 : f32 to vector<512x1xf32>
    %broadcast_in_dim3A_56 = arith.constant 0.000000e+00 : f32
    %broadcast_in_dim3A_57 = vector.broadcast %broadcast_in_dim3A_56 : f32 to vector<512x79xf32>
    %concatenate3A_58 = tpu.concatenate %slice3A_53, %broadcast_in_dim3A_55, %broadcast_in_dim3A_57 in 1 : vector<512x48xf32>, vector<512x1xf32>, vector<512x79xf32> -> vector<512x128xf32>
    %swap3A_59 = arith.constant 0 : index
    %swap3A_60 = arith.constant 0 : index
    %swap3A_61 = vector.load %arg14[%swap3A_59, %swap3A_60] : memref<512x128xf32, #tpu.memory_space<vmem>>, vector<512x128xf32>
    tpu.vector_store %arg14[%swap3A_59, %swap3A_60], %concatenate3A_58 {strides = array<i32>} : memref<512x128xf32, #tpu.memory_space<vmem>>, vector<512x128xf32>,
    return
  }
  func.func @transform_0(%arg0: i32) -> (i32, i32) {
    %c0_i32 = arith.constant 0 : i32
    %c0_i32_0 = arith.constant 0 : i32
    return %arg0, %c0_i32 : i32, i32
  }
  func.func @transform_1(%arg0: i32) -> (i32, i32) {
    %c0_i32 = arith.constant 0 : i32
    %c0_i32_0 = arith.constant 0 : i32
    return %arg0, %c0_i32 : i32, i32
  }
  func.func @transform_2(%arg0: i32) -> (i32, i32) {
    %c0_i32 = arith.constant 0 : i32
    %c0_i32_0 = arith.constant 0 : i32
    return %arg0, %c0_i32 : i32, i32
  }
  func.func @transform_3(%arg0: i32) -> (i32, i32) {
    %c0_i32 = arith.constant 0 : i32
    %c0_i32_0 = arith.constant 0 : i32
    return %arg0, %c0_i32 : i32, i32
  }
  func.func @transform_4(%arg0: i32) -> (i32, i32) {
    %c0_i32 = arith.constant 0 : i32
    %c0_i32_0 = arith.constant 0 : i32
    return %arg0, %c0_i32 : i32, i32
  }
  func.func @transform_5(%arg0: i32) -> (i32, i32) {
    %c0_i32 = arith.constant 0 : i32
    %c0_i32_0 = arith.constant 0 : i32
    return %arg0, %c0_i32 : i32, i32
  }
  func.func @transform_6(%arg0: i32) -> (i32, i32) {
    %c0_i32 = arith.constant 0 : i32
    %c0_i32_0 = arith.constant 0 : i32
    return %arg0, %c0_i32 : i32, i32
  }
  func.func @transform_7(%arg0: i32) -> (i32, i32) {
    %c0_i32 = arith.constant 0 : i32
    %c0_i32_0 = arith.constant 0 : i32
    return %arg0, %c0_i32 : i32, i32
  }
  func.func @transform_8(%arg0: i32) -> (i32, i32) {
    %c0_i32 = arith.constant 0 : i32
    %c0_i32_0 = arith.constant 0 : i32
    %c0_i32_1 = arith.constant 0 : i32
    return %c0_i32, %c0_i32_0 : i32, i32
  }
  func.func @transform_9(%arg0: i32) -> (i32, i32) {
    %c0_i32 = arith.constant 0 : i32
    %c0_i32_0 = arith.constant 0 : i32
    %c0_i32_1 = arith.constant 0 : i32
    return %c0_i32, %c0_i32_0 : i32, i32
  }
  func.func @transform_10(%arg0: i32) -> (i32, i32) {
    %c0_i32 = arith.constant 0 : i32
    %c0_i32_0 = arith.constant 0 : i32
    %c0_i32_1 = arith.constant 0 : i32
    return %c0_i32, %c0_i32_0 : i32, i32
  }
  func.func @transform_11(%arg0: i32) -> (i32, i32) {
    %c0_i32 = arith.constant 0 : i32
    %c0_i32_0 = arith.constant 0 : i32
    return %arg0, %c0_i32 : i32, i32
  }
  func.func @transform_12(%arg0: i32) -> (i32, i32) {
    %c0_i32 = arith.constant 0 : i32
    %c0_i32_0 = arith.constant 0 : i32
    return %arg0, %c0_i32 : i32, i32
  }
  func.func @transform_13(%arg0: i32) -> (i32, i32) {
    %c0_i32 = arith.constant 0 : i32
    %c0_i32_0 = arith.constant 0 : i32
    return %arg0, %c0_i32 : i32, i32
  }
}

module attributes {stable_mosaic.version = 14 : i64} {
  func.func @_gru_proj_body(%arg0: i32, %arg1: memref<512x128xf32, #tpu.memory_space<vmem>>, %arg2: memref<512x128xf32, #tpu.memory_space<vmem>>, %arg3: memref<512x128xf32, #tpu.memory_space<vmem>>, %arg4: memref<512x128xf32, #tpu.memory_space<vmem>>, %arg5: memref<512x64xf32, #tpu.memory_space<vmem>>, %arg6: memref<512x128xf32, #tpu.memory_space<vmem>>, %arg7: memref<128x192xf32, #tpu.memory_space<vmem>>, %arg8: memref<128x192xf32, #tpu.memory_space<vmem>>, %arg9: memref<128x192xf32, #tpu.memory_space<vmem>>, %arg10: memref<1x192xf32, #tpu.memory_space<vmem>>, %arg11: memref<64x192xf32, #tpu.memory_space<vmem>>, %arg12: memref<1x192xf32, #tpu.memory_space<vmem>>, %arg13: memref<192x128xf32, #tpu.memory_space<vmem>>, %arg14: memref<1x128xf32, #tpu.memory_space<vmem>>, %arg15: memref<192x128xf32, #tpu.memory_space<vmem>>, %arg16: memref<1x128xf32, #tpu.memory_space<vmem>>, %arg17: memref<192x128xf32, #tpu.memory_space<vmem>>, %arg18: memref<1x128xf32, #tpu.memory_space<vmem>>, %arg19: memref<192x128xf32, #tpu.memory_space<vmem>>, %arg20: memref<1x128xf32, #tpu.memory_space<vmem>>, %arg21: memref<512x192xf32, #tpu.memory_space<vmem>>, %arg22: memref<512x128xf32, #tpu.memory_space<vmem>>, %arg23: memref<512x256xf32, #tpu.memory_space<vmem>>, %arg24: memref<512x128xf32, #tpu.memory_space<vmem>>) attributes {dimension_semantics = [#tpu.dimension_semantics<arbitrary>], iteration_bounds = array<i64: 20>, scalar_prefetch = 0 : i64, scratch_operands = 0 : i64, tpu.core_type = #tpu.core_type<tc>, window_params = [{transform_indices = @transform_0, window_bounds = array<i64: 512, 128>}, {transform_indices = @transform_1, window_bounds = array<i64: 512, 128>}, {transform_indices = @transform_2, window_bounds = array<i64: 512, 128>}, {transform_indices = @transform_3, window_bounds = array<i64: 512, 128>}, {transform_indices = @transform_4, window_bounds = array<i64: 512, 64>}, {transform_indices = @transform_5, window_bounds = array<i64: 512, 128>}, {pipeline_mode = #tpu.pipeline_mode<synchronous>, transform_indices = @transform_6, window_bounds = array<i64: 128, 192>}, {pipeline_mode = #tpu.pipeline_mode<synchronous>, transform_indices = @transform_7, window_bounds = array<i64: 128, 192>}, {pipeline_mode = #tpu.pipeline_mode<synchronous>, transform_indices = @transform_8, window_bounds = array<i64: 128, 192>}, {pipeline_mode = #tpu.pipeline_mode<synchronous>, transform_indices = @transform_9, window_bounds = array<i64: 1, 192>}, {pipeline_mode = #tpu.pipeline_mode<synchronous>, transform_indices = @transform_10, window_bounds = array<i64: 64, 192>}, {pipeline_mode = #tpu.pipeline_mode<synchronous>, transform_indices = @transform_11, window_bounds = array<i64: 1, 192>}, {pipeline_mode = #tpu.pipeline_mode<synchronous>, transform_indices = @transform_12, window_bounds = array<i64: 192, 128>}, {pipeline_mode = #tpu.pipeline_mode<synchronous>, transform_indices = @transform_13, window_bounds = array<i64: 1, 128>}, {pipeline_mode = #tpu.pipeline_mode<synchronous>, transform_indices = @transform_14, window_bounds = array<i64: 192, 128>}, {pipeline_mode = #tpu.pipeline_mode<synchronous>, transform_indices = @transform_15, window_bounds = array<i64: 1, 128>}, {pipeline_mode = #tpu.pipeline_mode<synchronous>, transform_indices = @transform_16, window_bounds = array<i64: 192, 128>}, {pipeline_mode = #tpu.pipeline_mode<synchronous>, transform_indices = @transform_17, window_bounds = array<i64: 1, 128>}, {pipeline_mode = #tpu.pipeline_mode<synchronous>, transform_indices = @transform_18, window_bounds = array<i64: 192, 128>}, {pipeline_mode = #tpu.pipeline_mode<synchronous>, transform_indices = @transform_19, window_bounds = array<i64: 1, 128>}, {transform_indices = @transform_20, window_bounds = array<i64: 512, 192>}, {transform_indices = @transform_21, window_bounds = array<i64: 512, 128>}, {transform_indices = @transform_22, window_bounds = array<i64: 512, 256>}, {transform_indices = @transform_23, window_bounds = array<i64: 512, 128>}]} {
    %get3A = arith.constant 0 : index
    %get3A_0 = arith.constant 0 : index
    %get3A_1 = vector.load %arg5[%get3A, %get3A_0] : memref<512x64xf32, #tpu.memory_space<vmem>>, vector<512x64xf32>
    %get3A_2 = arith.constant 0 : index
    %get3A_3 = arith.constant 0 : index
    %get3A_4 = vector.load %arg3[%get3A_2, %get3A_3] : memref<512x128xf32, #tpu.memory_space<vmem>>, vector<512x128xf32>
    %get3A_5 = arith.constant 0 : index
    %get3A_6 = arith.constant 0 : index
    %get3A_7 = vector.load %arg4[%get3A_5, %get3A_6] : memref<512x128xf32, #tpu.memory_space<vmem>>, vector<512x128xf32>
    %add3A = arith.addf %get3A_4, %get3A_7 : vector<512x128xf32>
    %get3A_8 = arith.constant 0 : index
    %get3A_9 = arith.constant 0 : index
    %get3A_10 = vector.load %arg1[%get3A_8, %get3A_9] : memref<512x128xf32, #tpu.memory_space<vmem>>, vector<512x128xf32>
    %get3A_11 = arith.constant 0 : index
    %get3A_12 = arith.constant 0 : index
    %get3A_13 = vector.load %arg7[%get3A_11, %get3A_12] : memref<128x192xf32, #tpu.memory_space<vmem>>, vector<128x192xf32>
    %dot_general3A = arith.constant dense<0.000000e+00> : vector<512x192xf32>
    %dot_general3A_14 = tpu.matmul %get3A_10, %get3A_13, %dot_general3A {dimension_numbers = #tpu.dot_dimension_numbers<[1], [0], [0], [1], [0, 0, 1, 1], [], []>, transpose_lhs_hint = false} : vector<512x128xf32>, vector<128x192xf32>, vector<512x192xf32> -> vector<512x192xf32>
    %get3A_15 = arith.constant 0 : index
    %get3A_16 = arith.constant 0 : index
    %get3A_17 = vector.load %arg2[%get3A_15, %get3A_16] : memref<512x128xf32, #tpu.memory_space<vmem>>, vector<512x128xf32>
    %get3A_18 = arith.constant 0 : index
    %get3A_19 = arith.constant 0 : index
    %get3A_20 = vector.load %arg8[%get3A_18, %get3A_19] : memref<128x192xf32, #tpu.memory_space<vmem>>, vector<128x192xf32>
    %dot_general3A_21 = arith.constant dense<0.000000e+00> : vector<512x192xf32>
    %dot_general3A_22 = tpu.matmul %get3A_17, %get3A_20, %dot_general3A_21 {dimension_numbers = #tpu.dot_dimension_numbers<[1], [0], [0], [1], [0, 0, 1, 1], [], []>, transpose_lhs_hint = false} : vector<512x128xf32>, vector<128x192xf32>, vector<512x192xf32> -> vector<512x192xf32>
    %add3A_23 = arith.addf %dot_general3A_14, %dot_general3A_22 : vector<512x192xf32>
    %get3A_24 = arith.constant 0 : index
    %get3A_25 = arith.constant 0 : index
    %get3A_26 = vector.load %arg9[%get3A_24, %get3A_25] : memref<128x192xf32, #tpu.memory_space<vmem>>, vector<128x192xf32>
    %dot_general3A_27 = arith.constant dense<0.000000e+00> : vector<512x192xf32>
    %dot_general3A_28 = tpu.matmul %add3A, %get3A_26, %dot_general3A_27 {dimension_numbers = #tpu.dot_dimension_numbers<[1], [0], [0], [1], [0, 0, 1, 1], [], []>, transpose_lhs_hint = false} : vector<512x128xf32>, vector<128x192xf32>, vector<512x192xf32> -> vector<512x192xf32>
    %add3A_29 = arith.addf %add3A_23, %dot_general3A_28 : vector<512x192xf32>
    %get3A_30 = arith.constant 0 : index
    %get3A_31 = arith.constant 0 : index
    %get3A_32 = vector.load %arg10[%get3A_30, %get3A_31] : memref<1x192xf32, #tpu.memory_space<vmem>>, vector<1x192xf32>
    %add3A_33 = vector.broadcast %get3A_32 : vector<1x192xf32> to vector<512x192xf32>
    %add3A_34 = arith.addf %add3A_29, %add3A_33 : vector<512x192xf32>
    %get3A_35 = arith.constant 0 : index
    %get3A_36 = arith.constant 0 : index
    %get3A_37 = vector.load %arg11[%get3A_35, %get3A_36] : memref<64x192xf32, #tpu.memory_space<vmem>>, vector<64x192xf32>
    %dot_general3A_38 = arith.constant dense<0.000000e+00> : vector<512x192xf32>
    %dot_general3A_39 = tpu.matmul %get3A_1, %get3A_37, %dot_general3A_38 {dimension_numbers = #tpu.dot_dimension_numbers<[1], [0], [0], [1], [0, 0, 1, 1], [], []>, transpose_lhs_hint = false} : vector<512x64xf32>, vector<64x192xf32>, vector<512x192xf32> -> vector<512x192xf32>
    %get3A_40 = arith.constant 0 : index
    %get3A_41 = arith.constant 0 : index
    %get3A_42 = vector.load %arg12[%get3A_40, %get3A_41] : memref<1x192xf32, #tpu.memory_space<vmem>>, vector<1x192xf32>
    %add3A_43 = vector.broadcast %get3A_42 : vector<1x192xf32> to vector<512x192xf32>
    %add3A_44 = arith.addf %dot_general3A_39, %add3A_43 : vector<512x192xf32>
    %slice3A = vector.extract_strided_slice %add3A_34 {offsets = [0, 0], sizes = [512, 64], strides = [1, 1]} : vector<512x192xf32> to vector<512x64xf32>
    %slice3A_45 = vector.extract_strided_slice %add3A_44 {offsets = [0, 0], sizes = [512, 64], strides = [1, 1]} : vector<512x192xf32> to vector<512x64xf32>
    %add3A_46 = arith.addf %slice3A, %slice3A_45 : vector<512x64xf32>
    %logistic3A = arith.negf %add3A_46 : vector<512x64xf32>
    %logistic3A_47 = math.exp %logistic3A : vector<512x64xf32>
    %logistic3A_48 = arith.constant 1.000000e+00 : f32
    %logistic3A_49 = vector.broadcast %logistic3A_48 : f32 to vector<512x64xf32>
    %logistic3A_50 = arith.addf %logistic3A_49, %logistic3A_47 : vector<512x64xf32>
    %logistic3A_51 = arith.divf %logistic3A_49, %logistic3A_50 : vector<512x64xf32>
    %slice3A_52 = vector.extract_strided_slice %add3A_34 {offsets = [0, 64], sizes = [512, 64], strides = [1, 1]} : vector<512x192xf32> to vector<512x64xf32>
    %slice3A_53 = vector.extract_strided_slice %add3A_44 {offsets = [0, 64], sizes = [512, 64], strides = [1, 1]} : vector<512x192xf32> to vector<512x64xf32>
    %add3A_54 = arith.addf %slice3A_52, %slice3A_53 : vector<512x64xf32>
    %logistic3A_55 = arith.negf %add3A_54 : vector<512x64xf32>
    %logistic3A_56 = math.exp %logistic3A_55 : vector<512x64xf32>
    %logistic3A_57 = arith.constant 1.000000e+00 : f32
    %logistic3A_58 = vector.broadcast %logistic3A_57 : f32 to vector<512x64xf32>
    %logistic3A_59 = arith.addf %logistic3A_58, %logistic3A_56 : vector<512x64xf32>
    %logistic3A_60 = arith.divf %logistic3A_58, %logistic3A_59 : vector<512x64xf32>
    %slice3A_61 = vector.extract_strided_slice %add3A_34 {offsets = [0, 128], sizes = [512, 64], strides = [1, 1]} : vector<512x192xf32> to vector<512x64xf32>
    %slice3A_62 = vector.extract_strided_slice %add3A_44 {offsets = [0, 128], sizes = [512, 64], strides = [1, 1]} : vector<512x192xf32> to vector<512x64xf32>
    %mul3A = arith.mulf %logistic3A_51, %slice3A_62 : vector<512x64xf32>
    %add3A_63 = arith.addf %slice3A_61, %mul3A : vector<512x64xf32>
    %tanh3A = math.tanh %add3A_63 : vector<512x64xf32>
    %sub3A = arith.constant 1.000000e+00 : f32
    %sub3A_64 = vector.broadcast %sub3A : f32 to vector<512x64xf32>
    %sub3A_65 = arith.subf %sub3A_64, %logistic3A_60 : vector<512x64xf32>
    %mul3A_66 = arith.mulf %sub3A_65, %tanh3A : vector<512x64xf32>
    %mul3A_67 = arith.mulf %logistic3A_60, %get3A_1 : vector<512x64xf32>
    %add3A_68 = arith.addf %mul3A_66, %mul3A_67 : vector<512x64xf32>
    %slice3A_69 = vector.extract_strided_slice %add3A {offsets = [0, 48], sizes = [512, 1], strides = [1, 1]} : vector<512x128xf32> to vector<512x1xf32>
    %gt3A = arith.constant 0.000000e+00 : f32
    %gt3A_70 = vector.broadcast %gt3A : f32 to vector<512x1xf32>
    %gt3A_71 = arith.cmpf ogt, %slice3A_69, %gt3A_70 : vector<512x1xf32>
    %broadcast_in_dim3A = vector.shape_cast %gt3A_71 : vector<512x1xi1> to vector<512x1xi1>
    %broadcast_in_dim3A_72 = vector.broadcast %broadcast_in_dim3A : vector<512x1xi1> to vector<512x64xi1>
    %select_n3A = arith.select %broadcast_in_dim3A_72, %add3A_68, %get3A_1 : vector<512x64xi1>, vector<512x64xf32>
    %get3A_73 = arith.constant 0 : index
    %get3A_74 = arith.constant 0 : index
    %get3A_75 = vector.load %arg6[%get3A_73, %get3A_74] : memref<512x128xf32, #tpu.memory_space<vmem>>, vector<512x128xf32>
    %concatenate3A = tpu.concatenate %get3A_75, %select_n3A in 1 : vector<512x128xf32>, vector<512x64xf32> -> vector<512x192xf32>
    %swap3A = arith.constant 0 : index
    %swap3A_76 = arith.constant 0 : index
    %swap3A_77 = vector.load %arg21[%swap3A, %swap3A_76] : memref<512x192xf32, #tpu.memory_space<vmem>>, vector<512x192xf32>
    tpu.vector_store %arg21[%swap3A, %swap3A_76], %concatenate3A {strides = array<i32>} : memref<512x192xf32, #tpu.memory_space<vmem>>, vector<512x192xf32>,
    %get3A_78 = arith.constant 0 : index
    %get3A_79 = arith.constant 0 : index
    %get3A_80 = vector.load %arg13[%get3A_78, %get3A_79] : memref<192x128xf32, #tpu.memory_space<vmem>>, vector<192x128xf32>
    %dot_general3A_81 = arith.constant dense<0.000000e+00> : vector<512x128xf32>
    %dot_general3A_82 = tpu.matmul %concatenate3A, %get3A_80, %dot_general3A_81 {dimension_numbers = #tpu.dot_dimension_numbers<[1], [0], [0], [1], [0, 0, 1, 1], [], []>, transpose_lhs_hint = false} : vector<512x192xf32>, vector<192x128xf32>, vector<512x128xf32> -> vector<512x128xf32>
    %get3A_83 = arith.constant 0 : index
    %get3A_84 = arith.constant 0 : index
    %get3A_85 = vector.load %arg14[%get3A_83, %get3A_84] : memref<1x128xf32, #tpu.memory_space<vmem>>, vector<1x128xf32>
    %add3A_86 = vector.broadcast %get3A_85 : vector<1x128xf32> to vector<512x128xf32>
    %add3A_87 = arith.addf %dot_general3A_82, %add3A_86 : vector<512x128xf32>
    %swap3A_88 = arith.constant 0 : index
    %swap3A_89 = arith.constant 0 : index
    %swap3A_90 = vector.load %arg22[%swap3A_88, %swap3A_89] : memref<512x128xf32, #tpu.memory_space<vmem>>, vector<512x128xf32>
    tpu.vector_store %arg22[%swap3A_88, %swap3A_89], %add3A_87 {strides = array<i32>} : memref<512x128xf32, #tpu.memory_space<vmem>>, vector<512x128xf32>,
    %get3A_91 = arith.constant 0 : index
    %get3A_92 = arith.constant 0 : index
    %get3A_93 = vector.load %arg15[%get3A_91, %get3A_92] : memref<192x128xf32, #tpu.memory_space<vmem>>, vector<192x128xf32>
    %dot_general3A_94 = arith.constant dense<0.000000e+00> : vector<512x128xf32>
    %dot_general3A_95 = tpu.matmul %concatenate3A, %get3A_93, %dot_general3A_94 {dimension_numbers = #tpu.dot_dimension_numbers<[1], [0], [0], [1], [0, 0, 1, 1], [], []>, transpose_lhs_hint = false} : vector<512x192xf32>, vector<192x128xf32>, vector<512x128xf32> -> vector<512x128xf32>
    %get3A_96 = arith.constant 0 : index
    %get3A_97 = arith.constant 0 : index
    %get3A_98 = vector.load %arg16[%get3A_96, %get3A_97] : memref<1x128xf32, #tpu.memory_space<vmem>>, vector<1x128xf32>
    %add3A_99 = vector.broadcast %get3A_98 : vector<1x128xf32> to vector<512x128xf32>
    %add3A_100 = arith.addf %dot_general3A_95, %add3A_99 : vector<512x128xf32>
    %get3A_101 = arith.constant 0 : index
    %get3A_102 = arith.constant 0 : index
    %get3A_103 = vector.load %arg17[%get3A_101, %get3A_102] : memref<192x128xf32, #tpu.memory_space<vmem>>, vector<192x128xf32>
    %dot_general3A_104 = arith.constant dense<0.000000e+00> : vector<512x128xf32>
    %dot_general3A_105 = tpu.matmul %concatenate3A, %get3A_103, %dot_general3A_104 {dimension_numbers = #tpu.dot_dimension_numbers<[1], [0], [0], [1], [0, 0, 1, 1], [], []>, transpose_lhs_hint = false} : vector<512x192xf32>, vector<192x128xf32>, vector<512x128xf32> -> vector<512x128xf32>
    %get3A_106 = arith.constant 0 : index
    %get3A_107 = arith.constant 0 : index
    %get3A_108 = vector.load %arg18[%get3A_106, %get3A_107] : memref<1x128xf32, #tpu.memory_space<vmem>>, vector<1x128xf32>
    %add3A_109 = vector.broadcast %get3A_108 : vector<1x128xf32> to vector<512x128xf32>
    %add3A_110 = arith.addf %dot_general3A_105, %add3A_109 : vector<512x128xf32>
    %concatenate3A_111 = tpu.concatenate %add3A_100, %add3A_110 in 1 : vector<512x128xf32>, vector<512x128xf32> -> vector<512x256xf32>
    %swap3A_112 = arith.constant 0 : index
    %swap3A_113 = arith.constant 0 : index
    %swap3A_114 = vector.load %arg23[%swap3A_112, %swap3A_113] : memref<512x256xf32, #tpu.memory_space<vmem>>, vector<512x256xf32>
    tpu.vector_store %arg23[%swap3A_112, %swap3A_113], %concatenate3A_111 {strides = array<i32>} : memref<512x256xf32, #tpu.memory_space<vmem>>, vector<512x256xf32>,
    %get3A_115 = arith.constant 0 : index
    %get3A_116 = arith.constant 0 : index
    %get3A_117 = vector.load %arg19[%get3A_115, %get3A_116] : memref<192x128xf32, #tpu.memory_space<vmem>>, vector<192x128xf32>
    %dot_general3A_118 = arith.constant dense<0.000000e+00> : vector<512x128xf32>
    %dot_general3A_119 = tpu.matmul %concatenate3A, %get3A_117, %dot_general3A_118 {dimension_numbers = #tpu.dot_dimension_numbers<[1], [0], [0], [1], [0, 0, 1, 1], [], []>, transpose_lhs_hint = false} : vector<512x192xf32>, vector<192x128xf32>, vector<512x128xf32> -> vector<512x128xf32>
    %get3A_120 = arith.constant 0 : index
    %get3A_121 = arith.constant 0 : index
    %get3A_122 = vector.load %arg20[%get3A_120, %get3A_121] : memref<1x128xf32, #tpu.memory_space<vmem>>, vector<1x128xf32>
    %add3A_123 = vector.broadcast %get3A_122 : vector<1x128xf32> to vector<512x128xf32>
    %add3A_124 = arith.addf %dot_general3A_119, %add3A_123 : vector<512x128xf32>
    %swap3A_125 = arith.constant 0 : index
    %swap3A_126 = arith.constant 0 : index
    %swap3A_127 = vector.load %arg24[%swap3A_125, %swap3A_126] : memref<512x128xf32, #tpu.memory_space<vmem>>, vector<512x128xf32>
    tpu.vector_store %arg24[%swap3A_125, %swap3A_126], %add3A_124 {strides = array<i32>} : memref<512x128xf32, #tpu.memory_space<vmem>>, vector<512x128xf32>,
    return
  }
  func.func @transform_0(%arg0: i32) -> (i32, i32) {
    %c0_i32 = arith.constant 0 : i32
    %c0_i32_0 = arith.constant 0 : i32
    return %arg0, %c0_i32 : i32, i32
  }
  func.func @transform_1(%arg0: i32) -> (i32, i32) {
    %c0_i32 = arith.constant 0 : i32
    %c0_i32_0 = arith.constant 0 : i32
    return %arg0, %c0_i32 : i32, i32
  }
  func.func @transform_2(%arg0: i32) -> (i32, i32) {
    %c0_i32 = arith.constant 0 : i32
    %c0_i32_0 = arith.constant 0 : i32
    return %arg0, %c0_i32 : i32, i32
  }
  func.func @transform_3(%arg0: i32) -> (i32, i32) {
    %c0_i32 = arith.constant 0 : i32
    %c0_i32_0 = arith.constant 0 : i32
    return %arg0, %c0_i32 : i32, i32
  }
  func.func @transform_4(%arg0: i32) -> (i32, i32) {
    %c0_i32 = arith.constant 0 : i32
    %c0_i32_0 = arith.constant 0 : i32
    return %arg0, %c0_i32 : i32, i32
  }
  func.func @transform_5(%arg0: i32) -> (i32, i32) {
    %c0_i32 = arith.constant 0 : i32
    %c0_i32_0 = arith.constant 0 : i32
    return %arg0, %c0_i32 : i32, i32
  }
  func.func @transform_6(%arg0: i32) -> (i32, i32) {
    %c0_i32 = arith.constant 0 : i32
    %c0_i32_0 = arith.constant 0 : i32
    %c0_i32_1 = arith.constant 0 : i32
    return %c0_i32, %c0_i32_0 : i32, i32
  }
  func.func @transform_7(%arg0: i32) -> (i32, i32) {
    %c0_i32 = arith.constant 0 : i32
    %c0_i32_0 = arith.constant 0 : i32
    %c0_i32_1 = arith.constant 0 : i32
    return %c0_i32, %c0_i32_0 : i32, i32
  }
  func.func @transform_8(%arg0: i32) -> (i32, i32) {
    %c0_i32 = arith.constant 0 : i32
    %c0_i32_0 = arith.constant 0 : i32
    %c0_i32_1 = arith.constant 0 : i32
    return %c0_i32, %c0_i32_0 : i32, i32
  }
  func.func @transform_9(%arg0: i32) -> (i32, i32) {
    %c0_i32 = arith.constant 0 : i32
    %c0_i32_0 = arith.constant 0 : i32
    %c0_i32_1 = arith.constant 0 : i32
    return %c0_i32, %c0_i32_0 : i32, i32
  }
  func.func @transform_10(%arg0: i32) -> (i32, i32) {
    %c0_i32 = arith.constant 0 : i32
    %c0_i32_0 = arith.constant 0 : i32
    %c0_i32_1 = arith.constant 0 : i32
    return %c0_i32, %c0_i32_0 : i32, i32
  }
  func.func @transform_11(%arg0: i32) -> (i32, i32) {
    %c0_i32 = arith.constant 0 : i32
    %c0_i32_0 = arith.constant 0 : i32
    %c0_i32_1 = arith.constant 0 : i32
    return %c0_i32, %c0_i32_0 : i32, i32
  }
  func.func @transform_12(%arg0: i32) -> (i32, i32) {
    %c0_i32 = arith.constant 0 : i32
    %c0_i32_0 = arith.constant 0 : i32
    %c0_i32_1 = arith.constant 0 : i32
    return %c0_i32, %c0_i32_0 : i32, i32
  }
  func.func @transform_13(%arg0: i32) -> (i32, i32) {
    %c0_i32 = arith.constant 0 : i32
    %c0_i32_0 = arith.constant 0 : i32
    %c0_i32_1 = arith.constant 0 : i32
    return %c0_i32, %c0_i32_0 : i32, i32
  }
  func.func @transform_14(%arg0: i32) -> (i32, i32) {
    %c0_i32 = arith.constant 0 : i32
    %c0_i32_0 = arith.constant 0 : i32
    %c0_i32_1 = arith.constant 0 : i32
    return %c0_i32, %c0_i32_0 : i32, i32
  }
  func.func @transform_15(%arg0: i32) -> (i32, i32) {
    %c0_i32 = arith.constant 0 : i32
    %c0_i32_0 = arith.constant 0 : i32
    %c0_i32_1 = arith.constant 0 : i32
    return %c0_i32, %c0_i32_0 : i32, i32
  }
  func.func @transform_16(%arg0: i32) -> (i32, i32) {
    %c0_i32 = arith.constant 0 : i32
    %c0_i32_0 = arith.constant 0 : i32
    %c0_i32_1 = arith.constant 0 : i32
    return %c0_i32, %c0_i32_0 : i32, i32
  }
  func.func @transform_17(%arg0: i32) -> (i32, i32) {
    %c0_i32 = arith.constant 0 : i32
    %c0_i32_0 = arith.constant 0 : i32
    %c0_i32_1 = arith.constant 0 : i32
    return %c0_i32, %c0_i32_0 : i32, i32
  }
  func.func @transform_18(%arg0: i32) -> (i32, i32) {
    %c0_i32 = arith.constant 0 : i32
    %c0_i32_0 = arith.constant 0 : i32
    %c0_i32_1 = arith.constant 0 : i32
    return %c0_i32, %c0_i32_0 : i32, i32
  }
  func.func @transform_19(%arg0: i32) -> (i32, i32) {
    %c0_i32 = arith.constant 0 : i32
    %c0_i32_0 = arith.constant 0 : i32
    %c0_i32_1 = arith.constant 0 : i32
    return %c0_i32, %c0_i32_0 : i32, i32
  }
  func.func @transform_20(%arg0: i32) -> (i32, i32) {
    %c0_i32 = arith.constant 0 : i32
    %c0_i32_0 = arith.constant 0 : i32
    return %arg0, %c0_i32 : i32, i32
  }
  func.func @transform_21(%arg0: i32) -> (i32, i32) {
    %c0_i32 = arith.constant 0 : i32
    %c0_i32_0 = arith.constant 0 : i32
    return %arg0, %c0_i32 : i32, i32
  }
  func.func @transform_22(%arg0: i32) -> (i32, i32) {
    %c0_i32 = arith.constant 0 : i32
    %c0_i32_0 = arith.constant 0 : i32
    return %arg0, %c0_i32 : i32, i32
  }
  func.func @transform_23(%arg0: i32) -> (i32, i32) {
    %c0_i32 = arith.constant 0 : i32
    %c0_i32_0 = arith.constant 0 : i32
    return %arg0, %c0_i32 : i32, i32
  }
}

module attributes {stable_mosaic.version = 14 : i64} {
  func.func @_edge_stage_body(%arg0: i32, %arg1: memref<512x1xf32, #tpu.memory_space<vmem>>, %arg2: memref<512x1xf32, #tpu.memory_space<vmem>>, %arg3: memref<512x128xf32, #tpu.memory_space<vmem>>, %arg4: memref<1x32xf32, #tpu.memory_space<vmem>>, %arg5: memref<1x32xf32, #tpu.memory_space<vmem>>, %arg6: memref<32x128xf32, #tpu.memory_space<vmem>>, %arg7: memref<128x128xf32, #tpu.memory_space<vmem>>, %arg8: memref<512x128xf32, #tpu.memory_space<vmem>>, %arg9: memref<512x256xf32, #tpu.memory_space<vmem>>, %arg10: memref<512x1xi32, #tpu.memory_space<vmem>>, %arg11: memref<512x128xf32, #tpu.memory_space<vmem>>, %arg12: memref<512x128xf32, #tpu.memory_space<vmem>>) attributes {dimension_semantics = [#tpu.dimension_semantics<arbitrary>], iteration_bounds = array<i64: 625>, scalar_prefetch = 0 : i64, scratch_operands = 0 : i64, tpu.core_type = #tpu.core_type<tc>, window_params = [{transform_indices = @transform_0, window_bounds = array<i64: 512, 1>}, {transform_indices = @transform_1, window_bounds = array<i64: 512, 1>}, {transform_indices = @transform_2, window_bounds = array<i64: 512, 128>}, {pipeline_mode = #tpu.pipeline_mode<synchronous>, transform_indices = @transform_3, window_bounds = array<i64: 1, 32>}, {pipeline_mode = #tpu.pipeline_mode<synchronous>, transform_indices = @transform_4, window_bounds = array<i64: 1, 32>}, {pipeline_mode = #tpu.pipeline_mode<synchronous>, transform_indices = @transform_5, window_bounds = array<i64: 32, 128>}, {pipeline_mode = #tpu.pipeline_mode<synchronous>, transform_indices = @transform_6, window_bounds = array<i64: 128, 128>}, {transform_indices = @transform_7, window_bounds = array<i64: 512, 128>}, {transform_indices = @transform_8, window_bounds = array<i64: 512, 256>}, {transform_indices = @transform_9, window_bounds = array<i64: 512, 1>}, {transform_indices = @transform_10, window_bounds = array<i64: 512, 128>}, {transform_indices = @transform_11, window_bounds = array<i64: 512, 128>}]} {
    %get3A = arith.constant 0 : index
    %get3A_0 = arith.constant 0 : index
    %get3A_1 = vector.load %arg8[%get3A, %get3A_0] : memref<512x128xf32, #tpu.memory_space<vmem>>, vector<512x128xf32>
    %get3A_2 = arith.constant 0 : index
    %get3A_3 = arith.constant 0 : index
    %get3A_4 = vector.load %arg9[%get3A_2, %get3A_3] : memref<512x256xf32, #tpu.memory_space<vmem>>, vector<512x128xf32>
    %get3A_5 = arith.constant 0 : index
    %get3A_6 = arith.constant 128 : index
    %get3A_7 = vector.load %arg9[%get3A_5, %get3A_6] : memref<512x256xf32, #tpu.memory_space<vmem>>, vector<512x128xf32>
    %get3A_8 = arith.constant 0 : index
    %get3A_9 = arith.constant 0 : index
    %get3A_10 = vector.load %arg1[%get3A_8, %get3A_9] : memref<512x1xf32, #tpu.memory_space<vmem>>, vector<512x1xf32>
    %get3A_11 = arith.constant 0 : index
    %get3A_12 = arith.constant 0 : index
    %get3A_13 = vector.load %arg2[%get3A_11, %get3A_12] : memref<512x1xf32, #tpu.memory_space<vmem>>, vector<512x1xf32>
    %sub3A = arith.subf %get3A_10, %get3A_13 : vector<512x1xf32>
    %get3A_14 = arith.constant 0 : index
    %get3A_15 = arith.constant 0 : index
    %get3A_16 = vector.load %arg4[%get3A_14, %get3A_15] : memref<1x32xf32, #tpu.memory_space<vmem>>, vector<1x32xf32>
    %mul3A = vector.broadcast %sub3A : vector<512x1xf32> to vector<512x32xf32>
    %mul3A_17 = vector.broadcast %get3A_16 : vector<1x32xf32> to vector<512x32xf32>
    %mul3A_18 = arith.mulf %mul3A, %mul3A_17 : vector<512x32xf32>
    %get3A_19 = arith.constant 0 : index
    %get3A_20 = arith.constant 0 : index
    %get3A_21 = vector.load %arg5[%get3A_19, %get3A_20] : memref<1x32xf32, #tpu.memory_space<vmem>>, vector<1x32xf32>
    %add3A = vector.broadcast %get3A_21 : vector<1x32xf32> to vector<512x32xf32>
    %add3A_22 = arith.addf %mul3A_18, %add3A : vector<512x32xf32>
    %cos3A = math.cos %add3A_22 : vector<512x32xf32>
    %get3A_23 = arith.constant 0 : index
    %get3A_24 = arith.constant 0 : index
    %get3A_25 = vector.load %arg6[%get3A_23, %get3A_24] : memref<32x128xf32, #tpu.memory_space<vmem>>, vector<32x128xf32>
    %dot_general3A = arith.constant dense<0.000000e+00> : vector<512x128xf32>
    %dot_general3A_26 = tpu.matmul %cos3A, %get3A_25, %dot_general3A {dimension_numbers = #tpu.dot_dimension_numbers<[1], [0], [0], [1], [0, 0, 1, 1], [], []>, transpose_lhs_hint = false} : vector<512x32xf32>, vector<32x128xf32>, vector<512x128xf32> -> vector<512x128xf32>
    %get3A_27 = arith.constant 0 : index
    %get3A_28 = arith.constant 0 : index
    %get3A_29 = vector.load %arg3[%get3A_27, %get3A_28] : memref<512x128xf32, #tpu.memory_space<vmem>>, vector<512x128xf32>
    %get3A_30 = arith.constant 0 : index
    %get3A_31 = arith.constant 0 : index
    %get3A_32 = vector.load %arg7[%get3A_30, %get3A_31] : memref<128x128xf32, #tpu.memory_space<vmem>>, vector<128x128xf32>
    %dot_general3A_33 = arith.constant dense<0.000000e+00> : vector<512x128xf32>
    %dot_general3A_34 = tpu.matmul %get3A_29, %get3A_32, %dot_general3A_33 {dimension_numbers = #tpu.dot_dimension_numbers<[1], [0], [0], [1], [0, 0, 1, 1], [], []>, transpose_lhs_hint = false} : vector<512x128xf32>, vector<128x128xf32>, vector<512x128xf32> -> vector<512x128xf32>
    %add3A_35 = arith.addf %dot_general3A_26, %dot_general3A_34 : vector<512x128xf32>
    %add3A_36 = arith.addf %get3A_4, %add3A_35 : vector<512x128xf32>
    %mul3A_37 = arith.mulf %get3A_1, %add3A_36 : vector<512x128xf32>
    %reduce_sum3A = arith.constant dense<0.000000e+00> : vector<512xf32>
    %reduce_sum3A_38 = vector.multi_reduction <add>, %mul3A_37, %reduce_sum3A [1] : vector<512x128xf32> to vector<512xf32>
    %broadcast_in_dim3A = vector.shape_cast %reduce_sum3A_38 : vector<512xf32> to vector<512x1xf32>
    %mul3A_39 = arith.constant 0.0883883461 : f32
    %mul3A_40 = vector.broadcast %mul3A_39 : f32 to vector<512x1xf32>
    %mul3A_41 = arith.mulf %broadcast_in_dim3A, %mul3A_40 : vector<512x1xf32>
    %exp3A = math.exp %mul3A_41 : vector<512x1xf32>
    %add3A_42 = arith.addf %get3A_7, %add3A_35 : vector<512x128xf32>
    %mul3A_43 = vector.broadcast %exp3A : vector<512x1xf32> to vector<512x128xf32>
    %mul3A_44 = arith.mulf %add3A_42, %mul3A_43 : vector<512x128xf32>
    %swap3A = arith.constant 0 : index
    %swap3A_45 = arith.constant 0 : index
    %swap3A_46 = vector.load %arg11[%swap3A, %swap3A_45] : memref<512x128xf32, #tpu.memory_space<vmem>>, vector<512x128xf32>
    tpu.vector_store %arg11[%swap3A, %swap3A_45], %mul3A_44 {strides = array<i32>} : memref<512x128xf32, #tpu.memory_space<vmem>>, vector<512x128xf32>,
    %iota3A = tpu.iota {dimensions = array<i32: 1>} : vector<512x128xi32>
    %get3A_47 = arith.constant 0 : index
    %get3A_48 = arith.constant 0 : index
    %get3A_49 = vector.load %arg10[%get3A_47, %get3A_48] : memref<512x1xi32, #tpu.memory_space<vmem>>, vector<512x1xi32>
    %eq3A = vector.broadcast %get3A_49 : vector<512x1xi32> to vector<512x128xi32>
    %eq3A_50 = arith.cmpi eq, %iota3A, %eq3A : vector<512x128xi32>
    %convert_element_type3A = arith.extui %eq3A_50 : vector<512x128xi1> to vector<512x128xi32>
    %convert_element_type3A_51 = arith.sitofp %convert_element_type3A : vector<512x128xi32> to vector<512x128xf32>
    %mul3A_52 = vector.broadcast %exp3A : vector<512x1xf32> to vector<512x128xf32>
    %mul3A_53 = arith.mulf %convert_element_type3A_51, %mul3A_52 : vector<512x128xf32>
    %swap3A_54 = arith.constant 0 : index
    %swap3A_55 = arith.constant 0 : index
    %swap3A_56 = vector.load %arg12[%swap3A_54, %swap3A_55] : memref<512x128xf32, #tpu.memory_space<vmem>>, vector<512x128xf32>
    tpu.vector_store %arg12[%swap3A_54, %swap3A_55], %mul3A_53 {strides = array<i32>} : memref<512x128xf32, #tpu.memory_space<vmem>>, vector<512x128xf32>,
    return
  }
  func.func @transform_0(%arg0: i32) -> (i32, i32) {
    %c0_i32 = arith.constant 0 : i32
    %c0_i32_0 = arith.constant 0 : i32
    return %arg0, %c0_i32 : i32, i32
  }
  func.func @transform_1(%arg0: i32) -> (i32, i32) {
    %c0_i32 = arith.constant 0 : i32
    %c0_i32_0 = arith.constant 0 : i32
    return %arg0, %c0_i32 : i32, i32
  }
  func.func @transform_2(%arg0: i32) -> (i32, i32) {
    %c0_i32 = arith.constant 0 : i32
    %c0_i32_0 = arith.constant 0 : i32
    return %arg0, %c0_i32 : i32, i32
  }
  func.func @transform_3(%arg0: i32) -> (i32, i32) {
    %c0_i32 = arith.constant 0 : i32
    %c0_i32_0 = arith.constant 0 : i32
    %c0_i32_1 = arith.constant 0 : i32
    return %c0_i32, %c0_i32_0 : i32, i32
  }
  func.func @transform_4(%arg0: i32) -> (i32, i32) {
    %c0_i32 = arith.constant 0 : i32
    %c0_i32_0 = arith.constant 0 : i32
    %c0_i32_1 = arith.constant 0 : i32
    return %c0_i32, %c0_i32_0 : i32, i32
  }
  func.func @transform_5(%arg0: i32) -> (i32, i32) {
    %c0_i32 = arith.constant 0 : i32
    %c0_i32_0 = arith.constant 0 : i32
    %c0_i32_1 = arith.constant 0 : i32
    return %c0_i32, %c0_i32_0 : i32, i32
  }
  func.func @transform_6(%arg0: i32) -> (i32, i32) {
    %c0_i32 = arith.constant 0 : i32
    %c0_i32_0 = arith.constant 0 : i32
    %c0_i32_1 = arith.constant 0 : i32
    return %c0_i32, %c0_i32_0 : i32, i32
  }
  func.func @transform_7(%arg0: i32) -> (i32, i32) {
    %c0_i32 = arith.constant 0 : i32
    %c0_i32_0 = arith.constant 0 : i32
    return %arg0, %c0_i32 : i32, i32
  }
  func.func @transform_8(%arg0: i32) -> (i32, i32) {
    %c0_i32 = arith.constant 0 : i32
    %c0_i32_0 = arith.constant 0 : i32
    return %arg0, %c0_i32 : i32, i32
  }
  func.func @transform_9(%arg0: i32) -> (i32, i32) {
    %c0_i32 = arith.constant 0 : i32
    %c0_i32_0 = arith.constant 0 : i32
    return %arg0, %c0_i32 : i32, i32
  }
  func.func @transform_10(%arg0: i32) -> (i32, i32) {
    %c0_i32 = arith.constant 0 : i32
    %c0_i32_0 = arith.constant 0 : i32
    return %arg0, %c0_i32 : i32, i32
  }
  func.func @transform_11(%arg0: i32) -> (i32, i32) {
    %c0_i32 = arith.constant 0 : i32
    %c0_i32_0 = arith.constant 0 : i32
    return %arg0, %c0_i32 : i32, i32
  }
}

module attributes {stable_mosaic.version = 14 : i64} {
  func.func @_layer1_body(%arg0: i32, %arg1: memref<512x128xf32, #tpu.memory_space<vmem>>, %arg2: memref<512x128xf32, #tpu.memory_space<vmem>>, %arg3: memref<512x1xf32, #tpu.memory_space<vmem>>, %arg4: memref<512x128xf32, #tpu.memory_space<vmem>>, %arg5: memref<512x192xf32, #tpu.memory_space<vmem>>, %arg6: memref<128x128xf32, #tpu.memory_space<vmem>>, %arg7: memref<192x128xf32, #tpu.memory_space<vmem>>, %arg8: memref<1x128xf32, #tpu.memory_space<vmem>>, %arg9: memref<128x128xf32, #tpu.memory_space<vmem>>, %arg10: memref<192x128xf32, #tpu.memory_space<vmem>>, %arg11: memref<1x128xf32, #tpu.memory_space<vmem>>, %arg12: memref<128x128xf32, #tpu.memory_space<vmem>>, %arg13: memref<192x128xf32, #tpu.memory_space<vmem>>, %arg14: memref<1x128xf32, #tpu.memory_space<vmem>>, %arg15: memref<128x128xf32, #tpu.memory_space<vmem>>, %arg16: memref<192x128xf32, #tpu.memory_space<vmem>>, %arg17: memref<1x128xf32, #tpu.memory_space<vmem>>, %arg18: memref<512x128xf32, #tpu.memory_space<vmem>>, %arg19: memref<512x256xf32, #tpu.memory_space<vmem>>, %arg20: memref<512x128xf32, #tpu.memory_space<vmem>>) attributes {dimension_semantics = [#tpu.dimension_semantics<arbitrary>], iteration_bounds = array<i64: 20>, scalar_prefetch = 0 : i64, scratch_operands = 0 : i64, tpu.core_type = #tpu.core_type<tc>, window_params = [{transform_indices = @transform_0, window_bounds = array<i64: 512, 128>}, {transform_indices = @transform_1, window_bounds = array<i64: 512, 128>}, {transform_indices = @transform_2, window_bounds = array<i64: 512, 1>}, {transform_indices = @transform_3, window_bounds = array<i64: 512, 128>}, {transform_indices = @transform_4, window_bounds = array<i64: 512, 192>}, {pipeline_mode = #tpu.pipeline_mode<synchronous>, transform_indices = @transform_5, window_bounds = array<i64: 128, 128>}, {pipeline_mode = #tpu.pipeline_mode<synchronous>, transform_indices = @transform_6, window_bounds = array<i64: 192, 128>}, {pipeline_mode = #tpu.pipeline_mode<synchronous>, transform_indices = @transform_7, window_bounds = array<i64: 1, 128>}, {pipeline_mode = #tpu.pipeline_mode<synchronous>, transform_indices = @transform_8, window_bounds = array<i64: 128, 128>}, {pipeline_mode = #tpu.pipeline_mode<synchronous>, transform_indices = @transform_9, window_bounds = array<i64: 192, 128>}, {pipeline_mode = #tpu.pipeline_mode<synchronous>, transform_indices = @transform_10, window_bounds = array<i64: 1, 128>}, {pipeline_mode = #tpu.pipeline_mode<synchronous>, transform_indices = @transform_11, window_bounds = array<i64: 128, 128>}, {pipeline_mode = #tpu.pipeline_mode<synchronous>, transform_indices = @transform_12, window_bounds = array<i64: 192, 128>}, {pipeline_mode = #tpu.pipeline_mode<synchronous>, transform_indices = @transform_13, window_bounds = array<i64: 1, 128>}, {pipeline_mode = #tpu.pipeline_mode<synchronous>, transform_indices = @transform_14, window_bounds = array<i64: 128, 128>}, {pipeline_mode = #tpu.pipeline_mode<synchronous>, transform_indices = @transform_15, window_bounds = array<i64: 192, 128>}, {pipeline_mode = #tpu.pipeline_mode<synchronous>, transform_indices = @transform_16, window_bounds = array<i64: 1, 128>}, {transform_indices = @transform_17, window_bounds = array<i64: 512, 128>}, {transform_indices = @transform_18, window_bounds = array<i64: 512, 256>}, {transform_indices = @transform_19, window_bounds = array<i64: 512, 128>}]} {
    %get3A = arith.constant 0 : index
    %get3A_0 = arith.constant 0 : index
    %get3A_1 = vector.load %arg1[%get3A, %get3A_0] : memref<512x128xf32, #tpu.memory_space<vmem>>, vector<512x128xf32>
    %get3A_2 = arith.constant 0 : index
    %get3A_3 = arith.constant 0 : index
    %get3A_4 = vector.load %arg2[%get3A_2, %get3A_3] : memref<512x128xf32, #tpu.memory_space<vmem>>, vector<512x128xf32>
    %add3A = arith.addf %get3A_1, %get3A_4 : vector<512x128xf32>
    %get3A_5 = arith.constant 0 : index
    %get3A_6 = arith.constant 0 : index
    %get3A_7 = vector.load %arg3[%get3A_5, %get3A_6] : memref<512x1xf32, #tpu.memory_space<vmem>>, vector<512x1xf32>
    %add3A_8 = arith.constant 1.000000e-16 : f32
    %add3A_9 = vector.broadcast %add3A_8 : f32 to vector<512x1xf32>
    %add3A_10 = arith.addf %get3A_7, %add3A_9 : vector<512x1xf32>
    %div3A = vector.broadcast %add3A_10 : vector<512x1xf32> to vector<512x128xf32>
    %div3A_11 = arith.divf %add3A, %div3A : vector<512x128xf32>
    %get3A_12 = arith.constant 0 : index
    %get3A_13 = arith.constant 0 : index
    %get3A_14 = vector.load %arg4[%get3A_12, %get3A_13] : memref<512x128xf32, #tpu.memory_space<vmem>>, vector<512x128xf32>
    %add3A_15 = arith.addf %div3A_11, %get3A_14 : vector<512x128xf32>
    %get3A_16 = arith.constant 0 : index
    %get3A_17 = arith.constant 0 : index
    %get3A_18 = vector.load %arg5[%get3A_16, %get3A_17] : memref<512x192xf32, #tpu.memory_space<vmem>>, vector<512x192xf32>
    %get3A_19 = arith.constant 0 : index
    %get3A_20 = arith.constant 0 : index
    %get3A_21 = vector.load %arg6[%get3A_19, %get3A_20] : memref<128x128xf32, #tpu.memory_space<vmem>>, vector<128x128xf32>
    %dot_general3A = arith.constant dense<0.000000e+00> : vector<512x128xf32>
    %dot_general3A_22 = tpu.matmul %add3A_15, %get3A_21, %dot_general3A {dimension_numbers = #tpu.dot_dimension_numbers<[1], [0], [0], [1], [0, 0, 1, 1], [], []>, transpose_lhs_hint = false} : vector<512x128xf32>, vector<128x128xf32>, vector<512x128xf32> -> vector<512x128xf32>
    %get3A_23 = arith.constant 0 : index
    %get3A_24 = arith.constant 0 : index
    %get3A_25 = vector.load %arg7[%get3A_23, %get3A_24] : memref<192x128xf32, #tpu.memory_space<vmem>>, vector<192x128xf32>
    %dot_general3A_26 = arith.constant dense<0.000000e+00> : vector<512x128xf32>
    %dot_general3A_27 = tpu.matmul %get3A_18, %get3A_25, %dot_general3A_26 {dimension_numbers = #tpu.dot_dimension_numbers<[1], [0], [0], [1], [0, 0, 1, 1], [], []>, transpose_lhs_hint = false} : vector<512x192xf32>, vector<192x128xf32>, vector<512x128xf32> -> vector<512x128xf32>
    %add3A_28 = arith.addf %dot_general3A_22, %dot_general3A_27 : vector<512x128xf32>
    %get3A_29 = arith.constant 0 : index
    %get3A_30 = arith.constant 0 : index
    %get3A_31 = vector.load %arg8[%get3A_29, %get3A_30] : memref<1x128xf32, #tpu.memory_space<vmem>>, vector<1x128xf32>
    %add3A_32 = vector.broadcast %get3A_31 : vector<1x128xf32> to vector<512x128xf32>
    %add3A_33 = arith.addf %add3A_28, %add3A_32 : vector<512x128xf32>
    %get3A_34 = arith.constant 0 : index
    %get3A_35 = arith.constant 0 : index
    %get3A_36 = vector.load %arg9[%get3A_34, %get3A_35] : memref<128x128xf32, #tpu.memory_space<vmem>>, vector<128x128xf32>
    %dot_general3A_37 = arith.constant dense<0.000000e+00> : vector<512x128xf32>
    %dot_general3A_38 = tpu.matmul %add3A_15, %get3A_36, %dot_general3A_37 {dimension_numbers = #tpu.dot_dimension_numbers<[1], [0], [0], [1], [0, 0, 1, 1], [], []>, transpose_lhs_hint = false} : vector<512x128xf32>, vector<128x128xf32>, vector<512x128xf32> -> vector<512x128xf32>
    %get3A_39 = arith.constant 0 : index
    %get3A_40 = arith.constant 0 : index
    %get3A_41 = vector.load %arg10[%get3A_39, %get3A_40] : memref<192x128xf32, #tpu.memory_space<vmem>>, vector<192x128xf32>
    %dot_general3A_42 = arith.constant dense<0.000000e+00> : vector<512x128xf32>
    %dot_general3A_43 = tpu.matmul %get3A_18, %get3A_41, %dot_general3A_42 {dimension_numbers = #tpu.dot_dimension_numbers<[1], [0], [0], [1], [0, 0, 1, 1], [], []>, transpose_lhs_hint = false} : vector<512x192xf32>, vector<192x128xf32>, vector<512x128xf32> -> vector<512x128xf32>
    %add3A_44 = arith.addf %dot_general3A_38, %dot_general3A_43 : vector<512x128xf32>
    %get3A_45 = arith.constant 0 : index
    %get3A_46 = arith.constant 0 : index
    %get3A_47 = vector.load %arg11[%get3A_45, %get3A_46] : memref<1x128xf32, #tpu.memory_space<vmem>>, vector<1x128xf32>
    %add3A_48 = vector.broadcast %get3A_47 : vector<1x128xf32> to vector<512x128xf32>
    %add3A_49 = arith.addf %add3A_44, %add3A_48 : vector<512x128xf32>
    %get3A_50 = arith.constant 0 : index
    %get3A_51 = arith.constant 0 : index
    %get3A_52 = vector.load %arg12[%get3A_50, %get3A_51] : memref<128x128xf32, #tpu.memory_space<vmem>>, vector<128x128xf32>
    %dot_general3A_53 = arith.constant dense<0.000000e+00> : vector<512x128xf32>
    %dot_general3A_54 = tpu.matmul %add3A_15, %get3A_52, %dot_general3A_53 {dimension_numbers = #tpu.dot_dimension_numbers<[1], [0], [0], [1], [0, 0, 1, 1], [], []>, transpose_lhs_hint = false} : vector<512x128xf32>, vector<128x128xf32>, vector<512x128xf32> -> vector<512x128xf32>
    %get3A_55 = arith.constant 0 : index
    %get3A_56 = arith.constant 0 : index
    %get3A_57 = vector.load %arg13[%get3A_55, %get3A_56] : memref<192x128xf32, #tpu.memory_space<vmem>>, vector<192x128xf32>
    %dot_general3A_58 = arith.constant dense<0.000000e+00> : vector<512x128xf32>
    %dot_general3A_59 = tpu.matmul %get3A_18, %get3A_57, %dot_general3A_58 {dimension_numbers = #tpu.dot_dimension_numbers<[1], [0], [0], [1], [0, 0, 1, 1], [], []>, transpose_lhs_hint = false} : vector<512x192xf32>, vector<192x128xf32>, vector<512x128xf32> -> vector<512x128xf32>
    %add3A_60 = arith.addf %dot_general3A_54, %dot_general3A_59 : vector<512x128xf32>
    %get3A_61 = arith.constant 0 : index
    %get3A_62 = arith.constant 0 : index
    %get3A_63 = vector.load %arg14[%get3A_61, %get3A_62] : memref<1x128xf32, #tpu.memory_space<vmem>>, vector<1x128xf32>
    %add3A_64 = vector.broadcast %get3A_63 : vector<1x128xf32> to vector<512x128xf32>
    %add3A_65 = arith.addf %add3A_60, %add3A_64 : vector<512x128xf32>
    %get3A_66 = arith.constant 0 : index
    %get3A_67 = arith.constant 0 : index
    %get3A_68 = vector.load %arg15[%get3A_66, %get3A_67] : memref<128x128xf32, #tpu.memory_space<vmem>>, vector<128x128xf32>
    %dot_general3A_69 = arith.constant dense<0.000000e+00> : vector<512x128xf32>
    %dot_general3A_70 = tpu.matmul %add3A_15, %get3A_68, %dot_general3A_69 {dimension_numbers = #tpu.dot_dimension_numbers<[1], [0], [0], [1], [0, 0, 1, 1], [], []>, transpose_lhs_hint = false} : vector<512x128xf32>, vector<128x128xf32>, vector<512x128xf32> -> vector<512x128xf32>
    %get3A_71 = arith.constant 0 : index
    %get3A_72 = arith.constant 0 : index
    %get3A_73 = vector.load %arg16[%get3A_71, %get3A_72] : memref<192x128xf32, #tpu.memory_space<vmem>>, vector<192x128xf32>
    %dot_general3A_74 = arith.constant dense<0.000000e+00> : vector<512x128xf32>
    %dot_general3A_75 = tpu.matmul %get3A_18, %get3A_73, %dot_general3A_74 {dimension_numbers = #tpu.dot_dimension_numbers<[1], [0], [0], [1], [0, 0, 1, 1], [], []>, transpose_lhs_hint = false} : vector<512x192xf32>, vector<192x128xf32>, vector<512x128xf32> -> vector<512x128xf32>
    %add3A_76 = arith.addf %dot_general3A_70, %dot_general3A_75 : vector<512x128xf32>
    %get3A_77 = arith.constant 0 : index
    %get3A_78 = arith.constant 0 : index
    %get3A_79 = vector.load %arg17[%get3A_77, %get3A_78] : memref<1x128xf32, #tpu.memory_space<vmem>>, vector<1x128xf32>
    %add3A_80 = vector.broadcast %get3A_79 : vector<1x128xf32> to vector<512x128xf32>
    %add3A_81 = arith.addf %add3A_76, %add3A_80 : vector<512x128xf32>
    %swap3A = arith.constant 0 : index
    %swap3A_82 = arith.constant 0 : index
    %swap3A_83 = vector.load %arg18[%swap3A, %swap3A_82] : memref<512x128xf32, #tpu.memory_space<vmem>>, vector<512x128xf32>
    tpu.vector_store %arg18[%swap3A, %swap3A_82], %add3A_33 {strides = array<i32>} : memref<512x128xf32, #tpu.memory_space<vmem>>, vector<512x128xf32>,
    %concatenate3A = tpu.concatenate %add3A_49, %add3A_65 in 1 : vector<512x128xf32>, vector<512x128xf32> -> vector<512x256xf32>
    %swap3A_84 = arith.constant 0 : index
    %swap3A_85 = arith.constant 0 : index
    %swap3A_86 = vector.load %arg19[%swap3A_84, %swap3A_85] : memref<512x256xf32, #tpu.memory_space<vmem>>, vector<512x256xf32>
    tpu.vector_store %arg19[%swap3A_84, %swap3A_85], %concatenate3A {strides = array<i32>} : memref<512x256xf32, #tpu.memory_space<vmem>>, vector<512x256xf32>,
    %swap3A_87 = arith.constant 0 : index
    %swap3A_88 = arith.constant 0 : index
    %swap3A_89 = vector.load %arg20[%swap3A_87, %swap3A_88] : memref<512x128xf32, #tpu.memory_space<vmem>>, vector<512x128xf32>
    tpu.vector_store %arg20[%swap3A_87, %swap3A_88], %add3A_81 {strides = array<i32>} : memref<512x128xf32, #tpu.memory_space<vmem>>, vector<512x128xf32>,
    return
  }
  func.func @transform_0(%arg0: i32) -> (i32, i32) {
    %c0_i32 = arith.constant 0 : i32
    %c0_i32_0 = arith.constant 0 : i32
    return %arg0, %c0_i32 : i32, i32
  }
  func.func @transform_1(%arg0: i32) -> (i32, i32) {
    %c0_i32 = arith.constant 0 : i32
    %c0_i32_0 = arith.constant 0 : i32
    return %arg0, %c0_i32 : i32, i32
  }
  func.func @transform_2(%arg0: i32) -> (i32, i32) {
    %c0_i32 = arith.constant 0 : i32
    %c0_i32_0 = arith.constant 0 : i32
    return %arg0, %c0_i32 : i32, i32
  }
  func.func @transform_3(%arg0: i32) -> (i32, i32) {
    %c0_i32 = arith.constant 0 : i32
    %c0_i32_0 = arith.constant 0 : i32
    return %arg0, %c0_i32 : i32, i32
  }
  func.func @transform_4(%arg0: i32) -> (i32, i32) {
    %c0_i32 = arith.constant 0 : i32
    %c0_i32_0 = arith.constant 0 : i32
    return %arg0, %c0_i32 : i32, i32
  }
  func.func @transform_5(%arg0: i32) -> (i32, i32) {
    %c0_i32 = arith.constant 0 : i32
    %c0_i32_0 = arith.constant 0 : i32
    %c0_i32_1 = arith.constant 0 : i32
    return %c0_i32, %c0_i32_0 : i32, i32
  }
  func.func @transform_6(%arg0: i32) -> (i32, i32) {
    %c0_i32 = arith.constant 0 : i32
    %c0_i32_0 = arith.constant 0 : i32
    %c0_i32_1 = arith.constant 0 : i32
    return %c0_i32, %c0_i32_0 : i32, i32
  }
  func.func @transform_7(%arg0: i32) -> (i32, i32) {
    %c0_i32 = arith.constant 0 : i32
    %c0_i32_0 = arith.constant 0 : i32
    %c0_i32_1 = arith.constant 0 : i32
    return %c0_i32, %c0_i32_0 : i32, i32
  }
  func.func @transform_8(%arg0: i32) -> (i32, i32) {
    %c0_i32 = arith.constant 0 : i32
    %c0_i32_0 = arith.constant 0 : i32
    %c0_i32_1 = arith.constant 0 : i32
    return %c0_i32, %c0_i32_0 : i32, i32
  }
  func.func @transform_9(%arg0: i32) -> (i32, i32) {
    %c0_i32 = arith.constant 0 : i32
    %c0_i32_0 = arith.constant 0 : i32
    %c0_i32_1 = arith.constant 0 : i32
    return %c0_i32, %c0_i32_0 : i32, i32
  }
  func.func @transform_10(%arg0: i32) -> (i32, i32) {
    %c0_i32 = arith.constant 0 : i32
    %c0_i32_0 = arith.constant 0 : i32
    %c0_i32_1 = arith.constant 0 : i32
    return %c0_i32, %c0_i32_0 : i32, i32
  }
  func.func @transform_11(%arg0: i32) -> (i32, i32) {
    %c0_i32 = arith.constant 0 : i32
    %c0_i32_0 = arith.constant 0 : i32
    %c0_i32_1 = arith.constant 0 : i32
    return %c0_i32, %c0_i32_0 : i32, i32
  }
  func.func @transform_12(%arg0: i32) -> (i32, i32) {
    %c0_i32 = arith.constant 0 : i32
    %c0_i32_0 = arith.constant 0 : i32
    %c0_i32_1 = arith.constant 0 : i32
    return %c0_i32, %c0_i32_0 : i32, i32
  }
  func.func @transform_13(%arg0: i32) -> (i32, i32) {
    %c0_i32 = arith.constant 0 : i32
    %c0_i32_0 = arith.constant 0 : i32
    %c0_i32_1 = arith.constant 0 : i32
    return %c0_i32, %c0_i32_0 : i32, i32
  }
  func.func @transform_14(%arg0: i32) -> (i32, i32) {
    %c0_i32 = arith.constant 0 : i32
    %c0_i32_0 = arith.constant 0 : i32
    %c0_i32_1 = arith.constant 0 : i32
    return %c0_i32, %c0_i32_0 : i32, i32
  }
  func.func @transform_15(%arg0: i32) -> (i32, i32) {
    %c0_i32 = arith.constant 0 : i32
    %c0_i32_0 = arith.constant 0 : i32
    %c0_i32_1 = arith.constant 0 : i32
    return %c0_i32, %c0_i32_0 : i32, i32
  }
  func.func @transform_16(%arg0: i32) -> (i32, i32) {
    %c0_i32 = arith.constant 0 : i32
    %c0_i32_0 = arith.constant 0 : i32
    %c0_i32_1 = arith.constant 0 : i32
    return %c0_i32, %c0_i32_0 : i32, i32
  }
  func.func @transform_17(%arg0: i32) -> (i32, i32) {
    %c0_i32 = arith.constant 0 : i32
    %c0_i32_0 = arith.constant 0 : i32
    return %arg0, %c0_i32 : i32, i32
  }
  func.func @transform_18(%arg0: i32) -> (i32, i32) {
    %c0_i32 = arith.constant 0 : i32
    %c0_i32_0 = arith.constant 0 : i32
    return %arg0, %c0_i32 : i32, i32
  }
  func.func @transform_19(%arg0: i32) -> (i32, i32) {
    %c0_i32 = arith.constant 0 : i32
    %c0_i32_0 = arith.constant 0 : i32
    return %arg0, %c0_i32 : i32, i32
  }
}

module attributes {stable_mosaic.version = 14 : i64} {
  func.func @_final_body(%arg0: i32, %arg1: memref<512x128xf32, #tpu.memory_space<vmem>>, %arg2: memref<512x128xf32, #tpu.memory_space<vmem>>, %arg3: memref<512x1xf32, #tpu.memory_space<vmem>>, %arg4: memref<512x128xf32, #tpu.memory_space<vmem>>, %arg5: memref<128x128xf32, #tpu.memory_space<vmem>>, %arg6: memref<1x128xf32, #tpu.memory_space<vmem>>, %arg7: memref<512x128xf32, #tpu.memory_space<vmem>>) attributes {dimension_semantics = [#tpu.dimension_semantics<arbitrary>], iteration_bounds = array<i64: 20>, scalar_prefetch = 0 : i64, scratch_operands = 0 : i64, tpu.core_type = #tpu.core_type<tc>, window_params = [{transform_indices = @transform_0, window_bounds = array<i64: 512, 128>}, {transform_indices = @transform_1, window_bounds = array<i64: 512, 128>}, {transform_indices = @transform_2, window_bounds = array<i64: 512, 1>}, {transform_indices = @transform_3, window_bounds = array<i64: 512, 128>}, {pipeline_mode = #tpu.pipeline_mode<synchronous>, transform_indices = @transform_4, window_bounds = array<i64: 128, 128>}, {pipeline_mode = #tpu.pipeline_mode<synchronous>, transform_indices = @transform_5, window_bounds = array<i64: 1, 128>}, {transform_indices = @transform_6, window_bounds = array<i64: 512, 128>}]} {
    %get3A = arith.constant 0 : index
    %get3A_0 = arith.constant 0 : index
    %get3A_1 = vector.load %arg1[%get3A, %get3A_0] : memref<512x128xf32, #tpu.memory_space<vmem>>, vector<512x128xf32>
    %get3A_2 = arith.constant 0 : index
    %get3A_3 = arith.constant 0 : index
    %get3A_4 = vector.load %arg2[%get3A_2, %get3A_3] : memref<512x128xf32, #tpu.memory_space<vmem>>, vector<512x128xf32>
    %add3A = arith.addf %get3A_1, %get3A_4 : vector<512x128xf32>
    %get3A_5 = arith.constant 0 : index
    %get3A_6 = arith.constant 0 : index
    %get3A_7 = vector.load %arg3[%get3A_5, %get3A_6] : memref<512x1xf32, #tpu.memory_space<vmem>>, vector<512x1xf32>
    %add3A_8 = arith.constant 1.000000e-16 : f32
    %add3A_9 = vector.broadcast %add3A_8 : f32 to vector<512x1xf32>
    %add3A_10 = arith.addf %get3A_7, %add3A_9 : vector<512x1xf32>
    %div3A = vector.broadcast %add3A_10 : vector<512x1xf32> to vector<512x128xf32>
    %div3A_11 = arith.divf %add3A, %div3A : vector<512x128xf32>
    %get3A_12 = arith.constant 0 : index
    %get3A_13 = arith.constant 0 : index
    %get3A_14 = vector.load %arg4[%get3A_12, %get3A_13] : memref<512x128xf32, #tpu.memory_space<vmem>>, vector<512x128xf32>
    %add3A_15 = arith.addf %div3A_11, %get3A_14 : vector<512x128xf32>
    %get3A_16 = arith.constant 0 : index
    %get3A_17 = arith.constant 0 : index
    %get3A_18 = vector.load %arg5[%get3A_16, %get3A_17] : memref<128x128xf32, #tpu.memory_space<vmem>>, vector<128x128xf32>
    %dot_general3A = arith.constant dense<0.000000e+00> : vector<512x128xf32>
    %dot_general3A_19 = tpu.matmul %add3A_15, %get3A_18, %dot_general3A {dimension_numbers = #tpu.dot_dimension_numbers<[1], [0], [0], [1], [0, 0, 1, 1], [], []>, transpose_lhs_hint = false} : vector<512x128xf32>, vector<128x128xf32>, vector<512x128xf32> -> vector<512x128xf32>
    %get3A_20 = arith.constant 0 : index
    %get3A_21 = arith.constant 0 : index
    %get3A_22 = vector.load %arg6[%get3A_20, %get3A_21] : memref<1x128xf32, #tpu.memory_space<vmem>>, vector<1x128xf32>
    %add3A_23 = vector.broadcast %get3A_22 : vector<1x128xf32> to vector<512x128xf32>
    %add3A_24 = arith.addf %dot_general3A_19, %add3A_23 : vector<512x128xf32>
    %swap3A = arith.constant 0 : index
    %swap3A_25 = arith.constant 0 : index
    %swap3A_26 = vector.load %arg7[%swap3A, %swap3A_25] : memref<512x128xf32, #tpu.memory_space<vmem>>, vector<512x128xf32>
    tpu.vector_store %arg7[%swap3A, %swap3A_25], %add3A_24 {strides = array<i32>} : memref<512x128xf32, #tpu.memory_space<vmem>>, vector<512x128xf32>,
    return
  }
  func.func @transform_0(%arg0: i32) -> (i32, i32) {
    %c0_i32 = arith.constant 0 : i32
    %c0_i32_0 = arith.constant 0 : i32
    return %arg0, %c0_i32 : i32, i32
  }
  func.func @transform_1(%arg0: i32) -> (i32, i32) {
    %c0_i32 = arith.constant 0 : i32
    %c0_i32_0 = arith.constant 0 : i32
    return %arg0, %c0_i32 : i32, i32
  }
  func.func @transform_2(%arg0: i32) -> (i32, i32) {
    %c0_i32 = arith.constant 0 : i32
    %c0_i32_0 = arith.constant 0 : i32
    return %arg0, %c0_i32 : i32, i32
  }
  func.func @transform_3(%arg0: i32) -> (i32, i32) {
    %c0_i32 = arith.constant 0 : i32
    %c0_i32_0 = arith.constant 0 : i32
    return %arg0, %c0_i32 : i32, i32
  }
  func.func @transform_4(%arg0: i32) -> (i32, i32) {
    %c0_i32 = arith.constant 0 : i32
    %c0_i32_0 = arith.constant 0 : i32
    %c0_i32_1 = arith.constant 0 : i32
    return %c0_i32, %c0_i32_0 : i32, i32
  }
  func.func @transform_5(%arg0: i32) -> (i32, i32) {
    %c0_i32 = arith.constant 0 : i32
    %c0_i32_0 = arith.constant 0 : i32
    %c0_i32_1 = arith.constant 0 : i32
    return %c0_i32, %c0_i32_0 : i32, i32
  }
  func.func @transform_6(%arg0: i32) -> (i32, i32) {
    %c0_i32 = arith.constant 0 : i32
    %c0_i32_0 = arith.constant 0 : i32
    return %arg0, %c0_i32 : i32, i32
  }
}

</mosaic_0001>

<sc_bundles>
// kernel: kernel.15.cloned.1.call-start
scs
__scs_entry_jumppad:
0x0: {  	(pc) =	sbr.rel $0x88, $3  }
0x1: {  	(tag) =	ssettag $0x0;
	lr =	simm.s32 $0x1  }
0x2: {  	[smem:$0x3F74] =	sst lr;
	_ =	strace $0xD0000000  }
0x3: {  	_ = 	snop  }
0x4: {  	_ = 	snop  }
0x5: {  	_ = 	snop  }
0x6: {  	_ = 	snop  }
0x7: {  	_ = 	snop  }
__scs_overlays_trampoline_lowered:
0x8: {  	[smem:$0x3F83] =	sst s0  }
0x9: {  	[smem:$0x3F84] =	sst s1  }
0xa: {  	[smem:$0x3F85] =	sst s2  }
0xb: {  	[smem:$0x3F86] =	sst s3  }
0xc: {  	[smem:$0x3F87] =	sst s4  }
0xd: {  	[smem:$0x3F88] =	sst s5  }
0xe: {  	[smem:$0x3F89] =	sst s6  }
0xf: {  	[smem:$0x3F8A] =	sst s7  }
0x10: {  	[smem:$0x3F8B] =	sst s8  }
0x11: {  	[smem:$0x3F8C] =	sst s9;
	s0 =	simm.s32 @!p0 $0x0  }
0x12: {  	s1 =	sld [smem:$0x3F72];
	s0 =	simm.s32 @p0 $0x1  }
0x13: {  	[smem:$0x3F8D] =	sst s0;
	s0 =	simm.s32 @!p1 $0x0  }
0x14: {  	s2 =	sld [smem:$0x3F71];
	s0 =	simm.s32 @p1 $0x1  }
0x15: {  	[smem:$0x3F8E] =	sst s0;
	s0 =	simm.s32 @!p2 $0x0  }
0x16: {  	s3 =	sld [smem:$0x3FDB];
	s0 =	simm.s32 @p2 $0x1  }
0x17: {  	s4 =	simm.s32 $0x1BF5;
	[smem:$0x3F90] =	sst s0  }
0x18: {  	s0 =	sld [smem:$0x3F73];
	_ =	swait.ge [sflag:s4], $0x0  }
0x19: {  	s7 =	sld [smem:$0x3F74]  }
0x1a: {  	s8 =	sadd.s32 $0xFFFFE003, lr  }
0x1b: {  	s9 =	sadd.s32 $0xFFFFFEF7, lr;
	s5 =	simm.s32 $0xFFFFFFFF;
	p2 =	slt.u32 s8, $0xFFFFF086  }
0x1c: {  	p1 =	slt.u32 s9, $0xF7A;
	s5 =	simm.s32 @!p2 $0x0  }
0x1d: {  	s5 =	simm.s32 @p1 $0x1;
	p0 =	seq.s32 s7, s2  }
0x1e: {  	s7 =	smul.u32 @!p0 $0xF7A, s2;
	p2 =	seq.s32 @!p0 s5, $0x0  }
0x1f: {  	s9 =	smul.u32 $0xF7A, s1;
	s8 =	simm.s32 @!p0 $0x1BF5;
	p2 =	por !p2, p0  }
0x20: {  	[sflag:s8] =	ssyncset.s32 @!p0 $0xFFFFF086;
	s6 =	sadd.s32 @!p0 s3, s7;
	s7 =	simm.s32 @!p0 $0x108  }
0x21: {  	s3 =	sadd.s32 s3, s9;
	s6 =	sadd.s32 @!p0 $0x88, s6;
	s7 =	simm.s32 @p2 $0x1082  }
0x22: {  	[simem:s7], [sflag:s8] =	dma.local @!p0 [hbm:s6], $0xF7A  }
0x23: {  	s9 =	sor.u32 $0xD0000000, s2;
	s6 =	simm.s32 $0x108;
	_ =	swait.ge @!p0 [sflag:s8], $0x0  }
0x24: {  	s3 =	sadd.s32 $0x88, s3;
	s6 =	simm.s32 @!p1 $0x1082;
	[sflag:s4] =	ssyncset.s32 $0xFFFFF086  }
0x25: {  	[simem:s6], [sflag:s4] =	dma.local [hbm:s3], $0xF7A  }
0x26: {  	[smem:$0x3F74] =	sst s1;
	(tag) =	ssettag s2;
	_ =	strace s9  }
0x27: {  	s1 =	sld [smem:$0x3F84]  }
0x28: {  	s2 =	sld [smem:$0x3F85]  }
0x29: {  	s4 =	sld [smem:$0x3F87]  }
0x2a: {  	p0 =	seq.s32 s5, $0x0;
	s5 =	sld [smem:$0x3F88]  }
0x2b: {  	s6 =	sld [smem:$0x3F89]  }
0x2c: {  	s7 =	sld [smem:$0x3F8A]  }
0x2d: {  	s3 =	simm.s32 $0x108;
	s8 =	sld [smem:$0x3F8B]  }
0x2e: {  	s3 =	simm.s32 @!p0 $0x1082;
	s9 =	sld [smem:$0x3F8C]  }
0x2f: {  	lr =	sadd.s32 s0, s3;
	s0 =	sld [smem:$0x3F83]  }
0x30: {  	s3 =	sld [smem:$0x3F86]  }
0x31: {  	[smem:$0x3F8F] =	sst s10  }
0x32: {  	s10 =	sld [smem:$0x3F8D];
	_ =	sdelay $0x3  }
0x33: {  	p0 =	seq.s32 s10, $0x1;
	s10 =	sld [smem:$0x3F8F];
	_ =	sdelay $0x3  }
0x34: {  	[smem:$0x3F8F] =	sst s10  }
0x35: {  	s10 =	sld [smem:$0x3F8E];
	_ =	sdelay $0x3  }
0x36: {  	p1 =	seq.s32 s10, $0x1;
	s10 =	sld [smem:$0x3F8F];
	_ =	sdelay $0x3  }
0x37: {  	[smem:$0x3F8F] =	sst s10  }
0x38: {  	s10 =	sld [smem:$0x3F90]  }
0x39: {  	_ = 	snop;
	(pc) =	sbr.ind lr, $3  }
0x3a: {  	_ = 	snop  }
0x3b: {  	_ = 	snop  }
0x3c: {  	p2 =	seq.s32 s10, $0x1;
	s10 =	sld [smem:$0x3F8F]  }
0x3d: {  	_ =	shalt  }
0x3e: {  	_ =	shalt  }
0x3f: {  	_ =	shalt  }
0x40: {  	_ =	shalt  }
0x41: {  	_ =	shalt  }
0x42: {  	_ =	shalt  }
0x43: {  	_ =	shalt  }
0x44: {  	_ =	shalt  }
0x45: {  	_ =	shalt  }
0x46: {  	_ =	shalt  }
0x47: {  	_ =	shalt  }
0x48: {  	_ =	shalt  }
0x49: {  	_ =	shalt  }
0x4a: {  	_ =	shalt  }
0x4b: {  	_ =	shalt  }
0x4c: {  	_ =	shalt  }
0x4d: {  	_ =	shalt  }
0x4e: {  	_ =	shalt  }
0x4f: {  	_ =	shalt  }
0x50: {  	_ =	shalt  }
0x51: {  	_ =	shalt  }
0x52: {  	_ =	shalt  }
0x53: {  	_ =	shalt  }
0x54: {  	_ =	shalt  }
0x55: {  	_ =	shalt  }
0x56: {  	_ =	shalt  }
0x57: {  	_ =	shalt  }
0x58: {  	_ =	shalt  }
0x59: {  	_ =	shalt  }
0x5a: {  	_ =	shalt  }
0x5b: {  	_ =	shalt  }
0x5c: {  	_ =	shalt  }
0x5d: {  	_ =	shalt  }
0x5e: {  	_ =	shalt  }
0x5f: {  	_ =	shalt  }
0x60: {  	_ =	shalt  }
0x61: {  	_ =	shalt  }
0x62: {  	_ =	shalt  }
0x63: {  	_ =	shalt  }
0x64: {  	_ =	shalt  }
0x65: {  	_ =	shalt  }
0x66: {  	_ =	shalt  }
0x67: {  	_ =	shalt  }
0x68: {  	_ =	shalt  }
0x69: {  	_ =	shalt  }
0x6a: {  	_ =	shalt  }
0x6b: {  	_ =	shalt  }
0x6c: {  	_ =	shalt  }
0x6d: {  	_ =	shalt  }
0x6e: {  	_ =	shalt  }
0x6f: {  	_ =	shalt  }
0x70: {  	_ =	shalt  }
0x71: {  	_ =	shalt  }
0x72: {  	_ =	shalt  }
0x73: {  	_ =	shalt  }
0x74: {  	_ =	shalt  }
0x75: {  	_ =	shalt  }
0x76: {  	_ =	shalt  }
0x77: {  	_ =	shalt  }
0x78: {  	_ =	shalt  }
0x79: {  	_ =	shalt  }
0x7a: {  	_ =	shalt  }
0x7b: {  	_ =	shalt  }
0x7c: {  	_ =	shalt  }
0x7d: {  	_ =	shalt  }
0x7e: {  	_ =	shalt  }
0x7f: {  	_ =	shalt  }
0x80: {  	_ =	shalt  }
0x81: {  	_ =	shalt  }
0x82: {  	_ =	shalt  }
0x83: {  	_ =	shalt  }
0x84: {  	_ =	shalt  }
0x85: {  	_ =	shalt  }
0x86: {  	_ =	shalt  }
0x87: {  	_ =	shalt  }
.Lfunc_end0:
.L_simem_size_0:
called_computation_lowered:
.L_overlay_start_0:
0x88: {  	s2 =	sld [smem:$0x3FD9]  }
0x89: {  	s3 =	sld [smem:$0x3FFE];
	_ =	sdelay $0x1  }
0x8a: {  	s1 =	srdreg.scid  }
0x8b: {  	s0 =	sand.u32 $0x1, s1  }
0x8c: {  	s17 =	sshll.u32 s0, $0xA;
	s2 =	sadd.s32 s3, s2  }
0x8d: {  	s2 =	sadd.s32 s2, s17  }
0x8e: {  	[smem:$0x3F9B] =	sst s2  }
0x8f: {  	_ = 	snop  }
0x90: {  	s2 =	sld [smem:$0x3FB8]  }
0x91: {  	s18 =	sld [smem:$0x3FD0];
	(tm) =	ssettm $0x1  }
0x92: {  	s4 =	sld [smem:$0x3FFB];
	_ =	sdelay $0x3  }
0x93: {  	_ =	strace s4  }
0x94: {  	s4 =	sld [smem:$0x3FFC];
	_ =	sdelay $0x3  }
0x95: {  	_ =	strace s4  }
0x96: {  	s4 =	sld [smem:$0x3FFD];
	_ =	sdelay $0x3  }
0x97: {  	_ =	strace s4  }
0x98: {  	_ =	strace $0x8FFFFFFF  }
0x99: {  	s19 =	sld [smem:$0x3FDB];
	_ =	sdelay $0x1  }
0x9a: {  	s5 =	simm.s32 $_scs_section_size  }
0x9b: {  	s6 =	simm.s32 $_size__tile_overlayer_lowered;
	s7 =	simm.s32 $_tile_overlayer_lowered  }
0x9c: {  	s22 =	simm.s32 $0x1BFF;
	s21 =	sshll.u32 s7, $0x1;
	s4 =	sadd.s32 s5, s19  }
0x9d: {  	s8 =	simm.s32 $0x0;
	s20 =	sshll.u32 s6, $0x1;
	s6 =	sadd.s32 s21, s4  }
0x9e: {  	[timem:s8], [sflag:s22] =	dma.local [hbm:s6], s20  }
0x9f: {  	_ =	swait.ge [sflag:s22], s20  }
0xa0: {  	s5 =	ssub.s32 $0x0, s20;
	[sflag:s22] =	ssyncset.done $0x0  }
0xa1: {  	[sflag:s22] =	ssyncadd.s32 s5;
	_ =	sdelay $0x1  }
0xa2: {  	s23 =	simm.s32 $0x1B8B  }
0xa3: {  	_ =	swait.ge [sflag:s23], $0x1  }
0xa4: {  	[sflag:s23] =	ssyncset.done $0x0  }
0xa5: {  	s25 =	simm.s32 $0x1B8E;
	s24 =	sld [smem:$0x3FFE];
	[sflag:s23] =	ssyncadd.s32 $0xFFFFFFFF  }
0xa6: {  	s26 =	simm.s32 $execute0_lowered;
	[smem:$0x3FD2] =	sst s25  }
0xa7: {  	s6 =	sshll.u32 s26, $0x1;
	_ =	strace $0x80000046;
	[dreg:$0x1] =	wrdreg $0xFFFFFFFF  }
0xa8: {  	s28 =	simm.s32 $_size_execute0_lowered;
	s4 =	sadd.s32 s4, s6;
	[dreg:$0x0] =	wrdreg $0x0  }
0xa9: {  	s6 =	sshll.u32 s28, $0x1;
	[dreg:$0x2] =	wrdreg s4  }
0xaa: {  	[dreg:$0x3] =	wrdreg s6  }
0xab: {  	[dreg:$0x4] =	wrdreg $0xC0  }
0xac: {  	_ =	task [dreg:s8], $0x5FFFF  }
0xad: {  	[dreg:$0x1] =	wrdreg $0xFFFFFFFF  }
0xae: {  	[dreg:$0x0] =	wrdreg $0x60  }
0xaf: {  	[dreg:$0x2] =	wrdreg s18  }
0xb0: {  	[dreg:$0x3] =	wrdreg s2  }
0xb1: {  	[dreg:$0x4] =	wrdreg s24  }
0xb2: {  	[dreg:$0x5] =	wrdreg $0x9  }
0xb3: {  	_ =	task.clear_ibuf [dreg:s8], $0x6FFFF;
	_ =	strace $0x90000046  }
0xb4: {  	s29 =	simm.s32 $0x9;
	_ =	strace $0x80000048  }
0xb5: {  	_ =	swait.ge [sflag:s29], $0x1  }
0xb6: {  	[sflag:s29] =	ssyncadd.s32 $0xFFFFFFFF  }
0xb7: {  	_ =	strace $0x90000048  }
0xb8: {  	_ =	sfence  }
0xb9: {  	s30 =	sld [smem:$0x0];
	_ =	sdelay $0x2  }
0xba: {  	s31 =	sshll.u32 s1, $0xD;
	s1 =	sshrl.u32 s1, $0x2  }
0xbb: {  	s3 =	sand.u32 $0x4000, s31;
	s1 =	sadd.s32 s1, s30  }
0xbc: {  	s0 =	sor.u32 s3, s0;
	s1 =	sshll.u32 s1, $0x11  }
0xbd: {  	s0 =	sor.u32 s1, s0  }
0xbe: {  	s0 =	sadd.s32 $0x8F2B, s0  }
0xbf: {  	[sflag:s0] =	ssyncadd.remote.s32 $0x1  }
0xc0: {  	_ =	sfence.sel $0xFFFF  }
0xc1: {  	[dreg:$0x0] =	wrdreg $0xFFFFFFFF;
	(pc) =	sbr.abs _section_cstart, $3  }
0xc2: {  	[dreg:$0x1] =	wrdreg $0xFFFFFFFF  }
0xc3: {  	_ =	task.clear_ibuf [dreg:s8], $0x2FFFF;
	_ =	strace $0x9FFFFFFF  }
0xc4: {  	(tm) =	ssettm $0x7FFFFFFF  }
0xc5: {  	_ =	shalt  }
tec
execute0_lowered:
.L_overlay_start_1:
0x0: {  	(tag) =	ssettag $0x1  }
0x1: {  	s1 =	srdreg.scid;
	s0 =	stileid.u32  }
0x2: {  	s2 =	rddreg [dreg:$0x0];
	s16 =	sand.u32 $0x1, s1;
	s28 =	sshll.u32 s0, $0x1  }
0x3: {  	s3 =	rddreg [dreg:$0x1];
	s18 =	sor.u32 s16, s28  }
0x4: {  	s17 =	rddreg [dreg:$0x2];
	s12 =	smul.u32 $0x180, s18  }
0x5: {  	s4 =	simm.s32 $0x0;
	s1 =	rddreg [dreg:$0x3]  }
0x6: {  	[smem:$0x7FF] =	sst s4;
	s13 =	sadd.s32 $0xCC00, s17;
	s5 =	sshrl.u32 s12, $0x3  }
0x7: {  	_ =	strace $0x80000047;
	s6 =	sadd.s32 s13, s5;
	s5 =	simm.s32 $0x2  }
0x8: {  	[tilespmem:s4], [sflag:$0x2] =	stream.linear.gather [hbm4b:s6+s4], $0x80, $0x38;
	[tilespmem:$0x8100] =	vst v63  }
0x9: {  	_ =	swait.ge [sflag:s5], $0x80  }
0xa: {  	[sflag:s5] =	ssyncset.done $0x0  }
0xb: {  	s7 =	simm.s32 $0x80;
	s8 =	simm.s32 $0x1;
	[sflag:s5] =	ssyncadd.s32 $0xFFFFFF80  }
0xc: {  	[tilespmem:s7], [sflag:$0x1] =	stream.indirect.gather [hbm4b:s2+s7], $0x80, s4, s7, $0xb8;
	[tilespmem:$0x8100] =	vst v63  }
0xd: {  	s9 =	smul.u32 $0x1800, s18;
	_ =	swait.ge [sflag:s8], $0x4000  }
0xe: {  	s14 =	sadd.s32 $0x1D200, s17;
	[sflag:s8] =	ssyncset.done $0x0  }
0xf: {  	s9 =	sadd.s32 s14, s9;
	[sflag:s8] =	ssyncadd.s32 $0xFFFFC000  }
0x10: {  	[hbm4b:s9+s4] =	stream.linear.scatter [tilespmem:s7], [sflag:$0x2], $0x4000, $0x38;
	[tilespmem:$0x8100] =	vst v63  }
0x11: {  	s11 =	sadd.s32 $0x80, s12;
	_ =	swait.ge [sflag:s5], $0x4000  }
0x12: {  	s10 =	sshrl.u32 s11, $0x3;
	[sflag:s5] =	ssyncset.done $0x0  }
0x13: {  	s10 =	sadd.s32 s13, s10;
	[sflag:s5] =	ssyncadd.s32 $0xFFFFC000  }
0x14: {  	[tilespmem:s4], [sflag:$0x2] =	stream.linear.gather [hbm4b:s10+s4], $0x80, $0x38;
	[tilespmem:$0x8100] =	vst v63  }
0x15: {  	_ =	swait.ge [sflag:s5], $0x80  }
0x16: {  	[sflag:s5] =	ssyncset.done $0x0  }
0x17: {  	[sflag:s5] =	ssyncadd.s32 $0xFFFFFF80  }
0x18: {  	[tilespmem:s7], [sflag:$0x1] =	stream.indirect.gather [hbm4b:s2+s7], $0x80, s4, s7, $0xb8;
	[tilespmem:$0x8100] =	vst v63  }
0x19: {  	_ =	swait.ge [sflag:s8], $0x4000  }
0x1a: {  	s11 =	sshll.u32 s11, $0x4;
	[sflag:s8] =	ssyncset.done $0x0  }
0x1b: {  	s11 =	sadd.s32 s14, s11;
	[sflag:s8] =	ssyncadd.s32 $0xFFFFC000  }
0x1c: {  	[hbm4b:s11+s4] =	stream.linear.scatter [tilespmem:s7], [sflag:$0x2], $0x4000, $0x38;
	[tilespmem:$0x8100] =	vst v63  }
0x1d: {  	s15 =	sadd.s32 $0x100, s12;
	_ =	swait.ge [sflag:s5], $0x4000  }
0x1e: {  	s12 =	sshrl.u32 s15, $0x3;
	[sflag:s5] =	ssyncset.done $0x0  }
0x1f: {  	s12 =	sadd.s32 s13, s12;
	[sflag:s5] =	ssyncadd.s32 $0xFFFFC000  }
0x20: {  	[tilespmem:s4], [sflag:$0x2] =	stream.linear.gather [hbm4b:s12+s4], $0x80, $0x38;
	[tilespmem:$0x8100] =	vst v63  }
0x21: {  	_ =	swait.ge [sflag:s5], $0x80  }
0x22: {  	[sflag:s5] =	ssyncset.done $0x0  }
0x23: {  	[sflag:s5] =	ssyncadd.s32 $0xFFFFFF80  }
0x24: {  	[tilespmem:s7], [sflag:$0x1] =	stream.indirect.gather [hbm4b:s2+s7], $0x80, s4, s7, $0xb8;
	[tilespmem:$0x8100] =	vst v63  }
0x25: {  	_ =	swait.ge [sflag:s8], $0x4000  }
0x26: {  	s29 =	sshll.u32 s15, $0x4;
	[sflag:s8] =	ssyncset.done $0x0  }
0x27: {  	s13 =	sadd.s32 s14, s29;
	[sflag:s8] =	ssyncadd.s32 $0xFFFFC000  }
0x28: {  	[hbm4b:s13+s4] =	stream.linear.scatter [tilespmem:s7], [sflag:$0x2], $0x4000, $0x38;
	[tilespmem:$0x8100] =	vst v63  }
0x29: {  	s30 =	sshll.u32 s18, $0x4;
	_ =	swait.ge [sflag:s5], $0x4000  }
0x2a: {  	s19 =	ssub.s32 $0x2, s16;
	s14 =	sadd.s32 s30, s17;
	[sflag:s5] =	ssyncset.done $0x0  }
0x2b: {  	s15 =	simm.s32 $0x4080;
	s14 =	sadd.s32 $0xCA00, s14;
	[sflag:s5] =	ssyncadd.s32 $0xFFFFC000  }
0x2c: {  	[tilespmem:s15], [sflag:$0x2] =	stream.linear.gather [hbm4b:s14+s4], $0x80, $0x38;
	[tilespmem:$0x8100] =	vst v63  }
0x2d: {  	s16 =	simm.s32 $0x4100;
	s20 =	sshrl.u32 s19, $0x1;
	_ =	swait.ge [sflag:s5], $0x80  }
0x2e: {  	s18 =	sshll.u32 s18, $0xB;
	s31 =	ssub.s32 s19, s20;
	[sflag:s5] =	ssyncset.done $0x0  }
0x2f: {  	s17 =	sadd.s32 s18, s17;
	s18 =	smax.u32 s31, $0x1;
	[sflag:s5] =	ssyncadd.s32 $0xFFFFFF80  }
0x30: {  	[tilespmem:s16], [sflag:$0x1] =	stream.indirect.gather [hbm4b:s3+s7], $0x80, s15, s7, $0xb8;
	[tilespmem:$0x8100] =	vst v63  }
0x31: {  	p0 =	sne.s32 s18, $0x1;
	_ =	swait.ge [sflag:s8], $0x4000  }
.Ltmp0:
0x32: {  	[sflag:s8] =	ssyncset.done $0x0;
	(pc) =	sbr.rel @!p0 .LBB2_2-.Ltmp0, $4  }
0x33: {  	s17 =	sadd.s32 $0xD200, s17;
	[sflag:s8] =	ssyncadd.s32 $0xFFFFC000  }
0x34: {  	[hbm4b:s17+s4] =	stream.linear.scatter [tilespmem:s16], [sflag:$0x2], $0x4000, $0x38;
	[tilespmem:$0x8100] =	vst v63  }
0x35: {  	_ =	swait.ge [sflag:s5], $0x4000  }
0x36: {  	s18 =	sadd.s32 $0xFFFFFFFF, s18;
	[sflag:s5] =	ssyncset.done $0x0  }
.LBB2_1:
0x37: {  	p0 =	sne.s32 s18, $0x1;
	s18 =	sadd.s32 $0xFFFFFFFF, s18;
	[sflag:s5] =	ssyncadd.s32 $0xFFFFC000  }
0x38: {  	[tilespmem:s4], [sflag:$0x2] =	stream.linear.gather [hbm4b:s6+s4], $0x80, $0x38;
	[tilespmem:$0x8100] =	vst v63  }
0x39: {  	_ =	swait.ge [sflag:s5], $0x80  }
0x3a: {  	[sflag:s5] =	ssyncset.done $0x0  }
0x3b: {  	[sflag:s5] =	ssyncadd.s32 $0xFFFFFF80  }
0x3c: {  	[tilespmem:s7], [sflag:$0x1] =	stream.indirect.gather [hbm4b:s2+s7], $0x80, s4, s7, $0xb8;
	[tilespmem:$0x8100] =	vst v63  }
0x3d: {  	_ =	swait.ge [sflag:s8], $0x4000  }
0x3e: {  	[sflag:s8] =	ssyncset.done $0x0  }
0x3f: {  	[sflag:s8] =	ssyncadd.s32 $0xFFFFC000  }
0x40: {  	[hbm4b:s9+s4] =	stream.linear.scatter [tilespmem:s7], [sflag:$0x2], $0x4000, $0x38;
	[tilespmem:$0x8100] =	vst v63  }
0x41: {  	_ =	swait.ge [sflag:s5], $0x4000  }
0x42: {  	[sflag:s5] =	ssyncset.done $0x0  }
0x43: {  	[sflag:s5] =	ssyncadd.s32 $0xFFFFC000  }
0x44: {  	[tilespmem:s4], [sflag:$0x2] =	stream.linear.gather [hbm4b:s10+s4], $0x80, $0x38;
	[tilespmem:$0x8100] =	vst v63  }
0x45: {  	_ =	swait.ge [sflag:s5], $0x80  }
0x46: {  	[sflag:s5] =	ssyncset.done $0x0  }
0x47: {  	[sflag:s5] =	ssyncadd.s32 $0xFFFFFF80  }
0x48: {  	[tilespmem:s7], [sflag:$0x1] =	stream.indirect.gather [hbm4b:s2+s7], $0x80, s4, s7, $0xb8;
	[tilespmem:$0x8100] =	vst v63  }
0x49: {  	_ =	swait.ge [sflag:s8], $0x4000  }
0x4a: {  	[sflag:s8] =	ssyncset.done $0x0  }
0x4b: {  	[sflag:s8] =	ssyncadd.s32 $0xFFFFC000  }
0x4c: {  	[hbm4b:s11+s4] =	stream.linear.scatter [tilespmem:s7], [sflag:$0x2], $0x4000, $0x38;
	[tilespmem:$0x8100] =	vst v63  }
0x4d: {  	_ =	swait.ge [sflag:s5], $0x4000  }
0x4e: {  	[sflag:s5] =	ssyncset.done $0x0  }
0x4f: {  	[sflag:s5] =	ssyncadd.s32 $0xFFFFC000  }
0x50: {  	[tilespmem:s4], [sflag:$0x2] =	stream.linear.gather [hbm4b:s12+s4], $0x80, $0x38;
	[tilespmem:$0x8100] =	vst v63  }
0x51: {  	_ =	swait.ge [sflag:s5], $0x80  }
0x52: {  	[sflag:s5] =	ssyncset.done $0x0  }
0x53: {  	[sflag:s5] =	ssyncadd.s32 $0xFFFFFF80  }
0x54: {  	[tilespmem:s7], [sflag:$0x1] =	stream.indirect.gather [hbm4b:s2+s7], $0x80, s4, s7, $0xb8;
	[tilespmem:$0x8100] =	vst v63  }
0x55: {  	_ =	swait.ge [sflag:s8], $0x4000  }
0x56: {  	[sflag:s8] =	ssyncset.done $0x0  }
0x57: {  	[sflag:s8] =	ssyncadd.s32 $0xFFFFC000  }
0x58: {  	[hbm4b:s13+s4] =	stream.linear.scatter [tilespmem:s7], [sflag:$0x2], $0x4000, $0x38;
	[tilespmem:$0x8100] =	vst v63  }
0x59: {  	_ =	swait.ge [sflag:s5], $0x4000  }
0x5a: {  	[sflag:s5] =	ssyncset.done $0x0  }
0x5b: {  	[sflag:s5] =	ssyncadd.s32 $0xFFFFC000  }
0x5c: {  	[tilespmem:s15], [sflag:$0x2] =	stream.linear.gather [hbm4b:s14+s4], $0x80, $0x38;
	[tilespmem:$0x8100] =	vst v63  }
0x5d: {  	_ =	swait.ge [sflag:s5], $0x80  }
0x5e: {  	[sflag:s5] =	ssyncset.done $0x0  }
0x5f: {  	[sflag:s5] =	ssyncadd.s32 $0xFFFFFF80  }
0x60: {  	[tilespmem:s16], [sflag:$0x1] =	stream.indirect.gather [hbm4b:s3+s7], $0x80, s15, s7, $0xb8;
	[tilespmem:$0x8100] =	vst v63  }
0x61: {  	_ =	swait.ge [sflag:s8], $0x4000  }
.Ltmp1:
0x62: {  	[sflag:s8] =	ssyncset.done $0x0;
	(pc) =	sbr.rel @p0 .LBB2_1-.Ltmp1, $4  }
0x63: {  	[sflag:s8] =	ssyncadd.s32 $0xFFFFC000  }
0x64: {  	[hbm4b:s17+s4] =	stream.linear.scatter [tilespmem:s16], [sflag:$0x2], $0x4000, $0x38;
	[tilespmem:$0x8100] =	vst v63  }
0x65: {  	_ =	swait.ge [sflag:s5], $0x4000  }
0x66: {  	[sflag:s5] =	ssyncset.done $0x0  }
.LBB2_2:
0x67: {  	[sflag:s5] =	ssyncadd.s32 $0xFFFFC000  }
0x68: {  	_ =	sfence.sel $0x180000  }
0x69: {  	[bflag:$0x0] =	sbarrier.arrive $0xFFFF  }
0x6a: {  	p0 =	sne.s32 s0, $0x0;
	_ =	strace $0x90000047  }
0x6b: {  	s0 =	sadd.s32 @!p0 $0x100000, s1;
	[bflag:$0x2] =	sbarrier.arrive $0xFFFF  }
0x6c: {  	[sflag:s0] =	ssyncadd.tile.s32 @!p0 $0x1;
	_ =	shalt  }
.Lfunc_end2:
_tile_overlayer_lowered:
.L_overlay_start_2:
0x6d: {  	(tag) =	ssettag $0x2  }
0x6e: {  	s0 =	rddreg [dreg:$0x0];
	s2 =	stileid.u32  }
0x6f: {  	s1 =	rddreg [dreg:$0x1];
	p0 =	sne.s32 s2, $0x0  }
0x70: {  	s3 =	rddreg [dreg:$0x2];
	[bflag:$0x3] =	sbarrier.arrive $0xFFFF;
	s2 =	simm.s32 @!p0 $0x1C02  }
0x71: {  	[timem:s3], [sflag:s2] =	dma.local @!p0 [hbm:s0], s1  }
0x72: {  	s0 =	simm.s32 @!p0 $0x2  }
0x73: {  	_ =	swait.ge @!p0 [sflag:s0], s1  }
0x74: {  	s1 =	ssub.s32 @!p0 $0x0, s1;
	[sflag:s0] =	ssyncset.done @!p0 $0x0  }
0x75: {  	[sflag:s0] =	ssyncadd.s32 @!p0 s1  }
0x76: {  	[bflag:$0x3] =	sbarrier.arrive $0xFFFF  }
0x77: {  	_ =	shalt  }

// kernel: kernel.18.cloned.1.call-start
scs
__scs_entry_jumppad:
0x0: {  	(pc) =	sbr.rel $0x88, $3  }
0x1: {  	(tag) =	ssettag $0x0;
	lr =	simm.s32 $0x1  }
0x2: {  	[smem:$0x3F74] =	sst lr;
	_ =	strace $0xD0000000  }
0x3: {  	_ = 	snop  }
0x4: {  	_ = 	snop  }
0x5: {  	_ = 	snop  }
0x6: {  	_ = 	snop  }
0x7: {  	_ = 	snop  }
__scs_overlays_trampoline_lowered:
0x8: {  	[smem:$0x3F83] =	sst s0  }
0x9: {  	[smem:$0x3F84] =	sst s1  }
0xa: {  	[smem:$0x3F85] =	sst s2  }
0xb: {  	[smem:$0x3F86] =	sst s3  }
0xc: {  	[smem:$0x3F87] =	sst s4  }
0xd: {  	[smem:$0x3F88] =	sst s5  }
0xe: {  	[smem:$0x3F89] =	sst s6  }
0xf: {  	[smem:$0x3F8A] =	sst s7  }
0x10: {  	[smem:$0x3F8B] =	sst s8  }
0x11: {  	[smem:$0x3F8C] =	sst s9;
	s0 =	simm.s32 @!p0 $0x0  }
0x12: {  	s1 =	sld [smem:$0x3F72];
	s0 =	simm.s32 @p0 $0x1  }
0x13: {  	[smem:$0x3F8D] =	sst s0;
	s0 =	simm.s32 @!p1 $0x0  }
0x14: {  	s2 =	sld [smem:$0x3F71];
	s0 =	simm.s32 @p1 $0x1  }
0x15: {  	[smem:$0x3F8E] =	sst s0;
	s0 =	simm.s32 @!p2 $0x0  }
0x16: {  	s3 =	sld [smem:$0x3FDB];
	s0 =	simm.s32 @p2 $0x1  }
0x17: {  	s4 =	simm.s32 $0x1BF5;
	[smem:$0x3F90] =	sst s0  }
0x18: {  	s0 =	sld [smem:$0x3F73];
	_ =	swait.ge [sflag:s4], $0x0  }
0x19: {  	s7 =	sld [smem:$0x3F74]  }
0x1a: {  	s8 =	sadd.s32 $0xFFFFE003, lr  }
0x1b: {  	s9 =	sadd.s32 $0xFFFFFEF7, lr;
	s5 =	simm.s32 $0xFFFFFFFF;
	p2 =	slt.u32 s8, $0xFFFFF086  }
0x1c: {  	p1 =	slt.u32 s9, $0xF7A;
	s5 =	simm.s32 @!p2 $0x0  }
0x1d: {  	s5 =	simm.s32 @p1 $0x1;
	p0 =	seq.s32 s7, s2  }
0x1e: {  	s7 =	smul.u32 @!p0 $0xF7A, s2;
	p2 =	seq.s32 @!p0 s5, $0x0  }
0x1f: {  	s9 =	smul.u32 $0xF7A, s1;
	s8 =	simm.s32 @!p0 $0x1BF5;
	p2 =	por !p2, p0  }
0x20: {  	[sflag:s8] =	ssyncset.s32 @!p0 $0xFFFFF086;
	s6 =	sadd.s32 @!p0 s3, s7;
	s7 =	simm.s32 @!p0 $0x108  }
0x21: {  	s3 =	sadd.s32 s3, s9;
	s6 =	sadd.s32 @!p0 $0x88, s6;
	s7 =	simm.s32 @p2 $0x1082  }
0x22: {  	[simem:s7], [sflag:s8] =	dma.local @!p0 [hbm:s6], $0xF7A  }
0x23: {  	s9 =	sor.u32 $0xD0000000, s2;
	s6 =	simm.s32 $0x108;
	_ =	swait.ge @!p0 [sflag:s8], $0x0  }
0x24: {  	s3 =	sadd.s32 $0x88, s3;
	s6 =	simm.s32 @!p1 $0x1082;
	[sflag:s4] =	ssyncset.s32 $0xFFFFF086  }
0x25: {  	[simem:s6], [sflag:s4] =	dma.local [hbm:s3], $0xF7A  }
0x26: {  	[smem:$0x3F74] =	sst s1;
	(tag) =	ssettag s2;
	_ =	strace s9  }
0x27: {  	s1 =	sld [smem:$0x3F84]  }
0x28: {  	s2 =	sld [smem:$0x3F85]  }
0x29: {  	s4 =	sld [smem:$0x3F87]  }
0x2a: {  	p0 =	seq.s32 s5, $0x0;
	s5 =	sld [smem:$0x3F88]  }
0x2b: {  	s6 =	sld [smem:$0x3F89]  }
0x2c: {  	s7 =	sld [smem:$0x3F8A]  }
0x2d: {  	s3 =	simm.s32 $0x108;
	s8 =	sld [smem:$0x3F8B]  }
0x2e: {  	s3 =	simm.s32 @!p0 $0x1082;
	s9 =	sld [smem:$0x3F8C]  }
0x2f: {  	lr =	sadd.s32 s0, s3;
	s0 =	sld [smem:$0x3F83]  }
0x30: {  	s3 =	sld [smem:$0x3F86]  }
0x31: {  	[smem:$0x3F8F] =	sst s10  }
0x32: {  	s10 =	sld [smem:$0x3F8D];
	_ =	sdelay $0x3  }
0x33: {  	p0 =	seq.s32 s10, $0x1;
	s10 =	sld [smem:$0x3F8F];
	_ =	sdelay $0x3  }
0x34: {  	[smem:$0x3F8F] =	sst s10  }
0x35: {  	s10 =	sld [smem:$0x3F8E];
	_ =	sdelay $0x3  }
0x36: {  	p1 =	seq.s32 s10, $0x1;
	s10 =	sld [smem:$0x3F8F];
	_ =	sdelay $0x3  }
0x37: {  	[smem:$0x3F8F] =	sst s10  }
0x38: {  	s10 =	sld [smem:$0x3F90]  }
0x39: {  	_ = 	snop;
	(pc) =	sbr.ind lr, $3  }
0x3a: {  	_ = 	snop  }
0x3b: {  	_ = 	snop  }
0x3c: {  	p2 =	seq.s32 s10, $0x1;
	s10 =	sld [smem:$0x3F8F]  }
0x3d: {  	_ =	shalt  }
0x3e: {  	_ =	shalt  }
0x3f: {  	_ =	shalt  }
0x40: {  	_ =	shalt  }
0x41: {  	_ =	shalt  }
0x42: {  	_ =	shalt  }
0x43: {  	_ =	shalt  }
0x44: {  	_ =	shalt  }
0x45: {  	_ =	shalt  }
0x46: {  	_ =	shalt  }
0x47: {  	_ =	shalt  }
0x48: {  	_ =	shalt  }
0x49: {  	_ =	shalt  }
0x4a: {  	_ =	shalt  }
0x4b: {  	_ =	shalt  }
0x4c: {  	_ =	shalt  }
0x4d: {  	_ =	shalt  }
0x4e: {  	_ =	shalt  }
0x4f: {  	_ =	shalt  }
0x50: {  	_ =	shalt  }
0x51: {  	_ =	shalt  }
0x52: {  	_ =	shalt  }
0x53: {  	_ =	shalt  }
0x54: {  	_ =	shalt  }
0x55: {  	_ =	shalt  }
0x56: {  	_ =	shalt  }
0x57: {  	_ =	shalt  }
0x58: {  	_ =	shalt  }
0x59: {  	_ =	shalt  }
0x5a: {  	_ =	shalt  }
0x5b: {  	_ =	shalt  }
0x5c: {  	_ =	shalt  }
0x5d: {  	_ =	shalt  }
0x5e: {  	_ =	shalt  }
0x5f: {  	_ =	shalt  }
0x60: {  	_ =	shalt  }
0x61: {  	_ =	shalt  }
0x62: {  	_ =	shalt  }
0x63: {  	_ =	shalt  }
0x64: {  	_ =	shalt  }
0x65: {  	_ =	shalt  }
0x66: {  	_ =	shalt  }
0x67: {  	_ =	shalt  }
0x68: {  	_ =	shalt  }
0x69: {  	_ =	shalt  }
0x6a: {  	_ =	shalt  }
0x6b: {  	_ =	shalt  }
0x6c: {  	_ =	shalt  }
0x6d: {  	_ =	shalt  }
0x6e: {  	_ =	shalt  }
0x6f: {  	_ =	shalt  }
0x70: {  	_ =	shalt  }
0x71: {  	_ =	shalt  }
0x72: {  	_ =	shalt  }
0x73: {  	_ =	shalt  }
0x74: {  	_ =	shalt  }
0x75: {  	_ =	shalt  }
0x76: {  	_ =	shalt  }
0x77: {  	_ =	shalt  }
0x78: {  	_ =	shalt  }
0x79: {  	_ =	shalt  }
0x7a: {  	_ =	shalt  }
0x7b: {  	_ =	shalt  }
0x7c: {  	_ =	shalt  }
0x7d: {  	_ =	shalt  }
0x7e: {  	_ =	shalt  }
0x7f: {  	_ =	shalt  }
0x80: {  	_ =	shalt  }
0x81: {  	_ =	shalt  }
0x82: {  	_ =	shalt  }
0x83: {  	_ =	shalt  }
0x84: {  	_ =	shalt  }
0x85: {  	_ =	shalt  }
0x86: {  	_ =	shalt  }
0x87: {  	_ =	shalt  }
.Lfunc_end0:
.L_simem_size_0:
called_computation.1_lowered:
.L_overlay_start_0:
0x88: {  	s2 =	sld [smem:$0x3FD9]  }
0x89: {  	s3 =	sld [smem:$0x3FFE];
	_ =	sdelay $0x1  }
0x8a: {  	s1 =	srdreg.scid  }
0x8b: {  	s0 =	sand.u32 $0x1, s1  }
0x8c: {  	s16 =	sshll.u32 s0, $0xA;
	s2 =	sadd.s32 s3, s2  }
0x8d: {  	s2 =	sadd.s32 s2, s16  }
0x8e: {  	[smem:$0x3F9B] =	sst s2  }
0x8f: {  	_ = 	snop  }
0x90: {  	(tm) =	ssettm $0x1  }
0x91: {  	s17 =	sld [smem:$0x3FFB];
	_ =	sdelay $0x3  }
0x92: {  	_ =	strace s17  }
0x93: {  	s2 =	sld [smem:$0x3FFC];
	_ =	sdelay $0x3  }
0x94: {  	_ =	strace s2  }
0x95: {  	s2 =	sld [smem:$0x3FFD];
	_ =	sdelay $0x3  }
0x96: {  	_ =	strace s2  }
0x97: {  	_ =	strace $0x8FFFFFFF  }
0x98: {  	s18 =	sld [smem:$0x3FDB];
	_ =	sdelay $0x1  }
0x99: {  	s19 =	simm.s32 $_scs_section_size  }
0x9a: {  	s4 =	simm.s32 $_size__tile_overlayer_lowered;
	s5 =	simm.s32 $_tile_overlayer_lowered  }
0x9b: {  	s22 =	simm.s32 $0x1BFF;
	s21 =	sshll.u32 s5, $0x1;
	s2 =	sadd.s32 s19, s18  }
0x9c: {  	s6 =	simm.s32 $0x0;
	s20 =	sshll.u32 s4, $0x1;
	s4 =	sadd.s32 s21, s2  }
0x9d: {  	[timem:s6], [sflag:s22] =	dma.local [hbm:s4], s20  }
0x9e: {  	_ =	swait.ge [sflag:s22], s20  }
0x9f: {  	s3 =	ssub.s32 $0x0, s20;
	[sflag:s22] =	ssyncset.done $0x0  }
0xa0: {  	[sflag:s22] =	ssyncadd.s32 s3;
	_ =	sdelay $0x1  }
0xa1: {  	s23 =	simm.s32 $0x1B8B  }
0xa2: {  	_ =	swait.ge [sflag:s23], $0x1  }
0xa3: {  	[sflag:s23] =	ssyncset.done $0x0  }
0xa4: {  	s25 =	simm.s32 $0x1B8E;
	s24 =	sld [smem:$0x3FFE];
	[sflag:s23] =	ssyncadd.s32 $0xFFFFFFFF  }
0xa5: {  	s26 =	simm.s32 $execute0_lowered;
	[smem:$0x3FD2] =	sst s25  }
0xa6: {  	s4 =	sshll.u32 s26, $0x1;
	_ =	strace $0x80000049;
	[dreg:$0x1] =	wrdreg $0xFFFFFFFF  }
0xa7: {  	s28 =	simm.s32 $_size_execute0_lowered;
	s2 =	sadd.s32 s2, s4;
	[dreg:$0x0] =	wrdreg $0x0  }
0xa8: {  	s4 =	sshll.u32 s28, $0x1;
	[dreg:$0x2] =	wrdreg s2  }
0xa9: {  	[dreg:$0x3] =	wrdreg s4  }
0xaa: {  	[dreg:$0x4] =	wrdreg $0xC0  }
0xab: {  	_ =	task [dreg:s6], $0x5FFFF  }
0xac: {  	[dreg:$0x1] =	wrdreg $0xFFFFFFFF  }
0xad: {  	[dreg:$0x0] =	wrdreg $0x60  }
0xae: {  	[dreg:$0x2] =	wrdreg s24  }
0xaf: {  	[dreg:$0x3] =	wrdreg $0x0  }
0xb0: {  	[dreg:$0x4] =	wrdreg $0x9  }
0xb1: {  	_ =	task.clear_ibuf [dreg:s6], $0x5FFFF;
	_ =	strace $0x90000049  }
0xb2: {  	s29 =	simm.s32 $0x9;
	_ =	strace $0x8000004B  }
0xb3: {  	_ =	swait.ge [sflag:s29], $0x1  }
0xb4: {  	[sflag:s29] =	ssyncadd.s32 $0xFFFFFFFF  }
0xb5: {  	_ =	strace $0x9000004B  }
0xb6: {  	_ =	sfence  }
0xb7: {  	s30 =	sld [smem:$0x0];
	_ =	sdelay $0x2  }
0xb8: {  	s31 =	sshll.u32 s1, $0xD;
	s1 =	sshrl.u32 s1, $0x2  }
0xb9: {  	s3 =	sand.u32 $0x4000, s31;
	s1 =	sadd.s32 s1, s30  }
0xba: {  	s0 =	sor.u32 s3, s0;
	s1 =	sshll.u32 s1, $0x11  }
0xbb: {  	s0 =	sor.u32 s1, s0  }
0xbc: {  	s0 =	sadd.s32 $0x8F2B, s0  }
0xbd: {  	[sflag:s0] =	ssyncadd.remote.s32 $0x1  }
0xbe: {  	_ =	sfence.sel $0xFFFF  }
0xbf: {  	[dreg:$0x0] =	wrdreg $0xFFFFFFFF;
	(pc) =	sbr.abs _section_cstart, $3  }
0xc0: {  	[dreg:$0x1] =	wrdreg $0xFFFFFFFF  }
0xc1: {  	_ =	task.clear_ibuf [dreg:s6], $0x2FFFF;
	_ =	strace $0x9FFFFFFF  }
0xc2: {  	(tm) =	ssettm $0x7FFFFFFF  }
0xc3: {  	_ =	shalt  }
tec
execute0_lowered:
.L_overlay_start_1:
0x0: {  	(tag) =	ssettag $0x1  }
0x1: {  	s23 =	rddreg [dreg:$0x0];
	s1 =	stileid.u32  }
0x2: {  	s2 =	rddreg [dreg:$0x1];
	s4 =	smul.u32 $0x50000, s1  }
0x3: {  	s0 =	rddreg [dreg:$0x2];
	s3 =	simm.s32 $0x0;
	s8 =	srdreg.scid  }
0x4: {  	[smem:$0x7FF] =	sst s3;
	s29 =	sshll.u32 s1, $0x6;
	s5 =	sshrl.u32 s4, $0x2  }
0x5: {  	_ =	strace $0x8000004A;
	s4 =	sadd.s32 $0x9D200, s23;
	s6 =	sadd.s32 s5, s2  }
0x6: {  	s5 =	sor.u32 $0x1C01, s29;
	s7 =	sshrl.u32 s6, $0x3;
	s6 =	simm.s32 $0x1  }
0x7: {  	[spmem:s7], [sflag:s5] =	dma.local [hbm:s4], $0x2800  }
0x8: {  	s9 =	simm.s32 $0x14000;
	s25 =	smul.u32 $0x300, s1;
	_ =	swait.ge [sflag:s6], $0x2800  }
0x9: {  	s22 =	sadd.s32 $0xD200, s23;
	s10 =	sadd.s32 $0x3D200, s23;
	[sflag:s6] =	ssyncset.done $0x0  }
0xa: {  	s21 =	sadd.s32 $0xCC00, s23;
	s30 =	sshrl.u32 s25, $0x3;
	[sflag:s6] =	ssyncadd.s32 $0xFFFFD800  }
0xb: {  	s24 =	sand.u32 $0x1, s8;
	s8 =	sadd.s32 s21, s30;
	[bflag:$0x0] =	sbarrier.arrive $0xFFFF  }
0xc: {  	[tilespmem:s9], [sflag:$0x1] =	stream.linear.gather [hbm4b:s8+s3], $0x80, $0x38;
	[tilespmem:$0x18080] =	vst v63  }
0xd: {  	s11 =	smul.u32 $0x3000, s1;
	p0 =	seq.s32 s24, $0x1;
	_ =	swait.ge [sflag:s6], $0x80  }
0xe: {  	s22 =	smov.u32 @p0 s10;
	[sflag:s6] =	ssyncset.done $0x0  }
0xf: {  	s10 =	sadd.s32 s22, s11;
	s11 =	simm.s32 $0x14080;
	[sflag:s6] =	ssyncadd.s32 $0xFFFFFF80  }
0x10: {  	[tilespmem:s11], [sflag:$0x1] =	stream.linear.gather [hbm4b:s10+s3], $0x4000, $0x38;
	[tilespmem:$0x18080] =	vst v63  }
0x11: {  	_ =	swait.ge [sflag:s6], $0x4000  }
0x12: {  	[sflag:s6] =	ssyncset.done $0x0  }
0x13: {  	s12 =	simm.s32 $0x80;
	[sflag:s6] =	ssyncadd.s32 $0xFFFFC000  }
0x14: {  	[spmem:s2] =	stream.indirect.scatter.add.f32 [tilespmem:s11], [sflag:$0x1], $0x80, s9, s12, $0xb8;
	[tilespmem:$0x18080] =	vst v63  }
0x15: {  	s14 =	sor.u32 $0x80, s25;
	_ =	swait.ge [sflag:s6], $0x4000  }
0x16: {  	s13 =	sshrl.u32 s14, $0x3;
	[sflag:s6] =	ssyncset.done $0x0  }
0x17: {  	s13 =	sadd.s32 s21, s13;
	[sflag:s6] =	ssyncadd.s32 $0xFFFFC000  }
0x18: {  	[tilespmem:s9], [sflag:$0x1] =	stream.linear.gather [hbm4b:s13+s3], $0x80, $0x38;
	[tilespmem:$0x18080] =	vst v63  }
0x19: {  	_ =	swait.ge [sflag:s6], $0x80  }
0x1a: {  	s14 =	sshll.u32 s14, $0x4;
	[sflag:s6] =	ssyncset.done $0x0  }
0x1b: {  	s14 =	sadd.s32 s22, s14;
	[sflag:s6] =	ssyncadd.s32 $0xFFFFFF80  }
0x1c: {  	[tilespmem:s11], [sflag:$0x1] =	stream.linear.gather [hbm4b:s14+s3], $0x4000, $0x38;
	[tilespmem:$0x18080] =	vst v63  }
0x1d: {  	_ =	swait.ge [sflag:s6], $0x4000  }
0x1e: {  	[sflag:s6] =	ssyncset.done $0x0  }
0x1f: {  	[sflag:s6] =	ssyncadd.s32 $0xFFFFC000  }
0x20: {  	[spmem:s2] =	stream.indirect.scatter.add.f32 [tilespmem:s11], [sflag:$0x1], $0x80, s9, s12, $0xb8;
	[tilespmem:$0x18080] =	vst v63  }
0x21: {  	s16 =	sadd.s32 $0x100, s25;
	_ =	swait.ge [sflag:s6], $0x4000  }
0x22: {  	s15 =	sshrl.u32 s16, $0x3;
	[sflag:s6] =	ssyncset.done $0x0  }
0x23: {  	s15 =	sadd.s32 s21, s15;
	[sflag:s6] =	ssyncadd.s32 $0xFFFFC000  }
0x24: {  	[tilespmem:s9], [sflag:$0x1] =	stream.linear.gather [hbm4b:s15+s3], $0x80, $0x38;
	[tilespmem:$0x18080] =	vst v63  }
0x25: {  	_ =	swait.ge [sflag:s6], $0x80  }
0x26: {  	s16 =	sshll.u32 s16, $0x4;
	[sflag:s6] =	ssyncset.done $0x0  }
0x27: {  	s16 =	sadd.s32 s22, s16;
	[sflag:s6] =	ssyncadd.s32 $0xFFFFFF80  }
0x28: {  	[tilespmem:s11], [sflag:$0x1] =	stream.linear.gather [hbm4b:s16+s3], $0x4000, $0x38;
	[tilespmem:$0x18080] =	vst v63  }
0x29: {  	_ =	swait.ge [sflag:s6], $0x4000  }
0x2a: {  	[sflag:s6] =	ssyncset.done $0x0  }
0x2b: {  	[sflag:s6] =	ssyncadd.s32 $0xFFFFC000  }
0x2c: {  	[spmem:s2] =	stream.indirect.scatter.add.f32 [tilespmem:s11], [sflag:$0x1], $0x80, s9, s12, $0xb8;
	[tilespmem:$0x18080] =	vst v63  }
0x2d: {  	s18 =	sadd.s32 $0x180, s25;
	_ =	swait.ge [sflag:s6], $0x4000  }
0x2e: {  	s17 =	sshrl.u32 s18, $0x3;
	[sflag:s6] =	ssyncset.done $0x0  }
0x2f: {  	s17 =	sadd.s32 s21, s17;
	[sflag:s6] =	ssyncadd.s32 $0xFFFFC000  }
0x30: {  	[tilespmem:s9], [sflag:$0x1] =	stream.linear.gather [hbm4b:s17+s3], $0x80, $0x38;
	[tilespmem:$0x18080] =	vst v63  }
0x31: {  	_ =	swait.ge [sflag:s6], $0x80  }
0x32: {  	s18 =	sshll.u32 s18, $0x4;
	[sflag:s6] =	ssyncset.done $0x0  }
0x33: {  	s18 =	sadd.s32 s22, s18;
	[sflag:s6] =	ssyncadd.s32 $0xFFFFFF80  }
0x34: {  	[tilespmem:s11], [sflag:$0x1] =	stream.linear.gather [hbm4b:s18+s3], $0x4000, $0x38;
	[tilespmem:$0x18080] =	vst v63  }
0x35: {  	_ =	swait.ge [sflag:s6], $0x4000  }
0x36: {  	[sflag:s6] =	ssyncset.done $0x0  }
0x37: {  	[sflag:s6] =	ssyncadd.s32 $0xFFFFC000  }
0x38: {  	[spmem:s2] =	stream.indirect.scatter.add.f32 [tilespmem:s11], [sflag:$0x1], $0x80, s9, s12, $0xb8;
	[tilespmem:$0x18080] =	vst v63  }
0x39: {  	s20 =	sadd.s32 $0x200, s25;
	_ =	swait.ge [sflag:s6], $0x4000  }
0x3a: {  	s19 =	sshrl.u32 s20, $0x3;
	[sflag:s6] =	ssyncset.done $0x0  }
0x3b: {  	s19 =	sadd.s32 s21, s19;
	[sflag:s6] =	ssyncadd.s32 $0xFFFFC000  }
0x3c: {  	[tilespmem:s9], [sflag:$0x1] =	stream.linear.gather [hbm4b:s19+s3], $0x80, $0x38;
	[tilespmem:$0x18080] =	vst v63  }
0x3d: {  	_ =	swait.ge [sflag:s6], $0x80  }
0x3e: {  	s20 =	sshll.u32 s20, $0x4;
	[sflag:s6] =	ssyncset.done $0x0  }
0x3f: {  	s20 =	sadd.s32 s22, s20;
	[sflag:s6] =	ssyncadd.s32 $0xFFFFFF80  }
0x40: {  	[tilespmem:s11], [sflag:$0x1] =	stream.linear.gather [hbm4b:s20+s3], $0x4000, $0x38;
	[tilespmem:$0x18080] =	vst v63  }
0x41: {  	_ =	swait.ge [sflag:s6], $0x4000  }
0x42: {  	[sflag:s6] =	ssyncset.done $0x0  }
0x43: {  	[sflag:s6] =	ssyncadd.s32 $0xFFFFC000  }
0x44: {  	[spmem:s2] =	stream.indirect.scatter.add.f32 [tilespmem:s11], [sflag:$0x1], $0x80, s9, s12, $0xb8;
	[tilespmem:$0x18080] =	vst v63  }
0x45: {  	s25 =	sadd.s32 $0x280, s25;
	_ =	swait.ge [sflag:s6], $0x4000  }
0x46: {  	s26 =	sshrl.u32 s25, $0x3;
	[sflag:s6] =	ssyncset.done $0x0  }
0x47: {  	s21 =	sadd.s32 s21, s26;
	[sflag:s6] =	ssyncadd.s32 $0xFFFFC000  }
0x48: {  	[tilespmem:s9], [sflag:$0x1] =	stream.linear.gather [hbm4b:s21+s3], $0x80, $0x38;
	[tilespmem:$0x18080] =	vst v63  }
0x49: {  	_ =	swait.ge [sflag:s6], $0x80  }
0x4a: {  	s25 =	sshll.u32 s25, $0x4;
	[sflag:s6] =	ssyncset.done $0x0  }
0x4b: {  	s22 =	sadd.s32 s22, s25;
	[sflag:s6] =	ssyncadd.s32 $0xFFFFFF80  }
0x4c: {  	[tilespmem:s11], [sflag:$0x1] =	stream.linear.gather [hbm4b:s22+s3], $0x4000, $0x38;
	[tilespmem:$0x18080] =	vst v63  }
0x4d: {  	s24 =	ssub.s32 $0x2, s24;
	_ =	swait.ge [sflag:s6], $0x4000  }
0x4e: {  	s28 =	smul.u32 $0x2800, s1;
	s31 =	sshrl.u32 s24, $0x1;
	[sflag:s6] =	ssyncset.done $0x0  }
0x4f: {  	s24 =	ssub.s32 s24, s31;
	s25 =	sadd.s32 $0x9FA00, s23;
	[sflag:s6] =	ssyncadd.s32 $0xFFFFC000  }
0x50: {  	[spmem:s2] =	stream.indirect.scatter.add.f32 [tilespmem:s11], [sflag:$0x1], $0x80, s9, s12, $0xb8;
	[tilespmem:$0x18080] =	vst v63  }
0x51: {  	s23 =	sadd.s32 $0xC7A00, s23;
	s24 =	smax.u32 s24, $0x1;
	_ =	swait.ge [sflag:s6], $0x4000  }
0x52: {  	s25 =	smov.u32 @p0 s23;
	p0 =	sne.s32 s24, $0x1;
	[sflag:s6] =	ssyncset.done $0x0  }
.Ltmp0:
0x53: {  	[sflag:s6] =	ssyncadd.s32 $0xFFFFC000;
	(pc) =	sbr.rel @!p0 .LBB2_2-.Ltmp0, $4  }
0x54: {  	s23 =	sadd.s32 s25, s28;
	[bflag:$0x0] =	sbarrier.arrive $0xFFFF  }
0x55: {  	[hbm:s23], [sflag:s5] =	dma.local [spmem:s7], $0x2800  }
0x56: {  	_ =	swait.ge [sflag:s6], $0x2800  }
0x57: {  	s24 =	sadd.s32 $0xFFFFFFFF, s24;
	[sflag:s6] =	ssyncset.done $0x0  }
.LBB2_1:
0x58: {  	p0 =	sne.s32 s24, $0x1;
	s24 =	sadd.s32 $0xFFFFFFFF, s24;
	[sflag:s6] =	ssyncadd.s32 $0xFFFFD800  }
0x59: {  	[spmem:s7], [sflag:s5] =	dma.local [hbm:s4], $0x2800  }
0x5a: {  	_ =	swait.ge [sflag:s6], $0x2800  }
0x5b: {  	[sflag:s6] =	ssyncset.done $0x0  }
0x5c: {  	[sflag:s6] =	ssyncadd.s32 $0xFFFFD800  }
0x5d: {  	[bflag:$0x0] =	sbarrier.arrive $0xFFFF  }
0x5e: {  	[tilespmem:s9], [sflag:$0x1] =	stream.linear.gather [hbm4b:s8+s3], $0x80, $0x38;
	[tilespmem:$0x18080] =	vst v63  }
0x5f: {  	_ =	swait.ge [sflag:s6], $0x80  }
0x60: {  	[sflag:s6] =	ssyncset.done $0x0  }
0x61: {  	[sflag:s6] =	ssyncadd.s32 $0xFFFFFF80  }
0x62: {  	[tilespmem:s11], [sflag:$0x1] =	stream.linear.gather [hbm4b:s10+s3], $0x4000, $0x38;
	[tilespmem:$0x18080] =	vst v63  }
0x63: {  	_ =	swait.ge [sflag:s6], $0x4000  }
0x64: {  	[sflag:s6] =	ssyncset.done $0x0  }
0x65: {  	[sflag:s6] =	ssyncadd.s32 $0xFFFFC000  }
0x66: {  	[spmem:s2] =	stream.indirect.scatter.add.f32 [tilespmem:s11], [sflag:$0x1], $0x80, s9, s12, $0xb8;
	[tilespmem:$0x18080] =	vst v63  }
0x67: {  	_ =	swait.ge [sflag:s6], $0x4000  }
0x68: {  	[sflag:s6] =	ssyncset.done $0x0  }
0x69: {  	[sflag:s6] =	ssyncadd.s32 $0xFFFFC000  }
0x6a: {  	[tilespmem:s9], [sflag:$0x1] =	stream.linear.gather [hbm4b:s13+s3], $0x80, $0x38;
	[tilespmem:$0x18080] =	vst v63  }
0x6b: {  	_ =	swait.ge [sflag:s6], $0x80  }
0x6c: {  	[sflag:s6] =	ssyncset.done $0x0  }
0x6d: {  	[sflag:s6] =	ssyncadd.s32 $0xFFFFFF80  }
0x6e: {  	[tilespmem:s11], [sflag:$0x1] =	stream.linear.gather [hbm4b:s14+s3], $0x4000, $0x38;
	[tilespmem:$0x18080] =	vst v63  }
0x6f: {  	_ =	swait.ge [sflag:s6], $0x4000  }
0x70: {  	[sflag:s6] =	ssyncset.done $0x0  }
0x71: {  	[sflag:s6] =	ssyncadd.s32 $0xFFFFC000  }
0x72: {  	[spmem:s2] =	stream.indirect.scatter.add.f32 [tilespmem:s11], [sflag:$0x1], $0x80, s9, s12, $0xb8;
	[tilespmem:$0x18080] =	vst v63  }
0x73: {  	_ =	swait.ge [sflag:s6], $0x4000  }
0x74: {  	[sflag:s6] =	ssyncset.done $0x0  }
0x75: {  	[sflag:s6] =	ssyncadd.s32 $0xFFFFC000  }
0x76: {  	[tilespmem:s9], [sflag:$0x1] =	stream.linear.gather [hbm4b:s15+s3], $0x80, $0x38;
	[tilespmem:$0x18080] =	vst v63  }
0x77: {  	_ =	swait.ge [sflag:s6], $0x80  }
0x78: {  	[sflag:s6] =	ssyncset.done $0x0  }
0x79: {  	[sflag:s6] =	ssyncadd.s32 $0xFFFFFF80  }
0x7a: {  	[tilespmem:s11], [sflag:$0x1] =	stream.linear.gather [hbm4b:s16+s3], $0x4000, $0x38;
	[tilespmem:$0x18080] =	vst v63  }
0x7b: {  	_ =	swait.ge [sflag:s6], $0x4000  }
0x7c: {  	[sflag:s6] =	ssyncset.done $0x0  }
0x7d: {  	[sflag:s6] =	ssyncadd.s32 $0xFFFFC000  }
0x7e: {  	[spmem:s2] =	stream.indirect.scatter.add.f32 [tilespmem:s11], [sflag:$0x1], $0x80, s9, s12, $0xb8;
	[tilespmem:$0x18080] =	vst v63  }
0x7f: {  	_ =	swait.ge [sflag:s6], $0x4000  }
0x80: {  	[sflag:s6] =	ssyncset.done $0x0  }
0x81: {  	[sflag:s6] =	ssyncadd.s32 $0xFFFFC000  }
0x82: {  	[tilespmem:s9], [sflag:$0x1] =	stream.linear.gather [hbm4b:s17+s3], $0x80, $0x38;
	[tilespmem:$0x18080] =	vst v63  }
0x83: {  	_ =	swait.ge [sflag:s6], $0x80  }
0x84: {  	[sflag:s6] =	ssyncset.done $0x0  }
0x85: {  	[sflag:s6] =	ssyncadd.s32 $0xFFFFFF80  }
0x86: {  	[tilespmem:s11], [sflag:$0x1] =	stream.linear.gather [hbm4b:s18+s3], $0x4000, $0x38;
	[tilespmem:$0x18080] =	vst v63  }
0x87: {  	_ =	swait.ge [sflag:s6], $0x4000  }
0x88: {  	[sflag:s6] =	ssyncset.done $0x0  }
0x89: {  	[sflag:s6] =	ssyncadd.s32 $0xFFFFC000  }
0x8a: {  	[spmem:s2] =	stream.indirect.scatter.add.f32 [tilespmem:s11], [sflag:$0x1], $0x80, s9, s12, $0xb8;
	[tilespmem:$0x18080] =	vst v63  }
0x8b: {  	_ =	swait.ge [sflag:s6], $0x4000  }
0x8c: {  	[sflag:s6] =	ssyncset.done $0x0  }
0x8d: {  	[sflag:s6] =	ssyncadd.s32 $0xFFFFC000  }
0x8e: {  	[tilespmem:s9], [sflag:$0x1] =	stream.linear.gather [hbm4b:s19+s3], $0x80, $0x38;
	[tilespmem:$0x18080] =	vst v63  }
0x8f: {  	_ =	swait.ge [sflag:s6], $0x80  }
0x90: {  	[sflag:s6] =	ssyncset.done $0x0  }
0x91: {  	[sflag:s6] =	ssyncadd.s32 $0xFFFFFF80  }
0x92: {  	[tilespmem:s11], [sflag:$0x1] =	stream.linear.gather [hbm4b:s20+s3], $0x4000, $0x38;
	[tilespmem:$0x18080] =	vst v63  }
0x93: {  	_ =	swait.ge [sflag:s6], $0x4000  }
0x94: {  	[sflag:s6] =	ssyncset.done $0x0  }
0x95: {  	[sflag:s6] =	ssyncadd.s32 $0xFFFFC000  }
0x96: {  	[spmem:s2] =	stream.indirect.scatter.add.f32 [tilespmem:s11], [sflag:$0x1], $0x80, s9, s12, $0xb8;
	[tilespmem:$0x18080] =	vst v63  }
0x97: {  	_ =	swait.ge [sflag:s6], $0x4000  }
0x98: {  	[sflag:s6] =	ssyncset.done $0x0  }
0x99: {  	[sflag:s6] =	ssyncadd.s32 $0xFFFFC000  }
0x9a: {  	[tilespmem:s9], [sflag:$0x1] =	stream.linear.gather [hbm4b:s21+s3], $0x80, $0x38;
	[tilespmem:$0x18080] =	vst v63  }
0x9b: {  	_ =	swait.ge [sflag:s6], $0x80  }
0x9c: {  	[sflag:s6] =	ssyncset.done $0x0  }
0x9d: {  	[sflag:s6] =	ssyncadd.s32 $0xFFFFFF80  }
0x9e: {  	[tilespmem:s11], [sflag:$0x1] =	stream.linear.gather [hbm4b:s22+s3], $0x4000, $0x38;
	[tilespmem:$0x18080] =	vst v63  }
0x9f: {  	_ =	swait.ge [sflag:s6], $0x4000  }
0xa0: {  	[sflag:s6] =	ssyncset.done $0x0  }
0xa1: {  	[sflag:s6] =	ssyncadd.s32 $0xFFFFC000  }
0xa2: {  	[spmem:s2] =	stream.indirect.scatter.add.f32 [tilespmem:s11], [sflag:$0x1], $0x80, s9, s12, $0xb8;
	[tilespmem:$0x18080] =	vst v63  }
0xa3: {  	_ =	swait.ge [sflag:s6], $0x4000  }
0xa4: {  	[sflag:s6] =	ssyncset.done $0x0  }
.Ltmp1:
0xa5: {  	[sflag:s6] =	ssyncadd.s32 $0xFFFFC000;
	(pc) =	sbr.rel @p0 .LBB2_1-.Ltmp1, $4  }
0xa6: {  	[bflag:$0x0] =	sbarrier.arrive $0xFFFF  }
0xa7: {  	[hbm:s23], [sflag:s5] =	dma.local [spmem:s7], $0x2800  }
0xa8: {  	_ =	swait.ge [sflag:s6], $0x2800  }
0xa9: {  	[sflag:s6] =	ssyncset.done $0x0  }
.LBB2_2:
0xaa: {  	[sflag:s6] =	ssyncadd.s32 $0xFFFFD800  }
0xab: {  	_ =	sfence.sel $0x180000  }
0xac: {  	[bflag:$0x0] =	sbarrier.arrive $0xFFFF  }
0xad: {  	p0 =	sne.s32 s1, $0x0;
	_ =	strace $0x9000004A  }
0xae: {  	s0 =	sadd.s32 @!p0 $0x100000, s0;
	[bflag:$0x2] =	sbarrier.arrive $0xFFFF  }
0xaf: {  	[sflag:s0] =	ssyncadd.tile.s32 @!p0 $0x1;
	_ =	shalt  }
.Lfunc_end2:
_tile_overlayer_lowered:
.L_overlay_start_2:
0xb0: {  	(tag) =	ssettag $0x2  }
0xb1: {  	s0 =	rddreg [dreg:$0x0];
	s2 =	stileid.u32  }
0xb2: {  	s1 =	rddreg [dreg:$0x1];
	p0 =	sne.s32 s2, $0x0  }
0xb3: {  	s3 =	rddreg [dreg:$0x2];
	[bflag:$0x3] =	sbarrier.arrive $0xFFFF;
	s2 =	simm.s32 @!p0 $0x1C01  }
0xb4: {  	[timem:s3], [sflag:s2] =	dma.local @!p0 [hbm:s0], s1  }
0xb5: {  	s0 =	simm.s32 @!p0 $0x1  }
0xb6: {  	_ =	swait.ge @!p0 [sflag:s0], s1  }
0xb7: {  	s1 =	ssub.s32 @!p0 $0x0, s1;
	[sflag:s0] =	ssyncset.done @!p0 $0x0  }
0xb8: {  	[sflag:s0] =	ssyncadd.s32 @!p0 s1  }
0xb9: {  	[bflag:$0x3] =	sbarrier.arrive $0xFFFF  }
0xba: {  	_ =	shalt  }

// kernel: kernel.21.cloned.1.call-start
scs
__scs_entry_jumppad:
0x0: {  	(pc) =	sbr.rel $0x88, $3  }
0x1: {  	(tag) =	ssettag $0x0;
	lr =	simm.s32 $0x1  }
0x2: {  	[smem:$0x3F74] =	sst lr;
	_ =	strace $0xD0000000  }
0x3: {  	_ = 	snop  }
0x4: {  	_ = 	snop  }
0x5: {  	_ = 	snop  }
0x6: {  	_ = 	snop  }
0x7: {  	_ = 	snop  }
__scs_overlays_trampoline_lowered:
0x8: {  	[smem:$0x3F83] =	sst s0  }
0x9: {  	[smem:$0x3F84] =	sst s1  }
0xa: {  	[smem:$0x3F85] =	sst s2  }
0xb: {  	[smem:$0x3F86] =	sst s3  }
0xc: {  	[smem:$0x3F87] =	sst s4  }
0xd: {  	[smem:$0x3F88] =	sst s5  }
0xe: {  	[smem:$0x3F89] =	sst s6  }
0xf: {  	[smem:$0x3F8A] =	sst s7  }
0x10: {  	[smem:$0x3F8B] =	sst s8  }
0x11: {  	[smem:$0x3F8C] =	sst s9;
	s0 =	simm.s32 @!p0 $0x0  }
0x12: {  	s1 =	sld [smem:$0x3F72];
	s0 =	simm.s32 @p0 $0x1  }
0x13: {  	[smem:$0x3F8D] =	sst s0;
	s0 =	simm.s32 @!p1 $0x0  }
0x14: {  	s2 =	sld [smem:$0x3F71];
	s0 =	simm.s32 @p1 $0x1  }
0x15: {  	[smem:$0x3F8E] =	sst s0;
	s0 =	simm.s32 @!p2 $0x0  }
0x16: {  	s3 =	sld [smem:$0x3FDB];
	s0 =	simm.s32 @p2 $0x1  }
0x17: {  	s4 =	simm.s32 $0x1BF5;
	[smem:$0x3F90] =	sst s0  }
0x18: {  	s0 =	sld [smem:$0x3F73];
	_ =	swait.ge [sflag:s4], $0x0  }
0x19: {  	s7 =	sld [smem:$0x3F74]  }
0x1a: {  	s8 =	sadd.s32 $0xFFFFE003, lr  }
0x1b: {  	s9 =	sadd.s32 $0xFFFFFEF7, lr;
	s5 =	simm.s32 $0xFFFFFFFF;
	p2 =	slt.u32 s8, $0xFFFFF086  }
0x1c: {  	p1 =	slt.u32 s9, $0xF7A;
	s5 =	simm.s32 @!p2 $0x0  }
0x1d: {  	s5 =	simm.s32 @p1 $0x1;
	p0 =	seq.s32 s7, s2  }
0x1e: {  	s7 =	smul.u32 @!p0 $0xF7A, s2;
	p2 =	seq.s32 @!p0 s5, $0x0  }
0x1f: {  	s9 =	smul.u32 $0xF7A, s1;
	s8 =	simm.s32 @!p0 $0x1BF5;
	p2 =	por !p2, p0  }
0x20: {  	[sflag:s8] =	ssyncset.s32 @!p0 $0xFFFFF086;
	s6 =	sadd.s32 @!p0 s3, s7;
	s7 =	simm.s32 @!p0 $0x108  }
0x21: {  	s3 =	sadd.s32 s3, s9;
	s6 =	sadd.s32 @!p0 $0x88, s6;
	s7 =	simm.s32 @p2 $0x1082  }
0x22: {  	[simem:s7], [sflag:s8] =	dma.local @!p0 [hbm:s6], $0xF7A  }
0x23: {  	s9 =	sor.u32 $0xD0000000, s2;
	s6 =	simm.s32 $0x108;
	_ =	swait.ge @!p0 [sflag:s8], $0x0  }
0x24: {  	s3 =	sadd.s32 $0x88, s3;
	s6 =	simm.s32 @!p1 $0x1082;
	[sflag:s4] =	ssyncset.s32 $0xFFFFF086  }
0x25: {  	[simem:s6], [sflag:s4] =	dma.local [hbm:s3], $0xF7A  }
0x26: {  	[smem:$0x3F74] =	sst s1;
	(tag) =	ssettag s2;
	_ =	strace s9  }
0x27: {  	s1 =	sld [smem:$0x3F84]  }
0x28: {  	s2 =	sld [smem:$0x3F85]  }
0x29: {  	s4 =	sld [smem:$0x3F87]  }
0x2a: {  	p0 =	seq.s32 s5, $0x0;
	s5 =	sld [smem:$0x3F88]  }
0x2b: {  	s6 =	sld [smem:$0x3F89]  }
0x2c: {  	s7 =	sld [smem:$0x3F8A]  }
0x2d: {  	s3 =	simm.s32 $0x108;
	s8 =	sld [smem:$0x3F8B]  }
0x2e: {  	s3 =	simm.s32 @!p0 $0x1082;
	s9 =	sld [smem:$0x3F8C]  }
0x2f: {  	lr =	sadd.s32 s0, s3;
	s0 =	sld [smem:$0x3F83]  }
0x30: {  	s3 =	sld [smem:$0x3F86]  }
0x31: {  	[smem:$0x3F8F] =	sst s10  }
0x32: {  	s10 =	sld [smem:$0x3F8D];
	_ =	sdelay $0x3  }
0x33: {  	p0 =	seq.s32 s10, $0x1;
	s10 =	sld [smem:$0x3F8F];
	_ =	sdelay $0x3  }
0x34: {  	[smem:$0x3F8F] =	sst s10  }
0x35: {  	s10 =	sld [smem:$0x3F8E];
	_ =	sdelay $0x3  }
0x36: {  	p1 =	seq.s32 s10, $0x1;
	s10 =	sld [smem:$0x3F8F];
	_ =	sdelay $0x3  }
0x37: {  	[smem:$0x3F8F] =	sst s10  }
0x38: {  	s10 =	sld [smem:$0x3F90]  }
0x39: {  	_ = 	snop;
	(pc) =	sbr.ind lr, $3  }
0x3a: {  	_ = 	snop  }
0x3b: {  	_ = 	snop  }
0x3c: {  	p2 =	seq.s32 s10, $0x1;
	s10 =	sld [smem:$0x3F8F]  }
0x3d: {  	_ =	shalt  }
0x3e: {  	_ =	shalt  }
0x3f: {  	_ =	shalt  }
0x40: {  	_ =	shalt  }
0x41: {  	_ =	shalt  }
0x42: {  	_ =	shalt  }
0x43: {  	_ =	shalt  }
0x44: {  	_ =	shalt  }
0x45: {  	_ =	shalt  }
0x46: {  	_ =	shalt  }
0x47: {  	_ =	shalt  }
0x48: {  	_ =	shalt  }
0x49: {  	_ =	shalt  }
0x4a: {  	_ =	shalt  }
0x4b: {  	_ =	shalt  }
0x4c: {  	_ =	shalt  }
0x4d: {  	_ =	shalt  }
0x4e: {  	_ =	shalt  }
0x4f: {  	_ =	shalt  }
0x50: {  	_ =	shalt  }
0x51: {  	_ =	shalt  }
0x52: {  	_ =	shalt  }
0x53: {  	_ =	shalt  }
0x54: {  	_ =	shalt  }
0x55: {  	_ =	shalt  }
0x56: {  	_ =	shalt  }
0x57: {  	_ =	shalt  }
0x58: {  	_ =	shalt  }
0x59: {  	_ =	shalt  }
0x5a: {  	_ =	shalt  }
0x5b: {  	_ =	shalt  }
0x5c: {  	_ =	shalt  }
0x5d: {  	_ =	shalt  }
0x5e: {  	_ =	shalt  }
0x5f: {  	_ =	shalt  }
0x60: {  	_ =	shalt  }
0x61: {  	_ =	shalt  }
0x62: {  	_ =	shalt  }
0x63: {  	_ =	shalt  }
0x64: {  	_ =	shalt  }
0x65: {  	_ =	shalt  }
0x66: {  	_ =	shalt  }
0x67: {  	_ =	shalt  }
0x68: {  	_ =	shalt  }
0x69: {  	_ =	shalt  }
0x6a: {  	_ =	shalt  }
0x6b: {  	_ =	shalt  }
0x6c: {  	_ =	shalt  }
0x6d: {  	_ =	shalt  }
0x6e: {  	_ =	shalt  }
0x6f: {  	_ =	shalt  }
0x70: {  	_ =	shalt  }
0x71: {  	_ =	shalt  }
0x72: {  	_ =	shalt  }
0x73: {  	_ =	shalt  }
0x74: {  	_ =	shalt  }
0x75: {  	_ =	shalt  }
0x76: {  	_ =	shalt  }
0x77: {  	_ =	shalt  }
0x78: {  	_ =	shalt  }
0x79: {  	_ =	shalt  }
0x7a: {  	_ =	shalt  }
0x7b: {  	_ =	shalt  }
0x7c: {  	_ =	shalt  }
0x7d: {  	_ =	shalt  }
0x7e: {  	_ =	shalt  }
0x7f: {  	_ =	shalt  }
0x80: {  	_ =	shalt  }
0x81: {  	_ =	shalt  }
0x82: {  	_ =	shalt  }
0x83: {  	_ =	shalt  }
0x84: {  	_ =	shalt  }
0x85: {  	_ =	shalt  }
0x86: {  	_ =	shalt  }
0x87: {  	_ =	shalt  }
.Lfunc_end0:
.L_simem_size_0:
called_computation.2_lowered:
.L_overlay_start_0:
0x88: {  	s2 =	sld [smem:$0x3FD9]  }
0x89: {  	s3 =	sld [smem:$0x3FFE];
	_ =	sdelay $0x1  }
0x8a: {  	s1 =	srdreg.scid  }
0x8b: {  	s0 =	sand.u32 $0x1, s1  }
0x8c: {  	s17 =	sshll.u32 s0, $0xA;
	s2 =	sadd.s32 s3, s2  }
0x8d: {  	s2 =	sadd.s32 s2, s17  }
0x8e: {  	[smem:$0x3F9B] =	sst s2  }
0x8f: {  	_ = 	snop  }
0x90: {  	(tm) =	ssettm $0x1  }
0x91: {  	s18 =	sld [smem:$0x3FFB];
	_ =	sdelay $0x3  }
0x92: {  	_ =	strace s18  }
0x93: {  	s2 =	sld [smem:$0x3FFC];
	_ =	sdelay $0x3  }
0x94: {  	_ =	strace s2  }
0x95: {  	s2 =	sld [smem:$0x3FFD];
	_ =	sdelay $0x3  }
0x96: {  	_ =	strace s2  }
0x97: {  	_ =	strace $0x8FFFFFFF  }
0x98: {  	s19 =	sld [smem:$0x3FDB];
	_ =	sdelay $0x1  }
0x99: {  	s20 =	simm.s32 $_scs_section_size  }
0x9a: {  	s4 =	simm.s32 $_size__tile_overlayer_lowered;
	s5 =	simm.s32 $_tile_overlayer_lowered  }
0x9b: {  	s6 =	simm.s32 $0x1BFF;
	s21 =	sshll.u32 s5, $0x1;
	s3 =	sadd.s32 s20, s19  }
0x9c: {  	s22 =	simm.s32 $0x0;
	s4 =	sshll.u32 s4, $0x1;
	s5 =	sadd.s32 s21, s3  }
0x9d: {  	[timem:s22], [sflag:s6] =	dma.local [hbm:s5], s4  }
0x9e: {  	_ =	swait.ge [sflag:s6], s4  }
0x9f: {  	s4 =	ssub.s32 $0x0, s4;
	[sflag:s6] =	ssyncset.done $0x0  }
0xa0: {  	[sflag:s6] =	ssyncadd.s32 s4;
	_ =	sdelay $0x1  }
0xa1: {  	s23 =	simm.s32 $0x1B8B  }
0xa2: {  	_ =	swait.ge [sflag:s23], $0x1  }
0xa3: {  	[sflag:s23] =	ssyncset.done $0x0  }
0xa4: {  	[sflag:s23] =	ssyncadd.s32 $0xFFFFFFFF  }
0xa5: {  	s4 =	sld [smem:$0x0]  }
0xa6: {  	s5 =	sand.u32 $0xFFFFFFFE, s1  }
0xa7: {  	p0 =	sne.s32 s1, s5  }
0xa8: {  	s5 =	sshll.u32 @p0 s5, $0xE  }
0xa9: {  	s5 =	sadd.s32 @p0 $0x11B8D, s5;
	s6 =	sshll.u32 @p0 s4, $0x11  }
0xaa: {  	s5 =	sor.u32 @p0 s6, s5  }
0xab: {  	[sflag:s5] =	ssyncadd.remote.s32 @p0 $0x1;
	_ =	sdelay $0x1  }
0xac: {  	s5 =	simm.s32 @p0 $0x1B8D  }
0xad: {  	_ =	swait.eq @p0 [sflag:s5], $0x1  }
0xae: {  	[sflag:s5] =	ssyncadd.s32 @p0 $0xFFFFFFFF  }
0xaf: {  	s6 =	sshll.u32 @!p0 s1, $0xE  }
0xb0: {  	s6 =	sor.u32 @!p0 $0x4000, s6;
	s5 =	simm.s32 @!p0 $0x1B8D  }
0xb1: {  	s4 =	sshll.u32 @!p0 s4, $0x11;
	s6 =	sadd.s32 @!p0 $0x11B8D, s6;
	_ =	swait.eq @!p0 [sflag:s5], $0x1  }
0xb2: {  	s4 =	sor.u32 @!p0 s4, s6;
	[sflag:s5] =	ssyncadd.s32 @!p0 $0xFFFFFFFF  }
0xb3: {  	s25 =	simm.s32 $0x1B8E;
	s24 =	sld [smem:$0x3FFE];
	[sflag:s4] =	ssyncadd.remote.s32 @!p0 $0x1  }
0xb4: {  	s26 =	simm.s32 $execute0_lowered;
	[smem:$0x3FD2] =	sst s25  }
0xb5: {  	s5 =	sshll.u32 s26, $0x1;
	_ =	strace $0x8000004C;
	[dreg:$0x1] =	wrdreg $0xFFFFFFFF  }
0xb6: {  	s28 =	simm.s32 $_size_execute0_lowered;
	s3 =	sadd.s32 s3, s5;
	[dreg:$0x0] =	wrdreg $0x0  }
0xb7: {  	s5 =	sshll.u32 s28, $0x1;
	[dreg:$0x2] =	wrdreg s3  }
0xb8: {  	[dreg:$0x3] =	wrdreg s5  }
0xb9: {  	[dreg:$0x4] =	wrdreg $0xC0  }
0xba: {  	_ =	task [dreg:s22], $0x5FFFF  }
0xbb: {  	[dreg:$0x1] =	wrdreg $0xFFFFFFFF  }
0xbc: {  	[dreg:$0x0] =	wrdreg $0x60  }
0xbd: {  	[dreg:$0x2] =	wrdreg s24  }
0xbe: {  	[dreg:$0x3] =	wrdreg $0x0  }
0xbf: {  	[dreg:$0x4] =	wrdreg $0xA  }
0xc0: {  	_ =	task.clear_ibuf [dreg:s22], $0x5FFFF;
	_ =	strace $0x9000004C  }
0xc1: {  	s29 =	simm.s32 $0xA;
	_ =	strace $0x8000004E  }
0xc2: {  	_ =	swait.ge [sflag:s29], $0x1  }
0xc3: {  	[sflag:s29] =	ssyncadd.s32 $0xFFFFFFFF  }
0xc4: {  	_ =	strace $0x9000004E  }
0xc5: {  	_ =	sfence  }
0xc6: {  	s30 =	sld [smem:$0x0];
	_ =	sdelay $0x2  }
0xc7: {  	s31 =	sshll.u32 s1, $0xD;
	s1 =	sshrl.u32 s1, $0x2  }
0xc8: {  	s4 =	sand.u32 $0x4000, s31;
	s1 =	sadd.s32 s1, s30  }
0xc9: {  	s0 =	sor.u32 s4, s0;
	s1 =	sshll.u32 s1, $0x11  }
0xca: {  	s0 =	sor.u32 s1, s0  }
0xcb: {  	s0 =	sadd.s32 $0x8F2B, s0  }
0xcc: {  	[sflag:s0] =	ssyncadd.remote.s32 $0x1  }
0xcd: {  	_ =	sfence.sel $0xFFFF  }
0xce: {  	[dreg:$0x0] =	wrdreg $0xFFFFFFFF;
	(pc) =	sbr.abs _section_cstart, $3  }
0xcf: {  	[dreg:$0x1] =	wrdreg $0xFFFFFFFF  }
0xd0: {  	_ =	task.clear_ibuf [dreg:s22], $0x2FFFF;
	_ =	strace $0x9FFFFFFF  }
0xd1: {  	(tm) =	ssettm $0x7FFFFFFF  }
tec
execute0_lowered:
.L_overlay_start_1:
0x0: {  	(tag) =	ssettag $0x1  }
0x1: {  	s17 =	rddreg [dreg:$0x0]  }
0x2: {  	s2 =	rddreg [dreg:$0x1]  }
0x3: {  	s0 =	rddreg [dreg:$0x2];
	s1 =	stileid.u32  }
0x4: {  	s3 =	simm.s32 $0x0;
	s6 =	srdreg.scid;
	s5 =	smul.u32 $0x50000, s1  }
0x5: {  	[smem:$0x7FF] =	sst s3;
	s4 =	sadd.s32 $0x9D200, s17;
	s18 =	sand.u32 $0x1, s6  }
0x6: {  	s26 =	sshll.u32 s1, $0x6;
	s9 =	smul.u32 $0x180, s1;
	s5 =	sshrl.u32 s5, $0x2  }
0x7: {  	s6 =	simm.s32 $0x1;
	_ =	strace $0x8000004D;
	s7 =	sadd.s32 s5, s2  }
0x8: {  	s8 =	smul.u32 $0x1800, s18;
	s5 =	sor.u32 $0x1C01, s26;
	s7 =	sshrl.u32 s7, $0x3  }
0x9: {  	[spmem:s7], [sflag:s5] =	dma.local [hbm:s4], $0x2800  }
0xa: {  	_ =	swait.ge [sflag:s6], $0x2800  }
0xb: {  	s15 =	sadd.s32 s9, s8;
	[sflag:s6] =	ssyncset.done $0x0  }
0xc: {  	s16 =	sadd.s32 $0xCC00, s17;
	s8 =	sshrl.u32 s15, $0x3;
	[sflag:s6] =	ssyncadd.s32 $0xFFFFD800  }
0xd: {  	s9 =	simm.s32 $0x14000;
	s8 =	sadd.s32 s16, s8;
	[bflag:$0x0] =	sbarrier.arrive $0xFFFF  }
0xe: {  	[tilespmem:s9], [sflag:$0x1] =	stream.linear.gather [hbm4b:s8+s3], $0x80, $0x38;
	[tilespmem:$0x18080] =	vst v63  }
0xf: {  	_ =	swait.ge [sflag:s6], $0x80  }
0x10: {  	s19 =	sadd.s32 $0x6D200, s17;
	s10 =	sshll.u32 s15, $0x4;
	[sflag:s6] =	ssyncset.done $0x0  }
0x11: {  	s11 =	simm.s32 $0x14080;
	s10 =	sadd.s32 s19, s10;
	[sflag:s6] =	ssyncadd.s32 $0xFFFFFF80  }
0x12: {  	[tilespmem:s11], [sflag:$0x1] =	stream.linear.gather [hbm4b:s10+s3], $0x4000, $0x38;
	[tilespmem:$0x18080] =	vst v63  }
0x13: {  	_ =	swait.ge [sflag:s6], $0x4000  }
0x14: {  	[sflag:s6] =	ssyncset.done $0x0  }
0x15: {  	s12 =	simm.s32 $0x80;
	[sflag:s6] =	ssyncadd.s32 $0xFFFFC000  }
0x16: {  	[spmem:s2] =	stream.indirect.scatter.add.f32 [tilespmem:s11], [sflag:$0x1], $0x80, s9, s12, $0xb8;
	[tilespmem:$0x18080] =	vst v63  }
0x17: {  	s14 =	sadd.s32 $0x80, s15;
	_ =	swait.ge [sflag:s6], $0x4000  }
0x18: {  	s13 =	sshrl.u32 s14, $0x3;
	[sflag:s6] =	ssyncset.done $0x0  }
0x19: {  	s13 =	sadd.s32 s16, s13;
	[sflag:s6] =	ssyncadd.s32 $0xFFFFC000  }
0x1a: {  	[tilespmem:s9], [sflag:$0x1] =	stream.linear.gather [hbm4b:s13+s3], $0x80, $0x38;
	[tilespmem:$0x18080] =	vst v63  }
0x1b: {  	_ =	swait.ge [sflag:s6], $0x80  }
0x1c: {  	s14 =	sshll.u32 s14, $0x4;
	[sflag:s6] =	ssyncset.done $0x0  }
0x1d: {  	s14 =	sadd.s32 s19, s14;
	[sflag:s6] =	ssyncadd.s32 $0xFFFFFF80  }
0x1e: {  	[tilespmem:s11], [sflag:$0x1] =	stream.linear.gather [hbm4b:s14+s3], $0x4000, $0x38;
	[tilespmem:$0x18080] =	vst v63  }
0x1f: {  	_ =	swait.ge [sflag:s6], $0x4000  }
0x20: {  	[sflag:s6] =	ssyncset.done $0x0  }
0x21: {  	[sflag:s6] =	ssyncadd.s32 $0xFFFFC000  }
0x22: {  	[spmem:s2] =	stream.indirect.scatter.add.f32 [tilespmem:s11], [sflag:$0x1], $0x80, s9, s12, $0xb8;
	[tilespmem:$0x18080] =	vst v63  }
0x23: {  	s20 =	sadd.s32 $0x100, s15;
	_ =	swait.ge [sflag:s6], $0x4000  }
0x24: {  	s15 =	sshrl.u32 s20, $0x3;
	[sflag:s6] =	ssyncset.done $0x0  }
0x25: {  	s15 =	sadd.s32 s16, s15;
	[sflag:s6] =	ssyncadd.s32 $0xFFFFC000  }
0x26: {  	[tilespmem:s9], [sflag:$0x1] =	stream.linear.gather [hbm4b:s15+s3], $0x80, $0x38;
	[tilespmem:$0x18080] =	vst v63  }
0x27: {  	_ =	swait.ge [sflag:s6], $0x80  }
0x28: {  	s28 =	sshll.u32 s20, $0x4;
	[sflag:s6] =	ssyncset.done $0x0  }
0x29: {  	s16 =	sadd.s32 s19, s28;
	[sflag:s6] =	ssyncadd.s32 $0xFFFFFF80  }
0x2a: {  	[tilespmem:s11], [sflag:$0x1] =	stream.linear.gather [hbm4b:s16+s3], $0x4000, $0x38;
	[tilespmem:$0x18080] =	vst v63  }
0x2b: {  	s29 =	ssub.s32 $0x2, s18;
	_ =	swait.ge [sflag:s6], $0x4000  }
0x2c: {  	s21 =	smul.u32 $0x2800, s1;
	s30 =	sshrl.u32 s29, $0x1;
	[sflag:s6] =	ssyncset.done $0x0  }
0x2d: {  	p0 =	seq.s32 s18, $0x1;
	s19 =	ssub.s32 s29, s30;
	[sflag:s6] =	ssyncadd.s32 $0xFFFFC000  }
0x2e: {  	[spmem:s2] =	stream.indirect.scatter.add.f32 [tilespmem:s11], [sflag:$0x1], $0x80, s9, s12, $0xb8;
	[tilespmem:$0x18080] =	vst v63  }
0x2f: {  	s18 =	simm.s32 $0x117A00;
	s31 =	smax.u32 s19, $0x1;
	_ =	swait.ge [sflag:s6], $0x4000  }
0x30: {  	s18 =	simm.s32 @!p0 $0xEFA00;
	p0 =	sne.s32 s31, $0x1;
	[sflag:s6] =	ssyncset.done $0x0  }
.Ltmp0:
0x31: {  	s17 =	sadd.s32 s18, s17;
	[sflag:s6] =	ssyncadd.s32 $0xFFFFC000;
	(pc) =	sbr.rel @!p0 .LBB2_2-.Ltmp0, $4  }
0x32: {  	s17 =	sadd.s32 s17, s21;
	[bflag:$0x0] =	sbarrier.arrive $0xFFFF  }
0x33: {  	[hbm:s17], [sflag:s5] =	dma.local [spmem:s7], $0x2800  }
0x34: {  	_ =	swait.ge [sflag:s6], $0x2800  }
0x35: {  	s18 =	sadd.s32 $0xFFFFFFFF, s31;
	[sflag:s6] =	ssyncset.done $0x0  }
.LBB2_1:
0x36: {  	p0 =	sne.s32 s18, $0x1;
	s18 =	sadd.s32 $0xFFFFFFFF, s18;
	[sflag:s6] =	ssyncadd.s32 $0xFFFFD800  }
0x37: {  	[spmem:s7], [sflag:s5] =	dma.local [hbm:s4], $0x2800  }
0x38: {  	_ =	swait.ge [sflag:s6], $0x2800  }
0x39: {  	[sflag:s6] =	ssyncset.done $0x0  }
0x3a: {  	[sflag:s6] =	ssyncadd.s32 $0xFFFFD800  }
0x3b: {  	[bflag:$0x0] =	sbarrier.arrive $0xFFFF  }
0x3c: {  	[tilespmem:s9], [sflag:$0x1] =	stream.linear.gather [hbm4b:s8+s3], $0x80, $0x38;
	[tilespmem:$0x18080] =	vst v63  }
0x3d: {  	_ =	swait.ge [sflag:s6], $0x80  }
0x3e: {  	[sflag:s6] =	ssyncset.done $0x0  }
0x3f: {  	[sflag:s6] =	ssyncadd.s32 $0xFFFFFF80  }
0x40: {  	[tilespmem:s11], [sflag:$0x1] =	stream.linear.gather [hbm4b:s10+s3], $0x4000, $0x38;
	[tilespmem:$0x18080] =	vst v63  }
0x41: {  	_ =	swait.ge [sflag:s6], $0x4000  }
0x42: {  	[sflag:s6] =	ssyncset.done $0x0  }
0x43: {  	[sflag:s6] =	ssyncadd.s32 $0xFFFFC000  }
0x44: {  	[spmem:s2] =	stream.indirect.scatter.add.f32 [tilespmem:s11], [sflag:$0x1], $0x80, s9, s12, $0xb8;
	[tilespmem:$0x18080] =	vst v63  }
0x45: {  	_ =	swait.ge [sflag:s6], $0x4000  }
0x46: {  	[sflag:s6] =	ssyncset.done $0x0  }
0x47: {  	[sflag:s6] =	ssyncadd.s32 $0xFFFFC000  }
0x48: {  	[tilespmem:s9], [sflag:$0x1] =	stream.linear.gather [hbm4b:s13+s3], $0x80, $0x38;
	[tilespmem:$0x18080] =	vst v63  }
0x49: {  	_ =	swait.ge [sflag:s6], $0x80  }
0x4a: {  	[sflag:s6] =	ssyncset.done $0x0  }
0x4b: {  	[sflag:s6] =	ssyncadd.s32 $0xFFFFFF80  }
0x4c: {  	[tilespmem:s11], [sflag:$0x1] =	stream.linear.gather [hbm4b:s14+s3], $0x4000, $0x38;
	[tilespmem:$0x18080] =	vst v63  }
0x4d: {  	_ =	swait.ge [sflag:s6], $0x4000  }
0x4e: {  	[sflag:s6] =	ssyncset.done $0x0  }
0x4f: {  	[sflag:s6] =	ssyncadd.s32 $0xFFFFC000  }
0x50: {  	[spmem:s2] =	stream.indirect.scatter.add.f32 [tilespmem:s11], [sflag:$0x1], $0x80, s9, s12, $0xb8;
	[tilespmem:$0x18080] =	vst v63  }
0x51: {  	_ =	swait.ge [sflag:s6], $0x4000  }
0x52: {  	[sflag:s6] =	ssyncset.done $0x0  }
0x53: {  	[sflag:s6] =	ssyncadd.s32 $0xFFFFC000  }
0x54: {  	[tilespmem:s9], [sflag:$0x1] =	stream.linear.gather [hbm4b:s15+s3], $0x80, $0x38;
	[tilespmem:$0x18080] =	vst v63  }
0x55: {  	_ =	swait.ge [sflag:s6], $0x80  }
0x56: {  	[sflag:s6] =	ssyncset.done $0x0  }
0x57: {  	[sflag:s6] =	ssyncadd.s32 $0xFFFFFF80  }
0x58: {  	[tilespmem:s11], [sflag:$0x1] =	stream.linear.gather [hbm4b:s16+s3], $0x4000, $0x38;
	[tilespmem:$0x18080] =	vst v63  }
0x59: {  	_ =	swait.ge [sflag:s6], $0x4000  }
0x5a: {  	[sflag:s6] =	ssyncset.done $0x0  }
0x5b: {  	[sflag:s6] =	ssyncadd.s32 $0xFFFFC000  }
0x5c: {  	[spmem:s2] =	stream.indirect.scatter.add.f32 [tilespmem:s11], [sflag:$0x1], $0x80, s9, s12, $0xb8;
	[tilespmem:$0x18080] =	vst v63  }
0x5d: {  	_ =	swait.ge [sflag:s6], $0x4000  }
0x5e: {  	[sflag:s6] =	ssyncset.done $0x0  }
.Ltmp1:
0x5f: {  	[sflag:s6] =	ssyncadd.s32 $0xFFFFC000;
	(pc) =	sbr.rel @p0 .LBB2_1-.Ltmp1, $4  }
0x60: {  	[bflag:$0x0] =	sbarrier.arrive $0xFFFF  }
0x61: {  	[hbm:s17], [sflag:s5] =	dma.local [spmem:s7], $0x2800  }
0x62: {  	_ =	swait.ge [sflag:s6], $0x2800  }
0x63: {  	[sflag:s6] =	ssyncset.done $0x0  }
.LBB2_2:
0x64: {  	[sflag:s6] =	ssyncadd.s32 $0xFFFFD800  }
0x65: {  	_ =	sfence.sel $0x180000  }
0x66: {  	[bflag:$0x0] =	sbarrier.arrive $0xFFFF  }
0x67: {  	p0 =	sne.s32 s1, $0x0;
	_ =	strace $0x9000004D  }
0x68: {  	s0 =	sadd.s32 @!p0 $0x100000, s0;
	[bflag:$0x2] =	sbarrier.arrive $0xFFFF  }
0x69: {  	[sflag:s0] =	ssyncadd.tile.s32 @!p0 $0x1;
	_ =	shalt  }
.Lfunc_end2:
_tile_overlayer_lowered:
.L_overlay_start_2:
0x6a: {  	(tag) =	ssettag $0x2  }
0x6b: {  	s0 =	rddreg [dreg:$0x0];
	s2 =	stileid.u32  }
0x6c: {  	s1 =	rddreg [dreg:$0x1];
	p0 =	sne.s32 s2, $0x0  }
0x6d: {  	s3 =	rddreg [dreg:$0x2];
	[bflag:$0x3] =	sbarrier.arrive $0xFFFF;
	s2 =	simm.s32 @!p0 $0x1C01  }
0x6e: {  	[timem:s3], [sflag:s2] =	dma.local @!p0 [hbm:s0], s1  }
0x6f: {  	s0 =	simm.s32 @!p0 $0x1  }
0x70: {  	_ =	swait.ge @!p0 [sflag:s0], s1  }
0x71: {  	s1 =	ssub.s32 @!p0 $0x0, s1;
	[sflag:s0] =	ssyncset.done @!p0 $0x0  }
0x72: {  	[sflag:s0] =	ssyncadd.s32 @!p0 s1  }
0x73: {  	[bflag:$0x3] =	sbarrier.arrive $0xFFFF  }
0x74: {  	_ =	shalt  }

// kernel: kernel.24.cloned.1.call-start
scs
__scs_entry_jumppad:
0x0: {  	(pc) =	sbr.rel $0x88, $3  }
0x1: {  	(tag) =	ssettag $0x0;
	lr =	simm.s32 $0x1  }
0x2: {  	[smem:$0x3F74] =	sst lr;
	_ =	strace $0xD0000000  }
0x3: {  	_ = 	snop  }
0x4: {  	_ = 	snop  }
0x5: {  	_ = 	snop  }
0x6: {  	_ = 	snop  }
0x7: {  	_ = 	snop  }
__scs_overlays_trampoline_lowered:
0x8: {  	[smem:$0x3F83] =	sst s0  }
0x9: {  	[smem:$0x3F84] =	sst s1  }
0xa: {  	[smem:$0x3F85] =	sst s2  }
0xb: {  	[smem:$0x3F86] =	sst s3  }
0xc: {  	[smem:$0x3F87] =	sst s4  }
0xd: {  	[smem:$0x3F88] =	sst s5  }
0xe: {  	[smem:$0x3F89] =	sst s6  }
0xf: {  	[smem:$0x3F8A] =	sst s7  }
0x10: {  	[smem:$0x3F8B] =	sst s8  }
0x11: {  	[smem:$0x3F8C] =	sst s9;
	s0 =	simm.s32 @!p0 $0x0  }
0x12: {  	s1 =	sld [smem:$0x3F72];
	s0 =	simm.s32 @p0 $0x1  }
0x13: {  	[smem:$0x3F8D] =	sst s0;
	s0 =	simm.s32 @!p1 $0x0  }
0x14: {  	s2 =	sld [smem:$0x3F71];
	s0 =	simm.s32 @p1 $0x1  }
0x15: {  	[smem:$0x3F8E] =	sst s0;
	s0 =	simm.s32 @!p2 $0x0  }
0x16: {  	s3 =	sld [smem:$0x3FDB];
	s0 =	simm.s32 @p2 $0x1  }
0x17: {  	s4 =	simm.s32 $0x1BF5;
	[smem:$0x3F90] =	sst s0  }
0x18: {  	s0 =	sld [smem:$0x3F73];
	_ =	swait.ge [sflag:s4], $0x0  }
0x19: {  	s7 =	sld [smem:$0x3F74]  }
0x1a: {  	s8 =	sadd.s32 $0xFFFFE003, lr  }
0x1b: {  	s9 =	sadd.s32 $0xFFFFFEF7, lr;
	s5 =	simm.s32 $0xFFFFFFFF;
	p2 =	slt.u32 s8, $0xFFFFF086  }
0x1c: {  	p1 =	slt.u32 s9, $0xF7A;
	s5 =	simm.s32 @!p2 $0x0  }
0x1d: {  	s5 =	simm.s32 @p1 $0x1;
	p0 =	seq.s32 s7, s2  }
0x1e: {  	s7 =	smul.u32 @!p0 $0xF7A, s2;
	p2 =	seq.s32 @!p0 s5, $0x0  }
0x1f: {  	s9 =	smul.u32 $0xF7A, s1;
	s8 =	simm.s32 @!p0 $0x1BF5;
	p2 =	por !p2, p0  }
0x20: {  	[sflag:s8] =	ssyncset.s32 @!p0 $0xFFFFF086;
	s6 =	sadd.s32 @!p0 s3, s7;
	s7 =	simm.s32 @!p0 $0x108  }
0x21: {  	s3 =	sadd.s32 s3, s9;
	s6 =	sadd.s32 @!p0 $0x88, s6;
	s7 =	simm.s32 @p2 $0x1082  }
0x22: {  	[simem:s7], [sflag:s8] =	dma.local @!p0 [hbm:s6], $0xF7A  }
0x23: {  	s9 =	sor.u32 $0xD0000000, s2;
	s6 =	simm.s32 $0x108;
	_ =	swait.ge @!p0 [sflag:s8], $0x0  }
0x24: {  	s3 =	sadd.s32 $0x88, s3;
	s6 =	simm.s32 @!p1 $0x1082;
	[sflag:s4] =	ssyncset.s32 $0xFFFFF086  }
0x25: {  	[simem:s6], [sflag:s4] =	dma.local [hbm:s3], $0xF7A  }
0x26: {  	[smem:$0x3F74] =	sst s1;
	(tag) =	ssettag s2;
	_ =	strace s9  }
0x27: {  	s1 =	sld [smem:$0x3F84]  }
0x28: {  	s2 =	sld [smem:$0x3F85]  }
0x29: {  	s4 =	sld [smem:$0x3F87]  }
0x2a: {  	p0 =	seq.s32 s5, $0x0;
	s5 =	sld [smem:$0x3F88]  }
0x2b: {  	s6 =	sld [smem:$0x3F89]  }
0x2c: {  	s7 =	sld [smem:$0x3F8A]  }
0x2d: {  	s3 =	simm.s32 $0x108;
	s8 =	sld [smem:$0x3F8B]  }
0x2e: {  	s3 =	simm.s32 @!p0 $0x1082;
	s9 =	sld [smem:$0x3F8C]  }
0x2f: {  	lr =	sadd.s32 s0, s3;
	s0 =	sld [smem:$0x3F83]  }
0x30: {  	s3 =	sld [smem:$0x3F86]  }
0x31: {  	[smem:$0x3F8F] =	sst s10  }
0x32: {  	s10 =	sld [smem:$0x3F8D];
	_ =	sdelay $0x3  }
0x33: {  	p0 =	seq.s32 s10, $0x1;
	s10 =	sld [smem:$0x3F8F];
	_ =	sdelay $0x3  }
0x34: {  	[smem:$0x3F8F] =	sst s10  }
0x35: {  	s10 =	sld [smem:$0x3F8E];
	_ =	sdelay $0x3  }
0x36: {  	p1 =	seq.s32 s10, $0x1;
	s10 =	sld [smem:$0x3F8F];
	_ =	sdelay $0x3  }
0x37: {  	[smem:$0x3F8F] =	sst s10  }
0x38: {  	s10 =	sld [smem:$0x3F90]  }
0x39: {  	_ = 	snop;
	(pc) =	sbr.ind lr, $3  }
0x3a: {  	_ = 	snop  }
0x3b: {  	_ = 	snop  }
0x3c: {  	p2 =	seq.s32 s10, $0x1;
	s10 =	sld [smem:$0x3F8F]  }
0x3d: {  	_ =	shalt  }
0x3e: {  	_ =	shalt  }
0x3f: {  	_ =	shalt  }
0x40: {  	_ =	shalt  }
0x41: {  	_ =	shalt  }
0x42: {  	_ =	shalt  }
0x43: {  	_ =	shalt  }
0x44: {  	_ =	shalt  }
0x45: {  	_ =	shalt  }
0x46: {  	_ =	shalt  }
0x47: {  	_ =	shalt  }
0x48: {  	_ =	shalt  }
0x49: {  	_ =	shalt  }
0x4a: {  	_ =	shalt  }
0x4b: {  	_ =	shalt  }
0x4c: {  	_ =	shalt  }
0x4d: {  	_ =	shalt  }
0x4e: {  	_ =	shalt  }
0x4f: {  	_ =	shalt  }
0x50: {  	_ =	shalt  }
0x51: {  	_ =	shalt  }
0x52: {  	_ =	shalt  }
0x53: {  	_ =	shalt  }
0x54: {  	_ =	shalt  }
0x55: {  	_ =	shalt  }
0x56: {  	_ =	shalt  }
0x57: {  	_ =	shalt  }
0x58: {  	_ =	shalt  }
0x59: {  	_ =	shalt  }
0x5a: {  	_ =	shalt  }
0x5b: {  	_ =	shalt  }
0x5c: {  	_ =	shalt  }
0x5d: {  	_ =	shalt  }
0x5e: {  	_ =	shalt  }
0x5f: {  	_ =	shalt  }
0x60: {  	_ =	shalt  }
0x61: {  	_ =	shalt  }
0x62: {  	_ =	shalt  }
0x63: {  	_ =	shalt  }
0x64: {  	_ =	shalt  }
0x65: {  	_ =	shalt  }
0x66: {  	_ =	shalt  }
0x67: {  	_ =	shalt  }
0x68: {  	_ =	shalt  }
0x69: {  	_ =	shalt  }
0x6a: {  	_ =	shalt  }
0x6b: {  	_ =	shalt  }
0x6c: {  	_ =	shalt  }
0x6d: {  	_ =	shalt  }
0x6e: {  	_ =	shalt  }
0x6f: {  	_ =	shalt  }
0x70: {  	_ =	shalt  }
0x71: {  	_ =	shalt  }
0x72: {  	_ =	shalt  }
0x73: {  	_ =	shalt  }
0x74: {  	_ =	shalt  }
0x75: {  	_ =	shalt  }
0x76: {  	_ =	shalt  }
0x77: {  	_ =	shalt  }
0x78: {  	_ =	shalt  }
0x79: {  	_ =	shalt  }
0x7a: {  	_ =	shalt  }
0x7b: {  	_ =	shalt  }
0x7c: {  	_ =	shalt  }
0x7d: {  	_ =	shalt  }
0x7e: {  	_ =	shalt  }
0x7f: {  	_ =	shalt  }
0x80: {  	_ =	shalt  }
0x81: {  	_ =	shalt  }
0x82: {  	_ =	shalt  }
0x83: {  	_ =	shalt  }
0x84: {  	_ =	shalt  }
0x85: {  	_ =	shalt  }
0x86: {  	_ =	shalt  }
0x87: {  	_ =	shalt  }
.Lfunc_end0:
.L_simem_size_0:
called_computation.3_lowered:
.L_overlay_start_0:
0x88: {  	s2 =	sld [smem:$0x3FD9]  }
0x89: {  	s3 =	sld [smem:$0x3FFE];
	_ =	sdelay $0x1  }
0x8a: {  	s1 =	srdreg.scid  }
0x8b: {  	s0 =	sand.u32 $0x1, s1  }
0x8c: {  	s17 =	sshll.u32 s0, $0xA;
	s2 =	sadd.s32 s3, s2  }
0x8d: {  	s2 =	sadd.s32 s2, s17  }
0x8e: {  	[smem:$0x3F9B] =	sst s2  }
0x8f: {  	_ = 	snop  }
0x90: {  	s2 =	sld [smem:$0x3FD0];
	(tm) =	ssettm $0x1  }
0x91: {  	s18 =	sld [smem:$0x3FFB];
	_ =	sdelay $0x3  }
0x92: {  	_ =	strace s18  }
0x93: {  	s3 =	sld [smem:$0x3FFC];
	_ =	sdelay $0x3  }
0x94: {  	_ =	strace s3  }
0x95: {  	s3 =	sld [smem:$0x3FFD];
	_ =	sdelay $0x3  }
0x96: {  	_ =	strace s3  }
0x97: {  	_ =	strace $0x8FFFFFFF  }
0x98: {  	s19 =	sld [smem:$0x3FDB];
	_ =	sdelay $0x1  }
0x99: {  	s4 =	simm.s32 $_scs_section_size  }
0x9a: {  	s5 =	simm.s32 $_size__tile_overlayer_lowered;
	s6 =	simm.s32 $_tile_overlayer_lowered  }
0x9b: {  	s22 =	simm.s32 $0x1BFF;
	s21 =	sshll.u32 s6, $0x1;
	s3 =	sadd.s32 s4, s19  }
0x9c: {  	s7 =	simm.s32 $0x0;
	s20 =	sshll.u32 s5, $0x1;
	s5 =	sadd.s32 s21, s3  }
0x9d: {  	[timem:s7], [sflag:s22] =	dma.local [hbm:s5], s20  }
0x9e: {  	_ =	swait.ge [sflag:s22], s20  }
0x9f: {  	s4 =	ssub.s32 $0x0, s20;
	[sflag:s22] =	ssyncset.done $0x0  }
0xa0: {  	[sflag:s22] =	ssyncadd.s32 s4;
	_ =	sdelay $0x1  }
0xa1: {  	s23 =	simm.s32 $0x1B8B  }
0xa2: {  	_ =	swait.ge [sflag:s23], $0x1  }
0xa3: {  	[sflag:s23] =	ssyncset.done $0x0  }
0xa4: {  	s25 =	simm.s32 $0x1B8E;
	s24 =	sld [smem:$0x3FFE];
	[sflag:s23] =	ssyncadd.s32 $0xFFFFFFFF  }
0xa5: {  	s26 =	simm.s32 $execute0_lowered;
	[smem:$0x3FD2] =	sst s25  }
0xa6: {  	s5 =	sshll.u32 s26, $0x1;
	_ =	strace $0x8000004F;
	[dreg:$0x1] =	wrdreg $0xFFFFFFFF  }
0xa7: {  	s28 =	simm.s32 $_size_execute0_lowered;
	s3 =	sadd.s32 s3, s5;
	[dreg:$0x0] =	wrdreg $0x0  }
0xa8: {  	s5 =	sshll.u32 s28, $0x1;
	[dreg:$0x2] =	wrdreg s3  }
0xa9: {  	[dreg:$0x3] =	wrdreg s5  }
0xaa: {  	[dreg:$0x4] =	wrdreg $0xC0  }
0xab: {  	_ =	task [dreg:s7], $0x5FFFF  }
0xac: {  	[dreg:$0x1] =	wrdreg $0xFFFFFFFF  }
0xad: {  	[dreg:$0x0] =	wrdreg $0x60  }
0xae: {  	[dreg:$0x2] =	wrdreg s24  }
0xaf: {  	[dreg:$0x3] =	wrdreg s2  }
0xb0: {  	[dreg:$0x4] =	wrdreg $0x9  }
0xb1: {  	_ =	task.clear_ibuf [dreg:s7], $0x5FFFF;
	_ =	strace $0x9000004F  }
0xb2: {  	s29 =	simm.s32 $0x9;
	_ =	strace $0x80000051  }
0xb3: {  	_ =	swait.ge [sflag:s29], $0x1  }
0xb4: {  	[sflag:s29] =	ssyncadd.s32 $0xFFFFFFFF  }
0xb5: {  	_ =	strace $0x90000051  }
0xb6: {  	_ =	sfence  }
0xb7: {  	s30 =	sld [smem:$0x0];
	_ =	sdelay $0x2  }
0xb8: {  	s31 =	sshll.u32 s1, $0xD;
	s1 =	sshrl.u32 s1, $0x2  }
0xb9: {  	s3 =	sand.u32 $0x4000, s31;
	s1 =	sadd.s32 s1, s30  }
0xba: {  	s0 =	sor.u32 s3, s0;
	s1 =	sshll.u32 s1, $0x11  }
0xbb: {  	s0 =	sor.u32 s1, s0  }
0xbc: {  	s0 =	sadd.s32 $0x8F2B, s0  }
0xbd: {  	[sflag:s0] =	ssyncadd.remote.s32 $0x1  }
0xbe: {  	_ =	sfence.sel $0xFFFF  }
0xbf: {  	[dreg:$0x0] =	wrdreg $0xFFFFFFFF;
	(pc) =	sbr.abs _section_cstart, $3  }
0xc0: {  	[dreg:$0x1] =	wrdreg $0xFFFFFFFF  }
0xc1: {  	_ =	task.clear_ibuf [dreg:s7], $0x2FFFF;
	_ =	strace $0x9FFFFFFF  }
0xc2: {  	(tm) =	ssettm $0x7FFFFFFF  }
0xc3: {  	_ =	shalt  }
tec
execute0_lowered:
.L_overlay_start_1:
0x0: {  	(tag) =	ssettag $0x1  }
0x1: {  	s0 =	rddreg [dreg:$0x0]  }
0x2: {  	s15 =	rddreg [dreg:$0x1]  }
0x3: {  	s3 =	simm.s32 $0x0;
	s1 =	srdreg.scid;
	s2 =	stileid.u32  }
0x4: {  	s17 =	simm.s32 $0x7900;
	s18 =	simm.s32 $0xAA00;
	s19 =	simm.s32 $0xB200  }
0x5: {  	s20 =	simm.s32 $0xBA00;
	s21 =	simm.s32 $0xC200;
	s31 =	simm.s32 $0x1  }
0x6: {  	s28 =	simm.s32 $0x7100;
	s30 =	simm.s32 $0x6900;
	s29 =	simm.s32 $0x6100  }
0x7: {  	[smem:$0x7FF] =	sst s3;
	s1 =	sand.u32 $0x1, s1;
	s12 =	smul.u32 $0x4E20, s2  }
0x8: {  	s5 =	sshll.u32 s2, $0x1;
	s6 =	sadd.s32 $0x18FA00, s0;
	s24 =	smul.u32 $0x9C400, s2  }
0x9: {  	s4 =	sadd.s32 $0x5CA00, s0;
	s8 =	sadd.s32 $0x199800, s0;
	s25 =	smul.u32 $0x4E200, s2  }
0xa: {  	s2 =	smov.u32 s15;
	_ =	strace $0x80000050;
	s7 =	sor.u32 s1, s5  }
0xb: {  	s5 =	sadd.s32 $0x9FA00, s0;
	s23 =	smul.u32 $0x2710, s1;
	[dreg:$0x4] =	wrdreg s17  }
0xc: {  	s0 =	sadd.s32 $0x67B800, s0;
	s14 =	smul.u32 $0x4E200, s1;
	[dreg:$0x5] =	wrdreg s18  }
0xd: {  	s9 =	ssub.s32 $0x2, s1;
	s1 =	smul.u32 $0x27100, s1;
	[dreg:$0x6] =	wrdreg s19  }
0xe: {  	s17 =	simm.s32 $0x3;
	s18 =	simm.s32 $0x50;
	[dreg:$0x7] =	wrdreg s20  }
0xf: {  	s19 =	simm.s32 $0x100;
	s20 =	simm.s32 $0x2900;
	[dreg:$0x8] =	wrdreg s21  }
0x10: {  	s21 =	simm.s32 $0x6100;
	s7 =	smul.u32 $0x2710, s7;
	s10 =	sshrl.u32 s9, $0x1  }
0x11: {  	s9 =	ssub.s32 s9, s10;
	s26 =	sadd.s32 s23, s12;
	s23 =	simm.s32 $0xD200  }
0x12: {  	s11 =	sshrl.u32 s7, $0x3;
	s7 =	sadd.s32 $0x26C0, s7;
	s9 =	smax.u32 s9, $0x1  }
0x13: {  	s10 =	sadd.s32 $0xA0, s26;
	s12 =	sadd.s32 $0x50, s26;
	[dreg:$0xa] =	wrdreg s23  }
0x14: {  	s26 =	simm.s32 $0xEA00;
	s23 =	simm.s32 $0x7100;
	[dreg:$0x12] =	wrdreg s9  }
0x15: {  	s22 =	sadd.s32 s15, s11;
	s11 =	sadd.s32 s6, s11;
	[dreg:$0x13] =	wrdreg s10  }
0x16: {  	s13 =	sshll.u32 s7, $0x4;
	s7 =	sshll.u32 s7, $0x5;
	[dreg:$0xd] =	wrdreg s26  }
0x17: {  	s10 =	simm.s32 $0x3100;
	s26 =	simm.s32 $0x5100;
	[dreg:$0xe] =	wrdreg s22  }
0x18: {  	[dreg:$0xf] =	wrdreg s11;
	s13 =	sadd.s32 s8, s13;
	s7 =	sadd.s32 s0, s7  }
0x19: {  	s0 =	sadd.s32 s24, s0;
	s22 =	simm.s32 $0xCA00;
	[dreg:$0x10] =	wrdreg s13  }
0x1a: {  	s11 =	simm.s32 $0x3900;
	s24 =	simm.s32 $0xDA00;
	[dreg:$0x11] =	wrdreg s7  }
0x1b: {  	s7 =	sadd.s32 s25, s8;
	s0 =	sadd.s32 s14, s0;
	[dreg:$0x9] =	wrdreg s22  }
0x1c: {  	s14 =	sshrl.u32 s12, $0x3;
	s12 =	simm.s32 $0x4100;
	[dreg:$0xb] =	wrdreg s24  }
0x1d: {  	s25 =	simm.s32 $0xE200;
	s22 =	simm.s32 $0x6900;
	s8 =	simm.s32 $0x2  }
0x1e: {  	s24 =	simm.s32 $0x0;
	s1 =	sadd.s32 s1, s7;
	[dreg:$0x3] =	wrdreg s0  }
0x1f: {  	s16 =	sadd.s32 s14, s6;
	s0 =	sadd.s32 s14, s15;
	[dreg:$0xc] =	wrdreg s25  }
0x20: {  	s14 =	simm.s32 $0x5100;
	s15 =	simm.s32 $0x5900;
	s7 =	simm.s32 $0xA200  }
0x21: {  	v2 =	vlaneseq.u32;
	s25 =	simm.s32 $0x4900;
	s13 =	sadd.s32 $0x500, s1;
	[dreg:$0x15] =	wrdreg s16  }
0x22: {  	vm0 =	vmmov $0xffff;
	v1 =	vshrl.u32 v2, $0x3;
	[dreg:$0x16] =	wrdreg s0;
	s16 =	simm.s32 $0x80;
	s0 =	simm.s32 $0x7980  }
0x23: {  	v0 =	vand.u32 $0x7, v2;
	v2 =	vor.u32 $0x8, v2;
	v1 =	vmul.u32 $0x8, v1;
	s1 =	simm.s32 $0x7A00;
	[dreg:$0x14] =	wrdreg s13;
	s13 =	simm.s32 $0x4900  }
.LBB2_1:
0x24: {  	[dreg:$0x17] =	wrdreg s24  }
0x25: {  	s9 =	rddreg [dreg:$0xe]  }
0x26: {  	[tilespmem:s16], [sflag:$0x3] =	stream.linear.gather [hbm4b:s9+s3], $0x50, $0x38;
	[tilespmem:$0xF200] =	vst v63  }
0x27: {  	_ =	swait.ge [sflag:s17], $0x50  }
0x28: {  	[sflag:s17] =	ssyncset.done $0x0  }
0x29: {  	s24 =	rddreg [dreg:$0xf];
	[sflag:s17] =	ssyncadd.s32 $0xFFFFFFB0  }
0x2a: {  	[tilespmem:s3], [sflag:$0x3] =	stream.linear.gather [hbm4b:s24+s3], $0x50, $0x38;
	[tilespmem:$0xF200] =	vst v63  }
0x2b: {  	_ =	swait.ge [sflag:s17], $0x50  }
0x2c: {  	[sflag:s17] =	ssyncset.done $0x0  }
0x2d: {  	[sflag:s17] =	ssyncadd.s32 $0xFFFFFFB0  }
0x2e: {  	[tilespmem:s19], [sflag:$0x1] =	stream.indirect.gather [hbm4b:s4+s18], $0x80, s16, s18, $0xb8;
	[tilespmem:$0xF200] =	vst v63  }
0x2f: {  	v3 =	vld [tilespmem:$0x0];
	_ =	sdelay $0x4  }
0x30: {  	v4 =	vshll.u32 v3, $0x1  }
0x31: {  	v3 =	vand.u32 $0x7, v3;
	v4 =	vand.u32 $0xFFFFFFF0, v4  }
0x32: {  	v3 =	vor.u32 v3, v4  }
0x33: {  	v4 =	vperm.xlane v3, v0;
	_ =	sdelay $0x1  }
0x34: {  	v3 =	vperm.xlane v3, v2;
	v4 =	vadd.s32 v1, v4;
	_ =	sdelay $0x1  }
0x35: {  	v3 =	vadd.s32 v1, v3;
	_ =	sdelay $0x2  }
0x36: {  	[tilespmem:s20], [sflag:$0x1] =	stream.indirect_vreg.gather [hbm4b:s5+s3], $0x80, v4, vm0, $0xb8;
	[tilespmem:$0xF200] =	vst v63  }
0x37: {  	_ = 	snop  }
0x38: {  	[tilespmem:s10], [sflag:$0x1] =	stream.indirect_vreg.gather [hbm4b:s5+s3], $0x80, v3, vm0, $0xb8;
	[tilespmem:$0xF200] =	vst v63  }
0x39: {  	v3 =	vld [tilespmem:$0x10];
	_ =	sdelay $0x4  }
0x3a: {  	v60 =	vshll.u32 v3, $0x1  }
0x3b: {  	v3 =	vand.u32 $0x7, v3;
	v4 =	vand.u32 $0xFFFFFFF0, v60  }
0x3c: {  	v3 =	vor.u32 v3, v4  }
0x3d: {  	v4 =	vperm.xlane v3, v0;
	_ =	sdelay $0x1  }
0x3e: {  	v3 =	vperm.xlane v3, v2;
	v4 =	vadd.s32 v1, v4;
	_ =	sdelay $0x1  }
0x3f: {  	v3 =	vadd.s32 v1, v3;
	_ =	sdelay $0x2  }
0x40: {  	[tilespmem:s11], [sflag:$0x1] =	stream.indirect_vreg.gather [hbm4b:s5+s3], $0x80, v4, vm0, $0xb8;
	[tilespmem:$0xF200] =	vst v63  }
0x41: {  	_ = 	snop  }
0x42: {  	[tilespmem:s12], [sflag:$0x1] =	stream.indirect_vreg.gather [hbm4b:s5+s3], $0x80, v3, vm0, $0xb8;
	[tilespmem:$0xF200] =	vst v63  }
0x43: {  	v3 =	vld [tilespmem:$0x20];
	_ =	sdelay $0x4  }
0x44: {  	v61 =	vshll.u32 v3, $0x1  }
0x45: {  	v3 =	vand.u32 $0x7, v3;
	v4 =	vand.u32 $0xFFFFFFF0, v61  }
0x46: {  	v3 =	vor.u32 v3, v4  }
0x47: {  	v4 =	vperm.xlane v3, v0;
	_ =	sdelay $0x1  }
0x48: {  	v3 =	vperm.xlane v3, v2;
	v4 =	vadd.s32 v1, v4;
	_ =	sdelay $0x1  }
0x49: {  	v3 =	vadd.s32 v1, v3;
	_ =	sdelay $0x2  }
0x4a: {  	[tilespmem:s13], [sflag:$0x1] =	stream.indirect_vreg.gather [hbm4b:s5+s3], $0x80, v4, vm0, $0xb8;
	[tilespmem:$0xF200] =	vst v63  }
0x4b: {  	_ = 	snop  }
0x4c: {  	[tilespmem:s14], [sflag:$0x1] =	stream.indirect_vreg.gather [hbm4b:s5+s3], $0x80, v3, vm0, $0xb8;
	[tilespmem:$0xF200] =	vst v63  }
0x4d: {  	v3 =	vld [tilespmem:$0x30];
	_ =	sdelay $0x4  }
0x4e: {  	v62 =	vshll.u32 v3, $0x1  }
0x4f: {  	v3 =	vand.u32 $0x7, v3;
	v4 =	vand.u32 $0xFFFFFFF0, v62  }
0x50: {  	v3 =	vor.u32 v3, v4  }
0x51: {  	v4 =	vperm.xlane v3, v0;
	_ =	sdelay $0x1  }
0x52: {  	v3 =	vperm.xlane v3, v2;
	v4 =	vadd.s32 v1, v4;
	_ =	sdelay $0x1  }
0x53: {  	v3 =	vadd.s32 v1, v3;
	_ =	sdelay $0x2  }
0x54: {  	[tilespmem:s15], [sflag:$0x1] =	stream.indirect_vreg.gather [hbm4b:s5+s3], $0x80, v4, vm0, $0xb8;
	[tilespmem:$0xF200] =	vst v63  }
0x55: {  	_ = 	snop  }
0x56: {  	[tilespmem:s21], [sflag:$0x1] =	stream.indirect_vreg.gather [hbm4b:s5+s3], $0x80, v3, vm0, $0xb8;
	[tilespmem:$0xF200] =	vst v63  }
0x57: {  	v3 =	vld [tilespmem:$0x40];
	_ =	sdelay $0x4  }
0x58: {  	v63 =	vshll.u32 v3, $0x1  }
0x59: {  	v3 =	vand.u32 $0x7, v3;
	v4 =	vand.u32 $0xFFFFFFF0, v63  }
0x5a: {  	v3 =	vor.u32 v3, v4  }
0x5b: {  	v4 =	vperm.xlane v3, v0;
	_ =	sdelay $0x1  }
0x5c: {  	v3 =	vperm.xlane v3, v2;
	v4 =	vadd.s32 v1, v4;
	_ =	sdelay $0x1  }
0x5d: {  	v3 =	vadd.s32 v1, v3  }
0x5e: {  	s12 =	rddreg [dreg:$0x13]  }
0x5f: {  	s13 =	rddreg [dreg:$0x14]  }
0x60: {  	[tilespmem:s22], [sflag:$0x1] =	stream.indirect_vreg.gather [hbm4b:s5+s3], $0x80, v4, vm0, $0xb8;
	[tilespmem:$0xF200] =	vst v63  }
0x61: {  	s24 =	simm.s32 $0x4100;
	s11 =	simm.s32 $0x0;
	s14 =	rddreg [dreg:$0x15]  }
0x62: {  	[tilespmem:s23], [sflag:$0x1] =	stream.indirect_vreg.gather [hbm4b:s5+s3], $0x80, v3, vm0, $0xb8;
	[tilespmem:$0xF200] =	vst v63  }
0x63: {  	s15 =	rddreg [dreg:$0x16];
	s22 =	simm.s32 $0x3100;
	s23 =	simm.s32 $0x3900  }
.LBB2_2:
0x64: {  	_ =	swait.ge [sflag:s31], $0x2800  }
0x65: {  	[sflag:s31] =	ssyncset.done $0x0  }
0x66: {  	[sflag:s31] =	ssyncadd.s32 $0xFFFFD800  }
0x67: {  	_ =	swait.ge [sflag:s31], $0x5000  }
0x68: {  	[sflag:s31] =	ssyncset.done $0x0  }
0x69: {  	[sflag:s31] =	ssyncadd.s32 $0xFFFFB000  }
0x6a: {  	[tilespmem:s0], [sflag:$0x3] =	stream.linear.gather [hbm4b:s15+s3], $0x50, $0x38;
	[tilespmem:$0xF200] =	vst v63  }
0x6b: {  	_ =	swait.ge [sflag:s17], $0x50  }
0x6c: {  	[sflag:s17] =	ssyncset.done $0x0  }
0x6d: {  	s10 =	rddreg [dreg:$0x4];
	[sflag:s17] =	ssyncadd.s32 $0xFFFFFFB0  }
0x6e: {  	[tilespmem:s10], [sflag:$0x3] =	stream.linear.gather [hbm4b:s14+s3], $0x50, $0x38;
	[tilespmem:$0xF200] =	vst v63  }
0x6f: {  	_ =	swait.ge [sflag:s17], $0x50  }
0x70: {  	[sflag:s17] =	ssyncset.done $0x0  }
0x71: {  	[sflag:s17] =	ssyncadd.s32 $0xFFFFFFB0  }
0x72: {  	[tilespmem:s1], [sflag:$0x2] =	stream.indirect.gather [hbm4b:s4+s18], $0x80, s0, s18, $0xb8;
	[tilespmem:$0xF200] =	vst v63  }
0x73: {  	v3 =	vld [tilespmem:$0x7900];
	_ =	sdelay $0x4  }
0x74: {  	v4 =	vshll.u32 v3, $0x1  }
0x75: {  	v3 =	vand.u32 $0x7, v3;
	v4 =	vand.u32 $0xFFFFFFF0, v4  }
0x76: {  	v3 =	vor.u32 v3, v4  }
0x77: {  	v4 =	vperm.xlane v3, v0;
	_ =	sdelay $0x1  }
0x78: {  	v3 =	vperm.xlane v3, v2;
	v4 =	vadd.s32 v1, v4;
	_ =	sdelay $0x1  }
0x79: {  	v3 =	vadd.s32 v1, v3;
	_ =	sdelay $0x2  }
0x7a: {  	[tilespmem:s7], [sflag:$0x2] =	stream.indirect_vreg.gather [hbm4b:s5+s3], $0x80, v4, vm0, $0xb8;
	[tilespmem:$0xF200] =	vst v63  }
0x7b: {  	s9 =	rddreg [dreg:$0x5]  }
0x7c: {  	[tilespmem:s9], [sflag:$0x2] =	stream.indirect_vreg.gather [hbm4b:s5+s3], $0x80, v3, vm0, $0xb8;
	[tilespmem:$0xF200] =	vst v63  }
0x7d: {  	v3 =	vld [tilespmem:$0x7910];
	_ =	sdelay $0x4  }
0x7e: {  	v55 =	vshll.u32 v3, $0x1  }
0x7f: {  	v3 =	vand.u32 $0x7, v3;
	v4 =	vand.u32 $0xFFFFFFF0, v55  }
0x80: {  	v3 =	vor.u32 v3, v4  }
0x81: {  	v4 =	vperm.xlane v3, v0;
	_ =	sdelay $0x1  }
0x82: {  	v3 =	vperm.xlane v3, v2;
	v4 =	vadd.s32 v1, v4;
	_ =	sdelay $0x1  }
0x83: {  	v3 =	vadd.s32 v1, v3;
	_ =	sdelay $0x1  }
0x84: {  	s21 =	rddreg [dreg:$0x6]  }
0x85: {  	[tilespmem:s21], [sflag:$0x2] =	stream.indirect_vreg.gather [hbm4b:s5+s3], $0x80, v4, vm0, $0xb8;
	[tilespmem:$0xF200] =	vst v63  }
0x86: {  	s9 =	rddreg [dreg:$0x7]  }
0x87: {  	[tilespmem:s9], [sflag:$0x2] =	stream.indirect_vreg.gather [hbm4b:s5+s3], $0x80, v3, vm0, $0xb8;
	[tilespmem:$0xF200] =	vst v63  }
0x88: {  	v3 =	vld [tilespmem:$0x7920];
	_ =	sdelay $0x4  }
0x89: {  	v56 =	vshll.u32 v3, $0x1  }
0x8a: {  	v3 =	vand.u32 $0x7, v3;
	v4 =	vand.u32 $0xFFFFFFF0, v56  }
0x8b: {  	v3 =	vor.u32 v3, v4  }
0x8c: {  	v4 =	vperm.xlane v3, v0;
	_ =	sdelay $0x1  }
0x8d: {  	v3 =	vperm.xlane v3, v2;
	v4 =	vadd.s32 v1, v4;
	_ =	sdelay $0x1  }
0x8e: {  	v3 =	vadd.s32 v1, v3;
	_ =	sdelay $0x1  }
0x8f: {  	s10 =	rddreg [dreg:$0x8]  }
0x90: {  	[tilespmem:s10], [sflag:$0x2] =	stream.indirect_vreg.gather [hbm4b:s5+s3], $0x80, v4, vm0, $0xb8;
	[tilespmem:$0xF200] =	vst v63  }
0x91: {  	s21 =	rddreg [dreg:$0x9]  }
0x92: {  	[tilespmem:s21], [sflag:$0x2] =	stream.indirect_vreg.gather [hbm4b:s5+s3], $0x80, v3, vm0, $0xb8;
	[tilespmem:$0xF200] =	vst v63  }
0x93: {  	v3 =	vld [tilespmem:$0x7930];
	_ =	sdelay $0x4  }
0x94: {  	v57 =	vshll.u32 v3, $0x1  }
0x95: {  	v3 =	vand.u32 $0x7, v3;
	v4 =	vand.u32 $0xFFFFFFF0, v57  }
0x96: {  	v3 =	vor.u32 v3, v4  }
0x97: {  	v4 =	vperm.xlane v3, v0;
	_ =	sdelay $0x1  }
0x98: {  	v3 =	vperm.xlane v3, v2;
	v4 =	vadd.s32 v1, v4;
	_ =	sdelay $0x1  }
0x99: {  	v3 =	vadd.s32 v1, v3;
	_ =	sdelay $0x1  }
0x9a: {  	s10 =	rddreg [dreg:$0xa]  }
0x9b: {  	[tilespmem:s10], [sflag:$0x2] =	stream.indirect_vreg.gather [hbm4b:s5+s3], $0x80, v4, vm0, $0xb8;
	[tilespmem:$0xF200] =	vst v63  }
0x9c: {  	s21 =	rddreg [dreg:$0xb]  }
0x9d: {  	[tilespmem:s21], [sflag:$0x2] =	stream.indirect_vreg.gather [hbm4b:s5+s3], $0x80, v3, vm0, $0xb8;
	[tilespmem:$0xF200] =	vst v63  }
0x9e: {  	v3 =	vld [tilespmem:$0x7940];
	_ =	sdelay $0x4  }
0x9f: {  	v58 =	vshll.u32 v3, $0x1  }
0xa0: {  	v3 =	vand.u32 $0x7, v3;
	v4 =	vand.u32 $0xFFFFFFF0, v58  }
0xa1: {  	v3 =	vor.u32 v3, v4  }
0xa2: {  	v4 =	vperm.xlane v3, v0;
	_ =	sdelay $0x1  }
0xa3: {  	v3 =	vperm.xlane v3, v2;
	v4 =	vadd.s32 v1, v4;
	_ =	sdelay $0x1  }
0xa4: {  	v3 =	vadd.s32 v1, v3;
	_ =	sdelay $0x1  }
0xa5: {  	s10 =	rddreg [dreg:$0xc]  }
0xa6: {  	[tilespmem:s10], [sflag:$0x2] =	stream.indirect_vreg.gather [hbm4b:s5+s3], $0x80, v4, vm0, $0xb8;
	[tilespmem:$0xF200] =	vst v63  }
0xa7: {  	s21 =	rddreg [dreg:$0xd]  }
0xa8: {  	[tilespmem:s21], [sflag:$0x2] =	stream.indirect_vreg.gather [hbm4b:s5+s3], $0x80, v3, vm0, $0xb8;
	[tilespmem:$0xF200] =	vst v63  }
0xa9: {  	s10 =	sadd.s32 $0xFFFFFB00, s13  }
0xaa: {  	[hbm4b:s10+s3] =	stream.linear.scatter [tilespmem:s19], [sflag:$0x3], $0x2800, $0x38;
	[tilespmem:$0xF200] =	vst v63  }
0xab: {  	_ =	swait.ge [sflag:s17], $0x2800  }
0xac: {  	s21 =	rddreg [dreg:$0x3];
	[sflag:s17] =	ssyncset.done $0x0  }
0xad: {  	[sflag:s17] =	ssyncadd.s32 $0xFFFFD800;
	s10 =	sadd.s32 s11, s21  }
0xae: {  	[hbm4b:s10+s3] =	stream.linear.scatter [tilespmem:s20], [sflag:$0x3], $0x5000, $0x38;
	[tilespmem:$0xF200] =	vst v63  }
0xaf: {  	_ =	swait.ge [sflag:s17], $0x5000  }
0xb0: {  	[sflag:s17] =	ssyncset.done $0x0  }
0xb1: {  	[sflag:s17] =	ssyncadd.s32 $0xFFFFB000  }
0xb2: {  	_ =	swait.ge [sflag:s8], $0x2800  }
0xb3: {  	[sflag:s8] =	ssyncset.done $0x0  }
0xb4: {  	[sflag:s8] =	ssyncadd.s32 $0xFFFFD800  }
0xb5: {  	_ =	swait.ge [sflag:s8], $0x5000  }
0xb6: {  	s9 =	sshrl.u32 s12, $0x3;
	[sflag:s8] =	ssyncset.done $0x0  }
0xb7: {  	s21 =	smov.u32 s2;
	s2 =	sadd.s32 s2, s9;
	[sflag:s8] =	ssyncadd.s32 $0xFFFFB000  }
0xb8: {  	[tilespmem:s16], [sflag:$0x3] =	stream.linear.gather [hbm4b:s2+s3], $0x50, $0x38;
	[tilespmem:$0xF200] =	vst v63  }
0xb9: {  	_ =	swait.ge [sflag:s17], $0x50  }
0xba: {  	[sflag:s17] =	ssyncset.done $0x0  }
0xbb: {  	s9 =	sadd.s32 s6, s9;
	[sflag:s17] =	ssyncadd.s32 $0xFFFFFFB0  }
0xbc: {  	[tilespmem:s3], [sflag:$0x3] =	stream.linear.gather [hbm4b:s9+s3], $0x50, $0x38;
	[tilespmem:$0xF200] =	vst v63  }
0xbd: {  	_ =	swait.ge [sflag:s17], $0x50  }
0xbe: {  	[sflag:s17] =	ssyncset.done $0x0  }
0xbf: {  	[sflag:s17] =	ssyncadd.s32 $0xFFFFFFB0  }
0xc0: {  	[tilespmem:s19], [sflag:$0x1] =	stream.indirect.gather [hbm4b:s4+s18], $0x80, s16, s18, $0xb8;
	[tilespmem:$0xF200] =	vst v63  }
0xc1: {  	v3 =	vld [tilespmem:$0x0];
	_ =	sdelay $0x4  }
0xc2: {  	v59 =	vshll.u32 v3, $0x1  }
0xc3: {  	v3 =	vand.u32 $0x7, v3;
	v4 =	vand.u32 $0xFFFFFFF0, v59  }
0xc4: {  	v3 =	vor.u32 v3, v4  }
0xc5: {  	v4 =	vperm.xlane v3, v0;
	_ =	sdelay $0x1  }
0xc6: {  	v3 =	vperm.xlane v3, v2;
	v4 =	vadd.s32 v1, v4;
	_ =	sdelay $0x1  }
0xc7: {  	v3 =	vadd.s32 v1, v3;
	_ =	sdelay $0x2  }
0xc8: {  	[tilespmem:s20], [sflag:$0x1] =	stream.indirect_vreg.gather [hbm4b:s5+s3], $0x80, v4, vm0, $0xb8;
	[tilespmem:$0xF200] =	vst v63  }
0xc9: {  	_ = 	snop  }
0xca: {  	[tilespmem:s22], [sflag:$0x1] =	stream.indirect_vreg.gather [hbm4b:s5+s3], $0x80, v3, vm0, $0xb8;
	[tilespmem:$0xF200] =	vst v63  }
0xcb: {  	v3 =	vld [tilespmem:$0x10];
	_ =	sdelay $0x4  }
0xcc: {  	v60 =	vshll.u32 v3, $0x1  }
0xcd: {  	v3 =	vand.u32 $0x7, v3;
	v4 =	vand.u32 $0xFFFFFFF0, v60  }
0xce: {  	v3 =	vor.u32 v3, v4  }
0xcf: {  	v4 =	vperm.xlane v3, v0;
	_ =	sdelay $0x1  }
0xd0: {  	v3 =	vperm.xlane v3, v2;
	v4 =	vadd.s32 v1, v4;
	_ =	sdelay $0x1  }
0xd1: {  	v3 =	vadd.s32 v1, v3;
	_ =	sdelay $0x2  }
0xd2: {  	[tilespmem:s23], [sflag:$0x1] =	stream.indirect_vreg.gather [hbm4b:s5+s3], $0x80, v4, vm0, $0xb8;
	[tilespmem:$0xF200] =	vst v63  }
0xd3: {  	_ = 	snop  }
0xd4: {  	[tilespmem:s24], [sflag:$0x1] =	stream.indirect_vreg.gather [hbm4b:s5+s3], $0x80, v3, vm0, $0xb8;
	[tilespmem:$0xF200] =	vst v63  }
0xd5: {  	v3 =	vld [tilespmem:$0x20];
	_ =	sdelay $0x4  }
0xd6: {  	v61 =	vshll.u32 v3, $0x1  }
0xd7: {  	v3 =	vand.u32 $0x7, v3;
	v4 =	vand.u32 $0xFFFFFFF0, v61  }
0xd8: {  	v3 =	vor.u32 v3, v4  }
0xd9: {  	v4 =	vperm.xlane v3, v0;
	_ =	sdelay $0x1  }
0xda: {  	v3 =	vperm.xlane v3, v2;
	v4 =	vadd.s32 v1, v4;
	_ =	sdelay $0x1  }
0xdb: {  	v3 =	vadd.s32 v1, v3;
	_ =	sdelay $0x2  }
0xdc: {  	[tilespmem:s25], [sflag:$0x1] =	stream.indirect_vreg.gather [hbm4b:s5+s3], $0x80, v4, vm0, $0xb8;
	[tilespmem:$0xF200] =	vst v63  }
0xdd: {  	_ = 	snop  }
0xde: {  	[tilespmem:s26], [sflag:$0x1] =	stream.indirect_vreg.gather [hbm4b:s5+s3], $0x80, v3, vm0, $0xb8;
	[tilespmem:$0xF200] =	vst v63  }
0xdf: {  	v3 =	vld [tilespmem:$0x30];
	_ =	sdelay $0x4  }
0xe0: {  	v62 =	vshll.u32 v3, $0x1  }
0xe1: {  	v3 =	vand.u32 $0x7, v3;
	v4 =	vand.u32 $0xFFFFFFF0, v62  }
0xe2: {  	v3 =	vor.u32 v3, v4  }
0xe3: {  	v4 =	vperm.xlane v3, v0;
	_ =	sdelay $0x1  }
0xe4: {  	v3 =	vperm.xlane v3, v2;
	v4 =	vadd.s32 v1, v4;
	_ =	sdelay $0x1  }
0xe5: {  	v3 =	vadd.s32 v1, v3;
	_ =	sdelay $0x1  }
0xe6: {  	s9 =	simm.s32 $0x5900  }
0xe7: {  	[tilespmem:s9], [sflag:$0x1] =	stream.indirect_vreg.gather [hbm4b:s5+s3], $0x80, v4, vm0, $0xb8;
	[tilespmem:$0xF200] =	vst v63  }
0xe8: {  	_ = 	snop  }
0xe9: {  	[tilespmem:s29], [sflag:$0x1] =	stream.indirect_vreg.gather [hbm4b:s5+s3], $0x80, v3, vm0, $0xb8;
	[tilespmem:$0xF200] =	vst v63  }
0xea: {  	v3 =	vld [tilespmem:$0x40];
	_ =	sdelay $0x4  }
0xeb: {  	v63 =	vshll.u32 v3, $0x1  }
0xec: {  	v3 =	vand.u32 $0x7, v3;
	v4 =	vand.u32 $0xFFFFFFF0, v63  }
0xed: {  	v3 =	vor.u32 v3, v4  }
0xee: {  	v4 =	vperm.xlane v3, v0;
	_ =	sdelay $0x1  }
0xef: {  	v3 =	vperm.xlane v3, v2;
	v4 =	vadd.s32 v1, v4;
	_ =	sdelay $0x1  }
0xf0: {  	v3 =	vadd.s32 v1, v3;
	_ =	sdelay $0x2  }
0xf1: {  	[tilespmem:s30], [sflag:$0x1] =	stream.indirect_vreg.gather [hbm4b:s5+s3], $0x80, v4, vm0, $0xb8;
	[tilespmem:$0xF200] =	vst v63  }
0xf2: {  	_ = 	snop  }
0xf3: {  	[tilespmem:s28], [sflag:$0x1] =	stream.indirect_vreg.gather [hbm4b:s5+s3], $0x80, v3, vm0, $0xb8;
	[tilespmem:$0xF200] =	vst v63  }
0xf4: {  	_ = 	snop  }
0xf5: {  	[hbm4b:s13+s3] =	stream.linear.scatter [tilespmem:s1], [sflag:$0x3], $0x2800, $0x38;
	[tilespmem:$0xF200] =	vst v63  }
0xf6: {  	_ =	swait.ge [sflag:s17], $0x2800  }
0xf7: {  	p0 =	sne.s32 s11, $0x4C400;
	[sflag:s17] =	ssyncset.done $0x0  }
.Ltmp0:
0xf8: {  	s10 =	sadd.s32 $0xA00, s10;
	[sflag:s17] =	ssyncadd.s32 $0xFFFFD800;
	(pc) =	sbr.rel @p0 .LBB2_2-.Ltmp0, $4  }
0xf9: {  	[hbm4b:s10+s3] =	stream.linear.scatter [tilespmem:s7], [sflag:$0x3], $0x5000, $0x38;
	[tilespmem:$0xF200] =	vst v63  }
0xfa: {  	s15 =	sadd.s32 $0x14, s15;
	s14 =	sadd.s32 $0x14, s14;
	_ =	swait.ge [sflag:s17], $0x5000  }
0xfb: {  	s12 =	sadd.s32 $0xA0, s12;
	s11 =	sadd.s32 $0x1400, s11;
	[sflag:s17] =	ssyncset.done $0x0  }
0xfc: {  	s2 =	smov.u32 s21;
	s13 =	sadd.s32 $0xA00, s13;
	[sflag:s17] =	ssyncadd.s32 $0xFFFFB000  }
0xfd: {  	_ =	swait.ge [sflag:s31], $0x2800  }
0xfe: {  	[sflag:s31] =	ssyncset.done $0x0  }
0xff: {  	[sflag:s31] =	ssyncadd.s32 $0xFFFFD800  }
0x100: {  	_ =	swait.ge [sflag:s31], $0x5000  }
0x101: {  	[sflag:s31] =	ssyncset.done $0x0  }
0x102: {  	s9 =	rddreg [dreg:$0x10];
	[sflag:s31] =	ssyncadd.s32 $0xFFFFB000  }
0x103: {  	[hbm4b:s9+s3] =	stream.linear.scatter [tilespmem:s19], [sflag:$0x3], $0x2800, $0x38;
	[tilespmem:$0xF200] =	vst v63  }
0x104: {  	_ =	swait.ge [sflag:s17], $0x2800  }
0x105: {  	[sflag:s17] =	ssyncset.done $0x0  }
0x106: {  	s22 =	rddreg [dreg:$0x11];
	[sflag:s17] =	ssyncadd.s32 $0xFFFFD800  }
0x107: {  	[hbm4b:s22+s3] =	stream.linear.scatter [tilespmem:s20], [sflag:$0x3], $0x5000, $0x38;
	[tilespmem:$0xF200] =	vst v63  }
0x108: {  	_ =	swait.ge [sflag:s17], $0x5000  }
0x109: {  	s24 =	rddreg [dreg:$0x17]  }
0x10a: {  	s23 =	rddreg [dreg:$0x12];
	s24 =	sadd.s32 $0x1, s24  }
0x10b: {  	p0 =	sne.s32 s24, s23  }
.Ltmp1:
0x10c: {  	_ = 	snop;
	(pc) =	sbr.rel @p0 .LBB2_1-.Ltmp1, $4  }
0x10d: {  	s10 =	simm.s32 $0x3100;
	s11 =	simm.s32 $0x3900  }
0x10e: {  	s12 =	simm.s32 $0x4100;
	s13 =	simm.s32 $0x4900;
	s14 =	simm.s32 $0x5100  }
0x10f: {  	s15 =	simm.s32 $0x5900;
	s21 =	simm.s32 $0x6100;
	[sflag:s17] =	ssyncset.done $0x0  }
0x110: {  	s22 =	simm.s32 $0x6900;
	[sflag:s17] =	ssyncadd.s32 $0xFFFFB000;
	s23 =	simm.s32 $0x7100  }
0x111: {  	_ =	sfence.sel $0x180000  }
0x112: {  	[bflag:$0x0] =	sbarrier.arrive $0xFFFF  }
0x113: {  	_ =	strace $0x90000050  }
0x114: {  	s0 =	stileid.u32;
	[bflag:$0x2] =	sbarrier.arrive $0xFFFF  }
0x115: {  	p0 =	sne.s32 s0, $0x0;
	s0 =	rddreg [dreg:$0x2]  }
0x116: {  	s0 =	sadd.s32 @!p0 $0x100000, s0  }
0x117: {  	[sflag:s0] =	ssyncadd.tile.s32 @!p0 $0x1;
	_ =	shalt  }
.Lfunc_end2:
_tile_overlayer_lowered:
.L_overlay_start_2:
0x118: {  	(tag) =	ssettag $0x2  }
0x119: {  	s0 =	rddreg [dreg:$0x0];
	s2 =	stileid.u32  }
0x11a: {  	s1 =	rddreg [dreg:$0x1];
	p0 =	sne.s32 s2, $0x0  }
0x11b: {  	s3 =	rddreg [dreg:$0x2];
	[bflag:$0x3] =	sbarrier.arrive $0xFFFF;
	s2 =	simm.s32 @!p0 $0x1C03  }
0x11c: {  	[timem:s3], [sflag:s2] =	dma.local @!p0 [hbm:s0], s1  }
0x11d: {  	s0 =	simm.s32 @!p0 $0x3  }
0x11e: {  	_ =	swait.ge @!p0 [sflag:s0], s1  }
0x11f: {  	s1 =	ssub.s32 @!p0 $0x0, s1;
	[sflag:s0] =	ssyncset.done @!p0 $0x0  }
0x120: {  	[sflag:s0] =	ssyncadd.s32 @!p0 s1  }
0x121: {  	[bflag:$0x3] =	sbarrier.arrive $0xFFFF  }
0x122: {  	_ =	shalt  }

// kernel: kernel.27.cloned.1.call-start
scs
__scs_entry_jumppad:
0x0: {  	(pc) =	sbr.rel $0x88, $3  }
0x1: {  	(tag) =	ssettag $0x0;
	lr =	simm.s32 $0x1  }
0x2: {  	[smem:$0x3F74] =	sst lr;
	_ =	strace $0xD0000000  }
0x3: {  	_ = 	snop  }
0x4: {  	_ = 	snop  }
0x5: {  	_ = 	snop  }
0x6: {  	_ = 	snop  }
0x7: {  	_ = 	snop  }
__scs_overlays_trampoline_lowered:
0x8: {  	[smem:$0x3F83] =	sst s0  }
0x9: {  	[smem:$0x3F84] =	sst s1  }
0xa: {  	[smem:$0x3F85] =	sst s2  }
0xb: {  	[smem:$0x3F86] =	sst s3  }
0xc: {  	[smem:$0x3F87] =	sst s4  }
0xd: {  	[smem:$0x3F88] =	sst s5  }
0xe: {  	[smem:$0x3F89] =	sst s6  }
0xf: {  	[smem:$0x3F8A] =	sst s7  }
0x10: {  	[smem:$0x3F8B] =	sst s8  }
0x11: {  	[smem:$0x3F8C] =	sst s9;
	s0 =	simm.s32 @!p0 $0x0  }
0x12: {  	s1 =	sld [smem:$0x3F72];
	s0 =	simm.s32 @p0 $0x1  }
0x13: {  	[smem:$0x3F8D] =	sst s0;
	s0 =	simm.s32 @!p1 $0x0  }
0x14: {  	s2 =	sld [smem:$0x3F71];
	s0 =	simm.s32 @p1 $0x1  }
0x15: {  	[smem:$0x3F8E] =	sst s0;
	s0 =	simm.s32 @!p2 $0x0  }
0x16: {  	s3 =	sld [smem:$0x3FDB];
	s0 =	simm.s32 @p2 $0x1  }
0x17: {  	s4 =	simm.s32 $0x1BF5;
	[smem:$0x3F90] =	sst s0  }
0x18: {  	s0 =	sld [smem:$0x3F73];
	_ =	swait.ge [sflag:s4], $0x0  }
0x19: {  	s7 =	sld [smem:$0x3F74]  }
0x1a: {  	s8 =	sadd.s32 $0xFFFFE003, lr  }
0x1b: {  	s9 =	sadd.s32 $0xFFFFFEF7, lr;
	s5 =	simm.s32 $0xFFFFFFFF;
	p2 =	slt.u32 s8, $0xFFFFF086  }
0x1c: {  	p1 =	slt.u32 s9, $0xF7A;
	s5 =	simm.s32 @!p2 $0x0  }
0x1d: {  	s5 =	simm.s32 @p1 $0x1;
	p0 =	seq.s32 s7, s2  }
0x1e: {  	s7 =	smul.u32 @!p0 $0xF7A, s2;
	p2 =	seq.s32 @!p0 s5, $0x0  }
0x1f: {  	s9 =	smul.u32 $0xF7A, s1;
	s8 =	simm.s32 @!p0 $0x1BF5;
	p2 =	por !p2, p0  }
0x20: {  	[sflag:s8] =	ssyncset.s32 @!p0 $0xFFFFF086;
	s6 =	sadd.s32 @!p0 s3, s7;
	s7 =	simm.s32 @!p0 $0x108  }
0x21: {  	s3 =	sadd.s32 s3, s9;
	s6 =	sadd.s32 @!p0 $0x88, s6;
	s7 =	simm.s32 @p2 $0x1082  }
0x22: {  	[simem:s7], [sflag:s8] =	dma.local @!p0 [hbm:s6], $0xF7A  }
0x23: {  	s9 =	sor.u32 $0xD0000000, s2;
	s6 =	simm.s32 $0x108;
	_ =	swait.ge @!p0 [sflag:s8], $0x0  }
0x24: {  	s3 =	sadd.s32 $0x88, s3;
	s6 =	simm.s32 @!p1 $0x1082;
	[sflag:s4] =	ssyncset.s32 $0xFFFFF086  }
0x25: {  	[simem:s6], [sflag:s4] =	dma.local [hbm:s3], $0xF7A  }
0x26: {  	[smem:$0x3F74] =	sst s1;
	(tag) =	ssettag s2;
	_ =	strace s9  }
0x27: {  	s1 =	sld [smem:$0x3F84]  }
0x28: {  	s2 =	sld [smem:$0x3F85]  }
0x29: {  	s4 =	sld [smem:$0x3F87]  }
0x2a: {  	p0 =	seq.s32 s5, $0x0;
	s5 =	sld [smem:$0x3F88]  }
0x2b: {  	s6 =	sld [smem:$0x3F89]  }
0x2c: {  	s7 =	sld [smem:$0x3F8A]  }
0x2d: {  	s3 =	simm.s32 $0x108;
	s8 =	sld [smem:$0x3F8B]  }
0x2e: {  	s3 =	simm.s32 @!p0 $0x1082;
	s9 =	sld [smem:$0x3F8C]  }
0x2f: {  	lr =	sadd.s32 s0, s3;
	s0 =	sld [smem:$0x3F83]  }
0x30: {  	s3 =	sld [smem:$0x3F86]  }
0x31: {  	[smem:$0x3F8F] =	sst s10  }
0x32: {  	s10 =	sld [smem:$0x3F8D];
	_ =	sdelay $0x3  }
0x33: {  	p0 =	seq.s32 s10, $0x1;
	s10 =	sld [smem:$0x3F8F];
	_ =	sdelay $0x3  }
0x34: {  	[smem:$0x3F8F] =	sst s10  }
0x35: {  	s10 =	sld [smem:$0x3F8E];
	_ =	sdelay $0x3  }
0x36: {  	p1 =	seq.s32 s10, $0x1;
	s10 =	sld [smem:$0x3F8F];
	_ =	sdelay $0x3  }
0x37: {  	[smem:$0x3F8F] =	sst s10  }
0x38: {  	s10 =	sld [smem:$0x3F90]  }
0x39: {  	_ = 	snop;
	(pc) =	sbr.ind lr, $3  }
0x3a: {  	_ = 	snop  }
0x3b: {  	_ = 	snop  }
0x3c: {  	p2 =	seq.s32 s10, $0x1;
	s10 =	sld [smem:$0x3F8F]  }
0x3d: {  	_ =	shalt  }
0x3e: {  	_ =	shalt  }
0x3f: {  	_ =	shalt  }
0x40: {  	_ =	shalt  }
0x41: {  	_ =	shalt  }
0x42: {  	_ =	shalt  }
0x43: {  	_ =	shalt  }
0x44: {  	_ =	shalt  }
0x45: {  	_ =	shalt  }
0x46: {  	_ =	shalt  }
0x47: {  	_ =	shalt  }
0x48: {  	_ =	shalt  }
0x49: {  	_ =	shalt  }
0x4a: {  	_ =	shalt  }
0x4b: {  	_ =	shalt  }
0x4c: {  	_ =	shalt  }
0x4d: {  	_ =	shalt  }
0x4e: {  	_ =	shalt  }
0x4f: {  	_ =	shalt  }
0x50: {  	_ =	shalt  }
0x51: {  	_ =	shalt  }
0x52: {  	_ =	shalt  }
0x53: {  	_ =	shalt  }
0x54: {  	_ =	shalt  }
0x55: {  	_ =	shalt  }
0x56: {  	_ =	shalt  }
0x57: {  	_ =	shalt  }
0x58: {  	_ =	shalt  }
0x59: {  	_ =	shalt  }
0x5a: {  	_ =	shalt  }
0x5b: {  	_ =	shalt  }
0x5c: {  	_ =	shalt  }
0x5d: {  	_ =	shalt  }
0x5e: {  	_ =	shalt  }
0x5f: {  	_ =	shalt  }
0x60: {  	_ =	shalt  }
0x61: {  	_ =	shalt  }
0x62: {  	_ =	shalt  }
0x63: {  	_ =	shalt  }
0x64: {  	_ =	shalt  }
0x65: {  	_ =	shalt  }
0x66: {  	_ =	shalt  }
0x67: {  	_ =	shalt  }
0x68: {  	_ =	shalt  }
0x69: {  	_ =	shalt  }
0x6a: {  	_ =	shalt  }
0x6b: {  	_ =	shalt  }
0x6c: {  	_ =	shalt  }
0x6d: {  	_ =	shalt  }
0x6e: {  	_ =	shalt  }
0x6f: {  	_ =	shalt  }
0x70: {  	_ =	shalt  }
0x71: {  	_ =	shalt  }
0x72: {  	_ =	shalt  }
0x73: {  	_ =	shalt  }
0x74: {  	_ =	shalt  }
0x75: {  	_ =	shalt  }
0x76: {  	_ =	shalt  }
0x77: {  	_ =	shalt  }
0x78: {  	_ =	shalt  }
0x79: {  	_ =	shalt  }
0x7a: {  	_ =	shalt  }
0x7b: {  	_ =	shalt  }
0x7c: {  	_ =	shalt  }
0x7d: {  	_ =	shalt  }
0x7e: {  	_ =	shalt  }
0x7f: {  	_ =	shalt  }
0x80: {  	_ =	shalt  }
0x81: {  	_ =	shalt  }
0x82: {  	_ =	shalt  }
0x83: {  	_ =	shalt  }
0x84: {  	_ =	shalt  }
0x85: {  	_ =	shalt  }
0x86: {  	_ =	shalt  }
0x87: {  	_ =	shalt  }
.Lfunc_end0:
.L_simem_size_0:
called_computation.4_lowered:
.L_overlay_start_0:
0x88: {  	s2 =	sld [smem:$0x3FD9]  }
0x89: {  	s3 =	sld [smem:$0x3FFE];
	_ =	sdelay $0x1  }
0x8a: {  	s1 =	srdreg.scid  }
0x8b: {  	s0 =	sand.u32 $0x1, s1  }
0x8c: {  	s17 =	sshll.u32 s0, $0xA;
	s2 =	sadd.s32 s3, s2  }
0x8d: {  	s2 =	sadd.s32 s2, s17  }
0x8e: {  	[smem:$0x3F9B] =	sst s2  }
0x8f: {  	_ = 	snop  }
0x90: {  	s2 =	sld [smem:$0x3FD0];
	(tm) =	ssettm $0x1  }
0x91: {  	s18 =	sld [smem:$0x3FFB];
	_ =	sdelay $0x3  }
0x92: {  	_ =	strace s18  }
0x93: {  	s3 =	sld [smem:$0x3FFC];
	_ =	sdelay $0x3  }
0x94: {  	_ =	strace s3  }
0x95: {  	s3 =	sld [smem:$0x3FFD];
	_ =	sdelay $0x3  }
0x96: {  	_ =	strace s3  }
0x97: {  	_ =	strace $0x8FFFFFFF  }
0x98: {  	s19 =	sld [smem:$0x3FDB];
	_ =	sdelay $0x1  }
0x99: {  	s4 =	simm.s32 $_scs_section_size  }
0x9a: {  	s5 =	simm.s32 $_size__tile_overlayer_lowered;
	s6 =	simm.s32 $_tile_overlayer_lowered  }
0x9b: {  	s22 =	simm.s32 $0x1BFF;
	s21 =	sshll.u32 s6, $0x1;
	s3 =	sadd.s32 s4, s19  }
0x9c: {  	s7 =	simm.s32 $0x0;
	s20 =	sshll.u32 s5, $0x1;
	s5 =	sadd.s32 s21, s3  }
0x9d: {  	[timem:s7], [sflag:s22] =	dma.local [hbm:s5], s20  }
0x9e: {  	_ =	swait.ge [sflag:s22], s20  }
0x9f: {  	s4 =	ssub.s32 $0x0, s20;
	[sflag:s22] =	ssyncset.done $0x0  }
0xa0: {  	[sflag:s22] =	ssyncadd.s32 s4;
	_ =	sdelay $0x1  }
0xa1: {  	s23 =	simm.s32 $0x1B8B  }
0xa2: {  	_ =	swait.ge [sflag:s23], $0x1  }
0xa3: {  	[sflag:s23] =	ssyncset.done $0x0  }
0xa4: {  	s25 =	simm.s32 $0x1B8E;
	s24 =	sld [smem:$0x3FFE];
	[sflag:s23] =	ssyncadd.s32 $0xFFFFFFFF  }
0xa5: {  	s26 =	simm.s32 $execute0_lowered;
	[smem:$0x3FD2] =	sst s25  }
0xa6: {  	s5 =	sshll.u32 s26, $0x1;
	_ =	strace $0x80000052;
	[dreg:$0x1] =	wrdreg $0xFFFFFFFF  }
0xa7: {  	s28 =	simm.s32 $_size_execute0_lowered;
	s3 =	sadd.s32 s3, s5;
	[dreg:$0x0] =	wrdreg $0x0  }
0xa8: {  	s5 =	sshll.u32 s28, $0x1;
	[dreg:$0x2] =	wrdreg s3  }
0xa9: {  	[dreg:$0x3] =	wrdreg s5  }
0xaa: {  	[dreg:$0x4] =	wrdreg $0xC0  }
0xab: {  	_ =	task [dreg:s7], $0x5FFFF  }
0xac: {  	[dreg:$0x1] =	wrdreg $0xFFFFFFFF  }
0xad: {  	[dreg:$0x0] =	wrdreg $0x60  }
0xae: {  	[dreg:$0x2] =	wrdreg s24  }
0xaf: {  	[dreg:$0x3] =	wrdreg s2  }
0xb0: {  	[dreg:$0x4] =	wrdreg $0x0  }
0xb1: {  	[dreg:$0x5] =	wrdreg $0x140000  }
0xb2: {  	[dreg:$0x6] =	wrdreg $0x9  }
0xb3: {  	_ =	task.clear_ibuf [dreg:s7], $0x7FFFF;
	_ =	strace $0x90000052  }
0xb4: {  	s29 =	simm.s32 $0x9;
	_ =	strace $0x80000054  }
0xb5: {  	_ =	swait.ge [sflag:s29], $0x1  }
0xb6: {  	[sflag:s29] =	ssyncadd.s32 $0xFFFFFFFF  }
0xb7: {  	_ =	strace $0x90000054  }
0xb8: {  	_ =	sfence  }
0xb9: {  	s30 =	sld [smem:$0x0];
	_ =	sdelay $0x2  }
0xba: {  	s31 =	sshll.u32 s1, $0xD;
	s1 =	sshrl.u32 s1, $0x2  }
0xbb: {  	s3 =	sand.u32 $0x4000, s31;
	s1 =	sadd.s32 s1, s30  }
0xbc: {  	s0 =	sor.u32 s3, s0;
	s1 =	sshll.u32 s1, $0x11  }
0xbd: {  	s0 =	sor.u32 s1, s0  }
0xbe: {  	s0 =	sadd.s32 $0x8F2B, s0  }
0xbf: {  	[sflag:s0] =	ssyncadd.remote.s32 $0x1  }
0xc0: {  	_ =	sfence.sel $0xFFFF  }
0xc1: {  	[dreg:$0x0] =	wrdreg $0xFFFFFFFF;
	(pc) =	sbr.abs _section_cstart, $3  }
0xc2: {  	[dreg:$0x1] =	wrdreg $0xFFFFFFFF  }
0xc3: {  	_ =	task.clear_ibuf [dreg:s7], $0x2FFFF;
	_ =	strace $0x9FFFFFFF  }
0xc4: {  	(tm) =	ssettm $0x7FFFFFFF  }
0xc5: {  	_ =	shalt  }
tec
execute0_lowered:
.L_overlay_start_1:
0x0: {  	(tag) =	ssettag $0x1  }
0x1: {  	s0 =	rddreg [dreg:$0x0]  }
0x2: {  	s1 =	rddreg [dreg:$0x1]  }
0x3: {  	s2 =	rddreg [dreg:$0x2]  }
0x4: {  	s3 =	rddreg [dreg:$0x3];
	s4 =	simm.s32 $0x0  }
0x5: {  	s16 =	stileid.u32;
	s9 =	srdreg.scid;
	s28 =	simm.s32 $0x14300  }
0x6: {  	s29 =	simm.s32 $0x14380;
	s30 =	simm.s32 $0x16B80;
	[smem:$0x7FF] =	sst s4  }
0x7: {  	s31 =	simm.s32 $0x1;
	s5 =	sadd.s32 $0x1EE5800, s0;
	s7 =	sadd.s32 $0x23C7800, s0  }
0x8: {  	s6 =	sadd.s32 $0x85400, s0;
	s8 =	sadd.s32 $0x9D200, s0;
	s23 =	smul.u32 $0x2800, s16  }
0x9: {  	s10 =	sadd.s32 $0x8F200, s0;
	s9 =	sand.u32 $0x1, s9;
	s24 =	smul.u32 $0x50000, s16  }
0xa: {  	s13 =	sadd.s32 $0x8F400, s0;
	s14 =	smul.u32 $0x2710, s16;
	s26 =	sshll.u32 s16, $0x6  }
0xb: {  	s21 =	smul.u32 $0x27100, s16;
	_ =	strace $0x80000053;
	[dreg:$0x7] =	wrdreg s8  }
0xc: {  	p1 =	sgt.u32 s16, $0x9;
	p2 =	slt.u32 s16, $0xA;
	[dreg:$0x8] =	wrdreg s10  }
0xd: {  	s11 =	ssub.s32 $0x2, s9;
	s12 =	smul.u32 $0x27100, s9;
	[dreg:$0x9] =	wrdreg s13  }
0xe: {  	s13 =	sshll.u32 s16, $0xA;
	s20 =	smul.u32 $0x271000, s9;
	p0 =	seq.s32 s9, $0x1  }
0xf: {  	s9 =	simm.s32 $0x19480;
	s8 =	sadd.s32 s23, s0;
	s25 =	sshrl.u32 s11, $0x1  }
0x10: {  	s0 =	sadd.s32 $0x8FA00, s0;
	s10 =	sshrl.u32 s24, $0x2;
	s23 =	sshll.u32 s16, $0x7  }
0x11: {  	[dreg:$0xa] =	wrdreg s0;
	s0 =	ssub.s32 s11, s25;
	s10 =	sadd.s32 s10, s2  }
0x12: {  	s11 =	sadd.s32 s14, s12;
	s12 =	sor.u32 $0x1C03, s26;
	[dreg:$0x12] =	wrdreg s23  }
0x13: {  	s22 =	sadd.s32 $0x5CA00, s8;
	s8 =	sadd.s32 $0x9FA00, s8;
	[dreg:$0xb] =	wrdreg s10  }
0x14: {  	s14 =	sshrl.u32 s11, $0x3;
	s10 =	sadd.s32 s13, s3;
	[dreg:$0x11] =	wrdreg s22  }
0x15: {  	s17 =	sshll.u32 s11, $0x4;
	[dreg:$0x13] =	wrdreg s8;
	s25 =	sadd.s32 $0x50, s11  }
0x16: {  	s0 =	smax.u32 s0, $0x1;
	[dreg:$0xc] =	wrdreg s10;
	s15 =	sadd.s32 s1, s14  }
0x17: {  	s18 =	sadd.s32 s6, s14;
	s19 =	sadd.s32 s5, s17;
	s10 =	sadd.s32 s7, s17  }
0x18: {  	s5 =	sadd.s32 s20, s5;
	s7 =	sadd.s32 s20, s7;
	[dreg:$0x14] =	wrdreg s0  }
0x19: {  	s26 =	sshrl.u32 s25, $0x3;
	s14 =	sadd.s32 $0xA0, s11;
	[dreg:$0xd] =	wrdreg s15  }
0x1a: {  	s25 =	simm.s32 $0x3;
	s0 =	simm.s32 $0x19380;
	[dreg:$0xe] =	wrdreg s18  }
.Ltmp0:
0x1b: {  	s20 =	simm.s32 $0x0;
	[dreg:$0xf] =	wrdreg s19;
	(pc) =	sbr.rel .LBB2_1-.Ltmp0, $4  }
0x1c: {  	[dreg:$0x10] =	wrdreg s10;
	s5 =	sadd.s32 s21, s5;
	s24 =	sadd.s32 s21, s7  }
0x1d: {  	s15 =	sadd.s32 s26, s6;
	s10 =	simm.s32 $0x1BC80;
	[dreg:$0x5] =	wrdreg s5  }
0x1e: {  	s18 =	simm.s32 $0x50;
	s19 =	simm.s32 $0x2;
	[dreg:$0x6] =	wrdreg s24  }
0x1f: {  	s24 =	sadd.s32 s26, s1;
	s26 =	simm.s32 $0x14280;
	s5 =	simm.s32 $0x19400  }
.LBB2_6:
0x20: {  	s8 =	rddreg [dreg:$0x12]  }
0x21: {  	s23 =	rddreg [dreg:$0xc]  }
0x22: {  	s7 =	sadd.s32 s7, s8;
	s8 =	sshrl.u32 s23, $0x3  }
0x23: {  	[hbm:s7], [sflag:s12] =	dma.local [spmem:s8], $0x80  }
0x24: {  	_ =	swait.ge [sflag:s25], $0x80  }
0x25: {  	[sflag:s25] =	ssyncset.done $0x0  }
0x26: {  	[sflag:s25] =	ssyncadd.s32 $0xFFFFFF80  }
.LBB2_7:
0x27: {  	s20 =	sadd.s32 $0x1, s20;
	s7 =	rddreg [dreg:$0x14]  }
0x28: {  	p3 =	sne.s32 s20, s7  }
.Ltmp1:
0x29: {  	_ = 	snop;
	(pc) =	sbr.rel @!p3 .LBB2_8-.Ltmp1, $1  }
0x2a: {  	_ =	sdelay $0x3  }
.LBB2_1:
0x2b: {  	s7 =	rddreg [dreg:$0xb]  }
0x2c: {  	s8 =	rddreg [dreg:$0x7];
	s7 =	sshrl.u32 s7, $0x3  }
0x2d: {  	[spmem:s7], [sflag:s12] =	dma.local [hbm:s8], $0x2800  }
0x2e: {  	_ =	swait.ge [sflag:s25], $0x2800  }
0x2f: {  	[sflag:s25] =	ssyncset.done $0x0;
	s8 =	rddreg [dreg:$0xc]  }
0x30: {  	s11 =	rddreg [dreg:$0x8];
	[sflag:s25] =	ssyncadd.s32 $0xFFFFD800;
	s8 =	sshrl.u32 @!p1 s8, $0x3  }
0x31: {  	[spmem:s8], [sflag:s12] =	dma.local @!p1 [hbm:s11], $0x80  }
0x32: {  	s8 =	simm.s32 @!p1 $0x3  }
0x33: {  	_ =	swait.ge @!p1 [sflag:s8], $0x80  }
0x34: {  	[sflag:s8] =	ssyncset.done @!p1 $0x0  }
0x35: {  	[sflag:s8] =	ssyncadd.s32 @!p1 $0xFFFFFF80  }
0x36: {  	[bflag:$0x0] =	sbarrier.arrive $0xFFFF  }
0x37: {  	s21 =	rddreg [dreg:$0xd]  }
0x38: {  	[tilespmem:s26], [sflag:$0x3] =	stream.linear.gather [hbm4b:s21+s4], $0x50, $0x38;
	[tilespmem:$0x1E480] =	vst v63  }
0x39: {  	_ =	swait.ge [sflag:s25], $0x50  }
0x3a: {  	[sflag:s25] =	ssyncset.done $0x0  }
0x3b: {  	s22 =	rddreg [dreg:$0xe];
	[sflag:s25] =	ssyncadd.s32 $0xFFFFFFB0  }
0x3c: {  	[tilespmem:s28], [sflag:$0x3] =	stream.linear.gather [hbm4b:s22+s4], $0x50, $0x38;
	[tilespmem:$0x1E480] =	vst v63  }
0x3d: {  	_ =	swait.ge [sflag:s25], $0x50  }
0x3e: {  	[sflag:s25] =	ssyncset.done $0x0  }
0x3f: {  	s23 =	rddreg [dreg:$0xf];
	[sflag:s25] =	ssyncadd.s32 $0xFFFFFFB0  }
0x40: {  	[tilespmem:s29], [sflag:$0x1] =	stream.linear.gather [hbm4b:s23+s4], $0x2800, $0x38;
	[tilespmem:$0x1E480] =	vst v63  }
0x41: {  	s11 =	rddreg [dreg:$0x10]  }
0x42: {  	[tilespmem:s30], [sflag:$0x1] =	stream.linear.gather [hbm4b:s11+s4], $0x2800, $0x38;
	[tilespmem:$0x1E480] =	vst v63  }
0x43: {  	_ =	swait.ge [sflag:s31], $0x2800  }
0x44: {  	[sflag:s31] =	ssyncset.done $0x0  }
0x45: {  	[sflag:s31] =	ssyncadd.s32 $0xFFFFD800  }
0x46: {  	_ =	swait.ge [sflag:s31], $0x2800  }
0x47: {  	[sflag:s31] =	ssyncset.done $0x0  }
0x48: {  	[sflag:s31] =	ssyncadd.s32 $0xFFFFD800  }
0x49: {  	[tilespmem:s0], [sflag:$0x3] =	stream.linear.gather [hbm4b:s24+s4], $0x50, $0x38;
	[tilespmem:$0x1E480] =	vst v63  }
0x4a: {  	_ =	swait.ge [sflag:s25], $0x50  }
0x4b: {  	[sflag:s25] =	ssyncset.done $0x0  }
0x4c: {  	[sflag:s25] =	ssyncadd.s32 $0xFFFFFFB0  }
0x4d: {  	[tilespmem:s5], [sflag:$0x3] =	stream.linear.gather [hbm4b:s15+s4], $0x50, $0x38;
	[tilespmem:$0x1E480] =	vst v63  }
0x4e: {  	_ =	swait.ge [sflag:s25], $0x50  }
0x4f: {  	s13 =	rddreg [dreg:$0x5]  }
0x50: {  	s16 =	rddreg [dreg:$0x6];
	[sflag:s25] =	ssyncset.done $0x0;
	s8 =	sadd.s32 $0x0, s13  }
0x51: {  	[sflag:s25] =	ssyncadd.s32 $0xFFFFFFB0;
	s11 =	sadd.s32 $0x0, s16;
	s22 =	sadd.s32 $0x500, s8  }
0x52: {  	[tilespmem:s9], [sflag:$0x2] =	stream.linear.gather [hbm4b:s22+s4], $0x2800, $0x38;
	[tilespmem:$0x1E480] =	vst v63  }
0x53: {  	s17 =	sadd.s32 $0x500, s11  }
0x54: {  	[tilespmem:s10], [sflag:$0x2] =	stream.linear.gather [hbm4b:s17+s4], $0x2800, $0x38;
	[tilespmem:$0x1E480] =	vst v63  }
0x55: {  	_ = 	snop  }
0x56: {  	[spmem:s2] =	stream.indirect.scatter.add.f32 [tilespmem:s29], [sflag:$0x3], $0x80, s26, s18, $0xb8;
	[tilespmem:$0x1E480] =	vst v63  }
0x57: {  	_ =	swait.ge [sflag:s25], $0x2800  }
0x58: {  	[sflag:s25] =	ssyncset.done $0x0  }
0x59: {  	[sflag:s25] =	ssyncadd.s32 $0xFFFFD800  }
0x5a: {  	[spmem:s3] =	stream.indirect.scatter.add.f32 [tilespmem:s30], [sflag:$0x3], $0x80, s28, s18, $0xb8;
	[tilespmem:$0x1E480] =	vst v63  }
0x5b: {  	_ =	swait.ge [sflag:s25], $0x2800  }
0x5c: {  	[sflag:s25] =	ssyncset.done $0x0  }
0x5d: {  	[sflag:s25] =	ssyncadd.s32 $0xFFFFD800  }
0x5e: {  	_ =	swait.ge [sflag:s19], $0x2800  }
0x5f: {  	[sflag:s19] =	ssyncset.done $0x0  }
0x60: {  	[sflag:s19] =	ssyncadd.s32 $0xFFFFD800  }
0x61: {  	_ =	swait.ge [sflag:s19], $0x2800  }
0x62: {  	s21 =	sshrl.u32 s14, $0x3;
	[sflag:s19] =	ssyncset.done $0x0  }
0x63: {  	s23 =	sadd.s32 s1, s21;
	[sflag:s19] =	ssyncadd.s32 $0xFFFFD800  }
0x64: {  	[tilespmem:s26], [sflag:$0x3] =	stream.linear.gather [hbm4b:s23+s4], $0x50, $0x38;
	[tilespmem:$0x1E480] =	vst v63  }
0x65: {  	_ =	swait.ge [sflag:s25], $0x50  }
0x66: {  	[sflag:s25] =	ssyncset.done $0x0  }
0x67: {  	s22 =	sadd.s32 s6, s21;
	[sflag:s25] =	ssyncadd.s32 $0xFFFFFFB0  }
0x68: {  	[tilespmem:s28], [sflag:$0x3] =	stream.linear.gather [hbm4b:s22+s4], $0x50, $0x38;
	[tilespmem:$0x1E480] =	vst v63  }
0x69: {  	_ =	swait.ge [sflag:s25], $0x50  }
0x6a: {  	[sflag:s25] =	ssyncset.done $0x0  }
0x6b: {  	s8 =	sadd.s32 $0xA00, s8;
	[sflag:s25] =	ssyncadd.s32 $0xFFFFFFB0  }
0x6c: {  	[tilespmem:s29], [sflag:$0x1] =	stream.linear.gather [hbm4b:s8+s4], $0x2800, $0x38;
	[tilespmem:$0x1E480] =	vst v63  }
0x6d: {  	s23 =	sadd.s32 $0xA00, s11  }
0x6e: {  	[tilespmem:s30], [sflag:$0x1] =	stream.linear.gather [hbm4b:s23+s4], $0x2800, $0x38;
	[tilespmem:$0x1E480] =	vst v63  }
0x6f: {  	_ = 	snop  }
0x70: {  	[spmem:s2] =	stream.indirect.scatter.add.f32 [tilespmem:s9], [sflag:$0x3], $0x80, s0, s18, $0xb8;
	[tilespmem:$0x1E480] =	vst v63  }
0x71: {  	_ =	swait.ge [sflag:s25], $0x2800  }
0x72: {  	[sflag:s25] =	ssyncset.done $0x0  }
0x73: {  	s11 =	sadd.s32 $0x14, s24;
	s22 =	smov.u32 s14;
	[sflag:s25] =	ssyncadd.s32 $0xFFFFD800  }
0x74: {  	[spmem:s3] =	stream.indirect.scatter.add.f32 [tilespmem:s10], [sflag:$0x3], $0x80, s5, s18, $0xb8;
	[tilespmem:$0x1E480] =	vst v63  }
0x75: {  	s8 =	simm.s32 $0xA00;
	s23 =	smov.u32 s15;
	_ =	swait.ge [sflag:s25], $0x2800  }
.LBB2_2:
0x76: {  	[sflag:s25] =	ssyncset.done $0x0  }
0x77: {  	[sflag:s25] =	ssyncadd.s32 $0xFFFFD800  }
0x78: {  	_ =	swait.ge [sflag:s31], $0x2800  }
0x79: {  	[sflag:s31] =	ssyncset.done $0x0  }
0x7a: {  	[sflag:s31] =	ssyncadd.s32 $0xFFFFD800  }
0x7b: {  	_ =	swait.ge [sflag:s31], $0x2800  }
0x7c: {  	[sflag:s31] =	ssyncset.done $0x0  }
0x7d: {  	[sflag:s31] =	ssyncadd.s32 $0xFFFFD800  }
0x7e: {  	[tilespmem:s0], [sflag:$0x3] =	stream.linear.gather [hbm4b:s11+s4], $0x50, $0x38;
	[tilespmem:$0x1E480] =	vst v63  }
0x7f: {  	_ =	swait.ge [sflag:s25], $0x50  }
0x80: {  	[sflag:s25] =	ssyncset.done $0x0  }
0x81: {  	s23 =	sadd.s32 $0x14, s23;
	[sflag:s25] =	ssyncadd.s32 $0xFFFFFFB0  }
0x82: {  	[tilespmem:s5], [sflag:$0x3] =	stream.linear.gather [hbm4b:s23+s4], $0x50, $0x38;
	[tilespmem:$0x1E480] =	vst v63  }
0x83: {  	_ =	swait.ge [sflag:s25], $0x50  }
0x84: {  	s16 =	smov.u32 s8;
	s17 =	rddreg [dreg:$0x5]  }
0x85: {  	s21 =	rddreg [dreg:$0x6];
	[sflag:s25] =	ssyncset.done $0x0;
	s17 =	sadd.s32 s16, s17  }
0x86: {  	[sflag:s25] =	ssyncadd.s32 $0xFFFFFFB0;
	s16 =	sadd.s32 s16, s21;
	s13 =	sadd.s32 $0x500, s17  }
0x87: {  	[tilespmem:s9], [sflag:$0x2] =	stream.linear.gather [hbm4b:s13+s4], $0x2800, $0x38;
	[tilespmem:$0x1E480] =	vst v63  }
0x88: {  	s21 =	sadd.s32 $0x500, s16  }
0x89: {  	[tilespmem:s10], [sflag:$0x2] =	stream.linear.gather [hbm4b:s21+s4], $0x2800, $0x38;
	[tilespmem:$0x1E480] =	vst v63  }
0x8a: {  	_ = 	snop  }
0x8b: {  	[spmem:s2] =	stream.indirect.scatter.add.f32 [tilespmem:s29], [sflag:$0x3], $0x80, s26, s18, $0xb8;
	[tilespmem:$0x1E480] =	vst v63  }
0x8c: {  	_ =	swait.ge [sflag:s25], $0x2800  }
0x8d: {  	[sflag:s25] =	ssyncset.done $0x0  }
0x8e: {  	[sflag:s25] =	ssyncadd.s32 $0xFFFFD800  }
0x8f: {  	[spmem:s3] =	stream.indirect.scatter.add.f32 [tilespmem:s30], [sflag:$0x3], $0x80, s28, s18, $0xb8;
	[tilespmem:$0x1E480] =	vst v63  }
0x90: {  	_ =	swait.ge [sflag:s25], $0x2800  }
0x91: {  	[sflag:s25] =	ssyncset.done $0x0  }
0x92: {  	[sflag:s25] =	ssyncadd.s32 $0xFFFFD800  }
0x93: {  	_ =	swait.ge [sflag:s19], $0x2800  }
0x94: {  	[sflag:s19] =	ssyncset.done $0x0  }
0x95: {  	[sflag:s19] =	ssyncadd.s32 $0xFFFFD800  }
0x96: {  	s22 =	sadd.s32 $0xA0, s22;
	_ =	swait.ge [sflag:s19], $0x2800  }
0x97: {  	s13 =	sshrl.u32 s22, $0x3;
	[sflag:s19] =	ssyncset.done $0x0  }
0x98: {  	s21 =	sadd.s32 s1, s13;
	[sflag:s19] =	ssyncadd.s32 $0xFFFFD800  }
0x99: {  	[tilespmem:s26], [sflag:$0x3] =	stream.linear.gather [hbm4b:s21+s4], $0x50, $0x38;
	[tilespmem:$0x1E480] =	vst v63  }
0x9a: {  	_ =	swait.ge [sflag:s25], $0x50  }
0x9b: {  	[sflag:s25] =	ssyncset.done $0x0  }
0x9c: {  	s13 =	sadd.s32 s6, s13;
	[sflag:s25] =	ssyncadd.s32 $0xFFFFFFB0  }
0x9d: {  	[tilespmem:s28], [sflag:$0x3] =	stream.linear.gather [hbm4b:s13+s4], $0x50, $0x38;
	[tilespmem:$0x1E480] =	vst v63  }
0x9e: {  	_ =	swait.ge [sflag:s25], $0x50  }
0x9f: {  	[sflag:s25] =	ssyncset.done $0x0  }
0xa0: {  	s21 =	sadd.s32 $0xA00, s17;
	[sflag:s25] =	ssyncadd.s32 $0xFFFFFFB0  }
0xa1: {  	[tilespmem:s29], [sflag:$0x1] =	stream.linear.gather [hbm4b:s21+s4], $0x2800, $0x38;
	[tilespmem:$0x1E480] =	vst v63  }
0xa2: {  	s16 =	sadd.s32 $0xA00, s16  }
0xa3: {  	[tilespmem:s30], [sflag:$0x1] =	stream.linear.gather [hbm4b:s16+s4], $0x2800, $0x38;
	[tilespmem:$0x1E480] =	vst v63  }
0xa4: {  	p3 =	sne.s32 s8, $0x26200  }
0xa5: {  	[spmem:s2] =	stream.indirect.scatter.add.f32 [tilespmem:s9], [sflag:$0x3], $0x80, s0, s18, $0xb8;
	[tilespmem:$0x1E480] =	vst v63  }
.Ltmp2:
0xa6: {  	_ =	swait.ge [sflag:s25], $0x2800;
	(pc) =	sbr.rel @p3 .LBB2_2-.Ltmp2, $4  }
0xa7: {  	[sflag:s25] =	ssyncset.done $0x0  }
0xa8: {  	[sflag:s25] =	ssyncadd.s32 $0xFFFFD800  }
0xa9: {  	[spmem:s3] =	stream.indirect.scatter.add.f32 [tilespmem:s10], [sflag:$0x3], $0x80, s5, s18, $0xb8;
	[tilespmem:$0x1E480] =	vst v63  }
0xaa: {  	s8 =	sadd.s32 $0xA00, s8;
	s11 =	sadd.s32 $0x14, s11;
	_ =	swait.ge [sflag:s25], $0x2800  }
0xab: {  	[sflag:s25] =	ssyncset.done $0x0  }
0xac: {  	[sflag:s25] =	ssyncadd.s32 $0xFFFFD800  }
0xad: {  	_ =	swait.ge [sflag:s31], $0x2800  }
0xae: {  	[sflag:s31] =	ssyncset.done $0x0  }
0xaf: {  	[sflag:s31] =	ssyncadd.s32 $0xFFFFD800  }
0xb0: {  	_ =	swait.ge [sflag:s31], $0x2800  }
0xb1: {  	[sflag:s31] =	ssyncset.done $0x0  }
0xb2: {  	[sflag:s31] =	ssyncadd.s32 $0xFFFFD800  }
0xb3: {  	[spmem:s2] =	stream.indirect.scatter.add.f32 [tilespmem:s29], [sflag:$0x3], $0x80, s26, s18, $0xb8;
	[tilespmem:$0x1E480] =	vst v63  }
0xb4: {  	_ =	swait.ge [sflag:s25], $0x2800  }
0xb5: {  	[sflag:s25] =	ssyncset.done $0x0  }
0xb6: {  	[sflag:s25] =	ssyncadd.s32 $0xFFFFD800  }
0xb7: {  	[spmem:s3] =	stream.indirect.scatter.add.f32 [tilespmem:s30], [sflag:$0x3], $0x80, s28, s18, $0xb8;
	[tilespmem:$0x1E480] =	vst v63  }
.Ltmp3:
0xb8: {  	_ =	swait.ge [sflag:s25], $0x2800;
	(pc) =	sbr.rel @!p0 .LBB2_4-.Ltmp3, $3  }
0xb9: {  	[sflag:s25] =	ssyncset.done $0x0  }
0xba: {  	[sflag:s25] =	ssyncadd.s32 $0xFFFFD800  }
0xbb: {  	[bflag:$0x0] =	sbarrier.arrive $0xFFFF;
	_ =	sdelay $0x1  }
0xbc: {  	s8 =	rddreg [dreg:$0x13]  }
0xbd: {  	[hbm:s8], [sflag:s12] =	dma.local [spmem:s7], $0x2800  }
.Ltmp4:
0xbe: {  	_ = 	snop;
	(pc) =	sbr.rel @p1 .LBB2_7-.Ltmp4, $4  }
.Ltmp5:
0xbf: {  	_ = 	snop;
	(pc) =	sbr.rel @!p1 .LBB2_6-.Ltmp5, $4  }
0xc0: {  	_ =	swait.ge [sflag:s25], $0x2800  }
0xc1: {  	[sflag:s25] =	ssyncset.done $0x0  }
0xc2: {  	s7 =	rddreg [dreg:$0xa];
	[sflag:s25] =	ssyncadd.s32 $0xFFFFD800  }
0xc3: {  	_ = 	snop  }
.LBB2_4:
0xc4: {  	s8 =	rddreg [dreg:$0x11]  }
0xc5: {  	[hbm:s8], [sflag:s12] =	dma.local [spmem:s7], $0x2800  }
.Ltmp6:
0xc6: {  	_ = 	snop;
	(pc) =	sbr.rel @p2 .LBB2_6-.Ltmp6, $4  }
.Ltmp7:
0xc7: {  	_ = 	snop;
	(pc) =	sbr.rel @!p2 .LBB2_7-.Ltmp7, $4  }
0xc8: {  	_ =	swait.ge [sflag:s25], $0x2800  }
0xc9: {  	[sflag:s25] =	ssyncset.done $0x0  }
0xca: {  	s7 =	rddreg [dreg:$0x9];
	[sflag:s25] =	ssyncadd.s32 $0xFFFFD800  }
0xcb: {  	_ = 	snop  }
.LBB2_8:
0xcc: {  	_ =	sfence.sel $0x180000  }
0xcd: {  	[bflag:$0x0] =	sbarrier.arrive $0xFFFF  }
0xce: {  	_ =	strace $0x90000053  }
0xcf: {  	s0 =	stileid.u32;
	[bflag:$0x2] =	sbarrier.arrive $0xFFFF  }
0xd0: {  	p0 =	sne.s32 s0, $0x0;
	s0 =	rddreg [dreg:$0x4]  }
0xd1: {  	s0 =	sadd.s32 @!p0 $0x100000, s0  }
0xd2: {  	[sflag:s0] =	ssyncadd.tile.s32 @!p0 $0x1;
	_ =	shalt  }
.Lfunc_end2:
_tile_overlayer_lowered:
.L_overlay_start_2:
0xd3: {  	(tag) =	ssettag $0x2  }
0xd4: {  	s0 =	rddreg [dreg:$0x0];
	s2 =	stileid.u32  }
0xd5: {  	s1 =	rddreg [dreg:$0x1];
	p0 =	sne.s32 s2, $0x0  }
0xd6: {  	s3 =	rddreg [dreg:$0x2];
	[bflag:$0x3] =	sbarrier.arrive $0xFFFF;
	s2 =	simm.s32 @!p0 $0x1C03  }
0xd7: {  	[timem:s3], [sflag:s2] =	dma.local @!p0 [hbm:s0], s1  }
0xd8: {  	s0 =	simm.s32 @!p0 $0x3  }
0xd9: {  	_ =	swait.ge @!p0 [sflag:s0], s1  }
0xda: {  	s1 =	ssub.s32 @!p0 $0x0, s1;
	[sflag:s0] =	ssyncset.done @!p0 $0x0  }
0xdb: {  	[sflag:s0] =	ssyncadd.s32 @!p0 s1  }
0xdc: {  	[bflag:$0x3] =	sbarrier.arrive $0xFFFF  }
0xdd: {  	_ =	shalt  }

// kernel: kernel.30.cloned.1.call-start
scs
__scs_entry_jumppad:
0x0: {  	(pc) =	sbr.rel $0x88, $3  }
0x1: {  	(tag) =	ssettag $0x0;
	lr =	simm.s32 $0x1  }
0x2: {  	[smem:$0x3F74] =	sst lr;
	_ =	strace $0xD0000000  }
0x3: {  	_ = 	snop  }
0x4: {  	_ = 	snop  }
0x5: {  	_ = 	snop  }
0x6: {  	_ = 	snop  }
0x7: {  	_ = 	snop  }
__scs_overlays_trampoline_lowered:
0x8: {  	[smem:$0x3F83] =	sst s0  }
0x9: {  	[smem:$0x3F84] =	sst s1  }
0xa: {  	[smem:$0x3F85] =	sst s2  }
0xb: {  	[smem:$0x3F86] =	sst s3  }
0xc: {  	[smem:$0x3F87] =	sst s4  }
0xd: {  	[smem:$0x3F88] =	sst s5  }
0xe: {  	[smem:$0x3F89] =	sst s6  }
0xf: {  	[smem:$0x3F8A] =	sst s7  }
0x10: {  	[smem:$0x3F8B] =	sst s8  }
0x11: {  	[smem:$0x3F8C] =	sst s9;
	s0 =	simm.s32 @!p0 $0x0  }
0x12: {  	s1 =	sld [smem:$0x3F72];
	s0 =	simm.s32 @p0 $0x1  }
0x13: {  	[smem:$0x3F8D] =	sst s0;
	s0 =	simm.s32 @!p1 $0x0  }
0x14: {  	s2 =	sld [smem:$0x3F71];
	s0 =	simm.s32 @p1 $0x1  }
0x15: {  	[smem:$0x3F8E] =	sst s0;
	s0 =	simm.s32 @!p2 $0x0  }
0x16: {  	s3 =	sld [smem:$0x3FDB];
	s0 =	simm.s32 @p2 $0x1  }
0x17: {  	s4 =	simm.s32 $0x1BF5;
	[smem:$0x3F90] =	sst s0  }
0x18: {  	s0 =	sld [smem:$0x3F73];
	_ =	swait.ge [sflag:s4], $0x0  }
0x19: {  	s7 =	sld [smem:$0x3F74]  }
0x1a: {  	s8 =	sadd.s32 $0xFFFFE003, lr  }
0x1b: {  	s9 =	sadd.s32 $0xFFFFFEF7, lr;
	s5 =	simm.s32 $0xFFFFFFFF;
	p2 =	slt.u32 s8, $0xFFFFF086  }
0x1c: {  	p1 =	slt.u32 s9, $0xF7A;
	s5 =	simm.s32 @!p2 $0x0  }
0x1d: {  	s5 =	simm.s32 @p1 $0x1;
	p0 =	seq.s32 s7, s2  }
0x1e: {  	s7 =	smul.u32 @!p0 $0xF7A, s2;
	p2 =	seq.s32 @!p0 s5, $0x0  }
0x1f: {  	s9 =	smul.u32 $0xF7A, s1;
	s8 =	simm.s32 @!p0 $0x1BF5;
	p2 =	por !p2, p0  }
0x20: {  	[sflag:s8] =	ssyncset.s32 @!p0 $0xFFFFF086;
	s6 =	sadd.s32 @!p0 s3, s7;
	s7 =	simm.s32 @!p0 $0x108  }
0x21: {  	s3 =	sadd.s32 s3, s9;
	s6 =	sadd.s32 @!p0 $0x88, s6;
	s7 =	simm.s32 @p2 $0x1082  }
0x22: {  	[simem:s7], [sflag:s8] =	dma.local @!p0 [hbm:s6], $0xF7A  }
0x23: {  	s9 =	sor.u32 $0xD0000000, s2;
	s6 =	simm.s32 $0x108;
	_ =	swait.ge @!p0 [sflag:s8], $0x0  }
0x24: {  	s3 =	sadd.s32 $0x88, s3;
	s6 =	simm.s32 @!p1 $0x1082;
	[sflag:s4] =	ssyncset.s32 $0xFFFFF086  }
0x25: {  	[simem:s6], [sflag:s4] =	dma.local [hbm:s3], $0xF7A  }
0x26: {  	[smem:$0x3F74] =	sst s1;
	(tag) =	ssettag s2;
	_ =	strace s9  }
0x27: {  	s1 =	sld [smem:$0x3F84]  }
0x28: {  	s2 =	sld [smem:$0x3F85]  }
0x29: {  	s4 =	sld [smem:$0x3F87]  }
0x2a: {  	p0 =	seq.s32 s5, $0x0;
	s5 =	sld [smem:$0x3F88]  }
0x2b: {  	s6 =	sld [smem:$0x3F89]  }
0x2c: {  	s7 =	sld [smem:$0x3F8A]  }
0x2d: {  	s3 =	simm.s32 $0x108;
	s8 =	sld [smem:$0x3F8B]  }
0x2e: {  	s3 =	simm.s32 @!p0 $0x1082;
	s9 =	sld [smem:$0x3F8C]  }
0x2f: {  	lr =	sadd.s32 s0, s3;
	s0 =	sld [smem:$0x3F83]  }
0x30: {  	s3 =	sld [smem:$0x3F86]  }
0x31: {  	[smem:$0x3F8F] =	sst s10  }
0x32: {  	s10 =	sld [smem:$0x3F8D];
	_ =	sdelay $0x3  }
0x33: {  	p0 =	seq.s32 s10, $0x1;
	s10 =	sld [smem:$0x3F8F];
	_ =	sdelay $0x3  }
0x34: {  	[smem:$0x3F8F] =	sst s10  }
0x35: {  	s10 =	sld [smem:$0x3F8E];
	_ =	sdelay $0x3  }
0x36: {  	p1 =	seq.s32 s10, $0x1;
	s10 =	sld [smem:$0x3F8F];
	_ =	sdelay $0x3  }
0x37: {  	[smem:$0x3F8F] =	sst s10  }
0x38: {  	s10 =	sld [smem:$0x3F90]  }
0x39: {  	_ = 	snop;
	(pc) =	sbr.ind lr, $3  }
0x3a: {  	_ = 	snop  }
0x3b: {  	_ = 	snop  }
0x3c: {  	p2 =	seq.s32 s10, $0x1;
	s10 =	sld [smem:$0x3F8F]  }
0x3d: {  	_ =	shalt  }
0x3e: {  	_ =	shalt  }
0x3f: {  	_ =	shalt  }
0x40: {  	_ =	shalt  }
0x41: {  	_ =	shalt  }
0x42: {  	_ =	shalt  }
0x43: {  	_ =	shalt  }
0x44: {  	_ =	shalt  }
0x45: {  	_ =	shalt  }
0x46: {  	_ =	shalt  }
0x47: {  	_ =	shalt  }
0x48: {  	_ =	shalt  }
0x49: {  	_ =	shalt  }
0x4a: {  	_ =	shalt  }
0x4b: {  	_ =	shalt  }
0x4c: {  	_ =	shalt  }
0x4d: {  	_ =	shalt  }
0x4e: {  	_ =	shalt  }
0x4f: {  	_ =	shalt  }
0x50: {  	_ =	shalt  }
0x51: {  	_ =	shalt  }
0x52: {  	_ =	shalt  }
0x53: {  	_ =	shalt  }
0x54: {  	_ =	shalt  }
0x55: {  	_ =	shalt  }
0x56: {  	_ =	shalt  }
0x57: {  	_ =	shalt  }
0x58: {  	_ =	shalt  }
0x59: {  	_ =	shalt  }
0x5a: {  	_ =	shalt  }
0x5b: {  	_ =	shalt  }
0x5c: {  	_ =	shalt  }
0x5d: {  	_ =	shalt  }
0x5e: {  	_ =	shalt  }
0x5f: {  	_ =	shalt  }
0x60: {  	_ =	shalt  }
0x61: {  	_ =	shalt  }
0x62: {  	_ =	shalt  }
0x63: {  	_ =	shalt  }
0x64: {  	_ =	shalt  }
0x65: {  	_ =	shalt  }
0x66: {  	_ =	shalt  }
0x67: {  	_ =	shalt  }
0x68: {  	_ =	shalt  }
0x69: {  	_ =	shalt  }
0x6a: {  	_ =	shalt  }
0x6b: {  	_ =	shalt  }
0x6c: {  	_ =	shalt  }
0x6d: {  	_ =	shalt  }
0x6e: {  	_ =	shalt  }
0x6f: {  	_ =	shalt  }
0x70: {  	_ =	shalt  }
0x71: {  	_ =	shalt  }
0x72: {  	_ =	shalt  }
0x73: {  	_ =	shalt  }
0x74: {  	_ =	shalt  }
0x75: {  	_ =	shalt  }
0x76: {  	_ =	shalt  }
0x77: {  	_ =	shalt  }
0x78: {  	_ =	shalt  }
0x79: {  	_ =	shalt  }
0x7a: {  	_ =	shalt  }
0x7b: {  	_ =	shalt  }
0x7c: {  	_ =	shalt  }
0x7d: {  	_ =	shalt  }
0x7e: {  	_ =	shalt  }
0x7f: {  	_ =	shalt  }
0x80: {  	_ =	shalt  }
0x81: {  	_ =	shalt  }
0x82: {  	_ =	shalt  }
0x83: {  	_ =	shalt  }
0x84: {  	_ =	shalt  }
0x85: {  	_ =	shalt  }
0x86: {  	_ =	shalt  }
0x87: {  	_ =	shalt  }
.Lfunc_end0:
.L_simem_size_0:
called_computation.5_lowered:
.L_overlay_start_0:
0x88: {  	s2 =	sld [smem:$0x3FD9]  }
0x89: {  	s3 =	sld [smem:$0x3FFE];
	_ =	sdelay $0x1  }
0x8a: {  	s1 =	srdreg.scid  }
0x8b: {  	s0 =	sand.u32 $0x1, s1  }
0x8c: {  	s17 =	sshll.u32 s0, $0xA;
	s2 =	sadd.s32 s3, s2  }
0x8d: {  	s2 =	sadd.s32 s2, s17  }
0x8e: {  	[smem:$0x3F9B] =	sst s2  }
0x8f: {  	_ = 	snop  }
0x90: {  	s2 =	sld [smem:$0x3FD0];
	(tm) =	ssettm $0x1  }
0x91: {  	s18 =	sld [smem:$0x3FFB];
	_ =	sdelay $0x3  }
0x92: {  	_ =	strace s18  }
0x93: {  	s3 =	sld [smem:$0x3FFC];
	_ =	sdelay $0x3  }
0x94: {  	_ =	strace s3  }
0x95: {  	s3 =	sld [smem:$0x3FFD];
	_ =	sdelay $0x3  }
0x96: {  	_ =	strace s3  }
0x97: {  	_ =	strace $0x8FFFFFFF  }
0x98: {  	s19 =	sld [smem:$0x3FDB];
	_ =	sdelay $0x1  }
0x99: {  	s4 =	simm.s32 $_scs_section_size  }
0x9a: {  	s5 =	simm.s32 $_size__tile_overlayer_lowered;
	s6 =	simm.s32 $_tile_overlayer_lowered  }
0x9b: {  	s22 =	simm.s32 $0x1BFF;
	s21 =	sshll.u32 s6, $0x1;
	s3 =	sadd.s32 s4, s19  }
0x9c: {  	s7 =	simm.s32 $0x0;
	s20 =	sshll.u32 s5, $0x1;
	s5 =	sadd.s32 s21, s3  }
0x9d: {  	[timem:s7], [sflag:s22] =	dma.local [hbm:s5], s20  }
0x9e: {  	_ =	swait.ge [sflag:s22], s20  }
0x9f: {  	s4 =	ssub.s32 $0x0, s20;
	[sflag:s22] =	ssyncset.done $0x0  }
0xa0: {  	[sflag:s22] =	ssyncadd.s32 s4;
	_ =	sdelay $0x1  }
0xa1: {  	s23 =	simm.s32 $0x1B8B  }
0xa2: {  	_ =	swait.ge [sflag:s23], $0x1  }
0xa3: {  	[sflag:s23] =	ssyncset.done $0x0  }
0xa4: {  	s25 =	simm.s32 $0x1B8E;
	s24 =	sld [smem:$0x3FFE];
	[sflag:s23] =	ssyncadd.s32 $0xFFFFFFFF  }
0xa5: {  	s26 =	simm.s32 $execute0_lowered;
	[smem:$0x3FD2] =	sst s25  }
0xa6: {  	s5 =	sshll.u32 s26, $0x1;
	_ =	strace $0x80000055;
	[dreg:$0x1] =	wrdreg $0xFFFFFFFF  }
0xa7: {  	s28 =	simm.s32 $_size_execute0_lowered;
	s3 =	sadd.s32 s3, s5;
	[dreg:$0x0] =	wrdreg $0x0  }
0xa8: {  	s5 =	sshll.u32 s28, $0x1;
	[dreg:$0x2] =	wrdreg s3  }
0xa9: {  	[dreg:$0x3] =	wrdreg s5  }
0xaa: {  	[dreg:$0x4] =	wrdreg $0xC0  }
0xab: {  	_ =	task [dreg:s7], $0x5FFFF  }
0xac: {  	[dreg:$0x1] =	wrdreg $0xFFFFFFFF  }
0xad: {  	[dreg:$0x0] =	wrdreg $0x60  }
0xae: {  	[dreg:$0x2] =	wrdreg s24  }
0xaf: {  	[dreg:$0x3] =	wrdreg s2  }
0xb0: {  	[dreg:$0x4] =	wrdreg $0x9  }
0xb1: {  	_ =	task.clear_ibuf [dreg:s7], $0x5FFFF;
	_ =	strace $0x90000055  }
0xb2: {  	s29 =	simm.s32 $0x9;
	_ =	strace $0x80000057  }
0xb3: {  	_ =	swait.ge [sflag:s29], $0x1  }
0xb4: {  	[sflag:s29] =	ssyncadd.s32 $0xFFFFFFFF  }
0xb5: {  	_ =	strace $0x90000057  }
0xb6: {  	_ =	sfence  }
0xb7: {  	s30 =	sld [smem:$0x0];
	_ =	sdelay $0x2  }
0xb8: {  	s31 =	sshll.u32 s1, $0xD;
	s1 =	sshrl.u32 s1, $0x2  }
0xb9: {  	s3 =	sand.u32 $0x4000, s31;
	s1 =	sadd.s32 s1, s30  }
0xba: {  	s0 =	sor.u32 s3, s0;
	s1 =	sshll.u32 s1, $0x11  }
0xbb: {  	s0 =	sor.u32 s1, s0  }
0xbc: {  	s0 =	sadd.s32 $0x8F2B, s0  }
0xbd: {  	[sflag:s0] =	ssyncadd.remote.s32 $0x1  }
0xbe: {  	_ =	sfence.sel $0xFFFF  }
0xbf: {  	[dreg:$0x0] =	wrdreg $0xFFFFFFFF;
	(pc) =	sbr.abs _section_cstart, $3  }
0xc0: {  	[dreg:$0x1] =	wrdreg $0xFFFFFFFF  }
0xc1: {  	_ =	task.clear_ibuf [dreg:s7], $0x2FFFF;
	_ =	strace $0x9FFFFFFF  }
0xc2: {  	(tm) =	ssettm $0x7FFFFFFF  }
0xc3: {  	_ =	shalt  }
tec
execute0_lowered:
.L_overlay_start_1:
0x0: {  	(tag) =	ssettag $0x1  }
0x1: {  	s0 =	rddreg [dreg:$0x0]  }
0x2: {  	s1 =	rddreg [dreg:$0x1];
	s3 =	simm.s32 $0x0;
	s2 =	srdreg.scid  }
0x3: {  	s15 =	stileid.u32;
	s17 =	simm.s32 $0x7900;
	s18 =	simm.s32 $0xAA00  }
0x4: {  	s19 =	simm.s32 $0xB200;
	s20 =	simm.s32 $0xBA00;
	s21 =	simm.s32 $0xC200  }
0x5: {  	s22 =	simm.s32 $0xCA00;
	s31 =	simm.s32 $0x1;
	s28 =	simm.s32 $0x7100  }
0x6: {  	s30 =	simm.s32 $0x6900;
	s29 =	simm.s32 $0x6100;
	s4 =	sadd.s32 $0x167A00, s0  }
0x7: {  	[smem:$0x7FF] =	sst s3;
	s5 =	sadd.s32 $0x117A00, s0;
	s12 =	smul.u32 $0x4E20, s15  }
0x8: {  	s2 =	sand.u32 $0x1, s2;
	s8 =	sadd.s32 $0x199800, s0;
	s25 =	smul.u32 $0x9C400, s15  }
0x9: {  	s6 =	sshll.u32 s15, $0x1;
	s26 =	smul.u32 $0x4E200, s15;
	_ =	strace $0x80000056  }
0xa: {  	s7 =	sor.u32 s2, s6;
	s6 =	sadd.s32 $0x18FA00, s0;
	[dreg:$0x4] =	wrdreg s17  }
0xb: {  	s0 =	sadd.s32 $0x67B800, s0;
	s24 =	smul.u32 $0x2710, s2;
	[dreg:$0x5] =	wrdreg s18  }
0xc: {  	s9 =	ssub.s32 $0x2, s2;
	s14 =	smul.u32 $0x4E200, s2;
	[dreg:$0x6] =	wrdreg s19  }
0xd: {  	s2 =	smul.u32 $0x27100, s2;
	s17 =	simm.s32 $0x3;
	[dreg:$0x7] =	wrdreg s20  }
0xe: {  	s18 =	simm.s32 $0x50;
	s19 =	simm.s32 $0x100;
	[dreg:$0x8] =	wrdreg s21  }
0xf: {  	s20 =	simm.s32 $0x2900;
	[dreg:$0x9] =	wrdreg s22;
	s21 =	simm.s32 $0x6100  }
0x10: {  	s22 =	simm.s32 $0x6900;
	s7 =	smul.u32 $0x2710, s7;
	s10 =	sshrl.u32 s9, $0x1  }
0x11: {  	s9 =	ssub.s32 s9, s10;
	s12 =	sadd.s32 s24, s12;
	s24 =	simm.s32 $0xDA00  }
0x12: {  	s11 =	sshrl.u32 s7, $0x3;
	s9 =	smax.u32 s9, $0x1;
	[dreg:$0xb] =	wrdreg s24  }
0x13: {  	s7 =	sadd.s32 $0x26C0, s7;
	s10 =	sadd.s32 $0xA0, s12;
	[dreg:$0x12] =	wrdreg s9  }
0x14: {  	s24 =	simm.s32 $0x0;
	s23 =	sadd.s32 s1, s11;
	[dreg:$0x13] =	wrdreg s10  }
0x15: {  	s11 =	sadd.s32 s6, s11;
	s13 =	sshll.u32 s7, $0x4;
	[dreg:$0xe] =	wrdreg s23  }
0x16: {  	s7 =	sshll.u32 s7, $0x5;
	s10 =	simm.s32 $0x3100;
	[dreg:$0xf] =	wrdreg s11  }
0x17: {  	s13 =	sadd.s32 s8, s13;
	s7 =	sadd.s32 s0, s7;
	s0 =	sadd.s32 s25, s0  }
0x18: {  	s23 =	simm.s32 $0xD200;
	s11 =	simm.s32 $0x3900;
	[dreg:$0x10] =	wrdreg s13  }
0x19: {  	s25 =	simm.s32 $0xE200;
	[dreg:$0x11] =	wrdreg s7;
	s7 =	sadd.s32 s26, s8  }
0x1a: {  	s0 =	sadd.s32 s14, s0;
	s13 =	sadd.s32 $0x50, s12;
	[dreg:$0xa] =	wrdreg s23  }
0x1b: {  	s12 =	simm.s32 $0x4100;
	[dreg:$0xc] =	wrdreg s25;
	s26 =	simm.s32 $0xEA00  }
0x1c: {  	s23 =	simm.s32 $0x7100;
	s8 =	simm.s32 $0x2;
	s25 =	simm.s32 $0x4900  }
0x1d: {  	s2 =	sadd.s32 s2, s7;
	[dreg:$0x3] =	wrdreg s0;
	s15 =	sshrl.u32 s13, $0x3  }
0x1e: {  	s13 =	simm.s32 $0x4900;
	[dreg:$0xd] =	wrdreg s26;
	s14 =	sadd.s32 $0x500, s2  }
0x1f: {  	s7 =	simm.s32 $0xA200;
	s16 =	sadd.s32 s15, s6;
	[dreg:$0x14] =	wrdreg s14  }
0x20: {  	v2 =	vlaneseq.u32;
	s26 =	simm.s32 $0x5100;
	s0 =	sadd.s32 s15, s1;
	[dreg:$0x15] =	wrdreg s16  }
0x21: {  	vm0 =	vmmov $0xffff;
	v1 =	vshrl.u32 v2, $0x3;
	s15 =	simm.s32 $0x5900;
	s2 =	simm.s32 $0x7A00;
	[dreg:$0x16] =	wrdreg s0  }
0x22: {  	v0 =	vand.u32 $0x7, v2;
	v2 =	vor.u32 $0x8, v2;
	v1 =	vmul.u32 $0x8, v1;
	s16 =	simm.s32 $0x80;
	s14 =	simm.s32 $0x5100;
	s0 =	simm.s32 $0x7980  }
.LBB2_1:
0x23: {  	[dreg:$0x17] =	wrdreg s24  }
0x24: {  	s9 =	rddreg [dreg:$0xe]  }
0x25: {  	[tilespmem:s16], [sflag:$0x3] =	stream.linear.gather [hbm4b:s9+s3], $0x50, $0x38;
	[tilespmem:$0xF200] =	vst v63  }
0x26: {  	_ =	swait.ge [sflag:s17], $0x50  }
0x27: {  	[sflag:s17] =	ssyncset.done $0x0  }
0x28: {  	s24 =	rddreg [dreg:$0xf];
	[sflag:s17] =	ssyncadd.s32 $0xFFFFFFB0  }
0x29: {  	[tilespmem:s3], [sflag:$0x3] =	stream.linear.gather [hbm4b:s24+s3], $0x50, $0x38;
	[tilespmem:$0xF200] =	vst v63  }
0x2a: {  	_ =	swait.ge [sflag:s17], $0x50  }
0x2b: {  	[sflag:s17] =	ssyncset.done $0x0  }
0x2c: {  	[sflag:s17] =	ssyncadd.s32 $0xFFFFFFB0  }
0x2d: {  	[tilespmem:s19], [sflag:$0x1] =	stream.indirect.gather [hbm4b:s4+s18], $0x80, s16, s18, $0xb8;
	[tilespmem:$0xF200] =	vst v63  }
0x2e: {  	v3 =	vld [tilespmem:$0x0];
	_ =	sdelay $0x4  }
0x2f: {  	v4 =	vshll.u32 v3, $0x1  }
0x30: {  	v3 =	vand.u32 $0x7, v3;
	v4 =	vand.u32 $0xFFFFFFF0, v4  }
0x31: {  	v3 =	vor.u32 v3, v4  }
0x32: {  	v4 =	vperm.xlane v3, v0;
	_ =	sdelay $0x1  }
0x33: {  	v3 =	vperm.xlane v3, v2;
	v4 =	vadd.s32 v1, v4;
	_ =	sdelay $0x1  }
0x34: {  	v3 =	vadd.s32 v1, v3;
	_ =	sdelay $0x2  }
0x35: {  	[tilespmem:s20], [sflag:$0x1] =	stream.indirect_vreg.gather [hbm4b:s5+s3], $0x80, v4, vm0, $0xb8;
	[tilespmem:$0xF200] =	vst v63  }
0x36: {  	_ = 	snop  }
0x37: {  	[tilespmem:s10], [sflag:$0x1] =	stream.indirect_vreg.gather [hbm4b:s5+s3], $0x80, v3, vm0, $0xb8;
	[tilespmem:$0xF200] =	vst v63  }
0x38: {  	v3 =	vld [tilespmem:$0x10];
	_ =	sdelay $0x4  }
0x39: {  	v60 =	vshll.u32 v3, $0x1  }
0x3a: {  	v3 =	vand.u32 $0x7, v3;
	v4 =	vand.u32 $0xFFFFFFF0, v60  }
0x3b: {  	v3 =	vor.u32 v3, v4  }
0x3c: {  	v4 =	vperm.xlane v3, v0;
	_ =	sdelay $0x1  }
0x3d: {  	v3 =	vperm.xlane v3, v2;
	v4 =	vadd.s32 v1, v4;
	_ =	sdelay $0x1  }
0x3e: {  	v3 =	vadd.s32 v1, v3;
	_ =	sdelay $0x2  }
0x3f: {  	[tilespmem:s11], [sflag:$0x1] =	stream.indirect_vreg.gather [hbm4b:s5+s3], $0x80, v4, vm0, $0xb8;
	[tilespmem:$0xF200] =	vst v63  }
0x40: {  	_ = 	snop  }
0x41: {  	[tilespmem:s12], [sflag:$0x1] =	stream.indirect_vreg.gather [hbm4b:s5+s3], $0x80, v3, vm0, $0xb8;
	[tilespmem:$0xF200] =	vst v63  }
0x42: {  	v3 =	vld [tilespmem:$0x20];
	_ =	sdelay $0x4  }
0x43: {  	v61 =	vshll.u32 v3, $0x1  }
0x44: {  	v3 =	vand.u32 $0x7, v3;
	v4 =	vand.u32 $0xFFFFFFF0, v61  }
0x45: {  	v3 =	vor.u32 v3, v4  }
0x46: {  	v4 =	vperm.xlane v3, v0;
	_ =	sdelay $0x1  }
0x47: {  	v3 =	vperm.xlane v3, v2;
	v4 =	vadd.s32 v1, v4;
	_ =	sdelay $0x1  }
0x48: {  	v3 =	vadd.s32 v1, v3;
	_ =	sdelay $0x2  }
0x49: {  	[tilespmem:s13], [sflag:$0x1] =	stream.indirect_vreg.gather [hbm4b:s5+s3], $0x80, v4, vm0, $0xb8;
	[tilespmem:$0xF200] =	vst v63  }
0x4a: {  	_ = 	snop  }
0x4b: {  	[tilespmem:s14], [sflag:$0x1] =	stream.indirect_vreg.gather [hbm4b:s5+s3], $0x80, v3, vm0, $0xb8;
	[tilespmem:$0xF200] =	vst v63  }
0x4c: {  	v3 =	vld [tilespmem:$0x30];
	_ =	sdelay $0x4  }
0x4d: {  	v62 =	vshll.u32 v3, $0x1  }
0x4e: {  	v3 =	vand.u32 $0x7, v3;
	v4 =	vand.u32 $0xFFFFFFF0, v62  }
0x4f: {  	v3 =	vor.u32 v3, v4  }
0x50: {  	v4 =	vperm.xlane v3, v0;
	_ =	sdelay $0x1  }
0x51: {  	v3 =	vperm.xlane v3, v2;
	v4 =	vadd.s32 v1, v4;
	_ =	sdelay $0x1  }
0x52: {  	v3 =	vadd.s32 v1, v3;
	_ =	sdelay $0x2  }
0x53: {  	[tilespmem:s15], [sflag:$0x1] =	stream.indirect_vreg.gather [hbm4b:s5+s3], $0x80, v4, vm0, $0xb8;
	[tilespmem:$0xF200] =	vst v63  }
0x54: {  	_ = 	snop  }
0x55: {  	[tilespmem:s21], [sflag:$0x1] =	stream.indirect_vreg.gather [hbm4b:s5+s3], $0x80, v3, vm0, $0xb8;
	[tilespmem:$0xF200] =	vst v63  }
0x56: {  	v3 =	vld [tilespmem:$0x40];
	_ =	sdelay $0x4  }
0x57: {  	v63 =	vshll.u32 v3, $0x1  }
0x58: {  	v3 =	vand.u32 $0x7, v3;
	v4 =	vand.u32 $0xFFFFFFF0, v63  }
0x59: {  	v3 =	vor.u32 v3, v4  }
0x5a: {  	v4 =	vperm.xlane v3, v0;
	_ =	sdelay $0x1  }
0x5b: {  	v3 =	vperm.xlane v3, v2;
	v4 =	vadd.s32 v1, v4;
	_ =	sdelay $0x1  }
0x5c: {  	v3 =	vadd.s32 v1, v3  }
0x5d: {  	s12 =	rddreg [dreg:$0x13]  }
0x5e: {  	s13 =	rddreg [dreg:$0x14]  }
0x5f: {  	[tilespmem:s22], [sflag:$0x1] =	stream.indirect_vreg.gather [hbm4b:s5+s3], $0x80, v4, vm0, $0xb8;
	[tilespmem:$0xF200] =	vst v63  }
0x60: {  	s24 =	simm.s32 $0x4100;
	s11 =	simm.s32 $0x0;
	s14 =	rddreg [dreg:$0x15]  }
0x61: {  	[tilespmem:s23], [sflag:$0x1] =	stream.indirect_vreg.gather [hbm4b:s5+s3], $0x80, v3, vm0, $0xb8;
	[tilespmem:$0xF200] =	vst v63  }
0x62: {  	s15 =	rddreg [dreg:$0x16];
	s22 =	simm.s32 $0x3100;
	s23 =	simm.s32 $0x3900  }
.LBB2_2:
0x63: {  	_ =	swait.ge [sflag:s31], $0x2800  }
0x64: {  	[sflag:s31] =	ssyncset.done $0x0  }
0x65: {  	[sflag:s31] =	ssyncadd.s32 $0xFFFFD800  }
0x66: {  	_ =	swait.ge [sflag:s31], $0x5000  }
0x67: {  	[sflag:s31] =	ssyncset.done $0x0  }
0x68: {  	[sflag:s31] =	ssyncadd.s32 $0xFFFFB000  }
0x69: {  	[tilespmem:s0], [sflag:$0x3] =	stream.linear.gather [hbm4b:s15+s3], $0x50, $0x38;
	[tilespmem:$0xF200] =	vst v63  }
0x6a: {  	_ =	swait.ge [sflag:s17], $0x50  }
0x6b: {  	[sflag:s17] =	ssyncset.done $0x0  }
0x6c: {  	s10 =	rddreg [dreg:$0x4];
	[sflag:s17] =	ssyncadd.s32 $0xFFFFFFB0  }
0x6d: {  	[tilespmem:s10], [sflag:$0x3] =	stream.linear.gather [hbm4b:s14+s3], $0x50, $0x38;
	[tilespmem:$0xF200] =	vst v63  }
0x6e: {  	_ =	swait.ge [sflag:s17], $0x50  }
0x6f: {  	[sflag:s17] =	ssyncset.done $0x0  }
0x70: {  	[sflag:s17] =	ssyncadd.s32 $0xFFFFFFB0  }
0x71: {  	[tilespmem:s2], [sflag:$0x2] =	stream.indirect.gather [hbm4b:s4+s18], $0x80, s0, s18, $0xb8;
	[tilespmem:$0xF200] =	vst v63  }
0x72: {  	v3 =	vld [tilespmem:$0x7900];
	_ =	sdelay $0x4  }
0x73: {  	v4 =	vshll.u32 v3, $0x1  }
0x74: {  	v3 =	vand.u32 $0x7, v3;
	v4 =	vand.u32 $0xFFFFFFF0, v4  }
0x75: {  	v3 =	vor.u32 v3, v4  }
0x76: {  	v4 =	vperm.xlane v3, v0;
	_ =	sdelay $0x1  }
0x77: {  	v3 =	vperm.xlane v3, v2;
	v4 =	vadd.s32 v1, v4;
	_ =	sdelay $0x1  }
0x78: {  	v3 =	vadd.s32 v1, v3;
	_ =	sdelay $0x2  }
0x79: {  	[tilespmem:s7], [sflag:$0x2] =	stream.indirect_vreg.gather [hbm4b:s5+s3], $0x80, v4, vm0, $0xb8;
	[tilespmem:$0xF200] =	vst v63  }
0x7a: {  	s9 =	rddreg [dreg:$0x5]  }
0x7b: {  	[tilespmem:s9], [sflag:$0x2] =	stream.indirect_vreg.gather [hbm4b:s5+s3], $0x80, v3, vm0, $0xb8;
	[tilespmem:$0xF200] =	vst v63  }
0x7c: {  	v3 =	vld [tilespmem:$0x7910];
	_ =	sdelay $0x4  }
0x7d: {  	v55 =	vshll.u32 v3, $0x1  }
0x7e: {  	v3 =	vand.u32 $0x7, v3;
	v4 =	vand.u32 $0xFFFFFFF0, v55  }
0x7f: {  	v3 =	vor.u32 v3, v4  }
0x80: {  	v4 =	vperm.xlane v3, v0;
	_ =	sdelay $0x1  }
0x81: {  	v3 =	vperm.xlane v3, v2;
	v4 =	vadd.s32 v1, v4;
	_ =	sdelay $0x1  }
0x82: {  	v3 =	vadd.s32 v1, v3;
	_ =	sdelay $0x1  }
0x83: {  	s21 =	rddreg [dreg:$0x6]  }
0x84: {  	[tilespmem:s21], [sflag:$0x2] =	stream.indirect_vreg.gather [hbm4b:s5+s3], $0x80, v4, vm0, $0xb8;
	[tilespmem:$0xF200] =	vst v63  }
0x85: {  	s9 =	rddreg [dreg:$0x7]  }
0x86: {  	[tilespmem:s9], [sflag:$0x2] =	stream.indirect_vreg.gather [hbm4b:s5+s3], $0x80, v3, vm0, $0xb8;
	[tilespmem:$0xF200] =	vst v63  }
0x87: {  	v3 =	vld [tilespmem:$0x7920];
	_ =	sdelay $0x4  }
0x88: {  	v56 =	vshll.u32 v3, $0x1  }
0x89: {  	v3 =	vand.u32 $0x7, v3;
	v4 =	vand.u32 $0xFFFFFFF0, v56  }
0x8a: {  	v3 =	vor.u32 v3, v4  }
0x8b: {  	v4 =	vperm.xlane v3, v0;
	_ =	sdelay $0x1  }
0x8c: {  	v3 =	vperm.xlane v3, v2;
	v4 =	vadd.s32 v1, v4;
	_ =	sdelay $0x1  }
0x8d: {  	v3 =	vadd.s32 v1, v3;
	_ =	sdelay $0x1  }
0x8e: {  	s10 =	rddreg [dreg:$0x8]  }
0x8f: {  	[tilespmem:s10], [sflag:$0x2] =	stream.indirect_vreg.gather [hbm4b:s5+s3], $0x80, v4, vm0, $0xb8;
	[tilespmem:$0xF200] =	vst v63  }
0x90: {  	s21 =	rddreg [dreg:$0x9]  }
0x91: {  	[tilespmem:s21], [sflag:$0x2] =	stream.indirect_vreg.gather [hbm4b:s5+s3], $0x80, v3, vm0, $0xb8;
	[tilespmem:$0xF200] =	vst v63  }
0x92: {  	v3 =	vld [tilespmem:$0x7930];
	_ =	sdelay $0x4  }
0x93: {  	v57 =	vshll.u32 v3, $0x1  }
0x94: {  	v3 =	vand.u32 $0x7, v3;
	v4 =	vand.u32 $0xFFFFFFF0, v57  }
0x95: {  	v3 =	vor.u32 v3, v4  }
0x96: {  	v4 =	vperm.xlane v3, v0;
	_ =	sdelay $0x1  }
0x97: {  	v3 =	vperm.xlane v3, v2;
	v4 =	vadd.s32 v1, v4;
	_ =	sdelay $0x1  }
0x98: {  	v3 =	vadd.s32 v1, v3;
	_ =	sdelay $0x1  }
0x99: {  	s10 =	rddreg [dreg:$0xa]  }
0x9a: {  	[tilespmem:s10], [sflag:$0x2] =	stream.indirect_vreg.gather [hbm4b:s5+s3], $0x80, v4, vm0, $0xb8;
	[tilespmem:$0xF200] =	vst v63  }
0x9b: {  	s21 =	rddreg [dreg:$0xb]  }
0x9c: {  	[tilespmem:s21], [sflag:$0x2] =	stream.indirect_vreg.gather [hbm4b:s5+s3], $0x80, v3, vm0, $0xb8;
	[tilespmem:$0xF200] =	vst v63  }
0x9d: {  	v3 =	vld [tilespmem:$0x7940];
	_ =	sdelay $0x4  }
0x9e: {  	v58 =	vshll.u32 v3, $0x1  }
0x9f: {  	v3 =	vand.u32 $0x7, v3;
	v4 =	vand.u32 $0xFFFFFFF0, v58  }
0xa0: {  	v3 =	vor.u32 v3, v4  }
0xa1: {  	v4 =	vperm.xlane v3, v0;
	_ =	sdelay $0x1  }
0xa2: {  	v3 =	vperm.xlane v3, v2;
	v4 =	vadd.s32 v1, v4;
	_ =	sdelay $0x1  }
0xa3: {  	v3 =	vadd.s32 v1, v3;
	_ =	sdelay $0x1  }
0xa4: {  	s10 =	rddreg [dreg:$0xc]  }
0xa5: {  	[tilespmem:s10], [sflag:$0x2] =	stream.indirect_vreg.gather [hbm4b:s5+s3], $0x80, v4, vm0, $0xb8;
	[tilespmem:$0xF200] =	vst v63  }
0xa6: {  	s21 =	rddreg [dreg:$0xd]  }
0xa7: {  	[tilespmem:s21], [sflag:$0x2] =	stream.indirect_vreg.gather [hbm4b:s5+s3], $0x80, v3, vm0, $0xb8;
	[tilespmem:$0xF200] =	vst v63  }
0xa8: {  	s10 =	sadd.s32 $0xFFFFFB00, s13  }
0xa9: {  	[hbm4b:s10+s3] =	stream.linear.scatter [tilespmem:s19], [sflag:$0x3], $0x2800, $0x38;
	[tilespmem:$0xF200] =	vst v63  }
0xaa: {  	_ =	swait.ge [sflag:s17], $0x2800  }
0xab: {  	s21 =	rddreg [dreg:$0x3];
	[sflag:s17] =	ssyncset.done $0x0  }
0xac: {  	[sflag:s17] =	ssyncadd.s32 $0xFFFFD800;
	s10 =	sadd.s32 s11, s21  }
0xad: {  	[hbm4b:s10+s3] =	stream.linear.scatter [tilespmem:s20], [sflag:$0x3], $0x5000, $0x38;
	[tilespmem:$0xF200] =	vst v63  }
0xae: {  	_ =	swait.ge [sflag:s17], $0x5000  }
0xaf: {  	[sflag:s17] =	ssyncset.done $0x0  }
0xb0: {  	[sflag:s17] =	ssyncadd.s32 $0xFFFFB000  }
0xb1: {  	_ =	swait.ge [sflag:s8], $0x2800  }
0xb2: {  	[sflag:s8] =	ssyncset.done $0x0  }
0xb3: {  	[sflag:s8] =	ssyncadd.s32 $0xFFFFD800  }
0xb4: {  	_ =	swait.ge [sflag:s8], $0x5000  }
0xb5: {  	s9 =	sshrl.u32 s12, $0x3;
	[sflag:s8] =	ssyncset.done $0x0  }
0xb6: {  	s21 =	smov.u32 s1;
	s1 =	sadd.s32 s1, s9;
	[sflag:s8] =	ssyncadd.s32 $0xFFFFB000  }
0xb7: {  	[tilespmem:s16], [sflag:$0x3] =	stream.linear.gather [hbm4b:s1+s3], $0x50, $0x38;
	[tilespmem:$0xF200] =	vst v63  }
0xb8: {  	_ =	swait.ge [sflag:s17], $0x50  }
0xb9: {  	[sflag:s17] =	ssyncset.done $0x0  }
0xba: {  	s9 =	sadd.s32 s6, s9;
	[sflag:s17] =	ssyncadd.s32 $0xFFFFFFB0  }
0xbb: {  	[tilespmem:s3], [sflag:$0x3] =	stream.linear.gather [hbm4b:s9+s3], $0x50, $0x38;
	[tilespmem:$0xF200] =	vst v63  }
0xbc: {  	_ =	swait.ge [sflag:s17], $0x50  }
0xbd: {  	[sflag:s17] =	ssyncset.done $0x0  }
0xbe: {  	[sflag:s17] =	ssyncadd.s32 $0xFFFFFFB0  }
0xbf: {  	[tilespmem:s19], [sflag:$0x1] =	stream.indirect.gather [hbm4b:s4+s18], $0x80, s16, s18, $0xb8;
	[tilespmem:$0xF200] =	vst v63  }
0xc0: {  	v3 =	vld [tilespmem:$0x0];
	_ =	sdelay $0x4  }
0xc1: {  	v59 =	vshll.u32 v3, $0x1  }
0xc2: {  	v3 =	vand.u32 $0x7, v3;
	v4 =	vand.u32 $0xFFFFFFF0, v59  }
0xc3: {  	v3 =	vor.u32 v3, v4  }
0xc4: {  	v4 =	vperm.xlane v3, v0;
	_ =	sdelay $0x1  }
0xc5: {  	v3 =	vperm.xlane v3, v2;
	v4 =	vadd.s32 v1, v4;
	_ =	sdelay $0x1  }
0xc6: {  	v3 =	vadd.s32 v1, v3;
	_ =	sdelay $0x2  }
0xc7: {  	[tilespmem:s20], [sflag:$0x1] =	stream.indirect_vreg.gather [hbm4b:s5+s3], $0x80, v4, vm0, $0xb8;
	[tilespmem:$0xF200] =	vst v63  }
0xc8: {  	_ = 	snop  }
0xc9: {  	[tilespmem:s22], [sflag:$0x1] =	stream.indirect_vreg.gather [hbm4b:s5+s3], $0x80, v3, vm0, $0xb8;
	[tilespmem:$0xF200] =	vst v63  }
0xca: {  	v3 =	vld [tilespmem:$0x10];
	_ =	sdelay $0x4  }
0xcb: {  	v60 =	vshll.u32 v3, $0x1  }
0xcc: {  	v3 =	vand.u32 $0x7, v3;
	v4 =	vand.u32 $0xFFFFFFF0, v60  }
0xcd: {  	v3 =	vor.u32 v3, v4  }
0xce: {  	v4 =	vperm.xlane v3, v0;
	_ =	sdelay $0x1  }
0xcf: {  	v3 =	vperm.xlane v3, v2;
	v4 =	vadd.s32 v1, v4;
	_ =	sdelay $0x1  }
0xd0: {  	v3 =	vadd.s32 v1, v3;
	_ =	sdelay $0x2  }
0xd1: {  	[tilespmem:s23], [sflag:$0x1] =	stream.indirect_vreg.gather [hbm4b:s5+s3], $0x80, v4, vm0, $0xb8;
	[tilespmem:$0xF200] =	vst v63  }
0xd2: {  	_ = 	snop  }
0xd3: {  	[tilespmem:s24], [sflag:$0x1] =	stream.indirect_vreg.gather [hbm4b:s5+s3], $0x80, v3, vm0, $0xb8;
	[tilespmem:$0xF200] =	vst v63  }
0xd4: {  	v3 =	vld [tilespmem:$0x20];
	_ =	sdelay $0x4  }
0xd5: {  	v61 =	vshll.u32 v3, $0x1  }
0xd6: {  	v3 =	vand.u32 $0x7, v3;
	v4 =	vand.u32 $0xFFFFFFF0, v61  }
0xd7: {  	v3 =	vor.u32 v3, v4  }
0xd8: {  	v4 =	vperm.xlane v3, v0;
	_ =	sdelay $0x1  }
0xd9: {  	v3 =	vperm.xlane v3, v2;
	v4 =	vadd.s32 v1, v4;
	_ =	sdelay $0x1  }
0xda: {  	v3 =	vadd.s32 v1, v3;
	_ =	sdelay $0x2  }
0xdb: {  	[tilespmem:s25], [sflag:$0x1] =	stream.indirect_vreg.gather [hbm4b:s5+s3], $0x80, v4, vm0, $0xb8;
	[tilespmem:$0xF200] =	vst v63  }
0xdc: {  	_ = 	snop  }
0xdd: {  	[tilespmem:s26], [sflag:$0x1] =	stream.indirect_vreg.gather [hbm4b:s5+s3], $0x80, v3, vm0, $0xb8;
	[tilespmem:$0xF200] =	vst v63  }
0xde: {  	v3 =	vld [tilespmem:$0x30];
	_ =	sdelay $0x4  }
0xdf: {  	v62 =	vshll.u32 v3, $0x1  }
0xe0: {  	v3 =	vand.u32 $0x7, v3;
	v4 =	vand.u32 $0xFFFFFFF0, v62  }
0xe1: {  	v3 =	vor.u32 v3, v4  }
0xe2: {  	v4 =	vperm.xlane v3, v0;
	_ =	sdelay $0x1  }
0xe3: {  	v3 =	vperm.xlane v3, v2;
	v4 =	vadd.s32 v1, v4;
	_ =	sdelay $0x1  }
0xe4: {  	v3 =	vadd.s32 v1, v3;
	_ =	sdelay $0x1  }
0xe5: {  	s9 =	simm.s32 $0x5900  }
0xe6: {  	[tilespmem:s9], [sflag:$0x1] =	stream.indirect_vreg.gather [hbm4b:s5+s3], $0x80, v4, vm0, $0xb8;
	[tilespmem:$0xF200] =	vst v63  }
0xe7: {  	_ = 	snop  }
0xe8: {  	[tilespmem:s29], [sflag:$0x1] =	stream.indirect_vreg.gather [hbm4b:s5+s3], $0x80, v3, vm0, $0xb8;
	[tilespmem:$0xF200] =	vst v63  }
0xe9: {  	v3 =	vld [tilespmem:$0x40];
	_ =	sdelay $0x4  }
0xea: {  	v63 =	vshll.u32 v3, $0x1  }
0xeb: {  	v3 =	vand.u32 $0x7, v3;
	v4 =	vand.u32 $0xFFFFFFF0, v63  }
0xec: {  	v3 =	vor.u32 v3, v4  }
0xed: {  	v4 =	vperm.xlane v3, v0;
	_ =	sdelay $0x1  }
0xee: {  	v3 =	vperm.xlane v3, v2;
	v4 =	vadd.s32 v1, v4;
	_ =	sdelay $0x1  }
0xef: {  	v3 =	vadd.s32 v1, v3;
	_ =	sdelay $0x2  }
0xf0: {  	[tilespmem:s30], [sflag:$0x1] =	stream.indirect_vreg.gather [hbm4b:s5+s3], $0x80, v4, vm0, $0xb8;
	[tilespmem:$0xF200] =	vst v63  }
0xf1: {  	_ = 	snop  }
0xf2: {  	[tilespmem:s28], [sflag:$0x1] =	stream.indirect_vreg.gather [hbm4b:s5+s3], $0x80, v3, vm0, $0xb8;
	[tilespmem:$0xF200] =	vst v63  }
0xf3: {  	_ = 	snop  }
0xf4: {  	[hbm4b:s13+s3] =	stream.linear.scatter [tilespmem:s2], [sflag:$0x3], $0x2800, $0x38;
	[tilespmem:$0xF200] =	vst v63  }
0xf5: {  	_ =	swait.ge [sflag:s17], $0x2800  }
0xf6: {  	p0 =	sne.s32 s11, $0x4C400;
	[sflag:s17] =	ssyncset.done $0x0  }
.Ltmp0:
0xf7: {  	s10 =	sadd.s32 $0xA00, s10;
	[sflag:s17] =	ssyncadd.s32 $0xFFFFD800;
	(pc) =	sbr.rel @p0 .LBB2_2-.Ltmp0, $4  }
0xf8: {  	[hbm4b:s10+s3] =	stream.linear.scatter [tilespmem:s7], [sflag:$0x3], $0x5000, $0x38;
	[tilespmem:$0xF200] =	vst v63  }
0xf9: {  	s15 =	sadd.s32 $0x14, s15;
	s14 =	sadd.s32 $0x14, s14;
	_ =	swait.ge [sflag:s17], $0x5000  }
0xfa: {  	s12 =	sadd.s32 $0xA0, s12;
	s11 =	sadd.s32 $0x1400, s11;
	[sflag:s17] =	ssyncset.done $0x0  }
0xfb: {  	s1 =	smov.u32 s21;
	s13 =	sadd.s32 $0xA00, s13;
	[sflag:s17] =	ssyncadd.s32 $0xFFFFB000  }
0xfc: {  	_ =	swait.ge [sflag:s31], $0x2800  }
0xfd: {  	[sflag:s31] =	ssyncset.done $0x0  }
0xfe: {  	[sflag:s31] =	ssyncadd.s32 $0xFFFFD800  }
0xff: {  	_ =	swait.ge [sflag:s31], $0x5000  }
0x100: {  	[sflag:s31] =	ssyncset.done $0x0  }
0x101: {  	s9 =	rddreg [dreg:$0x10];
	[sflag:s31] =	ssyncadd.s32 $0xFFFFB000  }
0x102: {  	[hbm4b:s9+s3] =	stream.linear.scatter [tilespmem:s19], [sflag:$0x3], $0x2800, $0x38;
	[tilespmem:$0xF200] =	vst v63  }
0x103: {  	_ =	swait.ge [sflag:s17], $0x2800  }
0x104: {  	[sflag:s17] =	ssyncset.done $0x0  }
0x105: {  	s22 =	rddreg [dreg:$0x11];
	[sflag:s17] =	ssyncadd.s32 $0xFFFFD800  }
0x106: {  	[hbm4b:s22+s3] =	stream.linear.scatter [tilespmem:s20], [sflag:$0x3], $0x5000, $0x38;
	[tilespmem:$0xF200] =	vst v63  }
0x107: {  	_ =	swait.ge [sflag:s17], $0x5000  }
0x108: {  	s24 =	rddreg [dreg:$0x17]  }
0x109: {  	s23 =	rddreg [dreg:$0x12];
	s24 =	sadd.s32 $0x1, s24  }
0x10a: {  	p0 =	sne.s32 s24, s23  }
.Ltmp1:
0x10b: {  	_ = 	snop;
	(pc) =	sbr.rel @p0 .LBB2_1-.Ltmp1, $4  }
0x10c: {  	s10 =	simm.s32 $0x3100;
	s11 =	simm.s32 $0x3900  }
0x10d: {  	s12 =	simm.s32 $0x4100;
	s13 =	simm.s32 $0x4900;
	s14 =	simm.s32 $0x5100  }
0x10e: {  	s15 =	simm.s32 $0x5900;
	s21 =	simm.s32 $0x6100;
	[sflag:s17] =	ssyncset.done $0x0  }
0x10f: {  	s22 =	simm.s32 $0x6900;
	[sflag:s17] =	ssyncadd.s32 $0xFFFFB000;
	s23 =	simm.s32 $0x7100  }
0x110: {  	_ =	sfence.sel $0x180000  }
0x111: {  	[bflag:$0x0] =	sbarrier.arrive $0xFFFF  }
0x112: {  	_ =	strace $0x90000056  }
0x113: {  	s0 =	stileid.u32;
	[bflag:$0x2] =	sbarrier.arrive $0xFFFF  }
0x114: {  	p0 =	sne.s32 s0, $0x0;
	s0 =	rddreg [dreg:$0x2]  }
0x115: {  	s0 =	sadd.s32 @!p0 $0x100000, s0  }
0x116: {  	[sflag:s0] =	ssyncadd.tile.s32 @!p0 $0x1;
	_ =	shalt  }
.Lfunc_end2:
_tile_overlayer_lowered:
.L_overlay_start_2:
0x117: {  	(tag) =	ssettag $0x2  }
0x118: {  	s0 =	rddreg [dreg:$0x0];
	s2 =	stileid.u32  }
0x119: {  	s1 =	rddreg [dreg:$0x1];
	p0 =	sne.s32 s2, $0x0  }
0x11a: {  	s3 =	rddreg [dreg:$0x2];
	[bflag:$0x3] =	sbarrier.arrive $0xFFFF;
	s2 =	simm.s32 @!p0 $0x1C03  }
0x11b: {  	[timem:s3], [sflag:s2] =	dma.local @!p0 [hbm:s0], s1  }
0x11c: {  	s0 =	simm.s32 @!p0 $0x3  }
0x11d: {  	_ =	swait.ge @!p0 [sflag:s0], s1  }
0x11e: {  	s1 =	ssub.s32 @!p0 $0x0, s1;
	[sflag:s0] =	ssyncset.done @!p0 $0x0  }
0x11f: {  	[sflag:s0] =	ssyncadd.s32 @!p0 s1  }
0x120: {  	[bflag:$0x3] =	sbarrier.arrive $0xFFFF  }
0x121: {  	_ =	shalt  }

// kernel: kernel.33.cloned.1.call-start
scs
__scs_entry_jumppad:
0x0: {  	(pc) =	sbr.rel $0x88, $3  }
0x1: {  	(tag) =	ssettag $0x0;
	lr =	simm.s32 $0x1  }
0x2: {  	[smem:$0x3F74] =	sst lr;
	_ =	strace $0xD0000000  }
0x3: {  	_ = 	snop  }
0x4: {  	_ = 	snop  }
0x5: {  	_ = 	snop  }
0x6: {  	_ = 	snop  }
0x7: {  	_ = 	snop  }
__scs_overlays_trampoline_lowered:
0x8: {  	[smem:$0x3F83] =	sst s0  }
0x9: {  	[smem:$0x3F84] =	sst s1  }
0xa: {  	[smem:$0x3F85] =	sst s2  }
0xb: {  	[smem:$0x3F86] =	sst s3  }
0xc: {  	[smem:$0x3F87] =	sst s4  }
0xd: {  	[smem:$0x3F88] =	sst s5  }
0xe: {  	[smem:$0x3F89] =	sst s6  }
0xf: {  	[smem:$0x3F8A] =	sst s7  }
0x10: {  	[smem:$0x3F8B] =	sst s8  }
0x11: {  	[smem:$0x3F8C] =	sst s9;
	s0 =	simm.s32 @!p0 $0x0  }
0x12: {  	s1 =	sld [smem:$0x3F72];
	s0 =	simm.s32 @p0 $0x1  }
0x13: {  	[smem:$0x3F8D] =	sst s0;
	s0 =	simm.s32 @!p1 $0x0  }
0x14: {  	s2 =	sld [smem:$0x3F71];
	s0 =	simm.s32 @p1 $0x1  }
0x15: {  	[smem:$0x3F8E] =	sst s0;
	s0 =	simm.s32 @!p2 $0x0  }
0x16: {  	s3 =	sld [smem:$0x3FDB];
	s0 =	simm.s32 @p2 $0x1  }
0x17: {  	s4 =	simm.s32 $0x1BF5;
	[smem:$0x3F90] =	sst s0  }
0x18: {  	s0 =	sld [smem:$0x3F73];
	_ =	swait.ge [sflag:s4], $0x0  }
0x19: {  	s7 =	sld [smem:$0x3F74]  }
0x1a: {  	s8 =	sadd.s32 $0xFFFFE003, lr  }
0x1b: {  	s9 =	sadd.s32 $0xFFFFFEF7, lr;
	s5 =	simm.s32 $0xFFFFFFFF;
	p2 =	slt.u32 s8, $0xFFFFF086  }
0x1c: {  	p1 =	slt.u32 s9, $0xF7A;
	s5 =	simm.s32 @!p2 $0x0  }
0x1d: {  	s5 =	simm.s32 @p1 $0x1;
	p0 =	seq.s32 s7, s2  }
0x1e: {  	s7 =	smul.u32 @!p0 $0xF7A, s2;
	p2 =	seq.s32 @!p0 s5, $0x0  }
0x1f: {  	s9 =	smul.u32 $0xF7A, s1;
	s8 =	simm.s32 @!p0 $0x1BF5;
	p2 =	por !p2, p0  }
0x20: {  	[sflag:s8] =	ssyncset.s32 @!p0 $0xFFFFF086;
	s6 =	sadd.s32 @!p0 s3, s7;
	s7 =	simm.s32 @!p0 $0x108  }
0x21: {  	s3 =	sadd.s32 s3, s9;
	s6 =	sadd.s32 @!p0 $0x88, s6;
	s7 =	simm.s32 @p2 $0x1082  }
0x22: {  	[simem:s7], [sflag:s8] =	dma.local @!p0 [hbm:s6], $0xF7A  }
0x23: {  	s9 =	sor.u32 $0xD0000000, s2;
	s6 =	simm.s32 $0x108;
	_ =	swait.ge @!p0 [sflag:s8], $0x0  }
0x24: {  	s3 =	sadd.s32 $0x88, s3;
	s6 =	simm.s32 @!p1 $0x1082;
	[sflag:s4] =	ssyncset.s32 $0xFFFFF086  }
0x25: {  	[simem:s6], [sflag:s4] =	dma.local [hbm:s3], $0xF7A  }
0x26: {  	[smem:$0x3F74] =	sst s1;
	(tag) =	ssettag s2;
	_ =	strace s9  }
0x27: {  	s1 =	sld [smem:$0x3F84]  }
0x28: {  	s2 =	sld [smem:$0x3F85]  }
0x29: {  	s4 =	sld [smem:$0x3F87]  }
0x2a: {  	p0 =	seq.s32 s5, $0x0;
	s5 =	sld [smem:$0x3F88]  }
0x2b: {  	s6 =	sld [smem:$0x3F89]  }
0x2c: {  	s7 =	sld [smem:$0x3F8A]  }
0x2d: {  	s3 =	simm.s32 $0x108;
	s8 =	sld [smem:$0x3F8B]  }
0x2e: {  	s3 =	simm.s32 @!p0 $0x1082;
	s9 =	sld [smem:$0x3F8C]  }
0x2f: {  	lr =	sadd.s32 s0, s3;
	s0 =	sld [smem:$0x3F83]  }
0x30: {  	s3 =	sld [smem:$0x3F86]  }
0x31: {  	[smem:$0x3F8F] =	sst s10  }
0x32: {  	s10 =	sld [smem:$0x3F8D];
	_ =	sdelay $0x3  }
0x33: {  	p0 =	seq.s32 s10, $0x1;
	s10 =	sld [smem:$0x3F8F];
	_ =	sdelay $0x3  }
0x34: {  	[smem:$0x3F8F] =	sst s10  }
0x35: {  	s10 =	sld [smem:$0x3F8E];
	_ =	sdelay $0x3  }
0x36: {  	p1 =	seq.s32 s10, $0x1;
	s10 =	sld [smem:$0x3F8F];
	_ =	sdelay $0x3  }
0x37: {  	[smem:$0x3F8F] =	sst s10  }
0x38: {  	s10 =	sld [smem:$0x3F90]  }
0x39: {  	_ = 	snop;
	(pc) =	sbr.ind lr, $3  }
0x3a: {  	_ = 	snop  }
0x3b: {  	_ = 	snop  }
0x3c: {  	p2 =	seq.s32 s10, $0x1;
	s10 =	sld [smem:$0x3F8F]  }
0x3d: {  	_ =	shalt  }
0x3e: {  	_ =	shalt  }
0x3f: {  	_ =	shalt  }
0x40: {  	_ =	shalt  }
0x41: {  	_ =	shalt  }
0x42: {  	_ =	shalt  }
0x43: {  	_ =	shalt  }
0x44: {  	_ =	shalt  }
0x45: {  	_ =	shalt  }
0x46: {  	_ =	shalt  }
0x47: {  	_ =	shalt  }
0x48: {  	_ =	shalt  }
0x49: {  	_ =	shalt  }
0x4a: {  	_ =	shalt  }
0x4b: {  	_ =	shalt  }
0x4c: {  	_ =	shalt  }
0x4d: {  	_ =	shalt  }
0x4e: {  	_ =	shalt  }
0x4f: {  	_ =	shalt  }
0x50: {  	_ =	shalt  }
0x51: {  	_ =	shalt  }
0x52: {  	_ =	shalt  }
0x53: {  	_ =	shalt  }
0x54: {  	_ =	shalt  }
0x55: {  	_ =	shalt  }
0x56: {  	_ =	shalt  }
0x57: {  	_ =	shalt  }
0x58: {  	_ =	shalt  }
0x59: {  	_ =	shalt  }
0x5a: {  	_ =	shalt  }
0x5b: {  	_ =	shalt  }
0x5c: {  	_ =	shalt  }
0x5d: {  	_ =	shalt  }
0x5e: {  	_ =	shalt  }
0x5f: {  	_ =	shalt  }
0x60: {  	_ =	shalt  }
0x61: {  	_ =	shalt  }
0x62: {  	_ =	shalt  }
0x63: {  	_ =	shalt  }
0x64: {  	_ =	shalt  }
0x65: {  	_ =	shalt  }
0x66: {  	_ =	shalt  }
0x67: {  	_ =	shalt  }
0x68: {  	_ =	shalt  }
0x69: {  	_ =	shalt  }
0x6a: {  	_ =	shalt  }
0x6b: {  	_ =	shalt  }
0x6c: {  	_ =	shalt  }
0x6d: {  	_ =	shalt  }
0x6e: {  	_ =	shalt  }
0x6f: {  	_ =	shalt  }
0x70: {  	_ =	shalt  }
0x71: {  	_ =	shalt  }
0x72: {  	_ =	shalt  }
0x73: {  	_ =	shalt  }
0x74: {  	_ =	shalt  }
0x75: {  	_ =	shalt  }
0x76: {  	_ =	shalt  }
0x77: {  	_ =	shalt  }
0x78: {  	_ =	shalt  }
0x79: {  	_ =	shalt  }
0x7a: {  	_ =	shalt  }
0x7b: {  	_ =	shalt  }
0x7c: {  	_ =	shalt  }
0x7d: {  	_ =	shalt  }
0x7e: {  	_ =	shalt  }
0x7f: {  	_ =	shalt  }
0x80: {  	_ =	shalt  }
0x81: {  	_ =	shalt  }
0x82: {  	_ =	shalt  }
0x83: {  	_ =	shalt  }
0x84: {  	_ =	shalt  }
0x85: {  	_ =	shalt  }
0x86: {  	_ =	shalt  }
0x87: {  	_ =	shalt  }
.Lfunc_end0:
.L_simem_size_0:
called_computation.6_lowered:
.L_overlay_start_0:
0x88: {  	s2 =	sld [smem:$0x3FD9]  }
0x89: {  	s3 =	sld [smem:$0x3FFE];
	_ =	sdelay $0x1  }
0x8a: {  	s1 =	srdreg.scid  }
0x8b: {  	s0 =	sand.u32 $0x1, s1  }
0x8c: {  	s17 =	sshll.u32 s0, $0xA;
	s2 =	sadd.s32 s3, s2  }
0x8d: {  	s2 =	sadd.s32 s2, s17  }
0x8e: {  	[smem:$0x3F9B] =	sst s2  }
0x8f: {  	_ = 	snop  }
0x90: {  	s2 =	sld [smem:$0x3FD0];
	(tm) =	ssettm $0x1  }
0x91: {  	s18 =	sld [smem:$0x3FFB];
	_ =	sdelay $0x3  }
0x92: {  	_ =	strace s18  }
0x93: {  	s3 =	sld [smem:$0x3FFC];
	_ =	sdelay $0x3  }
0x94: {  	_ =	strace s3  }
0x95: {  	s3 =	sld [smem:$0x3FFD];
	_ =	sdelay $0x3  }
0x96: {  	_ =	strace s3  }
0x97: {  	_ =	strace $0x8FFFFFFF  }
0x98: {  	s19 =	sld [smem:$0x3FDB];
	_ =	sdelay $0x1  }
0x99: {  	s4 =	simm.s32 $_scs_section_size  }
0x9a: {  	s5 =	simm.s32 $_size__tile_overlayer_lowered;
	s6 =	simm.s32 $_tile_overlayer_lowered  }
0x9b: {  	s22 =	simm.s32 $0x1BFF;
	s21 =	sshll.u32 s6, $0x1;
	s3 =	sadd.s32 s4, s19  }
0x9c: {  	s7 =	simm.s32 $0x0;
	s20 =	sshll.u32 s5, $0x1;
	s5 =	sadd.s32 s21, s3  }
0x9d: {  	[timem:s7], [sflag:s22] =	dma.local [hbm:s5], s20  }
0x9e: {  	_ =	swait.ge [sflag:s22], s20  }
0x9f: {  	s4 =	ssub.s32 $0x0, s20;
	[sflag:s22] =	ssyncset.done $0x0  }
0xa0: {  	[sflag:s22] =	ssyncadd.s32 s4;
	_ =	sdelay $0x1  }
0xa1: {  	s23 =	simm.s32 $0x1B8B  }
0xa2: {  	_ =	swait.ge [sflag:s23], $0x1  }
0xa3: {  	[sflag:s23] =	ssyncset.done $0x0  }
0xa4: {  	s25 =	simm.s32 $0x1B8E;
	s24 =	sld [smem:$0x3FFE];
	[sflag:s23] =	ssyncadd.s32 $0xFFFFFFFF  }
0xa5: {  	s26 =	simm.s32 $execute0_lowered;
	[smem:$0x3FD2] =	sst s25  }
0xa6: {  	s5 =	sshll.u32 s26, $0x1;
	_ =	strace $0x80000058;
	[dreg:$0x1] =	wrdreg $0xFFFFFFFF  }
0xa7: {  	s28 =	simm.s32 $_size_execute0_lowered;
	s3 =	sadd.s32 s3, s5;
	[dreg:$0x0] =	wrdreg $0x0  }
0xa8: {  	s5 =	sshll.u32 s28, $0x1;
	[dreg:$0x2] =	wrdreg s3  }
0xa9: {  	[dreg:$0x3] =	wrdreg s5  }
0xaa: {  	[dreg:$0x4] =	wrdreg $0xC0  }
0xab: {  	_ =	task [dreg:s7], $0x5FFFF  }
0xac: {  	[dreg:$0x1] =	wrdreg $0xFFFFFFFF  }
0xad: {  	[dreg:$0x0] =	wrdreg $0x60  }
0xae: {  	[dreg:$0x2] =	wrdreg s24  }
0xaf: {  	[dreg:$0x3] =	wrdreg s2  }
0xb0: {  	[dreg:$0x4] =	wrdreg $0x0  }
0xb1: {  	[dreg:$0x5] =	wrdreg $0x140000  }
0xb2: {  	[dreg:$0x6] =	wrdreg $0x9  }
0xb3: {  	_ =	task.clear_ibuf [dreg:s7], $0x7FFFF;
	_ =	strace $0x90000058  }
0xb4: {  	s29 =	simm.s32 $0x9;
	_ =	strace $0x8000005A  }
0xb5: {  	_ =	swait.ge [sflag:s29], $0x1  }
0xb6: {  	[sflag:s29] =	ssyncadd.s32 $0xFFFFFFFF  }
0xb7: {  	_ =	strace $0x9000005A  }
0xb8: {  	_ =	sfence  }
0xb9: {  	s30 =	sld [smem:$0x0];
	_ =	sdelay $0x2  }
0xba: {  	s31 =	sshll.u32 s1, $0xD;
	s1 =	sshrl.u32 s1, $0x2  }
0xbb: {  	s3 =	sand.u32 $0x4000, s31;
	s1 =	sadd.s32 s1, s30  }
0xbc: {  	s0 =	sor.u32 s3, s0;
	s1 =	sshll.u32 s1, $0x11  }
0xbd: {  	s0 =	sor.u32 s1, s0  }
0xbe: {  	s0 =	sadd.s32 $0x8F2B, s0  }
0xbf: {  	[sflag:s0] =	ssyncadd.remote.s32 $0x1  }
0xc0: {  	_ =	sfence.sel $0xFFFF  }
0xc1: {  	[dreg:$0x0] =	wrdreg $0xFFFFFFFF;
	(pc) =	sbr.abs _section_cstart, $3  }
0xc2: {  	[dreg:$0x1] =	wrdreg $0xFFFFFFFF  }
0xc3: {  	_ =	task.clear_ibuf [dreg:s7], $0x2FFFF;
	_ =	strace $0x9FFFFFFF  }
0xc4: {  	(tm) =	ssettm $0x7FFFFFFF  }
0xc5: {  	_ =	shalt  }
tec
execute0_lowered:
.L_overlay_start_1:
0x0: {  	(tag) =	ssettag $0x1  }
0x1: {  	s0 =	rddreg [dreg:$0x0]  }
0x2: {  	s1 =	rddreg [dreg:$0x1]  }
0x3: {  	s2 =	rddreg [dreg:$0x2]  }
0x4: {  	s3 =	rddreg [dreg:$0x3];
	s4 =	simm.s32 $0x0  }
0x5: {  	s16 =	stileid.u32;
	s9 =	srdreg.scid;
	s28 =	simm.s32 $0x14300  }
0x6: {  	s29 =	simm.s32 $0x14380;
	s30 =	simm.s32 $0x16B80;
	[smem:$0x7FF] =	sst s4  }
0x7: {  	s31 =	simm.s32 $0x1;
	s5 =	sadd.s32 $0x1EE5800, s0;
	s7 =	sadd.s32 $0x23C7800, s0  }
0x8: {  	s6 =	sadd.s32 $0x85400, s0;
	s8 =	sadd.s32 $0x9D200, s0;
	s23 =	smul.u32 $0x2800, s16  }
0x9: {  	s10 =	sadd.s32 $0x8F200, s0;
	s9 =	sand.u32 $0x1, s9;
	s24 =	smul.u32 $0x50000, s16  }
0xa: {  	s13 =	sadd.s32 $0x8F400, s0;
	s14 =	smul.u32 $0x2710, s16;
	s26 =	sshll.u32 s16, $0x6  }
0xb: {  	s21 =	smul.u32 $0x27100, s16;
	_ =	strace $0x80000059;
	[dreg:$0x7] =	wrdreg s8  }
0xc: {  	p1 =	sgt.u32 s16, $0x9;
	p2 =	slt.u32 s16, $0xA;
	[dreg:$0x8] =	wrdreg s10  }
0xd: {  	s11 =	ssub.s32 $0x2, s9;
	s12 =	smul.u32 $0x27100, s9;
	[dreg:$0x9] =	wrdreg s13  }
0xe: {  	s13 =	sshll.u32 s16, $0xA;
	s20 =	smul.u32 $0x271000, s9;
	p0 =	seq.s32 s9, $0x1  }
0xf: {  	s9 =	simm.s32 $0x19480;
	s8 =	sadd.s32 s23, s0;
	s25 =	sshrl.u32 s11, $0x1  }
0x10: {  	s0 =	sadd.s32 $0x8FA00, s0;
	s10 =	sshrl.u32 s24, $0x2;
	s23 =	sshll.u32 s16, $0x7  }
0x11: {  	[dreg:$0xa] =	wrdreg s0;
	s0 =	ssub.s32 s11, s25;
	s10 =	sadd.s32 s10, s2  }
0x12: {  	s11 =	sadd.s32 s14, s12;
	s12 =	sor.u32 $0x1C03, s26;
	[dreg:$0x12] =	wrdreg s23  }
0x13: {  	s22 =	sadd.s32 $0xCA00, s8;
	s8 =	sadd.s32 $0x34A00, s8;
	[dreg:$0xb] =	wrdreg s10  }
0x14: {  	s14 =	sshrl.u32 s11, $0x3;
	s10 =	sadd.s32 s13, s3;
	[dreg:$0x11] =	wrdreg s22  }
0x15: {  	s17 =	sshll.u32 s11, $0x4;
	[dreg:$0x13] =	wrdreg s8;
	s25 =	sadd.s32 $0x50, s11  }
0x16: {  	s0 =	smax.u32 s0, $0x1;
	[dreg:$0xc] =	wrdreg s10;
	s15 =	sadd.s32 s1, s14  }
0x17: {  	s18 =	sadd.s32 s6, s14;
	s19 =	sadd.s32 s5, s17;
	s10 =	sadd.s32 s7, s17  }
0x18: {  	s5 =	sadd.s32 s20, s5;
	s7 =	sadd.s32 s20, s7;
	[dreg:$0x14] =	wrdreg s0  }
0x19: {  	s26 =	sshrl.u32 s25, $0x3;
	s14 =	sadd.s32 $0xA0, s11;
	[dreg:$0xd] =	wrdreg s15  }
0x1a: {  	s25 =	simm.s32 $0x3;
	s0 =	simm.s32 $0x19380;
	[dreg:$0xe] =	wrdreg s18  }
.Ltmp0:
0x1b: {  	s20 =	simm.s32 $0x0;
	[dreg:$0xf] =	wrdreg s19;
	(pc) =	sbr.rel .LBB2_1-.Ltmp0, $4  }
0x1c: {  	[dreg:$0x10] =	wrdreg s10;
	s5 =	sadd.s32 s21, s5;
	s24 =	sadd.s32 s21, s7  }
0x1d: {  	s15 =	sadd.s32 s26, s6;
	s10 =	simm.s32 $0x1BC80;
	[dreg:$0x5] =	wrdreg s5  }
0x1e: {  	s18 =	simm.s32 $0x50;
	s19 =	simm.s32 $0x2;
	[dreg:$0x6] =	wrdreg s24  }
0x1f: {  	s24 =	sadd.s32 s26, s1;
	s26 =	simm.s32 $0x14280;
	s5 =	simm.s32 $0x19400  }
.LBB2_6:
0x20: {  	s8 =	rddreg [dreg:$0x12]  }
0x21: {  	s23 =	rddreg [dreg:$0xc]  }
0x22: {  	s7 =	sadd.s32 s7, s8;
	s8 =	sshrl.u32 s23, $0x3  }
0x23: {  	[hbm:s7], [sflag:s12] =	dma.local [spmem:s8], $0x80  }
0x24: {  	_ =	swait.ge [sflag:s25], $0x80  }
0x25: {  	[sflag:s25] =	ssyncset.done $0x0  }
0x26: {  	[sflag:s25] =	ssyncadd.s32 $0xFFFFFF80  }
.LBB2_7:
0x27: {  	s20 =	sadd.s32 $0x1, s20;
	s7 =	rddreg [dreg:$0x14]  }
0x28: {  	p3 =	sne.s32 s20, s7  }
.Ltmp1:
0x29: {  	_ = 	snop;
	(pc) =	sbr.rel @!p3 .LBB2_8-.Ltmp1, $1  }
0x2a: {  	_ =	sdelay $0x3  }
.LBB2_1:
0x2b: {  	s7 =	rddreg [dreg:$0xb]  }
0x2c: {  	s8 =	rddreg [dreg:$0x7];
	s7 =	sshrl.u32 s7, $0x3  }
0x2d: {  	[spmem:s7], [sflag:s12] =	dma.local [hbm:s8], $0x2800  }
0x2e: {  	_ =	swait.ge [sflag:s25], $0x2800  }
0x2f: {  	[sflag:s25] =	ssyncset.done $0x0;
	s8 =	rddreg [dreg:$0xc]  }
0x30: {  	s11 =	rddreg [dreg:$0x8];
	[sflag:s25] =	ssyncadd.s32 $0xFFFFD800;
	s8 =	sshrl.u32 @!p1 s8, $0x3  }
0x31: {  	[spmem:s8], [sflag:s12] =	dma.local @!p1 [hbm:s11], $0x80  }
0x32: {  	s8 =	simm.s32 @!p1 $0x3  }
0x33: {  	_ =	swait.ge @!p1 [sflag:s8], $0x80  }
0x34: {  	[sflag:s8] =	ssyncset.done @!p1 $0x0  }
0x35: {  	[sflag:s8] =	ssyncadd.s32 @!p1 $0xFFFFFF80  }
0x36: {  	[bflag:$0x0] =	sbarrier.arrive $0xFFFF  }
0x37: {  	s21 =	rddreg [dreg:$0xd]  }
0x38: {  	[tilespmem:s26], [sflag:$0x3] =	stream.linear.gather [hbm4b:s21+s4], $0x50, $0x38;
	[tilespmem:$0x1E480] =	vst v63  }
0x39: {  	_ =	swait.ge [sflag:s25], $0x50  }
0x3a: {  	[sflag:s25] =	ssyncset.done $0x0  }
0x3b: {  	s22 =	rddreg [dreg:$0xe];
	[sflag:s25] =	ssyncadd.s32 $0xFFFFFFB0  }
0x3c: {  	[tilespmem:s28], [sflag:$0x3] =	stream.linear.gather [hbm4b:s22+s4], $0x50, $0x38;
	[tilespmem:$0x1E480] =	vst v63  }
0x3d: {  	_ =	swait.ge [sflag:s25], $0x50  }
0x3e: {  	[sflag:s25] =	ssyncset.done $0x0  }
0x3f: {  	s23 =	rddreg [dreg:$0xf];
	[sflag:s25] =	ssyncadd.s32 $0xFFFFFFB0  }
0x40: {  	[tilespmem:s29], [sflag:$0x1] =	stream.linear.gather [hbm4b:s23+s4], $0x2800, $0x38;
	[tilespmem:$0x1E480] =	vst v63  }
0x41: {  	s11 =	rddreg [dreg:$0x10]  }
0x42: {  	[tilespmem:s30], [sflag:$0x1] =	stream.linear.gather [hbm4b:s11+s4], $0x2800, $0x38;
	[tilespmem:$0x1E480] =	vst v63  }
0x43: {  	_ =	swait.ge [sflag:s31], $0x2800  }
0x44: {  	[sflag:s31] =	ssyncset.done $0x0  }
0x45: {  	[sflag:s31] =	ssyncadd.s32 $0xFFFFD800  }
0x46: {  	_ =	swait.ge [sflag:s31], $0x2800  }
0x47: {  	[sflag:s31] =	ssyncset.done $0x0  }
0x48: {  	[sflag:s31] =	ssyncadd.s32 $0xFFFFD800  }
0x49: {  	[tilespmem:s0], [sflag:$0x3] =	stream.linear.gather [hbm4b:s24+s4], $0x50, $0x38;
	[tilespmem:$0x1E480] =	vst v63  }
0x4a: {  	_ =	swait.ge [sflag:s25], $0x50  }
0x4b: {  	[sflag:s25] =	ssyncset.done $0x0  }
0x4c: {  	[sflag:s25] =	ssyncadd.s32 $0xFFFFFFB0  }
0x4d: {  	[tilespmem:s5], [sflag:$0x3] =	stream.linear.gather [hbm4b:s15+s4], $0x50, $0x38;
	[tilespmem:$0x1E480] =	vst v63  }
0x4e: {  	_ =	swait.ge [sflag:s25], $0x50  }
0x4f: {  	s13 =	rddreg [dreg:$0x5]  }
0x50: {  	s16 =	rddreg [dreg:$0x6];
	[sflag:s25] =	ssyncset.done $0x0;
	s8 =	sadd.s32 $0x0, s13  }
0x51: {  	[sflag:s25] =	ssyncadd.s32 $0xFFFFFFB0;
	s11 =	sadd.s32 $0x0, s16;
	s22 =	sadd.s32 $0x500, s8  }
0x52: {  	[tilespmem:s9], [sflag:$0x2] =	stream.linear.gather [hbm4b:s22+s4], $0x2800, $0x38;
	[tilespmem:$0x1E480] =	vst v63  }
0x53: {  	s17 =	sadd.s32 $0x500, s11  }
0x54: {  	[tilespmem:s10], [sflag:$0x2] =	stream.linear.gather [hbm4b:s17+s4], $0x2800, $0x38;
	[tilespmem:$0x1E480] =	vst v63  }
0x55: {  	_ = 	snop  }
0x56: {  	[spmem:s2] =	stream.indirect.scatter.add.f32 [tilespmem:s29], [sflag:$0x3], $0x80, s26, s18, $0xb8;
	[tilespmem:$0x1E480] =	vst v63  }
0x57: {  	_ =	swait.ge [sflag:s25], $0x2800  }
0x58: {  	[sflag:s25] =	ssyncset.done $0x0  }
0x59: {  	[sflag:s25] =	ssyncadd.s32 $0xFFFFD800  }
0x5a: {  	[spmem:s3] =	stream.indirect.scatter.add.f32 [tilespmem:s30], [sflag:$0x3], $0x80, s28, s18, $0xb8;
	[tilespmem:$0x1E480] =	vst v63  }
0x5b: {  	_ =	swait.ge [sflag:s25], $0x2800  }
0x5c: {  	[sflag:s25] =	ssyncset.done $0x0  }
0x5d: {  	[sflag:s25] =	ssyncadd.s32 $0xFFFFD800  }
0x5e: {  	_ =	swait.ge [sflag:s19], $0x2800  }
0x5f: {  	[sflag:s19] =	ssyncset.done $0x0  }
0x60: {  	[sflag:s19] =	ssyncadd.s32 $0xFFFFD800  }
0x61: {  	_ =	swait.ge [sflag:s19], $0x2800  }
0x62: {  	s21 =	sshrl.u32 s14, $0x3;
	[sflag:s19] =	ssyncset.done $0x0  }
0x63: {  	s23 =	sadd.s32 s1, s21;
	[sflag:s19] =	ssyncadd.s32 $0xFFFFD800  }
0x64: {  	[tilespmem:s26], [sflag:$0x3] =	stream.linear.gather [hbm4b:s23+s4], $0x50, $0x38;
	[tilespmem:$0x1E480] =	vst v63  }
0x65: {  	_ =	swait.ge [sflag:s25], $0x50  }
0x66: {  	[sflag:s25] =	ssyncset.done $0x0  }
0x67: {  	s22 =	sadd.s32 s6, s21;
	[sflag:s25] =	ssyncadd.s32 $0xFFFFFFB0  }
0x68: {  	[tilespmem:s28], [sflag:$0x3] =	stream.linear.gather [hbm4b:s22+s4], $0x50, $0x38;
	[tilespmem:$0x1E480] =	vst v63  }
0x69: {  	_ =	swait.ge [sflag:s25], $0x50  }
0x6a: {  	[sflag:s25] =	ssyncset.done $0x0  }
0x6b: {  	s8 =	sadd.s32 $0xA00, s8;
	[sflag:s25] =	ssyncadd.s32 $0xFFFFFFB0  }
0x6c: {  	[tilespmem:s29], [sflag:$0x1] =	stream.linear.gather [hbm4b:s8+s4], $0x2800, $0x38;
	[tilespmem:$0x1E480] =	vst v63  }
0x6d: {  	s23 =	sadd.s32 $0xA00, s11  }
0x6e: {  	[tilespmem:s30], [sflag:$0x1] =	stream.linear.gather [hbm4b:s23+s4], $0x2800, $0x38;
	[tilespmem:$0x1E480] =	vst v63  }
0x6f: {  	_ = 	snop  }
0x70: {  	[spmem:s2] =	stream.indirect.scatter.add.f32 [tilespmem:s9], [sflag:$0x3], $0x80, s0, s18, $0xb8;
	[tilespmem:$0x1E480] =	vst v63  }
0x71: {  	_ =	swait.ge [sflag:s25], $0x2800  }
0x72: {  	[sflag:s25] =	ssyncset.done $0x0  }
0x73: {  	s11 =	sadd.s32 $0x14, s24;
	s22 =	smov.u32 s14;
	[sflag:s25] =	ssyncadd.s32 $0xFFFFD800  }
0x74: {  	[spmem:s3] =	stream.indirect.scatter.add.f32 [tilespmem:s10], [sflag:$0x3], $0x80, s5, s18, $0xb8;
	[tilespmem:$0x1E480] =	vst v63  }
0x75: {  	s8 =	simm.s32 $0xA00;
	s23 =	smov.u32 s15;
	_ =	swait.ge [sflag:s25], $0x2800  }
.LBB2_2:
0x76: {  	[sflag:s25] =	ssyncset.done $0x0  }
0x77: {  	[sflag:s25] =	ssyncadd.s32 $0xFFFFD800  }
0x78: {  	_ =	swait.ge [sflag:s31], $0x2800  }
0x79: {  	[sflag:s31] =	ssyncset.done $0x0  }
0x7a: {  	[sflag:s31] =	ssyncadd.s32 $0xFFFFD800  }
0x7b: {  	_ =	swait.ge [sflag:s31], $0x2800  }
0x7c: {  	[sflag:s31] =	ssyncset.done $0x0  }
0x7d: {  	[sflag:s31] =	ssyncadd.s32 $0xFFFFD800  }
0x7e: {  	[tilespmem:s0], [sflag:$0x3] =	stream.linear.gather [hbm4b:s11+s4], $0x50, $0x38;
	[tilespmem:$0x1E480] =	vst v63  }
0x7f: {  	_ =	swait.ge [sflag:s25], $0x50  }
0x80: {  	[sflag:s25] =	ssyncset.done $0x0  }
0x81: {  	s23 =	sadd.s32 $0x14, s23;
	[sflag:s25] =	ssyncadd.s32 $0xFFFFFFB0  }
0x82: {  	[tilespmem:s5], [sflag:$0x3] =	stream.linear.gather [hbm4b:s23+s4], $0x50, $0x38;
	[tilespmem:$0x1E480] =	vst v63  }
0x83: {  	_ =	swait.ge [sflag:s25], $0x50  }
0x84: {  	s16 =	smov.u32 s8;
	s17 =	rddreg [dreg:$0x5]  }
0x85: {  	s21 =	rddreg [dreg:$0x6];
	[sflag:s25] =	ssyncset.done $0x0;
	s17 =	sadd.s32 s16, s17  }
0x86: {  	[sflag:s25] =	ssyncadd.s32 $0xFFFFFFB0;
	s16 =	sadd.s32 s16, s21;
	s13 =	sadd.s32 $0x500, s17  }
0x87: {  	[tilespmem:s9], [sflag:$0x2] =	stream.linear.gather [hbm4b:s13+s4], $0x2800, $0x38;
	[tilespmem:$0x1E480] =	vst v63  }
0x88: {  	s21 =	sadd.s32 $0x500, s16  }
0x89: {  	[tilespmem:s10], [sflag:$0x2] =	stream.linear.gather [hbm4b:s21+s4], $0x2800, $0x38;
	[tilespmem:$0x1E480] =	vst v63  }
0x8a: {  	_ = 	snop  }
0x8b: {  	[spmem:s2] =	stream.indirect.scatter.add.f32 [tilespmem:s29], [sflag:$0x3], $0x80, s26, s18, $0xb8;
	[tilespmem:$0x1E480] =	vst v63  }
0x8c: {  	_ =	swait.ge [sflag:s25], $0x2800  }
0x8d: {  	[sflag:s25] =	ssyncset.done $0x0  }
0x8e: {  	[sflag:s25] =	ssyncadd.s32 $0xFFFFD800  }
0x8f: {  	[spmem:s3] =	stream.indirect.scatter.add.f32 [tilespmem:s30], [sflag:$0x3], $0x80, s28, s18, $0xb8;
	[tilespmem:$0x1E480] =	vst v63  }
0x90: {  	_ =	swait.ge [sflag:s25], $0x2800  }
0x91: {  	[sflag:s25] =	ssyncset.done $0x0  }
0x92: {  	[sflag:s25] =	ssyncadd.s32 $0xFFFFD800  }
0x93: {  	_ =	swait.ge [sflag:s19], $0x2800  }
0x94: {  	[sflag:s19] =	ssyncset.done $0x0  }
0x95: {  	[sflag:s19] =	ssyncadd.s32 $0xFFFFD800  }
0x96: {  	s22 =	sadd.s32 $0xA0, s22;
	_ =	swait.ge [sflag:s19], $0x2800  }
0x97: {  	s13 =	sshrl.u32 s22, $0x3;
	[sflag:s19] =	ssyncset.done $0x0  }
0x98: {  	s21 =	sadd.s32 s1, s13;
	[sflag:s19] =	ssyncadd.s32 $0xFFFFD800  }
0x99: {  	[tilespmem:s26], [sflag:$0x3] =	stream.linear.gather [hbm4b:s21+s4], $0x50, $0x38;
	[tilespmem:$0x1E480] =	vst v63  }
0x9a: {  	_ =	swait.ge [sflag:s25], $0x50  }
0x9b: {  	[sflag:s25] =	ssyncset.done $0x0  }
0x9c: {  	s13 =	sadd.s32 s6, s13;
	[sflag:s25] =	ssyncadd.s32 $0xFFFFFFB0  }
0x9d: {  	[tilespmem:s28], [sflag:$0x3] =	stream.linear.gather [hbm4b:s13+s4], $0x50, $0x38;
	[tilespmem:$0x1E480] =	vst v63  }
0x9e: {  	_ =	swait.ge [sflag:s25], $0x50  }
0x9f: {  	[sflag:s25] =	ssyncset.done $0x0  }
0xa0: {  	s21 =	sadd.s32 $0xA00, s17;
	[sflag:s25] =	ssyncadd.s32 $0xFFFFFFB0  }
0xa1: {  	[tilespmem:s29], [sflag:$0x1] =	stream.linear.gather [hbm4b:s21+s4], $0x2800, $0x38;
	[tilespmem:$0x1E480] =	vst v63  }
0xa2: {  	s16 =	sadd.s32 $0xA00, s16  }
0xa3: {  	[tilespmem:s30], [sflag:$0x1] =	stream.linear.gather [hbm4b:s16+s4], $0x2800, $0x38;
	[tilespmem:$0x1E480] =	vst v63  }
0xa4: {  	p3 =	sne.s32 s8, $0x26200  }
0xa5: {  	[spmem:s2] =	stream.indirect.scatter.add.f32 [tilespmem:s9], [sflag:$0x3], $0x80, s0, s18, $0xb8;
	[tilespmem:$0x1E480] =	vst v63  }
.Ltmp2:
0xa6: {  	_ =	swait.ge [sflag:s25], $0x2800;
	(pc) =	sbr.rel @p3 .LBB2_2-.Ltmp2, $4  }
0xa7: {  	[sflag:s25] =	ssyncset.done $0x0  }
0xa8: {  	[sflag:s25] =	ssyncadd.s32 $0xFFFFD800  }
0xa9: {  	[spmem:s3] =	stream.indirect.scatter.add.f32 [tilespmem:s10], [sflag:$0x3], $0x80, s5, s18, $0xb8;
	[tilespmem:$0x1E480] =	vst v63  }
0xaa: {  	s8 =	sadd.s32 $0xA00, s8;
	s11 =	sadd.s32 $0x14, s11;
	_ =	swait.ge [sflag:s25], $0x2800  }
0xab: {  	[sflag:s25] =	ssyncset.done $0x0  }
0xac: {  	[sflag:s25] =	ssyncadd.s32 $0xFFFFD800  }
0xad: {  	_ =	swait.ge [sflag:s31], $0x2800  }
0xae: {  	[sflag:s31] =	ssyncset.done $0x0  }
0xaf: {  	[sflag:s31] =	ssyncadd.s32 $0xFFFFD800  }
0xb0: {  	_ =	swait.ge [sflag:s31], $0x2800  }
0xb1: {  	[sflag:s31] =	ssyncset.done $0x0  }
0xb2: {  	[sflag:s31] =	ssyncadd.s32 $0xFFFFD800  }
0xb3: {  	[spmem:s2] =	stream.indirect.scatter.add.f32 [tilespmem:s29], [sflag:$0x3], $0x80, s26, s18, $0xb8;
	[tilespmem:$0x1E480] =	vst v63  }
0xb4: {  	_ =	swait.ge [sflag:s25], $0x2800  }
0xb5: {  	[sflag:s25] =	ssyncset.done $0x0  }
0xb6: {  	[sflag:s25] =	ssyncadd.s32 $0xFFFFD800  }
0xb7: {  	[spmem:s3] =	stream.indirect.scatter.add.f32 [tilespmem:s30], [sflag:$0x3], $0x80, s28, s18, $0xb8;
	[tilespmem:$0x1E480] =	vst v63  }
.Ltmp3:
0xb8: {  	_ =	swait.ge [sflag:s25], $0x2800;
	(pc) =	sbr.rel @!p0 .LBB2_4-.Ltmp3, $3  }
0xb9: {  	[sflag:s25] =	ssyncset.done $0x0  }
0xba: {  	[sflag:s25] =	ssyncadd.s32 $0xFFFFD800  }
0xbb: {  	[bflag:$0x0] =	sbarrier.arrive $0xFFFF;
	_ =	sdelay $0x1  }
0xbc: {  	s8 =	rddreg [dreg:$0x13]  }
0xbd: {  	[hbm:s8], [sflag:s12] =	dma.local [spmem:s7], $0x2800  }
.Ltmp4:
0xbe: {  	_ = 	snop;
	(pc) =	sbr.rel @p1 .LBB2_7-.Ltmp4, $4  }
.Ltmp5:
0xbf: {  	_ = 	snop;
	(pc) =	sbr.rel @!p1 .LBB2_6-.Ltmp5, $4  }
0xc0: {  	_ =	swait.ge [sflag:s25], $0x2800  }
0xc1: {  	[sflag:s25] =	ssyncset.done $0x0  }
0xc2: {  	s7 =	rddreg [dreg:$0xa];
	[sflag:s25] =	ssyncadd.s32 $0xFFFFD800  }
0xc3: {  	_ = 	snop  }
.LBB2_4:
0xc4: {  	s8 =	rddreg [dreg:$0x11]  }
0xc5: {  	[hbm:s8], [sflag:s12] =	dma.local [spmem:s7], $0x2800  }
.Ltmp6:
0xc6: {  	_ = 	snop;
	(pc) =	sbr.rel @p2 .LBB2_6-.Ltmp6, $4  }
.Ltmp7:
0xc7: {  	_ = 	snop;
	(pc) =	sbr.rel @!p2 .LBB2_7-.Ltmp7, $4  }
0xc8: {  	_ =	swait.ge [sflag:s25], $0x2800  }
0xc9: {  	[sflag:s25] =	ssyncset.done $0x0  }
0xca: {  	s7 =	rddreg [dreg:$0x9];
	[sflag:s25] =	ssyncadd.s32 $0xFFFFD800  }
0xcb: {  	_ = 	snop  }
.LBB2_8:
0xcc: {  	_ =	sfence.sel $0x180000  }
0xcd: {  	[bflag:$0x0] =	sbarrier.arrive $0xFFFF  }
0xce: {  	_ =	strace $0x90000059  }
0xcf: {  	s0 =	stileid.u32;
	[bflag:$0x2] =	sbarrier.arrive $0xFFFF  }
0xd0: {  	p0 =	sne.s32 s0, $0x0;
	s0 =	rddreg [dreg:$0x4]  }
0xd1: {  	s0 =	sadd.s32 @!p0 $0x100000, s0  }
0xd2: {  	[sflag:s0] =	ssyncadd.tile.s32 @!p0 $0x1;
	_ =	shalt  }
.Lfunc_end2:
_tile_overlayer_lowered:
.L_overlay_start_2:
0xd3: {  	(tag) =	ssettag $0x2  }
0xd4: {  	s0 =	rddreg [dreg:$0x0];
	s2 =	stileid.u32  }
0xd5: {  	s1 =	rddreg [dreg:$0x1];
	p0 =	sne.s32 s2, $0x0  }
0xd6: {  	s3 =	rddreg [dreg:$0x2];
	[bflag:$0x3] =	sbarrier.arrive $0xFFFF;
	s2 =	simm.s32 @!p0 $0x1C03  }
0xd7: {  	[timem:s3], [sflag:s2] =	dma.local @!p0 [hbm:s0], s1  }
0xd8: {  	s0 =	simm.s32 @!p0 $0x3  }
0xd9: {  	_ =	swait.ge @!p0 [sflag:s0], s1  }
0xda: {  	s1 =	ssub.s32 @!p0 $0x0, s1;
	[sflag:s0] =	ssyncset.done @!p0 $0x0  }
0xdb: {  	[sflag:s0] =	ssyncadd.s32 @!p0 s1  }
0xdc: {  	[bflag:$0x3] =	sbarrier.arrive $0xFFFF  }
0xdd: {  	_ =	shalt  }

</sc_bundles>
